<compile_context>
chip_gen: v7x
topology: tpu7x:2x2x1
jax: 0.10.2.dev20260603
libtpu: 0.0.44.dev20260713+nightly
codegen_flags: <defaults>
</compile_context>

<pallas_src>
import functools

import jax
import jax.numpy as jnp
from jax import lax
from jax.experimental import pallas as pl
from jax.experimental.pallas import tpu as pltpu
from jax.experimental.pallas import tpu_sc as plsc

_NCORES = 2
_NSUB = 16
_NTILES = _NCORES * _NSUB
_CHUNK = 128
_NB = 4
_DEGW = 8

_SLOW_CORE = 1
_SLOW_FRAC = 0.5


def _chunk_split(total_chunks):
    ns = int(total_chunks * _SLOW_FRAC) // (_NSUB * _NB) * _NB
    nf = total_chunks // _NSUB - ns
    return ns, nf


def _pad_to(v, m):
    return (v + m - 1) // m * m


def _relu(v):
    return jnp.maximum(v, 0.0)


def _dot(a, b):
    return jnp.dot(a, b, preferred_element_type=jnp.float32)


def _mesh():
    return plsc.VectorSubcoreMesh(core_axis_name="c", subcore_axis_name="s",
                                  num_cores=_NCORES, num_subcores=_NSUB)


@functools.lru_cache(maxsize=None)
def _deg_kernel(NP, Ep):
    ns, nf = _chunk_split(Ep // _CHUNK)
    rpt = NP // _NSUB

    @functools.partial(
        pl.kernel,
        out_type=jax.ShapeDtypeStruct((_NCORES, NP, 128), jnp.float32),
        mesh=_mesh(),
        scratch_types=[
            pltpu.VMEM((nf, _CHUNK), jnp.int32),
            pltpu.VMEM((_CHUNK, _DEGW), jnp.float32),
            pltpu.VMEM_SHARED((NP, _DEGW), jnp.float32),
        ] + [pltpu.SemaphoreType.DMA] * _NB,
        compiler_params=pltpu.CompilerParams(use_tc_tiling_on_sc=False),
    )
    def deg_kernel(dst_hbm, ones_hbm, zeros_hbm, out_hbm, dst_i, ones_v,
                   acc_sh, *sems):
        c = lax.axis_index("c")
        s = lax.axis_index("s")
        nch = jnp.where(c == _SLOW_CORE, ns, nf)
        base = jnp.where(c == _SLOW_CORE, s * ns, _NSUB * ns + s * nf)
        pltpu.sync_copy(dst_hbm.at[pl.ds(base, nf)], dst_i)
        pltpu.sync_copy(ones_hbm, ones_v)
        pltpu.sync_copy(zeros_hbm.at[pl.ds(s * rpt, rpt)],
                        acc_sh.at[pl.ds(s * rpt, rpt)])
        plsc.subcore_barrier()

        for b in range(_NB):
            pltpu.async_copy(ones_v, acc_sh.at[dst_i.at[b]], sems[b],
                             add=True)

        def group(jj, carry):
            j0 = jj * _NB
            for b in range(_NB):
                j = j0 + b
                pltpu.make_async_copy(ones_v, acc_sh.at[dst_i.at[j]],
                                      sems[b]).wait()
                jn = j + _NB

                @pl.when(jn < nch)
                def _():
                    pltpu.async_copy(ones_v, acc_sh.at[dst_i.at[jn]],
                                     sems[b], add=True)
            return carry

        lax.fori_loop(0, nch // _NB, group, 0)
        plsc.subcore_barrier()
        pltpu.sync_copy(acc_sh.at[pl.ds(s * rpt, rpt)],
                        out_hbm.at[c, pl.ds(s * rpt, rpt), pl.ds(0, _DEGW)])

    return deg_kernel


@functools.lru_cache(maxsize=None)
def _prop_kernel(NP, C, Ep):
    ns, nf = _chunk_split(Ep // _CHUNK)
    rpt = NP // _NSUB

    @functools.partial(
        pl.kernel,
        out_type=jax.ShapeDtypeStruct((_NCORES, NP, C), jnp.float32),
        mesh=_mesh(),
        scratch_types=[
            pltpu.VMEM((nf, _CHUNK), jnp.int32),
            pltpu.VMEM((nf, _CHUNK), jnp.int32),
        ] + [pltpu.VMEM((_CHUNK, C), jnp.float32)] * _NB + [
            pltpu.VMEM_SHARED((NP, C), jnp.float32),
            pltpu.VMEM_SHARED((NP, C), jnp.float32),
        ] + [pltpu.SemaphoreType.DMA] * _NB,
        compiler_params=pltpu.CompilerParams(use_tc_tiling_on_sc=False),
    )
    def prop_kernel(u_hbm, src_hbm, dst_hbm, zeros_hbm, out_hbm,
                    src_i, dst_i, *rest):
        rows = rest[:_NB]
        acc_sh = rest[_NB]
        u_sh = rest[_NB + 1]
        sems = rest[_NB + 2:]
        c = lax.axis_index("c")
        s = lax.axis_index("s")
        nch = jnp.where(c == _SLOW_CORE, ns, nf)
        base = jnp.where(c == _SLOW_CORE, s * ns, _NSUB * ns + s * nf)
        pltpu.sync_copy(src_hbm.at[pl.ds(base, nf)], src_i)
        pltpu.sync_copy(dst_hbm.at[pl.ds(base, nf)], dst_i)
        pltpu.sync_copy(u_hbm.at[pl.ds(s * rpt, rpt)],
                        u_sh.at[pl.ds(s * rpt, rpt)])
        pltpu.sync_copy(zeros_hbm.at[pl.ds(s * rpt, rpt)],
                        acc_sh.at[pl.ds(s * rpt, rpt)])
        plsc.subcore_barrier()

        for b in range(_NB):
            pltpu.async_copy(u_sh.at[src_i.at[b]], rows[b], sems[b])

        def group(jj, carry):
            j0 = jj * _NB
            for b in range(_NB):
                j = j0 + b
                pltpu.make_async_copy(u_sh.at[src_i.at[j]], rows[b],
                                      sems[b]).wait()
                pltpu.sync_copy(rows[b], acc_sh.at[dst_i.at[j]], add=True)
                jn = j + _NB

                @pl.when(jn < nch)
                def _():
                    pltpu.async_copy(u_sh.at[src_i.at[jn]], rows[b], sems[b])
            return carry

        lax.fori_loop(0, nch // _NB, group, 0)
        plsc.subcore_barrier()
        pltpu.sync_copy(acc_sh.at[pl.ds(s * rpt, rpt)],
                        out_hbm.at[c, pl.ds(s * rpt, rpt)])

    return prop_kernel


def _full_spec(*shape):
    nd = len(shape)
    return pl.BlockSpec(shape, lambda i, _nd=nd: (0,) * _nd)


@functools.lru_cache(maxsize=None)
def _pre_kernel(NP, D, C, BR):
    def body(x_ref, wp_ref, bp_ref, w1_ref, b1_ref, w2_ref, b2_ref,
             ni_ref, h0_ref):
        h = _relu(_dot(x_ref[...], wp_ref[...]) + bp_ref[...])
        ni_ref[...] = _relu(_dot(h, w1_ref[...]) + b1_ref[...])
        h0_ref[...] = _relu(_dot(h, w2_ref[...]) + b2_ref[...])

    return pl.pallas_call(
        body,
        grid=(NP // BR,),
        in_specs=[
            pl.BlockSpec((BR, D), lambda i: (i, 0)),
            _full_spec(D, C),
            _full_spec(1, C),
            _full_spec(C, C),
            _full_spec(1, C),
            _full_spec(C, C),
            _full_spec(1, C),
        ],
        out_specs=[pl.BlockSpec((BR, C), lambda i: (i, 0)),
                   pl.BlockSpec((BR, C), lambda i: (i, 0))],
        out_shape=[jax.ShapeDtypeStruct((NP, C), jnp.float32),
                   jax.ShapeDtypeStruct((NP, C), jnp.float32)],
    )


@functools.lru_cache(maxsize=None)
def _u_kernel(NP, C, BR):
    def body(h_ref, dp_ref, u_ref, dis_ref):
        dpa = dp_ref[...]
        dis = lax.rsqrt(dpa[0, :, 0:1] + dpa[1, :, 0:1] + 1.0)
        u_ref[...] = dis * h_ref[...]
        dis_ref[...] = jnp.broadcast_to(dis, (dis.shape[0], C))

    return pl.pallas_call(
        body,
        grid=(NP // BR,),
        in_specs=[
            pl.BlockSpec((BR, C), lambda i: (i, 0)),
            pl.BlockSpec((2, BR, 128), lambda i: (0, i, 0)),
        ],
        out_specs=[pl.BlockSpec((BR, C), lambda i: (i, 0)),
                   pl.BlockSpec((BR, C), lambda i: (i, 0))],
        out_shape=[jax.ShapeDtypeStruct((NP, C), jnp.float32),
                   jax.ShapeDtypeStruct((NP, C), jnp.float32)],
    )


@functools.lru_cache(maxsize=None)
def _layer_kernel(NP4, BR4, last):
    def body(sp_ref, u_ref, ni_ref, dis_ref, wg_ref, bg_ref, wfa_ref,
             wfb_ref, bf_ref, *rest):
        dis = dis_ref[...]
        spa = sp_ref[...]
        agg = dis * (spa[0] + spa[1] + u_ref[...])
        hg = _relu(_dot(agg, wg_ref[...]) + bg_ref[...])
        ni = ni_ref[...]
        h = _relu(_dot(ni, wfa_ref[...]) + _dot(hg, wfb_ref[...]) + bf_ref[...])
        if last:
            wo1a_ref, wo1b_ref, bo1_ref, wo2_ref, bo2_ref, out_ref = rest
            m = _relu(_dot(ni, wo1a_ref[...]) + _dot(h, wo1b_ref[...])
                      + bo1_ref[...])
            out_ref[...] = _relu(_dot(m, wo2_ref[...]) + bo2_ref[...])
        else:
            (unext_ref,) = rest
            unext_ref[...] = dis * h

    in_specs = [
        pl.BlockSpec((2, BR4, 128), lambda i: (0, i, 0)),
        pl.BlockSpec((BR4, 128), lambda i: (i, 0)),
        pl.BlockSpec((BR4, 128), lambda i: (i, 0)),
        pl.BlockSpec((BR4, 128), lambda i: (i, 0)),
        _full_spec(128, 128),
        _full_spec(1, 128),
        _full_spec(128, 128),
        _full_spec(128, 128),
        _full_spec(1, 128),
    ]
    if last:
        in_specs += [_full_spec(128, 128), _full_spec(128, 128),
                     _full_spec(1, 128), _full_spec(128, 128),
                     _full_spec(1, 128)]
    return pl.pallas_call(
        body,
        grid=(NP4 // BR4,),
        in_specs=in_specs,
        out_specs=pl.BlockSpec((BR4, 128), lambda i: (i, 0)),
        out_shape=jax.ShapeDtypeStruct((NP4, 128), jnp.float32),
    )


def kernel(x, edge_index, W_pre, b_pre, W_in1, b_in1, W_in2, b_in2,
           W_gcn, b_gcn, W_fc, b_fc, W_out1, b_out1, W_out2, b_out2):
    N, D = x.shape
    C = W_pre.shape[1]
    L = W_gcn.shape[0]
    E = edge_index.shape[1]

    BR = 1024
    NP = _pad_to(N + 1, max(BR, _NSUB * 8))
    Ep = _pad_to(E, _NTILES * _CHUNK * _NB)

    idt = edge_index.dtype
    src = edge_index[0]
    dst = edge_index[1]
    pe = Ep - E
    if pe:
        src = jnp.concatenate([src, jnp.zeros((pe,), idt)])
        pad_dst = N + (jnp.arange(pe, dtype=idt) % jnp.asarray(NP - N, idt))
        dst = jnp.concatenate([dst, pad_dst])
    src = src.reshape(Ep // _CHUNK, _CHUNK)
    dst = dst.reshape(Ep // _CHUNK, _CHUNK)
    xp = jnp.pad(x, ((0, NP - N), (0, 0)))
    zerosC = jnp.zeros((NP, C), jnp.float32)
    zerosW = jnp.zeros((NP, _DEGW), jnp.float32)
    onesW = jnp.ones((_CHUNK, _DEGW), jnp.float32)

    deg_parts = _deg_kernel(NP, Ep)(dst, onesW, zerosW)
    ni, h0 = _pre_kernel(NP, D, C, BR)(
        xp, W_pre, b_pre.reshape(1, C), W_in1, b_in1.reshape(1, C),
        W_in2, b_in2.reshape(1, C))
    u, dis32 = _u_kernel(NP, C, BR)(h0, deg_parts)

    NP4 = NP // 4
    BR4 = 512
    eye4 = jnp.eye(4, dtype=jnp.float32)
    bd = lambda W: jnp.kron(eye4, W)
    bt = lambda b: jnp.tile(b, 4).reshape(1, 4 * C)
    ni_p = ni.reshape(NP4, 4 * C)
    dis_p = dis32.reshape(NP4, 4 * C)

    prop = _prop_kernel(NP, C, Ep)
    out = None
    for l in range(L):
        s_parts = prop(u, src, dst, zerosC)
        sp_p = s_parts.reshape(_NCORES, NP4, 4 * C)
        u_p = u.reshape(NP4, 4 * C)
        last = l == L - 1
        args = [sp_p, u_p, ni_p, dis_p, bd(W_gcn[l]), bt(b_gcn[l]),
                bd(W_fc[l][:C]), bd(W_fc[l][C:]), bt(b_fc[l])]
        if last:
            out_p = _layer_kernel(NP4, BR4, True)(
                *args, bd(W_out1[:C]), bd(W_out1[C:]), bt(b_out1),
                bd(W_out2), bt(b_out2))
        else:
            u = _layer_kernel(NP4, BR4, False)(*args).reshape(NP, C)
    return out_p.reshape(NP, C)[:N]

# --- scband reference (transcript-rebuilt; emitter-appended) ---
"""Pipeline reference for scband-pl-asgraph2-53644141527647 (READ-ONLY COPY).

The authoritative reference and input builder live on the scoring server;
editing this copy changes nothing except your own understanding.
"""

import jax, jax.numpy as jnp
import numpy as np

N = 10000
E = 320000
D_FEAT = 128
C = 32
L = 5


def setup_inputs(seed: int = 0) -> dict:
    key = jax.random.key(seed)
    ks = jax.random.split(key, 14)
    s = 0.05
    inp = {
        "x": jax.random.normal(ks[0], (N, D_FEAT), dtype=jnp.float32),
        "edge_index": jax.random.randint(ks[1], (2, E), 0, N, dtype=jnp.int32),
        "W_pre": jax.random.normal(ks[2], (D_FEAT, C), jnp.float32) * s,
        "b_pre": jnp.zeros((C,), jnp.float32),
        "W_in1": jax.random.normal(ks[3], (C, C), jnp.float32) * s,
        "b_in1": jnp.zeros((C,), jnp.float32),
        "W_in2": jax.random.normal(ks[4], (C, C), jnp.float32) * s,
        "b_in2": jnp.zeros((C,), jnp.float32),
        "W_gcn": jax.random.normal(ks[5], (L, C, C), jnp.float32) * s,
        "b_gcn": jnp.zeros((L, C), jnp.float32),
        "W_fc": jax.random.normal(ks[6], (L, 2 * C, C), jnp.float32) * s,
        "b_fc": jnp.zeros((L, C), jnp.float32),
        "W_out1": jax.random.normal(ks[7], (2 * C, C), jnp.float32) * s,
        "b_out1": jnp.zeros((C,), jnp.float32),
        "W_out2": jax.random.normal(ks[8], (C, C), jnp.float32) * s,
        "b_out2": jnp.zeros((C,), jnp.float32),
    }
    return inp


def _gcn_propagate(h, src, dst, deg_inv_sqrt):
    # Kipf & Welling GCN aggregation: D^-1/2 (A+I) D^-1/2 @ h
    norm = deg_inv_sqrt[src] * deg_inv_sqrt[dst]
    msg = h[src] * norm[:, None]
    return jnp.zeros_like(h).at[dst].add(msg)


def reference(x, edge_index, W_pre, b_pre, W_in1, b_in1, W_in2, b_in2,
              W_gcn, b_gcn, W_fc, b_fc, W_out1, b_out1, W_out2, b_out2):
    relu = jax.nn.relu
    n = x.shape[0]
    loops = jnp.arange(n, dtype=edge_index.dtype)
    src = jnp.concatenate([edge_index[0], loops])
    dst = jnp.concatenate([edge_index[1], loops])
    deg = jnp.zeros((n,), jnp.float32).at[dst].add(1.0)
    deg_inv_sqrt = jax.lax.rsqrt(deg)

    # preprocessing Dense
    h = relu(x @ W_pre + b_pre)
    # fully_connected_input_1 -> node_identity, fully_connected_input_2 -> x
    node_identity = relu(h @ W_in1 + b_in1)
    h = relu(h @ W_in2 + b_in2)

    for l in range(L):
        # dropout is identity at inference
        agg = _gcn_propagate(h, src, dst, deg_inv_sqrt)
        hg = relu(agg @ W_gcn[l] + b_gcn[l])
        merged = jnp.concatenate([node_identity, hg], axis=-1)
        h = relu(merged @ W_fc[l] + b_fc[l])

    merged = jnp.concatenate([node_identity, h], axis=-1)
    h = relu(merged @ W_out1 + b_out1)
    out = relu(h @ W_out2 + b_out2)
    return out


if False:  # reference __main__ guard neutralized (emitter)
    inp = setup_inputs()
    out = reference(**inp)
    print(out.shape, out.dtype)

if __name__ == "__main__":
    import jax
    _d = setup_inputs()
    print(jax.jit(kernel)(*tuple(_d.values())))

</pallas_src>

<mosaic_0001>
#map = affine_map<(d0, d1) -> (0, 0)>
#map1 = affine_map<(d0, d1) -> (0, 0, 0)>
module attributes {stable_mosaic.version = 14 : i64} {
  func.func @prop_kernel(%arg0: i32, %arg1: i32, %arg2: memref<10240x32xf32, #tpu.memory_space<hbm>>, %arg3: memref<2560x128xi32, #tpu.memory_space<hbm>>, %arg4: memref<2560x128xi32, #tpu.memory_space<hbm>>, %arg5: memref<10240x32xf32, #tpu.memory_space<hbm>>, %arg6: memref<2x10240x32xf32, #tpu.memory_space<hbm>>, %arg7: memref<80x128xi32, #tpu.memory_space<vmem>>, %arg8: memref<80x128xi32, #tpu.memory_space<vmem>>, %arg9: memref<128x32xf32, #tpu.memory_space<vmem>>, %arg10: memref<128x32xf32, #tpu.memory_space<vmem>>, %arg11: memref<128x32xf32, #tpu.memory_space<vmem>>, %arg12: memref<128x32xf32, #tpu.memory_space<vmem>>, %arg13: memref<10240x32xf32, #tpu.memory_space<vmem_shared>>, %arg14: memref<10240x32xf32, #tpu.memory_space<vmem_shared>>, %arg15: memref<!tpu.dma_semaphore, #tpu.memory_space<semaphore_mem>>, %arg16: memref<!tpu.dma_semaphore, #tpu.memory_space<semaphore_mem>>, %arg17: memref<!tpu.dma_semaphore, #tpu.memory_space<semaphore_mem>>, %arg18: memref<!tpu.dma_semaphore, #tpu.memory_space<semaphore_mem>>) attributes {dimension_semantics = [#tpu.dimension_semantics<core_parallel>, #tpu.dimension_semantics<subcore_parallel>], iteration_bounds = array<i64: 2, 16>, scalar_prefetch = 0 : i64, scratch_operands = 12 : i64, tpu.core_type = #tpu.core_type<sc_vector_subcore>, window_params = [{transform_indices = #map}, {transform_indices = #map}, {transform_indices = #map}, {transform_indices = #map}, {transform_indices = #map1}]} {
    %eq3A = arith.constant 1 : i32
    %eq3A_0 = arith.cmpi eq, %arg0, %eq3A : i32
    %jit3A = arith.constant 80 : i32
    %jit3A_1 = arith.constant 80 : i32
    %select_n3A = arith.select %eq3A_0, %jit3A, %jit3A_1 : i32
    %eq3A_2 = arith.constant 1 : i32
    %eq3A_3 = arith.cmpi eq, %arg0, %eq3A_2 : i32
    %mul3A = arith.constant 80 : i32
    %mul3A_4 = arith.muli %arg1, %mul3A : i32
    %mul3A_5 = arith.constant 80 : i32
    %mul3A_6 = arith.muli %arg1, %mul3A_5 : i32
    %add3A = arith.constant 1280 : i32
    %add3A_7 = arith.addi %add3A, %mul3A_6 : i32
    %select_n3A_8 = arith.select %eq3A_3, %mul3A_4, %add3A_7 : i32
    "tpu.region"() ({
      %run_scoped3A = tpu.sem_alloc : memref<!tpu.dma_semaphore, #tpu.memory_space<semaphore_mem>>
      %dma_start3A_76 = arith.constant 0 : i32
      %dma_start3A_77 = tpu.memref_slice %arg3[%select_n3A_8, %dma_start3A_76] : memref<2560x128xi32, #tpu.memory_space<hbm>> -> memref<80x128xi32, #tpu.memory_space<hbm>>
      %dma_start3A_78 = arith.constant 0 : i32
      %dma_start3A_79 = tpu.memref_slice %arg3[%select_n3A_8, %dma_start3A_78] : memref<2560x128xi32, #tpu.memory_space<hbm>> -> memref<80x128xi32, #tpu.memory_space<hbm>>
      tpu.enqueue_dma source(%dma_start3A_79 : memref<80x128xi32, #tpu.memory_space<hbm>>) target(%arg7 : memref<80x128xi32, #tpu.memory_space<vmem>>) target_semaphore(%run_scoped3A : memref<!tpu.dma_semaphore, #tpu.memory_space<semaphore_mem>>)
      %dma_wait3A = arith.constant 0 : i32
      %dma_wait3A_80 = tpu.memref_slice %arg3[%select_n3A_8, %dma_wait3A] : memref<2560x128xi32, #tpu.memory_space<hbm>> -> memref<80x128xi32, #tpu.memory_space<hbm>>
      %dma_wait3A_81 = arith.constant 0 : i32
      %dma_wait3A_82 = tpu.memref_slice %arg3[%select_n3A_8, %dma_wait3A_81] : memref<2560x128xi32, #tpu.memory_space<hbm>> -> memref<80x128xi32, #tpu.memory_space<hbm>>
      tpu.wait_dma2 semaphore(%run_scoped3A : memref<!tpu.dma_semaphore, #tpu.memory_space<semaphore_mem>>) src(%dma_wait3A_82 : memref<80x128xi32, #tpu.memory_space<hbm>>) dst(%arg7 : memref<80x128xi32, #tpu.memory_space<vmem>>)
      tpu.yield
    }) : () -> ()
    "tpu.region"() ({
      %run_scoped3A = tpu.sem_alloc : memref<!tpu.dma_semaphore, #tpu.memory_space<semaphore_mem>>
      %dma_start3A_76 = arith.constant 0 : i32
      %dma_start3A_77 = tpu.memref_slice %arg4[%select_n3A_8, %dma_start3A_76] : memref<2560x128xi32, #tpu.memory_space<hbm>> -> memref<80x128xi32, #tpu.memory_space<hbm>>
      %dma_start3A_78 = arith.constant 0 : i32
      %dma_start3A_79 = tpu.memref_slice %arg4[%select_n3A_8, %dma_start3A_78] : memref<2560x128xi32, #tpu.memory_space<hbm>> -> memref<80x128xi32, #tpu.memory_space<hbm>>
      tpu.enqueue_dma source(%dma_start3A_79 : memref<80x128xi32, #tpu.memory_space<hbm>>) target(%arg8 : memref<80x128xi32, #tpu.memory_space<vmem>>) target_semaphore(%run_scoped3A : memref<!tpu.dma_semaphore, #tpu.memory_space<semaphore_mem>>)
      %dma_wait3A = arith.constant 0 : i32
      %dma_wait3A_80 = tpu.memref_slice %arg4[%select_n3A_8, %dma_wait3A] : memref<2560x128xi32, #tpu.memory_space<hbm>> -> memref<80x128xi32, #tpu.memory_space<hbm>>
      %dma_wait3A_81 = arith.constant 0 : i32
      %dma_wait3A_82 = tpu.memref_slice %arg4[%select_n3A_8, %dma_wait3A_81] : memref<2560x128xi32, #tpu.memory_space<hbm>> -> memref<80x128xi32, #tpu.memory_space<hbm>>
      tpu.wait_dma2 semaphore(%run_scoped3A : memref<!tpu.dma_semaphore, #tpu.memory_space<semaphore_mem>>) src(%dma_wait3A_82 : memref<80x128xi32, #tpu.memory_space<hbm>>) dst(%arg8 : memref<80x128xi32, #tpu.memory_space<vmem>>)
      tpu.yield
    }) : () -> ()
    %mul3A_9 = arith.constant 640 : i32
    %mul3A_10 = arith.muli %arg1, %mul3A_9 : i32
    %mul3A_11 = arith.constant 640 : i32
    %mul3A_12 = arith.muli %arg1, %mul3A_11 : i32
    "tpu.region"() ({
      %run_scoped3A = tpu.sem_alloc : memref<!tpu.dma_semaphore, #tpu.memory_space<semaphore_mem>>
      %dma_start3A_76 = arith.constant 0 : i32
      %dma_start3A_77 = tpu.memref_slice %arg14[%mul3A_12, %dma_start3A_76] : memref<10240x32xf32, #tpu.memory_space<vmem_shared>> -> memref<640x32xf32, #tpu.memory_space<vmem_shared>>
      %dma_start3A_78 = arith.constant 0 : i32
      %dma_start3A_79 = tpu.memref_slice %arg2[%mul3A_10, %dma_start3A_78] : memref<10240x32xf32, #tpu.memory_space<hbm>> -> memref<640x32xf32, #tpu.memory_space<hbm>>
      tpu.enqueue_dma source(%dma_start3A_79 : memref<640x32xf32, #tpu.memory_space<hbm>>) target(%dma_start3A_77 : memref<640x32xf32, #tpu.memory_space<vmem_shared>>) target_semaphore(%run_scoped3A : memref<!tpu.dma_semaphore, #tpu.memory_space<semaphore_mem>>)
      %dma_wait3A = arith.constant 0 : i32
      %dma_wait3A_80 = tpu.memref_slice %arg14[%mul3A_12, %dma_wait3A] : memref<10240x32xf32, #tpu.memory_space<vmem_shared>> -> memref<640x32xf32, #tpu.memory_space<vmem_shared>>
      %dma_wait3A_81 = arith.constant 0 : i32
      %dma_wait3A_82 = tpu.memref_slice %arg2[%mul3A_10, %dma_wait3A_81] : memref<10240x32xf32, #tpu.memory_space<hbm>> -> memref<640x32xf32, #tpu.memory_space<hbm>>
      tpu.wait_dma2 semaphore(%run_scoped3A : memref<!tpu.dma_semaphore, #tpu.memory_space<semaphore_mem>>) src(%dma_wait3A_82 : memref<640x32xf32, #tpu.memory_space<hbm>>) dst(%dma_wait3A_80 : memref<640x32xf32, #tpu.memory_space<vmem_shared>>)
      tpu.yield
    }) : () -> ()
    %mul3A_13 = arith.constant 640 : i32
    %mul3A_14 = arith.muli %arg1, %mul3A_13 : i32
    %mul3A_15 = arith.constant 640 : i32
    %mul3A_16 = arith.muli %arg1, %mul3A_15 : i32
    "tpu.region"() ({
      %run_scoped3A = tpu.sem_alloc : memref<!tpu.dma_semaphore, #tpu.memory_space<semaphore_mem>>
      %dma_start3A_76 = arith.constant 0 : i32
      %dma_start3A_77 = tpu.memref_slice %arg13[%mul3A_16, %dma_start3A_76] : memref<10240x32xf32, #tpu.memory_space<vmem_shared>> -> memref<640x32xf32, #tpu.memory_space<vmem_shared>>
      %dma_start3A_78 = arith.constant 0 : i32
      %dma_start3A_79 = tpu.memref_slice %arg5[%mul3A_14, %dma_start3A_78] : memref<10240x32xf32, #tpu.memory_space<hbm>> -> memref<640x32xf32, #tpu.memory_space<hbm>>
      tpu.enqueue_dma source(%dma_start3A_79 : memref<640x32xf32, #tpu.memory_space<hbm>>) target(%dma_start3A_77 : memref<640x32xf32, #tpu.memory_space<vmem_shared>>) target_semaphore(%run_scoped3A : memref<!tpu.dma_semaphore, #tpu.memory_space<semaphore_mem>>)
      %dma_wait3A = arith.constant 0 : i32
      %dma_wait3A_80 = tpu.memref_slice %arg13[%mul3A_16, %dma_wait3A] : memref<10240x32xf32, #tpu.memory_space<vmem_shared>> -> memref<640x32xf32, #tpu.memory_space<vmem_shared>>
      %dma_wait3A_81 = arith.constant 0 : i32
      %dma_wait3A_82 = tpu.memref_slice %arg5[%mul3A_14, %dma_wait3A_81] : memref<10240x32xf32, #tpu.memory_space<hbm>> -> memref<640x32xf32, #tpu.memory_space<hbm>>
      tpu.wait_dma2 semaphore(%run_scoped3A : memref<!tpu.dma_semaphore, #tpu.memory_space<semaphore_mem>>) src(%dma_wait3A_82 : memref<640x32xf32, #tpu.memory_space<hbm>>) dst(%dma_wait3A_80 : memref<640x32xf32, #tpu.memory_space<vmem_shared>>)
      tpu.yield
    }) : () -> ()
    %barrier3A = arith.constant 0 : index
    tpu.barrier barrier_id(%barrier3A)
    %dma_start3A = arith.constant 0 : i32
    %dma_start3A_17 = arith.constant 0 : i32
    %dma_start3A_18 = tpu.memref_slice %arg7[%dma_start3A, %dma_start3A_17] : memref<80x128xi32, #tpu.memory_space<vmem>> -> memref<1x128xi32, #tpu.memory_space<vmem>>
    %dma_start3A_19 = tpu.memref_squeeze %dma_start3A_18 : memref<1x128xi32, #tpu.memory_space<vmem>> -> memref<128xi32, #tpu.memory_space<vmem>>
    %dma_start3A_20 = arith.constant 0 : i32
    %dma_start3A_21 = arith.constant 0 : i32
    %dma_start3A_22 = tpu.memref_slice %arg14[%dma_start3A_20, %dma_start3A_21] : memref<10240x32xf32, #tpu.memory_space<vmem_shared>> -> memref<10240x32xf32, #tpu.memory_space<vmem_shared>>
    tpu.enqueue_indirect_dma source(%dma_start3A_22 : memref<10240x32xf32, #tpu.memory_space<vmem_shared>>) target(%arg9 : memref<128x32xf32, #tpu.memory_space<vmem>>) offsets(%dma_start3A_19 : memref<128xi32, #tpu.memory_space<vmem>>) semaphore(%arg15 : memref<!tpu.dma_semaphore, #tpu.memory_space<semaphore_mem>>)
    %dma_start3A_23 = arith.constant 1 : i32
    %dma_start3A_24 = arith.constant 0 : i32
    %dma_start3A_25 = tpu.memref_slice %arg7[%dma_start3A_23, %dma_start3A_24] : memref<80x128xi32, #tpu.memory_space<vmem>> -> memref<1x128xi32, #tpu.memory_space<vmem>>
    %dma_start3A_26 = tpu.memref_squeeze %dma_start3A_25 : memref<1x128xi32, #tpu.memory_space<vmem>> -> memref<128xi32, #tpu.memory_space<vmem>>
    %dma_start3A_27 = arith.constant 0 : i32
    %dma_start3A_28 = arith.constant 0 : i32
    %dma_start3A_29 = tpu.memref_slice %arg14[%dma_start3A_27, %dma_start3A_28] : memref<10240x32xf32, #tpu.memory_space<vmem_shared>> -> memref<10240x32xf32, #tpu.memory_space<vmem_shared>>
    tpu.enqueue_indirect_dma source(%dma_start3A_29 : memref<10240x32xf32, #tpu.memory_space<vmem_shared>>) target(%arg10 : memref<128x32xf32, #tpu.memory_space<vmem>>) offsets(%dma_start3A_26 : memref<128xi32, #tpu.memory_space<vmem>>) semaphore(%arg16 : memref<!tpu.dma_semaphore, #tpu.memory_space<semaphore_mem>>)
    %dma_start3A_30 = arith.constant 2 : i32
    %dma_start3A_31 = arith.constant 0 : i32
    %dma_start3A_32 = tpu.memref_slice %arg7[%dma_start3A_30, %dma_start3A_31] : memref<80x128xi32, #tpu.memory_space<vmem>> -> memref<1x128xi32, #tpu.memory_space<vmem>>
    %dma_start3A_33 = tpu.memref_squeeze %dma_start3A_32 : memref<1x128xi32, #tpu.memory_space<vmem>> -> memref<128xi32, #tpu.memory_space<vmem>>
    %dma_start3A_34 = arith.constant 0 : i32
    %dma_start3A_35 = arith.constant 0 : i32
    %dma_start3A_36 = tpu.memref_slice %arg14[%dma_start3A_34, %dma_start3A_35] : memref<10240x32xf32, #tpu.memory_space<vmem_shared>> -> memref<10240x32xf32, #tpu.memory_space<vmem_shared>>
    tpu.enqueue_indirect_dma source(%dma_start3A_36 : memref<10240x32xf32, #tpu.memory_space<vmem_shared>>) target(%arg11 : memref<128x32xf32, #tpu.memory_space<vmem>>) offsets(%dma_start3A_33 : memref<128xi32, #tpu.memory_space<vmem>>) semaphore(%arg17 : memref<!tpu.dma_semaphore, #tpu.memory_space<semaphore_mem>>)
    %dma_start3A_37 = arith.constant 3 : i32
    %dma_start3A_38 = arith.constant 0 : i32
    %dma_start3A_39 = tpu.memref_slice %arg7[%dma_start3A_37, %dma_start3A_38] : memref<80x128xi32, #tpu.memory_space<vmem>> -> memref<1x128xi32, #tpu.memory_space<vmem>>
    %dma_start3A_40 = tpu.memref_squeeze %dma_start3A_39 : memref<1x128xi32, #tpu.memory_space<vmem>> -> memref<128xi32, #tpu.memory_space<vmem>>
    %dma_start3A_41 = arith.constant 0 : i32
    %dma_start3A_42 = arith.constant 0 : i32
    %dma_start3A_43 = tpu.memref_slice %arg14[%dma_start3A_41, %dma_start3A_42] : memref<10240x32xf32, #tpu.memory_space<vmem_shared>> -> memref<10240x32xf32, #tpu.memory_space<vmem_shared>>
    tpu.enqueue_indirect_dma source(%dma_start3A_43 : memref<10240x32xf32, #tpu.memory_space<vmem_shared>>) target(%arg12 : memref<128x32xf32, #tpu.memory_space<vmem>>) offsets(%dma_start3A_40 : memref<128xi32, #tpu.memory_space<vmem>>) semaphore(%arg18 : memref<!tpu.dma_semaphore, #tpu.memory_space<semaphore_mem>>)
    %jit3A_44 = arith.constant 4 : i32
    %div3A = arith.divsi %select_n3A, %jit3A_44 : i32
    %sign3A = arith.constant 0 : i32
    %sign3A_45 = arith.cmpi sgt, %select_n3A, %sign3A : i32
    %sign3A_46 = arith.extui %sign3A_45 : i1 to i32
    %sign3A_47 = arith.constant 0 : i32
    %sign3A_48 = arith.cmpi slt, %select_n3A, %sign3A_47 : i32
    %sign3A_49 = arith.extui %sign3A_48 : i1 to i32
    %sign3A_50 = arith.subi %sign3A_46, %sign3A_49 : i32
    %sign3A_51 = arith.constant 0 : i32
    %sign3A_52 = arith.cmpi sgt, %jit3A_44, %sign3A_51 : i32
    %sign3A_53 = arith.extui %sign3A_52 : i1 to i32
    %sign3A_54 = arith.constant 0 : i32
    %sign3A_55 = arith.cmpi slt, %jit3A_44, %sign3A_54 : i32
    %sign3A_56 = arith.extui %sign3A_55 : i1 to i32
    %sign3A_57 = arith.subi %sign3A_53, %sign3A_56 : i32
    %ne3A = arith.cmpi ne, %sign3A_50, %sign3A_57 : i32
    %rem3A = arith.remsi %select_n3A, %jit3A_44 : i32
    %ne3A_58 = arith.constant 0 : i32
    %ne3A_59 = arith.cmpi ne, %rem3A, %ne3A_58 : i32
    %and3A = arith.andi %ne3A, %ne3A_59 : i1
    %sub3A = arith.constant 1 : i32
    %sub3A_60 = arith.subi %div3A, %sub3A : i32
    %select_n3A_61 = arith.select %and3A, %sub3A_60, %div3A : i32
    %while3A = arith.constant 0 : i32
    %while3A_62 = arith.constant 0 : i32
    %while3A_63 = arith.subi %select_n3A_61, %while3A_62 : i32
    %while3A_64 = arith.addi %while3A_62, %while3A_63 : i32
    %while3A_65 = arith.constant 1 : i32
    %while3A_66 = arith.divsi %while3A_63, %while3A_65 : i32
    %while3A_67 = arith.muli %while3A_66, %while3A_65 : i32
    %while3A_68 = arith.addi %while3A_62, %while3A_67 : i32
    %while3A_69 = arith.constant 1 : i32
    scf.for %while3A_76 = %while3A_62 to %while3A_68 step %while3A_69  : i32 {
      %mul3A_77 = arith.constant 4 : i32
      %mul3A_78 = arith.muli %while3A_76, %mul3A_77 : i32
      %add3A_79 = arith.constant 0 : i32
      %add3A_80 = arith.addi %mul3A_78, %add3A_79 : i32
      %dma_wait3A = arith.constant 0 : i32
      %dma_wait3A_81 = tpu.memref_slice %arg7[%add3A_80, %dma_wait3A] : memref<80x128xi32, #tpu.memory_space<vmem>> -> memref<1x128xi32, #tpu.memory_space<vmem>>
      %dma_wait3A_82 = tpu.memref_squeeze %dma_wait3A_81 : memref<1x128xi32, #tpu.memory_space<vmem>> -> memref<128xi32, #tpu.memory_space<vmem>>
      %dma_wait3A_83 = arith.constant 0 : i32
      %dma_wait3A_84 = arith.constant 0 : i32
      %dma_wait3A_85 = tpu.memref_slice %arg14[%dma_wait3A_83, %dma_wait3A_84] : memref<10240x32xf32, #tpu.memory_space<vmem_shared>> -> memref<10240x32xf32, #tpu.memory_space<vmem_shared>>
      tpu.wait_indirect_dma semaphore(%arg15 : memref<!tpu.dma_semaphore, #tpu.memory_space<semaphore_mem>>) src(%dma_wait3A_85 : memref<10240x32xf32, #tpu.memory_space<vmem_shared>>) dst(%arg9 : memref<128x32xf32, #tpu.memory_space<vmem>>)
      "tpu.region"() ({
        %run_scoped3A = tpu.sem_alloc : memref<!tpu.dma_semaphore, #tpu.memory_space<semaphore_mem>>
        %dma_start3A_131 = arith.constant 0 : i32
        %dma_start3A_132 = tpu.memref_slice %arg8[%add3A_80, %dma_start3A_131] : memref<80x128xi32, #tpu.memory_space<vmem>> -> memref<1x128xi32, #tpu.memory_space<vmem>>
        %dma_start3A_133 = tpu.memref_squeeze %dma_start3A_132 : memref<1x128xi32, #tpu.memory_space<vmem>> -> memref<128xi32, #tpu.memory_space<vmem>>
        %dma_start3A_134 = arith.constant 0 : i32
        %dma_start3A_135 = arith.constant 0 : i32
        %dma_start3A_136 = tpu.memref_slice %arg13[%dma_start3A_134, %dma_start3A_135] : memref<10240x32xf32, #tpu.memory_space<vmem_shared>> -> memref<10240x32xf32, #tpu.memory_space<vmem_shared>>
        tpu.enqueue_indirect_dma source(%arg9 : memref<128x32xf32, #tpu.memory_space<vmem>>) target(%dma_start3A_136 : memref<10240x32xf32, #tpu.memory_space<vmem_shared>>) offsets(%dma_start3A_133 : memref<128xi32, #tpu.memory_space<vmem>>) semaphore(%run_scoped3A : memref<!tpu.dma_semaphore, #tpu.memory_space<semaphore_mem>>) {add = true}
        %dma_wait3A_137 = arith.constant 0 : i32
        %dma_wait3A_138 = tpu.memref_slice %arg8[%add3A_80, %dma_wait3A_137] : memref<80x128xi32, #tpu.memory_space<vmem>> -> memref<1x128xi32, #tpu.memory_space<vmem>>
        %dma_wait3A_139 = tpu.memref_squeeze %dma_wait3A_138 : memref<1x128xi32, #tpu.memory_space<vmem>> -> memref<128xi32, #tpu.memory_space<vmem>>
        %dma_wait3A_140 = arith.constant 0 : i32
        %dma_wait3A_141 = arith.constant 0 : i32
        %dma_wait3A_142 = tpu.memref_slice %arg13[%dma_wait3A_140, %dma_wait3A_141] : memref<10240x32xf32, #tpu.memory_space<vmem_shared>> -> memref<10240x32xf32, #tpu.memory_space<vmem_shared>>
        tpu.wait_indirect_dma semaphore(%run_scoped3A : memref<!tpu.dma_semaphore, #tpu.memory_space<semaphore_mem>>) src(%arg9 : memref<128x32xf32, #tpu.memory_space<vmem>>) dst(%dma_wait3A_142 : memref<10240x32xf32, #tpu.memory_space<vmem_shared>>)
        tpu.yield
      }) : () -> ()
      %add3A_86 = arith.constant 4 : i32
      %add3A_87 = arith.addi %add3A_80, %add3A_86 : i32
      %lt3A = arith.cmpi slt, %add3A_87, %select_n3A : i32
      %convert_element_type3A = arith.extui %lt3A : i1 to i32
      %cond3A = arith.constant 0 : i32
      %cond3A_88 = arith.cmpi ne, %convert_element_type3A, %cond3A : i32
      scf.if %cond3A_88 {
        %dma_start3A_131 = arith.constant 0 : i32
        %dma_start3A_132 = tpu.memref_slice %arg7[%add3A_87, %dma_start3A_131] : memref<80x128xi32, #tpu.memory_space<vmem>> -> memref<1x128xi32, #tpu.memory_space<vmem>>
        %dma_start3A_133 = tpu.memref_squeeze %dma_start3A_132 : memref<1x128xi32, #tpu.memory_space<vmem>> -> memref<128xi32, #tpu.memory_space<vmem>>
        %dma_start3A_134 = arith.constant 0 : i32
        %dma_start3A_135 = arith.constant 0 : i32
        %dma_start3A_136 = tpu.memref_slice %arg14[%dma_start3A_134, %dma_start3A_135] : memref<10240x32xf32, #tpu.memory_space<vmem_shared>> -> memref<10240x32xf32, #tpu.memory_space<vmem_shared>>
        tpu.enqueue_indirect_dma source(%dma_start3A_136 : memref<10240x32xf32, #tpu.memory_space<vmem_shared>>) target(%arg9 : memref<128x32xf32, #tpu.memory_space<vmem>>) offsets(%dma_start3A_133 : memref<128xi32, #tpu.memory_space<vmem>>) semaphore(%arg15 : memref<!tpu.dma_semaphore, #tpu.memory_space<semaphore_mem>>)
      } else {
      }
      %add3A_89 = arith.constant 1 : i32
      %add3A_90 = arith.addi %mul3A_78, %add3A_89 : i32
      %dma_wait3A_91 = arith.constant 0 : i32
      %dma_wait3A_92 = tpu.memref_slice %arg7[%add3A_90, %dma_wait3A_91] : memref<80x128xi32, #tpu.memory_space<vmem>> -> memref<1x128xi32, #tpu.memory_space<vmem>>
      %dma_wait3A_93 = tpu.memref_squeeze %dma_wait3A_92 : memref<1x128xi32, #tpu.memory_space<vmem>> -> memref<128xi32, #tpu.memory_space<vmem>>
      %dma_wait3A_94 = arith.constant 0 : i32
      %dma_wait3A_95 = arith.constant 0 : i32
      %dma_wait3A_96 = tpu.memref_slice %arg14[%dma_wait3A_94, %dma_wait3A_95] : memref<10240x32xf32, #tpu.memory_space<vmem_shared>> -> memref<10240x32xf32, #tpu.memory_space<vmem_shared>>
      tpu.wait_indirect_dma semaphore(%arg16 : memref<!tpu.dma_semaphore, #tpu.memory_space<semaphore_mem>>) src(%dma_wait3A_96 : memref<10240x32xf32, #tpu.memory_space<vmem_shared>>) dst(%arg10 : memref<128x32xf32, #tpu.memory_space<vmem>>)
      "tpu.region"() ({
        %run_scoped3A = tpu.sem_alloc : memref<!tpu.dma_semaphore, #tpu.memory_space<semaphore_mem>>
        %dma_start3A_131 = arith.constant 0 : i32
        %dma_start3A_132 = tpu.memref_slice %arg8[%add3A_90, %dma_start3A_131] : memref<80x128xi32, #tpu.memory_space<vmem>> -> memref<1x128xi32, #tpu.memory_space<vmem>>
        %dma_start3A_133 = tpu.memref_squeeze %dma_start3A_132 : memref<1x128xi32, #tpu.memory_space<vmem>> -> memref<128xi32, #tpu.memory_space<vmem>>
        %dma_start3A_134 = arith.constant 0 : i32
        %dma_start3A_135 = arith.constant 0 : i32
        %dma_start3A_136 = tpu.memref_slice %arg13[%dma_start3A_134, %dma_start3A_135] : memref<10240x32xf32, #tpu.memory_space<vmem_shared>> -> memref<10240x32xf32, #tpu.memory_space<vmem_shared>>
        tpu.enqueue_indirect_dma source(%arg10 : memref<128x32xf32, #tpu.memory_space<vmem>>) target(%dma_start3A_136 : memref<10240x32xf32, #tpu.memory_space<vmem_shared>>) offsets(%dma_start3A_133 : memref<128xi32, #tpu.memory_space<vmem>>) semaphore(%run_scoped3A : memref<!tpu.dma_semaphore, #tpu.memory_space<semaphore_mem>>) {add = true}
        %dma_wait3A_137 = arith.constant 0 : i32
        %dma_wait3A_138 = tpu.memref_slice %arg8[%add3A_90, %dma_wait3A_137] : memref<80x128xi32, #tpu.memory_space<vmem>> -> memref<1x128xi32, #tpu.memory_space<vmem>>
        %dma_wait3A_139 = tpu.memref_squeeze %dma_wait3A_138 : memref<1x128xi32, #tpu.memory_space<vmem>> -> memref<128xi32, #tpu.memory_space<vmem>>
        %dma_wait3A_140 = arith.constant 0 : i32
        %dma_wait3A_141 = arith.constant 0 : i32
        %dma_wait3A_142 = tpu.memref_slice %arg13[%dma_wait3A_140, %dma_wait3A_141] : memref<10240x32xf32, #tpu.memory_space<vmem_shared>> -> memref<10240x32xf32, #tpu.memory_space<vmem_shared>>
        tpu.wait_indirect_dma semaphore(%run_scoped3A : memref<!tpu.dma_semaphore, #tpu.memory_space<semaphore_mem>>) src(%arg10 : memref<128x32xf32, #tpu.memory_space<vmem>>) dst(%dma_wait3A_142 : memref<10240x32xf32, #tpu.memory_space<vmem_shared>>)
        tpu.yield
      }) : () -> ()
      %add3A_97 = arith.constant 4 : i32
      %add3A_98 = arith.addi %add3A_90, %add3A_97 : i32
      %lt3A_99 = arith.cmpi slt, %add3A_98, %select_n3A : i32
      %convert_element_type3A_100 = arith.extui %lt3A_99 : i1 to i32
      %cond3A_101 = arith.constant 0 : i32
      %cond3A_102 = arith.cmpi ne, %convert_element_type3A_100, %cond3A_101 : i32
      scf.if %cond3A_102 {
        %dma_start3A_131 = arith.constant 0 : i32
        %dma_start3A_132 = tpu.memref_slice %arg7[%add3A_98, %dma_start3A_131] : memref<80x128xi32, #tpu.memory_space<vmem>> -> memref<1x128xi32, #tpu.memory_space<vmem>>
        %dma_start3A_133 = tpu.memref_squeeze %dma_start3A_132 : memref<1x128xi32, #tpu.memory_space<vmem>> -> memref<128xi32, #tpu.memory_space<vmem>>
        %dma_start3A_134 = arith.constant 0 : i32
        %dma_start3A_135 = arith.constant 0 : i32
        %dma_start3A_136 = tpu.memref_slice %arg14[%dma_start3A_134, %dma_start3A_135] : memref<10240x32xf32, #tpu.memory_space<vmem_shared>> -> memref<10240x32xf32, #tpu.memory_space<vmem_shared>>
        tpu.enqueue_indirect_dma source(%dma_start3A_136 : memref<10240x32xf32, #tpu.memory_space<vmem_shared>>) target(%arg10 : memref<128x32xf32, #tpu.memory_space<vmem>>) offsets(%dma_start3A_133 : memref<128xi32, #tpu.memory_space<vmem>>) semaphore(%arg16 : memref<!tpu.dma_semaphore, #tpu.memory_space<semaphore_mem>>)
      } else {
      }
      %add3A_103 = arith.constant 2 : i32
      %add3A_104 = arith.addi %mul3A_78, %add3A_103 : i32
      %dma_wait3A_105 = arith.constant 0 : i32
      %dma_wait3A_106 = tpu.memref_slice %arg7[%add3A_104, %dma_wait3A_105] : memref<80x128xi32, #tpu.memory_space<vmem>> -> memref<1x128xi32, #tpu.memory_space<vmem>>
      %dma_wait3A_107 = tpu.memref_squeeze %dma_wait3A_106 : memref<1x128xi32, #tpu.memory_space<vmem>> -> memref<128xi32, #tpu.memory_space<vmem>>
      %dma_wait3A_108 = arith.constant 0 : i32
      %dma_wait3A_109 = arith.constant 0 : i32
      %dma_wait3A_110 = tpu.memref_slice %arg14[%dma_wait3A_108, %dma_wait3A_109] : memref<10240x32xf32, #tpu.memory_space<vmem_shared>> -> memref<10240x32xf32, #tpu.memory_space<vmem_shared>>
      tpu.wait_indirect_dma semaphore(%arg17 : memref<!tpu.dma_semaphore, #tpu.memory_space<semaphore_mem>>) src(%dma_wait3A_110 : memref<10240x32xf32, #tpu.memory_space<vmem_shared>>) dst(%arg11 : memref<128x32xf32, #tpu.memory_space<vmem>>)
      "tpu.region"() ({
        %run_scoped3A = tpu.sem_alloc : memref<!tpu.dma_semaphore, #tpu.memory_space<semaphore_mem>>
        %dma_start3A_131 = arith.constant 0 : i32
        %dma_start3A_132 = tpu.memref_slice %arg8[%add3A_104, %dma_start3A_131] : memref<80x128xi32, #tpu.memory_space<vmem>> -> memref<1x128xi32, #tpu.memory_space<vmem>>
        %dma_start3A_133 = tpu.memref_squeeze %dma_start3A_132 : memref<1x128xi32, #tpu.memory_space<vmem>> -> memref<128xi32, #tpu.memory_space<vmem>>
        %dma_start3A_134 = arith.constant 0 : i32
        %dma_start3A_135 = arith.constant 0 : i32
        %dma_start3A_136 = tpu.memref_slice %arg13[%dma_start3A_134, %dma_start3A_135] : memref<10240x32xf32, #tpu.memory_space<vmem_shared>> -> memref<10240x32xf32, #tpu.memory_space<vmem_shared>>
        tpu.enqueue_indirect_dma source(%arg11 : memref<128x32xf32, #tpu.memory_space<vmem>>) target(%dma_start3A_136 : memref<10240x32xf32, #tpu.memory_space<vmem_shared>>) offsets(%dma_start3A_133 : memref<128xi32, #tpu.memory_space<vmem>>) semaphore(%run_scoped3A : memref<!tpu.dma_semaphore, #tpu.memory_space<semaphore_mem>>) {add = true}
        %dma_wait3A_137 = arith.constant 0 : i32
        %dma_wait3A_138 = tpu.memref_slice %arg8[%add3A_104, %dma_wait3A_137] : memref<80x128xi32, #tpu.memory_space<vmem>> -> memref<1x128xi32, #tpu.memory_space<vmem>>
        %dma_wait3A_139 = tpu.memref_squeeze %dma_wait3A_138 : memref<1x128xi32, #tpu.memory_space<vmem>> -> memref<128xi32, #tpu.memory_space<vmem>>
        %dma_wait3A_140 = arith.constant 0 : i32
        %dma_wait3A_141 = arith.constant 0 : i32
        %dma_wait3A_142 = tpu.memref_slice %arg13[%dma_wait3A_140, %dma_wait3A_141] : memref<10240x32xf32, #tpu.memory_space<vmem_shared>> -> memref<10240x32xf32, #tpu.memory_space<vmem_shared>>
        tpu.wait_indirect_dma semaphore(%run_scoped3A : memref<!tpu.dma_semaphore, #tpu.memory_space<semaphore_mem>>) src(%arg11 : memref<128x32xf32, #tpu.memory_space<vmem>>) dst(%dma_wait3A_142 : memref<10240x32xf32, #tpu.memory_space<vmem_shared>>)
        tpu.yield
      }) : () -> ()
      %add3A_111 = arith.constant 4 : i32
      %add3A_112 = arith.addi %add3A_104, %add3A_111 : i32
      %lt3A_113 = arith.cmpi slt, %add3A_112, %select_n3A : i32
      %convert_element_type3A_114 = arith.extui %lt3A_113 : i1 to i32
      %cond3A_115 = arith.constant 0 : i32
      %cond3A_116 = arith.cmpi ne, %convert_element_type3A_114, %cond3A_115 : i32
      scf.if %cond3A_116 {
        %dma_start3A_131 = arith.constant 0 : i32
        %dma_start3A_132 = tpu.memref_slice %arg7[%add3A_112, %dma_start3A_131] : memref<80x128xi32, #tpu.memory_space<vmem>> -> memref<1x128xi32, #tpu.memory_space<vmem>>
        %dma_start3A_133 = tpu.memref_squeeze %dma_start3A_132 : memref<1x128xi32, #tpu.memory_space<vmem>> -> memref<128xi32, #tpu.memory_space<vmem>>
        %dma_start3A_134 = arith.constant 0 : i32
        %dma_start3A_135 = arith.constant 0 : i32
        %dma_start3A_136 = tpu.memref_slice %arg14[%dma_start3A_134, %dma_start3A_135] : memref<10240x32xf32, #tpu.memory_space<vmem_shared>> -> memref<10240x32xf32, #tpu.memory_space<vmem_shared>>
        tpu.enqueue_indirect_dma source(%dma_start3A_136 : memref<10240x32xf32, #tpu.memory_space<vmem_shared>>) target(%arg11 : memref<128x32xf32, #tpu.memory_space<vmem>>) offsets(%dma_start3A_133 : memref<128xi32, #tpu.memory_space<vmem>>) semaphore(%arg17 : memref<!tpu.dma_semaphore, #tpu.memory_space<semaphore_mem>>)
      } else {
      }
      %add3A_117 = arith.constant 3 : i32
      %add3A_118 = arith.addi %mul3A_78, %add3A_117 : i32
      %dma_wait3A_119 = arith.constant 0 : i32
      %dma_wait3A_120 = tpu.memref_slice %arg7[%add3A_118, %dma_wait3A_119] : memref<80x128xi32, #tpu.memory_space<vmem>> -> memref<1x128xi32, #tpu.memory_space<vmem>>
      %dma_wait3A_121 = tpu.memref_squeeze %dma_wait3A_120 : memref<1x128xi32, #tpu.memory_space<vmem>> -> memref<128xi32, #tpu.memory_space<vmem>>
      %dma_wait3A_122 = arith.constant 0 : i32
      %dma_wait3A_123 = arith.constant 0 : i32
      %dma_wait3A_124 = tpu.memref_slice %arg14[%dma_wait3A_122, %dma_wait3A_123] : memref<10240x32xf32, #tpu.memory_space<vmem_shared>> -> memref<10240x32xf32, #tpu.memory_space<vmem_shared>>
      tpu.wait_indirect_dma semaphore(%arg18 : memref<!tpu.dma_semaphore, #tpu.memory_space<semaphore_mem>>) src(%dma_wait3A_124 : memref<10240x32xf32, #tpu.memory_space<vmem_shared>>) dst(%arg12 : memref<128x32xf32, #tpu.memory_space<vmem>>)
      "tpu.region"() ({
        %run_scoped3A = tpu.sem_alloc : memref<!tpu.dma_semaphore, #tpu.memory_space<semaphore_mem>>
        %dma_start3A_131 = arith.constant 0 : i32
        %dma_start3A_132 = tpu.memref_slice %arg8[%add3A_118, %dma_start3A_131] : memref<80x128xi32, #tpu.memory_space<vmem>> -> memref<1x128xi32, #tpu.memory_space<vmem>>
        %dma_start3A_133 = tpu.memref_squeeze %dma_start3A_132 : memref<1x128xi32, #tpu.memory_space<vmem>> -> memref<128xi32, #tpu.memory_space<vmem>>
        %dma_start3A_134 = arith.constant 0 : i32
        %dma_start3A_135 = arith.constant 0 : i32
        %dma_start3A_136 = tpu.memref_slice %arg13[%dma_start3A_134, %dma_start3A_135] : memref<10240x32xf32, #tpu.memory_space<vmem_shared>> -> memref<10240x32xf32, #tpu.memory_space<vmem_shared>>
        tpu.enqueue_indirect_dma source(%arg12 : memref<128x32xf32, #tpu.memory_space<vmem>>) target(%dma_start3A_136 : memref<10240x32xf32, #tpu.memory_space<vmem_shared>>) offsets(%dma_start3A_133 : memref<128xi32, #tpu.memory_space<vmem>>) semaphore(%run_scoped3A : memref<!tpu.dma_semaphore, #tpu.memory_space<semaphore_mem>>) {add = true}
        %dma_wait3A_137 = arith.constant 0 : i32
        %dma_wait3A_138 = tpu.memref_slice %arg8[%add3A_118, %dma_wait3A_137] : memref<80x128xi32, #tpu.memory_space<vmem>> -> memref<1x128xi32, #tpu.memory_space<vmem>>
        %dma_wait3A_139 = tpu.memref_squeeze %dma_wait3A_138 : memref<1x128xi32, #tpu.memory_space<vmem>> -> memref<128xi32, #tpu.memory_space<vmem>>
        %dma_wait3A_140 = arith.constant 0 : i32
        %dma_wait3A_141 = arith.constant 0 : i32
        %dma_wait3A_142 = tpu.memref_slice %arg13[%dma_wait3A_140, %dma_wait3A_141] : memref<10240x32xf32, #tpu.memory_space<vmem_shared>> -> memref<10240x32xf32, #tpu.memory_space<vmem_shared>>
        tpu.wait_indirect_dma semaphore(%run_scoped3A : memref<!tpu.dma_semaphore, #tpu.memory_space<semaphore_mem>>) src(%arg12 : memref<128x32xf32, #tpu.memory_space<vmem>>) dst(%dma_wait3A_142 : memref<10240x32xf32, #tpu.memory_space<vmem_shared>>)
        tpu.yield
      }) : () -> ()
      %add3A_125 = arith.constant 4 : i32
      %add3A_126 = arith.addi %add3A_118, %add3A_125 : i32
      %lt3A_127 = arith.cmpi slt, %add3A_126, %select_n3A : i32
      %convert_element_type3A_128 = arith.extui %lt3A_127 : i1 to i32
      %cond3A_129 = arith.constant 0 : i32
      %cond3A_130 = arith.cmpi ne, %convert_element_type3A_128, %cond3A_129 : i32
      scf.if %cond3A_130 {
        %dma_start3A_131 = arith.constant 0 : i32
        %dma_start3A_132 = tpu.memref_slice %arg7[%add3A_126, %dma_start3A_131] : memref<80x128xi32, #tpu.memory_space<vmem>> -> memref<1x128xi32, #tpu.memory_space<vmem>>
        %dma_start3A_133 = tpu.memref_squeeze %dma_start3A_132 : memref<1x128xi32, #tpu.memory_space<vmem>> -> memref<128xi32, #tpu.memory_space<vmem>>
        %dma_start3A_134 = arith.constant 0 : i32
        %dma_start3A_135 = arith.constant 0 : i32
        %dma_start3A_136 = tpu.memref_slice %arg14[%dma_start3A_134, %dma_start3A_135] : memref<10240x32xf32, #tpu.memory_space<vmem_shared>> -> memref<10240x32xf32, #tpu.memory_space<vmem_shared>>
        tpu.enqueue_indirect_dma source(%dma_start3A_136 : memref<10240x32xf32, #tpu.memory_space<vmem_shared>>) target(%arg12 : memref<128x32xf32, #tpu.memory_space<vmem>>) offsets(%dma_start3A_133 : memref<128xi32, #tpu.memory_space<vmem>>) semaphore(%arg18 : memref<!tpu.dma_semaphore, #tpu.memory_space<semaphore_mem>>)
      } else {
      }
    }
    %while3A_70 = arith.constant 1 : i32
    scf.for %while3A_76 = %while3A_68 to %while3A_64 step %while3A_70  : i32 {
      %mul3A_77 = arith.constant 4 : i32
      %mul3A_78 = arith.muli %while3A_76, %mul3A_77 : i32
      %add3A_79 = arith.constant 0 : i32
      %add3A_80 = arith.addi %mul3A_78, %add3A_79 : i32
      %dma_wait3A = arith.constant 0 : i32
      %dma_wait3A_81 = tpu.memref_slice %arg7[%add3A_80, %dma_wait3A] : memref<80x128xi32, #tpu.memory_space<vmem>> -> memref<1x128xi32, #tpu.memory_space<vmem>>
      %dma_wait3A_82 = tpu.memref_squeeze %dma_wait3A_81 : memref<1x128xi32, #tpu.memory_space<vmem>> -> memref<128xi32, #tpu.memory_space<vmem>>
      %dma_wait3A_83 = arith.constant 0 : i32
      %dma_wait3A_84 = arith.constant 0 : i32
      %dma_wait3A_85 = tpu.memref_slice %arg14[%dma_wait3A_83, %dma_wait3A_84] : memref<10240x32xf32, #tpu.memory_space<vmem_shared>> -> memref<10240x32xf32, #tpu.memory_space<vmem_shared>>
      tpu.wait_indirect_dma semaphore(%arg15 : memref<!tpu.dma_semaphore, #tpu.memory_space<semaphore_mem>>) src(%dma_wait3A_85 : memref<10240x32xf32, #tpu.memory_space<vmem_shared>>) dst(%arg9 : memref<128x32xf32, #tpu.memory_space<vmem>>)
      "tpu.region"() ({
        %run_scoped3A = tpu.sem_alloc : memref<!tpu.dma_semaphore, #tpu.memory_space<semaphore_mem>>
        %dma_start3A_131 = arith.constant 0 : i32
        %dma_start3A_132 = tpu.memref_slice %arg8[%add3A_80, %dma_start3A_131] : memref<80x128xi32, #tpu.memory_space<vmem>> -> memref<1x128xi32, #tpu.memory_space<vmem>>
        %dma_start3A_133 = tpu.memref_squeeze %dma_start3A_132 : memref<1x128xi32, #tpu.memory_space<vmem>> -> memref<128xi32, #tpu.memory_space<vmem>>
        %dma_start3A_134 = arith.constant 0 : i32
        %dma_start3A_135 = arith.constant 0 : i32
        %dma_start3A_136 = tpu.memref_slice %arg13[%dma_start3A_134, %dma_start3A_135] : memref<10240x32xf32, #tpu.memory_space<vmem_shared>> -> memref<10240x32xf32, #tpu.memory_space<vmem_shared>>
        tpu.enqueue_indirect_dma source(%arg9 : memref<128x32xf32, #tpu.memory_space<vmem>>) target(%dma_start3A_136 : memref<10240x32xf32, #tpu.memory_space<vmem_shared>>) offsets(%dma_start3A_133 : memref<128xi32, #tpu.memory_space<vmem>>) semaphore(%run_scoped3A : memref<!tpu.dma_semaphore, #tpu.memory_space<semaphore_mem>>) {add = true}
        %dma_wait3A_137 = arith.constant 0 : i32
        %dma_wait3A_138 = tpu.memref_slice %arg8[%add3A_80, %dma_wait3A_137] : memref<80x128xi32, #tpu.memory_space<vmem>> -> memref<1x128xi32, #tpu.memory_space<vmem>>
        %dma_wait3A_139 = tpu.memref_squeeze %dma_wait3A_138 : memref<1x128xi32, #tpu.memory_space<vmem>> -> memref<128xi32, #tpu.memory_space<vmem>>
        %dma_wait3A_140 = arith.constant 0 : i32
        %dma_wait3A_141 = arith.constant 0 : i32
        %dma_wait3A_142 = tpu.memref_slice %arg13[%dma_wait3A_140, %dma_wait3A_141] : memref<10240x32xf32, #tpu.memory_space<vmem_shared>> -> memref<10240x32xf32, #tpu.memory_space<vmem_shared>>
        tpu.wait_indirect_dma semaphore(%run_scoped3A : memref<!tpu.dma_semaphore, #tpu.memory_space<semaphore_mem>>) src(%arg9 : memref<128x32xf32, #tpu.memory_space<vmem>>) dst(%dma_wait3A_142 : memref<10240x32xf32, #tpu.memory_space<vmem_shared>>)
        tpu.yield
      }) : () -> ()
      %add3A_86 = arith.constant 4 : i32
      %add3A_87 = arith.addi %add3A_80, %add3A_86 : i32
      %lt3A = arith.cmpi slt, %add3A_87, %select_n3A : i32
      %convert_element_type3A = arith.extui %lt3A : i1 to i32
      %cond3A = arith.constant 0 : i32
      %cond3A_88 = arith.cmpi ne, %convert_element_type3A, %cond3A : i32
      scf.if %cond3A_88 {
        %dma_start3A_131 = arith.constant 0 : i32
        %dma_start3A_132 = tpu.memref_slice %arg7[%add3A_87, %dma_start3A_131] : memref<80x128xi32, #tpu.memory_space<vmem>> -> memref<1x128xi32, #tpu.memory_space<vmem>>
        %dma_start3A_133 = tpu.memref_squeeze %dma_start3A_132 : memref<1x128xi32, #tpu.memory_space<vmem>> -> memref<128xi32, #tpu.memory_space<vmem>>
        %dma_start3A_134 = arith.constant 0 : i32
        %dma_start3A_135 = arith.constant 0 : i32
        %dma_start3A_136 = tpu.memref_slice %arg14[%dma_start3A_134, %dma_start3A_135] : memref<10240x32xf32, #tpu.memory_space<vmem_shared>> -> memref<10240x32xf32, #tpu.memory_space<vmem_shared>>
        tpu.enqueue_indirect_dma source(%dma_start3A_136 : memref<10240x32xf32, #tpu.memory_space<vmem_shared>>) target(%arg9 : memref<128x32xf32, #tpu.memory_space<vmem>>) offsets(%dma_start3A_133 : memref<128xi32, #tpu.memory_space<vmem>>) semaphore(%arg15 : memref<!tpu.dma_semaphore, #tpu.memory_space<semaphore_mem>>)
      } else {
      }
      %add3A_89 = arith.constant 1 : i32
      %add3A_90 = arith.addi %mul3A_78, %add3A_89 : i32
      %dma_wait3A_91 = arith.constant 0 : i32
      %dma_wait3A_92 = tpu.memref_slice %arg7[%add3A_90, %dma_wait3A_91] : memref<80x128xi32, #tpu.memory_space<vmem>> -> memref<1x128xi32, #tpu.memory_space<vmem>>
      %dma_wait3A_93 = tpu.memref_squeeze %dma_wait3A_92 : memref<1x128xi32, #tpu.memory_space<vmem>> -> memref<128xi32, #tpu.memory_space<vmem>>
      %dma_wait3A_94 = arith.constant 0 : i32
      %dma_wait3A_95 = arith.constant 0 : i32
      %dma_wait3A_96 = tpu.memref_slice %arg14[%dma_wait3A_94, %dma_wait3A_95] : memref<10240x32xf32, #tpu.memory_space<vmem_shared>> -> memref<10240x32xf32, #tpu.memory_space<vmem_shared>>
      tpu.wait_indirect_dma semaphore(%arg16 : memref<!tpu.dma_semaphore, #tpu.memory_space<semaphore_mem>>) src(%dma_wait3A_96 : memref<10240x32xf32, #tpu.memory_space<vmem_shared>>) dst(%arg10 : memref<128x32xf32, #tpu.memory_space<vmem>>)
      "tpu.region"() ({
        %run_scoped3A = tpu.sem_alloc : memref<!tpu.dma_semaphore, #tpu.memory_space<semaphore_mem>>
        %dma_start3A_131 = arith.constant 0 : i32
        %dma_start3A_132 = tpu.memref_slice %arg8[%add3A_90, %dma_start3A_131] : memref<80x128xi32, #tpu.memory_space<vmem>> -> memref<1x128xi32, #tpu.memory_space<vmem>>
        %dma_start3A_133 = tpu.memref_squeeze %dma_start3A_132 : memref<1x128xi32, #tpu.memory_space<vmem>> -> memref<128xi32, #tpu.memory_space<vmem>>
        %dma_start3A_134 = arith.constant 0 : i32
        %dma_start3A_135 = arith.constant 0 : i32
        %dma_start3A_136 = tpu.memref_slice %arg13[%dma_start3A_134, %dma_start3A_135] : memref<10240x32xf32, #tpu.memory_space<vmem_shared>> -> memref<10240x32xf32, #tpu.memory_space<vmem_shared>>
        tpu.enqueue_indirect_dma source(%arg10 : memref<128x32xf32, #tpu.memory_space<vmem>>) target(%dma_start3A_136 : memref<10240x32xf32, #tpu.memory_space<vmem_shared>>) offsets(%dma_start3A_133 : memref<128xi32, #tpu.memory_space<vmem>>) semaphore(%run_scoped3A : memref<!tpu.dma_semaphore, #tpu.memory_space<semaphore_mem>>) {add = true}
        %dma_wait3A_137 = arith.constant 0 : i32
        %dma_wait3A_138 = tpu.memref_slice %arg8[%add3A_90, %dma_wait3A_137] : memref<80x128xi32, #tpu.memory_space<vmem>> -> memref<1x128xi32, #tpu.memory_space<vmem>>
        %dma_wait3A_139 = tpu.memref_squeeze %dma_wait3A_138 : memref<1x128xi32, #tpu.memory_space<vmem>> -> memref<128xi32, #tpu.memory_space<vmem>>
        %dma_wait3A_140 = arith.constant 0 : i32
        %dma_wait3A_141 = arith.constant 0 : i32
        %dma_wait3A_142 = tpu.memref_slice %arg13[%dma_wait3A_140, %dma_wait3A_141] : memref<10240x32xf32, #tpu.memory_space<vmem_shared>> -> memref<10240x32xf32, #tpu.memory_space<vmem_shared>>
        tpu.wait_indirect_dma semaphore(%run_scoped3A : memref<!tpu.dma_semaphore, #tpu.memory_space<semaphore_mem>>) src(%arg10 : memref<128x32xf32, #tpu.memory_space<vmem>>) dst(%dma_wait3A_142 : memref<10240x32xf32, #tpu.memory_space<vmem_shared>>)
        tpu.yield
      }) : () -> ()
      %add3A_97 = arith.constant 4 : i32
      %add3A_98 = arith.addi %add3A_90, %add3A_97 : i32
      %lt3A_99 = arith.cmpi slt, %add3A_98, %select_n3A : i32
      %convert_element_type3A_100 = arith.extui %lt3A_99 : i1 to i32
      %cond3A_101 = arith.constant 0 : i32
      %cond3A_102 = arith.cmpi ne, %convert_element_type3A_100, %cond3A_101 : i32
      scf.if %cond3A_102 {
        %dma_start3A_131 = arith.constant 0 : i32
        %dma_start3A_132 = tpu.memref_slice %arg7[%add3A_98, %dma_start3A_131] : memref<80x128xi32, #tpu.memory_space<vmem>> -> memref<1x128xi32, #tpu.memory_space<vmem>>
        %dma_start3A_133 = tpu.memref_squeeze %dma_start3A_132 : memref<1x128xi32, #tpu.memory_space<vmem>> -> memref<128xi32, #tpu.memory_space<vmem>>
        %dma_start3A_134 = arith.constant 0 : i32
        %dma_start3A_135 = arith.constant 0 : i32
        %dma_start3A_136 = tpu.memref_slice %arg14[%dma_start3A_134, %dma_start3A_135] : memref<10240x32xf32, #tpu.memory_space<vmem_shared>> -> memref<10240x32xf32, #tpu.memory_space<vmem_shared>>
        tpu.enqueue_indirect_dma source(%dma_start3A_136 : memref<10240x32xf32, #tpu.memory_space<vmem_shared>>) target(%arg10 : memref<128x32xf32, #tpu.memory_space<vmem>>) offsets(%dma_start3A_133 : memref<128xi32, #tpu.memory_space<vmem>>) semaphore(%arg16 : memref<!tpu.dma_semaphore, #tpu.memory_space<semaphore_mem>>)
      } else {
      }
      %add3A_103 = arith.constant 2 : i32
      %add3A_104 = arith.addi %mul3A_78, %add3A_103 : i32
      %dma_wait3A_105 = arith.constant 0 : i32
      %dma_wait3A_106 = tpu.memref_slice %arg7[%add3A_104, %dma_wait3A_105] : memref<80x128xi32, #tpu.memory_space<vmem>> -> memref<1x128xi32, #tpu.memory_space<vmem>>
      %dma_wait3A_107 = tpu.memref_squeeze %dma_wait3A_106 : memref<1x128xi32, #tpu.memory_space<vmem>> -> memref<128xi32, #tpu.memory_space<vmem>>
      %dma_wait3A_108 = arith.constant 0 : i32
      %dma_wait3A_109 = arith.constant 0 : i32
      %dma_wait3A_110 = tpu.memref_slice %arg14[%dma_wait3A_108, %dma_wait3A_109] : memref<10240x32xf32, #tpu.memory_space<vmem_shared>> -> memref<10240x32xf32, #tpu.memory_space<vmem_shared>>
      tpu.wait_indirect_dma semaphore(%arg17 : memref<!tpu.dma_semaphore, #tpu.memory_space<semaphore_mem>>) src(%dma_wait3A_110 : memref<10240x32xf32, #tpu.memory_space<vmem_shared>>) dst(%arg11 : memref<128x32xf32, #tpu.memory_space<vmem>>)
      "tpu.region"() ({
        %run_scoped3A = tpu.sem_alloc : memref<!tpu.dma_semaphore, #tpu.memory_space<semaphore_mem>>
        %dma_start3A_131 = arith.constant 0 : i32
        %dma_start3A_132 = tpu.memref_slice %arg8[%add3A_104, %dma_start3A_131] : memref<80x128xi32, #tpu.memory_space<vmem>> -> memref<1x128xi32, #tpu.memory_space<vmem>>
        %dma_start3A_133 = tpu.memref_squeeze %dma_start3A_132 : memref<1x128xi32, #tpu.memory_space<vmem>> -> memref<128xi32, #tpu.memory_space<vmem>>
        %dma_start3A_134 = arith.constant 0 : i32
        %dma_start3A_135 = arith.constant 0 : i32
        %dma_start3A_136 = tpu.memref_slice %arg13[%dma_start3A_134, %dma_start3A_135] : memref<10240x32xf32, #tpu.memory_space<vmem_shared>> -> memref<10240x32xf32, #tpu.memory_space<vmem_shared>>
        tpu.enqueue_indirect_dma source(%arg11 : memref<128x32xf32, #tpu.memory_space<vmem>>) target(%dma_start3A_136 : memref<10240x32xf32, #tpu.memory_space<vmem_shared>>) offsets(%dma_start3A_133 : memref<128xi32, #tpu.memory_space<vmem>>) semaphore(%run_scoped3A : memref<!tpu.dma_semaphore, #tpu.memory_space<semaphore_mem>>) {add = true}
        %dma_wait3A_137 = arith.constant 0 : i32
        %dma_wait3A_138 = tpu.memref_slice %arg8[%add3A_104, %dma_wait3A_137] : memref<80x128xi32, #tpu.memory_space<vmem>> -> memref<1x128xi32, #tpu.memory_space<vmem>>
        %dma_wait3A_139 = tpu.memref_squeeze %dma_wait3A_138 : memref<1x128xi32, #tpu.memory_space<vmem>> -> memref<128xi32, #tpu.memory_space<vmem>>
        %dma_wait3A_140 = arith.constant 0 : i32
        %dma_wait3A_141 = arith.constant 0 : i32
        %dma_wait3A_142 = tpu.memref_slice %arg13[%dma_wait3A_140, %dma_wait3A_141] : memref<10240x32xf32, #tpu.memory_space<vmem_shared>> -> memref<10240x32xf32, #tpu.memory_space<vmem_shared>>
        tpu.wait_indirect_dma semaphore(%run_scoped3A : memref<!tpu.dma_semaphore, #tpu.memory_space<semaphore_mem>>) src(%arg11 : memref<128x32xf32, #tpu.memory_space<vmem>>) dst(%dma_wait3A_142 : memref<10240x32xf32, #tpu.memory_space<vmem_shared>>)
        tpu.yield
      }) : () -> ()
      %add3A_111 = arith.constant 4 : i32
      %add3A_112 = arith.addi %add3A_104, %add3A_111 : i32
      %lt3A_113 = arith.cmpi slt, %add3A_112, %select_n3A : i32
      %convert_element_type3A_114 = arith.extui %lt3A_113 : i1 to i32
      %cond3A_115 = arith.constant 0 : i32
      %cond3A_116 = arith.cmpi ne, %convert_element_type3A_114, %cond3A_115 : i32
      scf.if %cond3A_116 {
        %dma_start3A_131 = arith.constant 0 : i32
        %dma_start3A_132 = tpu.memref_slice %arg7[%add3A_112, %dma_start3A_131] : memref<80x128xi32, #tpu.memory_space<vmem>> -> memref<1x128xi32, #tpu.memory_space<vmem>>
        %dma_start3A_133 = tpu.memref_squeeze %dma_start3A_132 : memref<1x128xi32, #tpu.memory_space<vmem>> -> memref<128xi32, #tpu.memory_space<vmem>>
        %dma_start3A_134 = arith.constant 0 : i32
        %dma_start3A_135 = arith.constant 0 : i32
        %dma_start3A_136 = tpu.memref_slice %arg14[%dma_start3A_134, %dma_start3A_135] : memref<10240x32xf32, #tpu.memory_space<vmem_shared>> -> memref<10240x32xf32, #tpu.memory_space<vmem_shared>>
        tpu.enqueue_indirect_dma source(%dma_start3A_136 : memref<10240x32xf32, #tpu.memory_space<vmem_shared>>) target(%arg11 : memref<128x32xf32, #tpu.memory_space<vmem>>) offsets(%dma_start3A_133 : memref<128xi32, #tpu.memory_space<vmem>>) semaphore(%arg17 : memref<!tpu.dma_semaphore, #tpu.memory_space<semaphore_mem>>)
      } else {
      }
      %add3A_117 = arith.constant 3 : i32
      %add3A_118 = arith.addi %mul3A_78, %add3A_117 : i32
      %dma_wait3A_119 = arith.constant 0 : i32
      %dma_wait3A_120 = tpu.memref_slice %arg7[%add3A_118, %dma_wait3A_119] : memref<80x128xi32, #tpu.memory_space<vmem>> -> memref<1x128xi32, #tpu.memory_space<vmem>>
      %dma_wait3A_121 = tpu.memref_squeeze %dma_wait3A_120 : memref<1x128xi32, #tpu.memory_space<vmem>> -> memref<128xi32, #tpu.memory_space<vmem>>
      %dma_wait3A_122 = arith.constant 0 : i32
      %dma_wait3A_123 = arith.constant 0 : i32
      %dma_wait3A_124 = tpu.memref_slice %arg14[%dma_wait3A_122, %dma_wait3A_123] : memref<10240x32xf32, #tpu.memory_space<vmem_shared>> -> memref<10240x32xf32, #tpu.memory_space<vmem_shared>>
      tpu.wait_indirect_dma semaphore(%arg18 : memref<!tpu.dma_semaphore, #tpu.memory_space<semaphore_mem>>) src(%dma_wait3A_124 : memref<10240x32xf32, #tpu.memory_space<vmem_shared>>) dst(%arg12 : memref<128x32xf32, #tpu.memory_space<vmem>>)
      "tpu.region"() ({
        %run_scoped3A = tpu.sem_alloc : memref<!tpu.dma_semaphore, #tpu.memory_space<semaphore_mem>>
        %dma_start3A_131 = arith.constant 0 : i32
        %dma_start3A_132 = tpu.memref_slice %arg8[%add3A_118, %dma_start3A_131] : memref<80x128xi32, #tpu.memory_space<vmem>> -> memref<1x128xi32, #tpu.memory_space<vmem>>
        %dma_start3A_133 = tpu.memref_squeeze %dma_start3A_132 : memref<1x128xi32, #tpu.memory_space<vmem>> -> memref<128xi32, #tpu.memory_space<vmem>>
        %dma_start3A_134 = arith.constant 0 : i32
        %dma_start3A_135 = arith.constant 0 : i32
        %dma_start3A_136 = tpu.memref_slice %arg13[%dma_start3A_134, %dma_start3A_135] : memref<10240x32xf32, #tpu.memory_space<vmem_shared>> -> memref<10240x32xf32, #tpu.memory_space<vmem_shared>>
        tpu.enqueue_indirect_dma source(%arg12 : memref<128x32xf32, #tpu.memory_space<vmem>>) target(%dma_start3A_136 : memref<10240x32xf32, #tpu.memory_space<vmem_shared>>) offsets(%dma_start3A_133 : memref<128xi32, #tpu.memory_space<vmem>>) semaphore(%run_scoped3A : memref<!tpu.dma_semaphore, #tpu.memory_space<semaphore_mem>>) {add = true}
        %dma_wait3A_137 = arith.constant 0 : i32
        %dma_wait3A_138 = tpu.memref_slice %arg8[%add3A_118, %dma_wait3A_137] : memref<80x128xi32, #tpu.memory_space<vmem>> -> memref<1x128xi32, #tpu.memory_space<vmem>>
        %dma_wait3A_139 = tpu.memref_squeeze %dma_wait3A_138 : memref<1x128xi32, #tpu.memory_space<vmem>> -> memref<128xi32, #tpu.memory_space<vmem>>
        %dma_wait3A_140 = arith.constant 0 : i32
        %dma_wait3A_141 = arith.constant 0 : i32
        %dma_wait3A_142 = tpu.memref_slice %arg13[%dma_wait3A_140, %dma_wait3A_141] : memref<10240x32xf32, #tpu.memory_space<vmem_shared>> -> memref<10240x32xf32, #tpu.memory_space<vmem_shared>>
        tpu.wait_indirect_dma semaphore(%run_scoped3A : memref<!tpu.dma_semaphore, #tpu.memory_space<semaphore_mem>>) src(%arg12 : memref<128x32xf32, #tpu.memory_space<vmem>>) dst(%dma_wait3A_142 : memref<10240x32xf32, #tpu.memory_space<vmem_shared>>)
        tpu.yield
      }) : () -> ()
      %add3A_125 = arith.constant 4 : i32
      %add3A_126 = arith.addi %add3A_118, %add3A_125 : i32
      %lt3A_127 = arith.cmpi slt, %add3A_126, %select_n3A : i32
      %convert_element_type3A_128 = arith.extui %lt3A_127 : i1 to i32
      %cond3A_129 = arith.constant 0 : i32
      %cond3A_130 = arith.cmpi ne, %convert_element_type3A_128, %cond3A_129 : i32
      scf.if %cond3A_130 {
        %dma_start3A_131 = arith.constant 0 : i32
        %dma_start3A_132 = tpu.memref_slice %arg7[%add3A_126, %dma_start3A_131] : memref<80x128xi32, #tpu.memory_space<vmem>> -> memref<1x128xi32, #tpu.memory_space<vmem>>
        %dma_start3A_133 = tpu.memref_squeeze %dma_start3A_132 : memref<1x128xi32, #tpu.memory_space<vmem>> -> memref<128xi32, #tpu.memory_space<vmem>>
        %dma_start3A_134 = arith.constant 0 : i32
        %dma_start3A_135 = arith.constant 0 : i32
        %dma_start3A_136 = tpu.memref_slice %arg14[%dma_start3A_134, %dma_start3A_135] : memref<10240x32xf32, #tpu.memory_space<vmem_shared>> -> memref<10240x32xf32, #tpu.memory_space<vmem_shared>>
        tpu.enqueue_indirect_dma source(%dma_start3A_136 : memref<10240x32xf32, #tpu.memory_space<vmem_shared>>) target(%arg12 : memref<128x32xf32, #tpu.memory_space<vmem>>) offsets(%dma_start3A_133 : memref<128xi32, #tpu.memory_space<vmem>>) semaphore(%arg18 : memref<!tpu.dma_semaphore, #tpu.memory_space<semaphore_mem>>)
      } else {
      }
    }
    %barrier3A_71 = arith.constant 0 : index
    tpu.barrier barrier_id(%barrier3A_71)
    %mul3A_72 = arith.constant 640 : i32
    %mul3A_73 = arith.muli %arg1, %mul3A_72 : i32
    %mul3A_74 = arith.constant 640 : i32
    %mul3A_75 = arith.muli %arg1, %mul3A_74 : i32
    "tpu.region"() ({
      %run_scoped3A = tpu.sem_alloc : memref<!tpu.dma_semaphore, #tpu.memory_space<semaphore_mem>>
      %dma_start3A_76 = arith.constant 0 : i32
      %dma_start3A_77 = tpu.memref_slice %arg6[%arg0, %mul3A_75, %dma_start3A_76] : memref<2x10240x32xf32, #tpu.memory_space<hbm>> -> memref<1x640x32xf32, #tpu.memory_space<hbm>>
      %dma_start3A_78 = tpu.memref_squeeze %dma_start3A_77 : memref<1x640x32xf32, #tpu.memory_space<hbm>> -> memref<640x32xf32, #tpu.memory_space<hbm>>
      %dma_start3A_79 = arith.constant 0 : i32
      %dma_start3A_80 = tpu.memref_slice %arg13[%mul3A_73, %dma_start3A_79] : memref<10240x32xf32, #tpu.memory_space<vmem_shared>> -> memref<640x32xf32, #tpu.memory_space<vmem_shared>>
      tpu.enqueue_dma source(%dma_start3A_80 : memref<640x32xf32, #tpu.memory_space<vmem_shared>>) target(%dma_start3A_78 : memref<640x32xf32, #tpu.memory_space<hbm>>) target_semaphore(%run_scoped3A : memref<!tpu.dma_semaphore, #tpu.memory_space<semaphore_mem>>)
      %dma_wait3A = arith.constant 0 : i32
      %dma_wait3A_81 = tpu.memref_slice %arg6[%arg0, %mul3A_75, %dma_wait3A] : memref<2x10240x32xf32, #tpu.memory_space<hbm>> -> memref<1x640x32xf32, #tpu.memory_space<hbm>>
      %dma_wait3A_82 = tpu.memref_squeeze %dma_wait3A_81 : memref<1x640x32xf32, #tpu.memory_space<hbm>> -> memref<640x32xf32, #tpu.memory_space<hbm>>
      %dma_wait3A_83 = arith.constant 0 : i32
      %dma_wait3A_84 = tpu.memref_slice %arg13[%mul3A_73, %dma_wait3A_83] : memref<10240x32xf32, #tpu.memory_space<vmem_shared>> -> memref<640x32xf32, #tpu.memory_space<vmem_shared>>
      tpu.wait_dma2 semaphore(%run_scoped3A : memref<!tpu.dma_semaphore, #tpu.memory_space<semaphore_mem>>) src(%dma_wait3A_84 : memref<640x32xf32, #tpu.memory_space<vmem_shared>>) dst(%dma_wait3A_82 : memref<640x32xf32, #tpu.memory_space<hbm>>)
      tpu.yield
    }) : () -> ()
    return
  }
}

#map = affine_map<(d0, d1) -> (0, 0)>
#map1 = affine_map<(d0, d1) -> (0, 0, 0)>
module attributes {stable_mosaic.version = 14 : i64} {
  func.func @deg_kernel(%arg0: i32, %arg1: i32, %arg2: memref<2560x128xi32, #tpu.memory_space<hbm>>, %arg3: memref<128x8xf32, #tpu.memory_space<hbm>>, %arg4: memref<10240x8xf32, #tpu.memory_space<hbm>>, %arg5: memref<2x10240x128xf32, #tpu.memory_space<hbm>>, %arg6: memref<80x128xi32, #tpu.memory_space<vmem>>, %arg7: memref<128x8xf32, #tpu.memory_space<vmem>>, %arg8: memref<10240x8xf32, #tpu.memory_space<vmem_shared>>, %arg9: memref<!tpu.dma_semaphore, #tpu.memory_space<semaphore_mem>>, %arg10: memref<!tpu.dma_semaphore, #tpu.memory_space<semaphore_mem>>, %arg11: memref<!tpu.dma_semaphore, #tpu.memory_space<semaphore_mem>>, %arg12: memref<!tpu.dma_semaphore, #tpu.memory_space<semaphore_mem>>) attributes {dimension_semantics = [#tpu.dimension_semantics<core_parallel>, #tpu.dimension_semantics<subcore_parallel>], iteration_bounds = array<i64: 2, 16>, scalar_prefetch = 0 : i64, scratch_operands = 7 : i64, tpu.core_type = #tpu.core_type<sc_vector_subcore>, window_params = [{transform_indices = #map}, {transform_indices = #map}, {transform_indices = #map}, {transform_indices = #map1}]} {
    %eq3A = arith.constant 1 : i32
    %eq3A_0 = arith.cmpi eq, %arg0, %eq3A : i32
    %jit3A = arith.constant 80 : i32
    %jit3A_1 = arith.constant 80 : i32
    %select_n3A = arith.select %eq3A_0, %jit3A, %jit3A_1 : i32
    %eq3A_2 = arith.constant 1 : i32
    %eq3A_3 = arith.cmpi eq, %arg0, %eq3A_2 : i32
    %mul3A = arith.constant 80 : i32
    %mul3A_4 = arith.muli %arg1, %mul3A : i32
    %mul3A_5 = arith.constant 80 : i32
    %mul3A_6 = arith.muli %arg1, %mul3A_5 : i32
    %add3A = arith.constant 1280 : i32
    %add3A_7 = arith.addi %add3A, %mul3A_6 : i32
    %select_n3A_8 = arith.select %eq3A_3, %mul3A_4, %add3A_7 : i32
    "tpu.region"() ({
      %run_scoped3A = tpu.sem_alloc : memref<!tpu.dma_semaphore, #tpu.memory_space<semaphore_mem>>
      %dma_start3A_72 = arith.constant 0 : i32
      %dma_start3A_73 = tpu.memref_slice %arg2[%select_n3A_8, %dma_start3A_72] : memref<2560x128xi32, #tpu.memory_space<hbm>> -> memref<80x128xi32, #tpu.memory_space<hbm>>
      %dma_start3A_74 = arith.constant 0 : i32
      %dma_start3A_75 = tpu.memref_slice %arg2[%select_n3A_8, %dma_start3A_74] : memref<2560x128xi32, #tpu.memory_space<hbm>> -> memref<80x128xi32, #tpu.memory_space<hbm>>
      tpu.enqueue_dma source(%dma_start3A_75 : memref<80x128xi32, #tpu.memory_space<hbm>>) target(%arg6 : memref<80x128xi32, #tpu.memory_space<vmem>>) target_semaphore(%run_scoped3A : memref<!tpu.dma_semaphore, #tpu.memory_space<semaphore_mem>>)
      %dma_wait3A = arith.constant 0 : i32
      %dma_wait3A_76 = tpu.memref_slice %arg2[%select_n3A_8, %dma_wait3A] : memref<2560x128xi32, #tpu.memory_space<hbm>> -> memref<80x128xi32, #tpu.memory_space<hbm>>
      %dma_wait3A_77 = arith.constant 0 : i32
      %dma_wait3A_78 = tpu.memref_slice %arg2[%select_n3A_8, %dma_wait3A_77] : memref<2560x128xi32, #tpu.memory_space<hbm>> -> memref<80x128xi32, #tpu.memory_space<hbm>>
      tpu.wait_dma2 semaphore(%run_scoped3A : memref<!tpu.dma_semaphore, #tpu.memory_space<semaphore_mem>>) src(%dma_wait3A_78 : memref<80x128xi32, #tpu.memory_space<hbm>>) dst(%arg6 : memref<80x128xi32, #tpu.memory_space<vmem>>)
      tpu.yield
    }) : () -> ()
    "tpu.region"() ({
      %run_scoped3A = tpu.sem_alloc : memref<!tpu.dma_semaphore, #tpu.memory_space<semaphore_mem>>
      tpu.enqueue_dma source(%arg3 : memref<128x8xf32, #tpu.memory_space<hbm>>) target(%arg7 : memref<128x8xf32, #tpu.memory_space<vmem>>) target_semaphore(%run_scoped3A : memref<!tpu.dma_semaphore, #tpu.memory_space<semaphore_mem>>)
      tpu.wait_dma2 semaphore(%run_scoped3A : memref<!tpu.dma_semaphore, #tpu.memory_space<semaphore_mem>>) src(%arg3 : memref<128x8xf32, #tpu.memory_space<hbm>>) dst(%arg7 : memref<128x8xf32, #tpu.memory_space<vmem>>)
      tpu.yield
    }) : () -> ()
    %mul3A_9 = arith.constant 640 : i32
    %mul3A_10 = arith.muli %arg1, %mul3A_9 : i32
    %mul3A_11 = arith.constant 640 : i32
    %mul3A_12 = arith.muli %arg1, %mul3A_11 : i32
    "tpu.region"() ({
      %run_scoped3A = tpu.sem_alloc : memref<!tpu.dma_semaphore, #tpu.memory_space<semaphore_mem>>
      %dma_start3A_72 = arith.constant 0 : i32
      %dma_start3A_73 = tpu.memref_slice %arg8[%mul3A_12, %dma_start3A_72] : memref<10240x8xf32, #tpu.memory_space<vmem_shared>> -> memref<640x8xf32, #tpu.memory_space<vmem_shared>>
      %dma_start3A_74 = arith.constant 0 : i32
      %dma_start3A_75 = tpu.memref_slice %arg4[%mul3A_10, %dma_start3A_74] : memref<10240x8xf32, #tpu.memory_space<hbm>> -> memref<640x8xf32, #tpu.memory_space<hbm>>
      tpu.enqueue_dma source(%dma_start3A_75 : memref<640x8xf32, #tpu.memory_space<hbm>>) target(%dma_start3A_73 : memref<640x8xf32, #tpu.memory_space<vmem_shared>>) target_semaphore(%run_scoped3A : memref<!tpu.dma_semaphore, #tpu.memory_space<semaphore_mem>>)
      %dma_wait3A = arith.constant 0 : i32
      %dma_wait3A_76 = tpu.memref_slice %arg8[%mul3A_12, %dma_wait3A] : memref<10240x8xf32, #tpu.memory_space<vmem_shared>> -> memref<640x8xf32, #tpu.memory_space<vmem_shared>>
      %dma_wait3A_77 = arith.constant 0 : i32
      %dma_wait3A_78 = tpu.memref_slice %arg4[%mul3A_10, %dma_wait3A_77] : memref<10240x8xf32, #tpu.memory_space<hbm>> -> memref<640x8xf32, #tpu.memory_space<hbm>>
      tpu.wait_dma2 semaphore(%run_scoped3A : memref<!tpu.dma_semaphore, #tpu.memory_space<semaphore_mem>>) src(%dma_wait3A_78 : memref<640x8xf32, #tpu.memory_space<hbm>>) dst(%dma_wait3A_76 : memref<640x8xf32, #tpu.memory_space<vmem_shared>>)
      tpu.yield
    }) : () -> ()
    %barrier3A = arith.constant 0 : index
    tpu.barrier barrier_id(%barrier3A)
    %dma_start3A = arith.constant 0 : i32
    %dma_start3A_13 = arith.constant 0 : i32
    %dma_start3A_14 = tpu.memref_slice %arg6[%dma_start3A, %dma_start3A_13] : memref<80x128xi32, #tpu.memory_space<vmem>> -> memref<1x128xi32, #tpu.memory_space<vmem>>
    %dma_start3A_15 = tpu.memref_squeeze %dma_start3A_14 : memref<1x128xi32, #tpu.memory_space<vmem>> -> memref<128xi32, #tpu.memory_space<vmem>>
    %dma_start3A_16 = arith.constant 0 : i32
    %dma_start3A_17 = arith.constant 0 : i32
    %dma_start3A_18 = tpu.memref_slice %arg8[%dma_start3A_16, %dma_start3A_17] : memref<10240x8xf32, #tpu.memory_space<vmem_shared>> -> memref<10240x8xf32, #tpu.memory_space<vmem_shared>>
    tpu.enqueue_indirect_dma source(%arg7 : memref<128x8xf32, #tpu.memory_space<vmem>>) target(%dma_start3A_18 : memref<10240x8xf32, #tpu.memory_space<vmem_shared>>) offsets(%dma_start3A_15 : memref<128xi32, #tpu.memory_space<vmem>>) semaphore(%arg9 : memref<!tpu.dma_semaphore, #tpu.memory_space<semaphore_mem>>) {add = true}
    %dma_start3A_19 = arith.constant 1 : i32
    %dma_start3A_20 = arith.constant 0 : i32
    %dma_start3A_21 = tpu.memref_slice %arg6[%dma_start3A_19, %dma_start3A_20] : memref<80x128xi32, #tpu.memory_space<vmem>> -> memref<1x128xi32, #tpu.memory_space<vmem>>
    %dma_start3A_22 = tpu.memref_squeeze %dma_start3A_21 : memref<1x128xi32, #tpu.memory_space<vmem>> -> memref<128xi32, #tpu.memory_space<vmem>>
    %dma_start3A_23 = arith.constant 0 : i32
    %dma_start3A_24 = arith.constant 0 : i32
    %dma_start3A_25 = tpu.memref_slice %arg8[%dma_start3A_23, %dma_start3A_24] : memref<10240x8xf32, #tpu.memory_space<vmem_shared>> -> memref<10240x8xf32, #tpu.memory_space<vmem_shared>>
    tpu.enqueue_indirect_dma source(%arg7 : memref<128x8xf32, #tpu.memory_space<vmem>>) target(%dma_start3A_25 : memref<10240x8xf32, #tpu.memory_space<vmem_shared>>) offsets(%dma_start3A_22 : memref<128xi32, #tpu.memory_space<vmem>>) semaphore(%arg10 : memref<!tpu.dma_semaphore, #tpu.memory_space<semaphore_mem>>) {add = true}
    %dma_start3A_26 = arith.constant 2 : i32
    %dma_start3A_27 = arith.constant 0 : i32
    %dma_start3A_28 = tpu.memref_slice %arg6[%dma_start3A_26, %dma_start3A_27] : memref<80x128xi32, #tpu.memory_space<vmem>> -> memref<1x128xi32, #tpu.memory_space<vmem>>
    %dma_start3A_29 = tpu.memref_squeeze %dma_start3A_28 : memref<1x128xi32, #tpu.memory_space<vmem>> -> memref<128xi32, #tpu.memory_space<vmem>>
    %dma_start3A_30 = arith.constant 0 : i32
    %dma_start3A_31 = arith.constant 0 : i32
    %dma_start3A_32 = tpu.memref_slice %arg8[%dma_start3A_30, %dma_start3A_31] : memref<10240x8xf32, #tpu.memory_space<vmem_shared>> -> memref<10240x8xf32, #tpu.memory_space<vmem_shared>>
    tpu.enqueue_indirect_dma source(%arg7 : memref<128x8xf32, #tpu.memory_space<vmem>>) target(%dma_start3A_32 : memref<10240x8xf32, #tpu.memory_space<vmem_shared>>) offsets(%dma_start3A_29 : memref<128xi32, #tpu.memory_space<vmem>>) semaphore(%arg11 : memref<!tpu.dma_semaphore, #tpu.memory_space<semaphore_mem>>) {add = true}
    %dma_start3A_33 = arith.constant 3 : i32
    %dma_start3A_34 = arith.constant 0 : i32
    %dma_start3A_35 = tpu.memref_slice %arg6[%dma_start3A_33, %dma_start3A_34] : memref<80x128xi32, #tpu.memory_space<vmem>> -> memref<1x128xi32, #tpu.memory_space<vmem>>
    %dma_start3A_36 = tpu.memref_squeeze %dma_start3A_35 : memref<1x128xi32, #tpu.memory_space<vmem>> -> memref<128xi32, #tpu.memory_space<vmem>>
    %dma_start3A_37 = arith.constant 0 : i32
    %dma_start3A_38 = arith.constant 0 : i32
    %dma_start3A_39 = tpu.memref_slice %arg8[%dma_start3A_37, %dma_start3A_38] : memref<10240x8xf32, #tpu.memory_space<vmem_shared>> -> memref<10240x8xf32, #tpu.memory_space<vmem_shared>>
    tpu.enqueue_indirect_dma source(%arg7 : memref<128x8xf32, #tpu.memory_space<vmem>>) target(%dma_start3A_39 : memref<10240x8xf32, #tpu.memory_space<vmem_shared>>) offsets(%dma_start3A_36 : memref<128xi32, #tpu.memory_space<vmem>>) semaphore(%arg12 : memref<!tpu.dma_semaphore, #tpu.memory_space<semaphore_mem>>) {add = true}
    %jit3A_40 = arith.constant 4 : i32
    %div3A = arith.divsi %select_n3A, %jit3A_40 : i32
    %sign3A = arith.constant 0 : i32
    %sign3A_41 = arith.cmpi sgt, %select_n3A, %sign3A : i32
    %sign3A_42 = arith.extui %sign3A_41 : i1 to i32
    %sign3A_43 = arith.constant 0 : i32
    %sign3A_44 = arith.cmpi slt, %select_n3A, %sign3A_43 : i32
    %sign3A_45 = arith.extui %sign3A_44 : i1 to i32
    %sign3A_46 = arith.subi %sign3A_42, %sign3A_45 : i32
    %sign3A_47 = arith.constant 0 : i32
    %sign3A_48 = arith.cmpi sgt, %jit3A_40, %sign3A_47 : i32
    %sign3A_49 = arith.extui %sign3A_48 : i1 to i32
    %sign3A_50 = arith.constant 0 : i32
    %sign3A_51 = arith.cmpi slt, %jit3A_40, %sign3A_50 : i32
    %sign3A_52 = arith.extui %sign3A_51 : i1 to i32
    %sign3A_53 = arith.subi %sign3A_49, %sign3A_52 : i32
    %ne3A = arith.cmpi ne, %sign3A_46, %sign3A_53 : i32
    %rem3A = arith.remsi %select_n3A, %jit3A_40 : i32
    %ne3A_54 = arith.constant 0 : i32
    %ne3A_55 = arith.cmpi ne, %rem3A, %ne3A_54 : i32
    %and3A = arith.andi %ne3A, %ne3A_55 : i1
    %sub3A = arith.constant 1 : i32
    %sub3A_56 = arith.subi %div3A, %sub3A : i32
    %select_n3A_57 = arith.select %and3A, %sub3A_56, %div3A : i32
    %while3A = arith.constant 0 : i32
    %while3A_58 = arith.constant 0 : i32
    %while3A_59 = arith.subi %select_n3A_57, %while3A_58 : i32
    %while3A_60 = arith.addi %while3A_58, %while3A_59 : i32
    %while3A_61 = arith.constant 1 : i32
    %while3A_62 = arith.divsi %while3A_59, %while3A_61 : i32
    %while3A_63 = arith.muli %while3A_62, %while3A_61 : i32
    %while3A_64 = arith.addi %while3A_58, %while3A_63 : i32
    %while3A_65 = arith.constant 1 : i32
    scf.for %while3A_72 = %while3A_58 to %while3A_64 step %while3A_65  : i32 {
      %mul3A_73 = arith.constant 4 : i32
      %mul3A_74 = arith.muli %while3A_72, %mul3A_73 : i32
      %add3A_75 = arith.constant 0 : i32
      %add3A_76 = arith.addi %mul3A_74, %add3A_75 : i32
      %dma_wait3A = arith.constant 0 : i32
      %dma_wait3A_77 = tpu.memref_slice %arg6[%add3A_76, %dma_wait3A] : memref<80x128xi32, #tpu.memory_space<vmem>> -> memref<1x128xi32, #tpu.memory_space<vmem>>
      %dma_wait3A_78 = tpu.memref_squeeze %dma_wait3A_77 : memref<1x128xi32, #tpu.memory_space<vmem>> -> memref<128xi32, #tpu.memory_space<vmem>>
      %dma_wait3A_79 = arith.constant 0 : i32
      %dma_wait3A_80 = arith.constant 0 : i32
      %dma_wait3A_81 = tpu.memref_slice %arg8[%dma_wait3A_79, %dma_wait3A_80] : memref<10240x8xf32, #tpu.memory_space<vmem_shared>> -> memref<10240x8xf32, #tpu.memory_space<vmem_shared>>
      tpu.wait_indirect_dma semaphore(%arg9 : memref<!tpu.dma_semaphore, #tpu.memory_space<semaphore_mem>>) src(%arg7 : memref<128x8xf32, #tpu.memory_space<vmem>>) dst(%dma_wait3A_81 : memref<10240x8xf32, #tpu.memory_space<vmem_shared>>)
      %add3A_82 = arith.constant 4 : i32
      %add3A_83 = arith.addi %add3A_76, %add3A_82 : i32
      %lt3A = arith.cmpi slt, %add3A_83, %select_n3A : i32
      %convert_element_type3A = arith.extui %lt3A : i1 to i32
      %cond3A = arith.constant 0 : i32
      %cond3A_84 = arith.cmpi ne, %convert_element_type3A, %cond3A : i32
      scf.if %cond3A_84 {
        %dma_start3A_127 = arith.constant 0 : i32
        %dma_start3A_128 = tpu.memref_slice %arg6[%add3A_83, %dma_start3A_127] : memref<80x128xi32, #tpu.memory_space<vmem>> -> memref<1x128xi32, #tpu.memory_space<vmem>>
        %dma_start3A_129 = tpu.memref_squeeze %dma_start3A_128 : memref<1x128xi32, #tpu.memory_space<vmem>> -> memref<128xi32, #tpu.memory_space<vmem>>
        %dma_start3A_130 = arith.constant 0 : i32
        %dma_start3A_131 = arith.constant 0 : i32
        %dma_start3A_132 = tpu.memref_slice %arg8[%dma_start3A_130, %dma_start3A_131] : memref<10240x8xf32, #tpu.memory_space<vmem_shared>> -> memref<10240x8xf32, #tpu.memory_space<vmem_shared>>
        tpu.enqueue_indirect_dma source(%arg7 : memref<128x8xf32, #tpu.memory_space<vmem>>) target(%dma_start3A_132 : memref<10240x8xf32, #tpu.memory_space<vmem_shared>>) offsets(%dma_start3A_129 : memref<128xi32, #tpu.memory_space<vmem>>) semaphore(%arg9 : memref<!tpu.dma_semaphore, #tpu.memory_space<semaphore_mem>>) {add = true}
      } else {
      }
      %add3A_85 = arith.constant 1 : i32
      %add3A_86 = arith.addi %mul3A_74, %add3A_85 : i32
      %dma_wait3A_87 = arith.constant 0 : i32
      %dma_wait3A_88 = tpu.memref_slice %arg6[%add3A_86, %dma_wait3A_87] : memref<80x128xi32, #tpu.memory_space<vmem>> -> memref<1x128xi32, #tpu.memory_space<vmem>>
      %dma_wait3A_89 = tpu.memref_squeeze %dma_wait3A_88 : memref<1x128xi32, #tpu.memory_space<vmem>> -> memref<128xi32, #tpu.memory_space<vmem>>
      %dma_wait3A_90 = arith.constant 0 : i32
      %dma_wait3A_91 = arith.constant 0 : i32
      %dma_wait3A_92 = tpu.memref_slice %arg8[%dma_wait3A_90, %dma_wait3A_91] : memref<10240x8xf32, #tpu.memory_space<vmem_shared>> -> memref<10240x8xf32, #tpu.memory_space<vmem_shared>>
      tpu.wait_indirect_dma semaphore(%arg10 : memref<!tpu.dma_semaphore, #tpu.memory_space<semaphore_mem>>) src(%arg7 : memref<128x8xf32, #tpu.memory_space<vmem>>) dst(%dma_wait3A_92 : memref<10240x8xf32, #tpu.memory_space<vmem_shared>>)
      %add3A_93 = arith.constant 4 : i32
      %add3A_94 = arith.addi %add3A_86, %add3A_93 : i32
      %lt3A_95 = arith.cmpi slt, %add3A_94, %select_n3A : i32
      %convert_element_type3A_96 = arith.extui %lt3A_95 : i1 to i32
      %cond3A_97 = arith.constant 0 : i32
      %cond3A_98 = arith.cmpi ne, %convert_element_type3A_96, %cond3A_97 : i32
      scf.if %cond3A_98 {
        %dma_start3A_127 = arith.constant 0 : i32
        %dma_start3A_128 = tpu.memref_slice %arg6[%add3A_94, %dma_start3A_127] : memref<80x128xi32, #tpu.memory_space<vmem>> -> memref<1x128xi32, #tpu.memory_space<vmem>>
        %dma_start3A_129 = tpu.memref_squeeze %dma_start3A_128 : memref<1x128xi32, #tpu.memory_space<vmem>> -> memref<128xi32, #tpu.memory_space<vmem>>
        %dma_start3A_130 = arith.constant 0 : i32
        %dma_start3A_131 = arith.constant 0 : i32
        %dma_start3A_132 = tpu.memref_slice %arg8[%dma_start3A_130, %dma_start3A_131] : memref<10240x8xf32, #tpu.memory_space<vmem_shared>> -> memref<10240x8xf32, #tpu.memory_space<vmem_shared>>
        tpu.enqueue_indirect_dma source(%arg7 : memref<128x8xf32, #tpu.memory_space<vmem>>) target(%dma_start3A_132 : memref<10240x8xf32, #tpu.memory_space<vmem_shared>>) offsets(%dma_start3A_129 : memref<128xi32, #tpu.memory_space<vmem>>) semaphore(%arg10 : memref<!tpu.dma_semaphore, #tpu.memory_space<semaphore_mem>>) {add = true}
      } else {
      }
      %add3A_99 = arith.constant 2 : i32
      %add3A_100 = arith.addi %mul3A_74, %add3A_99 : i32
      %dma_wait3A_101 = arith.constant 0 : i32
      %dma_wait3A_102 = tpu.memref_slice %arg6[%add3A_100, %dma_wait3A_101] : memref<80x128xi32, #tpu.memory_space<vmem>> -> memref<1x128xi32, #tpu.memory_space<vmem>>
      %dma_wait3A_103 = tpu.memref_squeeze %dma_wait3A_102 : memref<1x128xi32, #tpu.memory_space<vmem>> -> memref<128xi32, #tpu.memory_space<vmem>>
      %dma_wait3A_104 = arith.constant 0 : i32
      %dma_wait3A_105 = arith.constant 0 : i32
      %dma_wait3A_106 = tpu.memref_slice %arg8[%dma_wait3A_104, %dma_wait3A_105] : memref<10240x8xf32, #tpu.memory_space<vmem_shared>> -> memref<10240x8xf32, #tpu.memory_space<vmem_shared>>
      tpu.wait_indirect_dma semaphore(%arg11 : memref<!tpu.dma_semaphore, #tpu.memory_space<semaphore_mem>>) src(%arg7 : memref<128x8xf32, #tpu.memory_space<vmem>>) dst(%dma_wait3A_106 : memref<10240x8xf32, #tpu.memory_space<vmem_shared>>)
      %add3A_107 = arith.constant 4 : i32
      %add3A_108 = arith.addi %add3A_100, %add3A_107 : i32
      %lt3A_109 = arith.cmpi slt, %add3A_108, %select_n3A : i32
      %convert_element_type3A_110 = arith.extui %lt3A_109 : i1 to i32
      %cond3A_111 = arith.constant 0 : i32
      %cond3A_112 = arith.cmpi ne, %convert_element_type3A_110, %cond3A_111 : i32
      scf.if %cond3A_112 {
        %dma_start3A_127 = arith.constant 0 : i32
        %dma_start3A_128 = tpu.memref_slice %arg6[%add3A_108, %dma_start3A_127] : memref<80x128xi32, #tpu.memory_space<vmem>> -> memref<1x128xi32, #tpu.memory_space<vmem>>
        %dma_start3A_129 = tpu.memref_squeeze %dma_start3A_128 : memref<1x128xi32, #tpu.memory_space<vmem>> -> memref<128xi32, #tpu.memory_space<vmem>>
        %dma_start3A_130 = arith.constant 0 : i32
        %dma_start3A_131 = arith.constant 0 : i32
        %dma_start3A_132 = tpu.memref_slice %arg8[%dma_start3A_130, %dma_start3A_131] : memref<10240x8xf32, #tpu.memory_space<vmem_shared>> -> memref<10240x8xf32, #tpu.memory_space<vmem_shared>>
        tpu.enqueue_indirect_dma source(%arg7 : memref<128x8xf32, #tpu.memory_space<vmem>>) target(%dma_start3A_132 : memref<10240x8xf32, #tpu.memory_space<vmem_shared>>) offsets(%dma_start3A_129 : memref<128xi32, #tpu.memory_space<vmem>>) semaphore(%arg11 : memref<!tpu.dma_semaphore, #tpu.memory_space<semaphore_mem>>) {add = true}
      } else {
      }
      %add3A_113 = arith.constant 3 : i32
      %add3A_114 = arith.addi %mul3A_74, %add3A_113 : i32
      %dma_wait3A_115 = arith.constant 0 : i32
      %dma_wait3A_116 = tpu.memref_slice %arg6[%add3A_114, %dma_wait3A_115] : memref<80x128xi32, #tpu.memory_space<vmem>> -> memref<1x128xi32, #tpu.memory_space<vmem>>
      %dma_wait3A_117 = tpu.memref_squeeze %dma_wait3A_116 : memref<1x128xi32, #tpu.memory_space<vmem>> -> memref<128xi32, #tpu.memory_space<vmem>>
      %dma_wait3A_118 = arith.constant 0 : i32
      %dma_wait3A_119 = arith.constant 0 : i32
      %dma_wait3A_120 = tpu.memref_slice %arg8[%dma_wait3A_118, %dma_wait3A_119] : memref<10240x8xf32, #tpu.memory_space<vmem_shared>> -> memref<10240x8xf32, #tpu.memory_space<vmem_shared>>
      tpu.wait_indirect_dma semaphore(%arg12 : memref<!tpu.dma_semaphore, #tpu.memory_space<semaphore_mem>>) src(%arg7 : memref<128x8xf32, #tpu.memory_space<vmem>>) dst(%dma_wait3A_120 : memref<10240x8xf32, #tpu.memory_space<vmem_shared>>)
      %add3A_121 = arith.constant 4 : i32
      %add3A_122 = arith.addi %add3A_114, %add3A_121 : i32
      %lt3A_123 = arith.cmpi slt, %add3A_122, %select_n3A : i32
      %convert_element_type3A_124 = arith.extui %lt3A_123 : i1 to i32
      %cond3A_125 = arith.constant 0 : i32
      %cond3A_126 = arith.cmpi ne, %convert_element_type3A_124, %cond3A_125 : i32
      scf.if %cond3A_126 {
        %dma_start3A_127 = arith.constant 0 : i32
        %dma_start3A_128 = tpu.memref_slice %arg6[%add3A_122, %dma_start3A_127] : memref<80x128xi32, #tpu.memory_space<vmem>> -> memref<1x128xi32, #tpu.memory_space<vmem>>
        %dma_start3A_129 = tpu.memref_squeeze %dma_start3A_128 : memref<1x128xi32, #tpu.memory_space<vmem>> -> memref<128xi32, #tpu.memory_space<vmem>>
        %dma_start3A_130 = arith.constant 0 : i32
        %dma_start3A_131 = arith.constant 0 : i32
        %dma_start3A_132 = tpu.memref_slice %arg8[%dma_start3A_130, %dma_start3A_131] : memref<10240x8xf32, #tpu.memory_space<vmem_shared>> -> memref<10240x8xf32, #tpu.memory_space<vmem_shared>>
        tpu.enqueue_indirect_dma source(%arg7 : memref<128x8xf32, #tpu.memory_space<vmem>>) target(%dma_start3A_132 : memref<10240x8xf32, #tpu.memory_space<vmem_shared>>) offsets(%dma_start3A_129 : memref<128xi32, #tpu.memory_space<vmem>>) semaphore(%arg12 : memref<!tpu.dma_semaphore, #tpu.memory_space<semaphore_mem>>) {add = true}
      } else {
      }
    }
    %while3A_66 = arith.constant 1 : i32
    scf.for %while3A_72 = %while3A_64 to %while3A_60 step %while3A_66  : i32 {
      %mul3A_73 = arith.constant 4 : i32
      %mul3A_74 = arith.muli %while3A_72, %mul3A_73 : i32
      %add3A_75 = arith.constant 0 : i32
      %add3A_76 = arith.addi %mul3A_74, %add3A_75 : i32
      %dma_wait3A = arith.constant 0 : i32
      %dma_wait3A_77 = tpu.memref_slice %arg6[%add3A_76, %dma_wait3A] : memref<80x128xi32, #tpu.memory_space<vmem>> -> memref<1x128xi32, #tpu.memory_space<vmem>>
      %dma_wait3A_78 = tpu.memref_squeeze %dma_wait3A_77 : memref<1x128xi32, #tpu.memory_space<vmem>> -> memref<128xi32, #tpu.memory_space<vmem>>
      %dma_wait3A_79 = arith.constant 0 : i32
      %dma_wait3A_80 = arith.constant 0 : i32
      %dma_wait3A_81 = tpu.memref_slice %arg8[%dma_wait3A_79, %dma_wait3A_80] : memref<10240x8xf32, #tpu.memory_space<vmem_shared>> -> memref<10240x8xf32, #tpu.memory_space<vmem_shared>>
      tpu.wait_indirect_dma semaphore(%arg9 : memref<!tpu.dma_semaphore, #tpu.memory_space<semaphore_mem>>) src(%arg7 : memref<128x8xf32, #tpu.memory_space<vmem>>) dst(%dma_wait3A_81 : memref<10240x8xf32, #tpu.memory_space<vmem_shared>>)
      %add3A_82 = arith.constant 4 : i32
      %add3A_83 = arith.addi %add3A_76, %add3A_82 : i32
      %lt3A = arith.cmpi slt, %add3A_83, %select_n3A : i32
      %convert_element_type3A = arith.extui %lt3A : i1 to i32
      %cond3A = arith.constant 0 : i32
      %cond3A_84 = arith.cmpi ne, %convert_element_type3A, %cond3A : i32
      scf.if %cond3A_84 {
        %dma_start3A_127 = arith.constant 0 : i32
        %dma_start3A_128 = tpu.memref_slice %arg6[%add3A_83, %dma_start3A_127] : memref<80x128xi32, #tpu.memory_space<vmem>> -> memref<1x128xi32, #tpu.memory_space<vmem>>
        %dma_start3A_129 = tpu.memref_squeeze %dma_start3A_128 : memref<1x128xi32, #tpu.memory_space<vmem>> -> memref<128xi32, #tpu.memory_space<vmem>>
        %dma_start3A_130 = arith.constant 0 : i32
        %dma_start3A_131 = arith.constant 0 : i32
        %dma_start3A_132 = tpu.memref_slice %arg8[%dma_start3A_130, %dma_start3A_131] : memref<10240x8xf32, #tpu.memory_space<vmem_shared>> -> memref<10240x8xf32, #tpu.memory_space<vmem_shared>>
        tpu.enqueue_indirect_dma source(%arg7 : memref<128x8xf32, #tpu.memory_space<vmem>>) target(%dma_start3A_132 : memref<10240x8xf32, #tpu.memory_space<vmem_shared>>) offsets(%dma_start3A_129 : memref<128xi32, #tpu.memory_space<vmem>>) semaphore(%arg9 : memref<!tpu.dma_semaphore, #tpu.memory_space<semaphore_mem>>) {add = true}
      } else {
      }
      %add3A_85 = arith.constant 1 : i32
      %add3A_86 = arith.addi %mul3A_74, %add3A_85 : i32
      %dma_wait3A_87 = arith.constant 0 : i32
      %dma_wait3A_88 = tpu.memref_slice %arg6[%add3A_86, %dma_wait3A_87] : memref<80x128xi32, #tpu.memory_space<vmem>> -> memref<1x128xi32, #tpu.memory_space<vmem>>
      %dma_wait3A_89 = tpu.memref_squeeze %dma_wait3A_88 : memref<1x128xi32, #tpu.memory_space<vmem>> -> memref<128xi32, #tpu.memory_space<vmem>>
      %dma_wait3A_90 = arith.constant 0 : i32
      %dma_wait3A_91 = arith.constant 0 : i32
      %dma_wait3A_92 = tpu.memref_slice %arg8[%dma_wait3A_90, %dma_wait3A_91] : memref<10240x8xf32, #tpu.memory_space<vmem_shared>> -> memref<10240x8xf32, #tpu.memory_space<vmem_shared>>
      tpu.wait_indirect_dma semaphore(%arg10 : memref<!tpu.dma_semaphore, #tpu.memory_space<semaphore_mem>>) src(%arg7 : memref<128x8xf32, #tpu.memory_space<vmem>>) dst(%dma_wait3A_92 : memref<10240x8xf32, #tpu.memory_space<vmem_shared>>)
      %add3A_93 = arith.constant 4 : i32
      %add3A_94 = arith.addi %add3A_86, %add3A_93 : i32
      %lt3A_95 = arith.cmpi slt, %add3A_94, %select_n3A : i32
      %convert_element_type3A_96 = arith.extui %lt3A_95 : i1 to i32
      %cond3A_97 = arith.constant 0 : i32
      %cond3A_98 = arith.cmpi ne, %convert_element_type3A_96, %cond3A_97 : i32
      scf.if %cond3A_98 {
        %dma_start3A_127 = arith.constant 0 : i32
        %dma_start3A_128 = tpu.memref_slice %arg6[%add3A_94, %dma_start3A_127] : memref<80x128xi32, #tpu.memory_space<vmem>> -> memref<1x128xi32, #tpu.memory_space<vmem>>
        %dma_start3A_129 = tpu.memref_squeeze %dma_start3A_128 : memref<1x128xi32, #tpu.memory_space<vmem>> -> memref<128xi32, #tpu.memory_space<vmem>>
        %dma_start3A_130 = arith.constant 0 : i32
        %dma_start3A_131 = arith.constant 0 : i32
        %dma_start3A_132 = tpu.memref_slice %arg8[%dma_start3A_130, %dma_start3A_131] : memref<10240x8xf32, #tpu.memory_space<vmem_shared>> -> memref<10240x8xf32, #tpu.memory_space<vmem_shared>>
        tpu.enqueue_indirect_dma source(%arg7 : memref<128x8xf32, #tpu.memory_space<vmem>>) target(%dma_start3A_132 : memref<10240x8xf32, #tpu.memory_space<vmem_shared>>) offsets(%dma_start3A_129 : memref<128xi32, #tpu.memory_space<vmem>>) semaphore(%arg10 : memref<!tpu.dma_semaphore, #tpu.memory_space<semaphore_mem>>) {add = true}
      } else {
      }
      %add3A_99 = arith.constant 2 : i32
      %add3A_100 = arith.addi %mul3A_74, %add3A_99 : i32
      %dma_wait3A_101 = arith.constant 0 : i32
      %dma_wait3A_102 = tpu.memref_slice %arg6[%add3A_100, %dma_wait3A_101] : memref<80x128xi32, #tpu.memory_space<vmem>> -> memref<1x128xi32, #tpu.memory_space<vmem>>
      %dma_wait3A_103 = tpu.memref_squeeze %dma_wait3A_102 : memref<1x128xi32, #tpu.memory_space<vmem>> -> memref<128xi32, #tpu.memory_space<vmem>>
      %dma_wait3A_104 = arith.constant 0 : i32
      %dma_wait3A_105 = arith.constant 0 : i32
      %dma_wait3A_106 = tpu.memref_slice %arg8[%dma_wait3A_104, %dma_wait3A_105] : memref<10240x8xf32, #tpu.memory_space<vmem_shared>> -> memref<10240x8xf32, #tpu.memory_space<vmem_shared>>
      tpu.wait_indirect_dma semaphore(%arg11 : memref<!tpu.dma_semaphore, #tpu.memory_space<semaphore_mem>>) src(%arg7 : memref<128x8xf32, #tpu.memory_space<vmem>>) dst(%dma_wait3A_106 : memref<10240x8xf32, #tpu.memory_space<vmem_shared>>)
      %add3A_107 = arith.constant 4 : i32
      %add3A_108 = arith.addi %add3A_100, %add3A_107 : i32
      %lt3A_109 = arith.cmpi slt, %add3A_108, %select_n3A : i32
      %convert_element_type3A_110 = arith.extui %lt3A_109 : i1 to i32
      %cond3A_111 = arith.constant 0 : i32
      %cond3A_112 = arith.cmpi ne, %convert_element_type3A_110, %cond3A_111 : i32
      scf.if %cond3A_112 {
        %dma_start3A_127 = arith.constant 0 : i32
        %dma_start3A_128 = tpu.memref_slice %arg6[%add3A_108, %dma_start3A_127] : memref<80x128xi32, #tpu.memory_space<vmem>> -> memref<1x128xi32, #tpu.memory_space<vmem>>
        %dma_start3A_129 = tpu.memref_squeeze %dma_start3A_128 : memref<1x128xi32, #tpu.memory_space<vmem>> -> memref<128xi32, #tpu.memory_space<vmem>>
        %dma_start3A_130 = arith.constant 0 : i32
        %dma_start3A_131 = arith.constant 0 : i32
        %dma_start3A_132 = tpu.memref_slice %arg8[%dma_start3A_130, %dma_start3A_131] : memref<10240x8xf32, #tpu.memory_space<vmem_shared>> -> memref<10240x8xf32, #tpu.memory_space<vmem_shared>>
        tpu.enqueue_indirect_dma source(%arg7 : memref<128x8xf32, #tpu.memory_space<vmem>>) target(%dma_start3A_132 : memref<10240x8xf32, #tpu.memory_space<vmem_shared>>) offsets(%dma_start3A_129 : memref<128xi32, #tpu.memory_space<vmem>>) semaphore(%arg11 : memref<!tpu.dma_semaphore, #tpu.memory_space<semaphore_mem>>) {add = true}
      } else {
      }
      %add3A_113 = arith.constant 3 : i32
      %add3A_114 = arith.addi %mul3A_74, %add3A_113 : i32
      %dma_wait3A_115 = arith.constant 0 : i32
      %dma_wait3A_116 = tpu.memref_slice %arg6[%add3A_114, %dma_wait3A_115] : memref<80x128xi32, #tpu.memory_space<vmem>> -> memref<1x128xi32, #tpu.memory_space<vmem>>
      %dma_wait3A_117 = tpu.memref_squeeze %dma_wait3A_116 : memref<1x128xi32, #tpu.memory_space<vmem>> -> memref<128xi32, #tpu.memory_space<vmem>>
      %dma_wait3A_118 = arith.constant 0 : i32
      %dma_wait3A_119 = arith.constant 0 : i32
      %dma_wait3A_120 = tpu.memref_slice %arg8[%dma_wait3A_118, %dma_wait3A_119] : memref<10240x8xf32, #tpu.memory_space<vmem_shared>> -> memref<10240x8xf32, #tpu.memory_space<vmem_shared>>
      tpu.wait_indirect_dma semaphore(%arg12 : memref<!tpu.dma_semaphore, #tpu.memory_space<semaphore_mem>>) src(%arg7 : memref<128x8xf32, #tpu.memory_space<vmem>>) dst(%dma_wait3A_120 : memref<10240x8xf32, #tpu.memory_space<vmem_shared>>)
      %add3A_121 = arith.constant 4 : i32
      %add3A_122 = arith.addi %add3A_114, %add3A_121 : i32
      %lt3A_123 = arith.cmpi slt, %add3A_122, %select_n3A : i32
      %convert_element_type3A_124 = arith.extui %lt3A_123 : i1 to i32
      %cond3A_125 = arith.constant 0 : i32
      %cond3A_126 = arith.cmpi ne, %convert_element_type3A_124, %cond3A_125 : i32
      scf.if %cond3A_126 {
        %dma_start3A_127 = arith.constant 0 : i32
        %dma_start3A_128 = tpu.memref_slice %arg6[%add3A_122, %dma_start3A_127] : memref<80x128xi32, #tpu.memory_space<vmem>> -> memref<1x128xi32, #tpu.memory_space<vmem>>
        %dma_start3A_129 = tpu.memref_squeeze %dma_start3A_128 : memref<1x128xi32, #tpu.memory_space<vmem>> -> memref<128xi32, #tpu.memory_space<vmem>>
        %dma_start3A_130 = arith.constant 0 : i32
        %dma_start3A_131 = arith.constant 0 : i32
        %dma_start3A_132 = tpu.memref_slice %arg8[%dma_start3A_130, %dma_start3A_131] : memref<10240x8xf32, #tpu.memory_space<vmem_shared>> -> memref<10240x8xf32, #tpu.memory_space<vmem_shared>>
        tpu.enqueue_indirect_dma source(%arg7 : memref<128x8xf32, #tpu.memory_space<vmem>>) target(%dma_start3A_132 : memref<10240x8xf32, #tpu.memory_space<vmem_shared>>) offsets(%dma_start3A_129 : memref<128xi32, #tpu.memory_space<vmem>>) semaphore(%arg12 : memref<!tpu.dma_semaphore, #tpu.memory_space<semaphore_mem>>) {add = true}
      } else {
      }
    }
    %barrier3A_67 = arith.constant 0 : index
    tpu.barrier barrier_id(%barrier3A_67)
    %mul3A_68 = arith.constant 640 : i32
    %mul3A_69 = arith.muli %arg1, %mul3A_68 : i32
    %mul3A_70 = arith.constant 640 : i32
    %mul3A_71 = arith.muli %arg1, %mul3A_70 : i32
    "tpu.region"() ({
      %run_scoped3A = tpu.sem_alloc : memref<!tpu.dma_semaphore, #tpu.memory_space<semaphore_mem>>
      %dma_start3A_72 = arith.constant 0 : i32
      %dma_start3A_73 = tpu.memref_slice %arg5[%arg0, %mul3A_71, %dma_start3A_72] : memref<2x10240x128xf32, #tpu.memory_space<hbm>> -> memref<1x640x8xf32, #tpu.memory_space<hbm>>
      %dma_start3A_74 = tpu.memref_squeeze %dma_start3A_73 : memref<1x640x8xf32, #tpu.memory_space<hbm>> -> memref<640x8xf32, #tpu.memory_space<hbm>>
      %dma_start3A_75 = arith.constant 0 : i32
      %dma_start3A_76 = tpu.memref_slice %arg8[%mul3A_69, %dma_start3A_75] : memref<10240x8xf32, #tpu.memory_space<vmem_shared>> -> memref<640x8xf32, #tpu.memory_space<vmem_shared>>
      tpu.enqueue_dma source(%dma_start3A_76 : memref<640x8xf32, #tpu.memory_space<vmem_shared>>) target(%dma_start3A_74 : memref<640x8xf32, #tpu.memory_space<hbm>>) target_semaphore(%run_scoped3A : memref<!tpu.dma_semaphore, #tpu.memory_space<semaphore_mem>>)
      %dma_wait3A = arith.constant 0 : i32
      %dma_wait3A_77 = tpu.memref_slice %arg5[%arg0, %mul3A_71, %dma_wait3A] : memref<2x10240x128xf32, #tpu.memory_space<hbm>> -> memref<1x640x8xf32, #tpu.memory_space<hbm>>
      %dma_wait3A_78 = tpu.memref_squeeze %dma_wait3A_77 : memref<1x640x8xf32, #tpu.memory_space<hbm>> -> memref<640x8xf32, #tpu.memory_space<hbm>>
      %dma_wait3A_79 = arith.constant 0 : i32
      %dma_wait3A_80 = tpu.memref_slice %arg8[%mul3A_69, %dma_wait3A_79] : memref<10240x8xf32, #tpu.memory_space<vmem_shared>> -> memref<640x8xf32, #tpu.memory_space<vmem_shared>>
      tpu.wait_dma2 semaphore(%run_scoped3A : memref<!tpu.dma_semaphore, #tpu.memory_space<semaphore_mem>>) src(%dma_wait3A_80 : memref<640x8xf32, #tpu.memory_space<vmem_shared>>) dst(%dma_wait3A_78 : memref<640x8xf32, #tpu.memory_space<hbm>>)
      tpu.yield
    }) : () -> ()
    return
  }
}

#map = affine_map<(d0, d1) -> (0, 0)>
#map1 = affine_map<(d0, d1) -> (0, 0, 0)>
module attributes {stable_mosaic.version = 14 : i64} {
  func.func @prop_kernel(%arg0: i32, %arg1: i32, %arg2: memref<10240x32xf32, #tpu.memory_space<hbm>>, %arg3: memref<2560x128xi32, #tpu.memory_space<hbm>>, %arg4: memref<2560x128xi32, #tpu.memory_space<hbm>>, %arg5: memref<10240x32xf32, #tpu.memory_space<hbm>>, %arg6: memref<2x10240x32xf32, #tpu.memory_space<hbm>>, %arg7: memref<80x128xi32, #tpu.memory_space<vmem>>, %arg8: memref<80x128xi32, #tpu.memory_space<vmem>>, %arg9: memref<128x32xf32, #tpu.memory_space<vmem>>, %arg10: memref<128x32xf32, #tpu.memory_space<vmem>>, %arg11: memref<128x32xf32, #tpu.memory_space<vmem>>, %arg12: memref<128x32xf32, #tpu.memory_space<vmem>>, %arg13: memref<10240x32xf32, #tpu.memory_space<vmem_shared>>, %arg14: memref<10240x32xf32, #tpu.memory_space<vmem_shared>>, %arg15: memref<!tpu.dma_semaphore, #tpu.memory_space<semaphore_mem>>, %arg16: memref<!tpu.dma_semaphore, #tpu.memory_space<semaphore_mem>>, %arg17: memref<!tpu.dma_semaphore, #tpu.memory_space<semaphore_mem>>, %arg18: memref<!tpu.dma_semaphore, #tpu.memory_space<semaphore_mem>>) attributes {dimension_semantics = [#tpu.dimension_semantics<core_parallel>, #tpu.dimension_semantics<subcore_parallel>], iteration_bounds = array<i64: 2, 16>, scalar_prefetch = 0 : i64, scratch_operands = 12 : i64, tpu.core_type = #tpu.core_type<sc_vector_subcore>, window_params = [{transform_indices = #map}, {transform_indices = #map}, {transform_indices = #map}, {transform_indices = #map}, {transform_indices = #map1}]} {
    %eq3A = arith.constant 1 : i32
    %eq3A_0 = arith.cmpi eq, %arg0, %eq3A : i32
    %jit3A = arith.constant 80 : i32
    %jit3A_1 = arith.constant 80 : i32
    %select_n3A = arith.select %eq3A_0, %jit3A, %jit3A_1 : i32
    %eq3A_2 = arith.constant 1 : i32
    %eq3A_3 = arith.cmpi eq, %arg0, %eq3A_2 : i32
    %mul3A = arith.constant 80 : i32
    %mul3A_4 = arith.muli %arg1, %mul3A : i32
    %mul3A_5 = arith.constant 80 : i32
    %mul3A_6 = arith.muli %arg1, %mul3A_5 : i32
    %add3A = arith.constant 1280 : i32
    %add3A_7 = arith.addi %add3A, %mul3A_6 : i32
    %select_n3A_8 = arith.select %eq3A_3, %mul3A_4, %add3A_7 : i32
    "tpu.region"() ({
      %run_scoped3A = tpu.sem_alloc : memref<!tpu.dma_semaphore, #tpu.memory_space<semaphore_mem>>
      %dma_start3A_76 = arith.constant 0 : i32
      %dma_start3A_77 = tpu.memref_slice %arg3[%select_n3A_8, %dma_start3A_76] : memref<2560x128xi32, #tpu.memory_space<hbm>> -> memref<80x128xi32, #tpu.memory_space<hbm>>
      %dma_start3A_78 = arith.constant 0 : i32
      %dma_start3A_79 = tpu.memref_slice %arg3[%select_n3A_8, %dma_start3A_78] : memref<2560x128xi32, #tpu.memory_space<hbm>> -> memref<80x128xi32, #tpu.memory_space<hbm>>
      tpu.enqueue_dma source(%dma_start3A_79 : memref<80x128xi32, #tpu.memory_space<hbm>>) target(%arg7 : memref<80x128xi32, #tpu.memory_space<vmem>>) target_semaphore(%run_scoped3A : memref<!tpu.dma_semaphore, #tpu.memory_space<semaphore_mem>>)
      %dma_wait3A = arith.constant 0 : i32
      %dma_wait3A_80 = tpu.memref_slice %arg3[%select_n3A_8, %dma_wait3A] : memref<2560x128xi32, #tpu.memory_space<hbm>> -> memref<80x128xi32, #tpu.memory_space<hbm>>
      %dma_wait3A_81 = arith.constant 0 : i32
      %dma_wait3A_82 = tpu.memref_slice %arg3[%select_n3A_8, %dma_wait3A_81] : memref<2560x128xi32, #tpu.memory_space<hbm>> -> memref<80x128xi32, #tpu.memory_space<hbm>>
      tpu.wait_dma2 semaphore(%run_scoped3A : memref<!tpu.dma_semaphore, #tpu.memory_space<semaphore_mem>>) src(%dma_wait3A_82 : memref<80x128xi32, #tpu.memory_space<hbm>>) dst(%arg7 : memref<80x128xi32, #tpu.memory_space<vmem>>)
      tpu.yield
    }) : () -> ()
    "tpu.region"() ({
      %run_scoped3A = tpu.sem_alloc : memref<!tpu.dma_semaphore, #tpu.memory_space<semaphore_mem>>
      %dma_start3A_76 = arith.constant 0 : i32
      %dma_start3A_77 = tpu.memref_slice %arg4[%select_n3A_8, %dma_start3A_76] : memref<2560x128xi32, #tpu.memory_space<hbm>> -> memref<80x128xi32, #tpu.memory_space<hbm>>
      %dma_start3A_78 = arith.constant 0 : i32
      %dma_start3A_79 = tpu.memref_slice %arg4[%select_n3A_8, %dma_start3A_78] : memref<2560x128xi32, #tpu.memory_space<hbm>> -> memref<80x128xi32, #tpu.memory_space<hbm>>
      tpu.enqueue_dma source(%dma_start3A_79 : memref<80x128xi32, #tpu.memory_space<hbm>>) target(%arg8 : memref<80x128xi32, #tpu.memory_space<vmem>>) target_semaphore(%run_scoped3A : memref<!tpu.dma_semaphore, #tpu.memory_space<semaphore_mem>>)
      %dma_wait3A = arith.constant 0 : i32
      %dma_wait3A_80 = tpu.memref_slice %arg4[%select_n3A_8, %dma_wait3A] : memref<2560x128xi32, #tpu.memory_space<hbm>> -> memref<80x128xi32, #tpu.memory_space<hbm>>
      %dma_wait3A_81 = arith.constant 0 : i32
      %dma_wait3A_82 = tpu.memref_slice %arg4[%select_n3A_8, %dma_wait3A_81] : memref<2560x128xi32, #tpu.memory_space<hbm>> -> memref<80x128xi32, #tpu.memory_space<hbm>>
      tpu.wait_dma2 semaphore(%run_scoped3A : memref<!tpu.dma_semaphore, #tpu.memory_space<semaphore_mem>>) src(%dma_wait3A_82 : memref<80x128xi32, #tpu.memory_space<hbm>>) dst(%arg8 : memref<80x128xi32, #tpu.memory_space<vmem>>)
      tpu.yield
    }) : () -> ()
    %mul3A_9 = arith.constant 640 : i32
    %mul3A_10 = arith.muli %arg1, %mul3A_9 : i32
    %mul3A_11 = arith.constant 640 : i32
    %mul3A_12 = arith.muli %arg1, %mul3A_11 : i32
    "tpu.region"() ({
      %run_scoped3A = tpu.sem_alloc : memref<!tpu.dma_semaphore, #tpu.memory_space<semaphore_mem>>
      %dma_start3A_76 = arith.constant 0 : i32
      %dma_start3A_77 = tpu.memref_slice %arg14[%mul3A_12, %dma_start3A_76] : memref<10240x32xf32, #tpu.memory_space<vmem_shared>> -> memref<640x32xf32, #tpu.memory_space<vmem_shared>>
      %dma_start3A_78 = arith.constant 0 : i32
      %dma_start3A_79 = tpu.memref_slice %arg2[%mul3A_10, %dma_start3A_78] : memref<10240x32xf32, #tpu.memory_space<hbm>> -> memref<640x32xf32, #tpu.memory_space<hbm>>
      tpu.enqueue_dma source(%dma_start3A_79 : memref<640x32xf32, #tpu.memory_space<hbm>>) target(%dma_start3A_77 : memref<640x32xf32, #tpu.memory_space<vmem_shared>>) target_semaphore(%run_scoped3A : memref<!tpu.dma_semaphore, #tpu.memory_space<semaphore_mem>>)
      %dma_wait3A = arith.constant 0 : i32
      %dma_wait3A_80 = tpu.memref_slice %arg14[%mul3A_12, %dma_wait3A] : memref<10240x32xf32, #tpu.memory_space<vmem_shared>> -> memref<640x32xf32, #tpu.memory_space<vmem_shared>>
      %dma_wait3A_81 = arith.constant 0 : i32
      %dma_wait3A_82 = tpu.memref_slice %arg2[%mul3A_10, %dma_wait3A_81] : memref<10240x32xf32, #tpu.memory_space<hbm>> -> memref<640x32xf32, #tpu.memory_space<hbm>>
      tpu.wait_dma2 semaphore(%run_scoped3A : memref<!tpu.dma_semaphore, #tpu.memory_space<semaphore_mem>>) src(%dma_wait3A_82 : memref<640x32xf32, #tpu.memory_space<hbm>>) dst(%dma_wait3A_80 : memref<640x32xf32, #tpu.memory_space<vmem_shared>>)
      tpu.yield
    }) : () -> ()
    %mul3A_13 = arith.constant 640 : i32
    %mul3A_14 = arith.muli %arg1, %mul3A_13 : i32
    %mul3A_15 = arith.constant 640 : i32
    %mul3A_16 = arith.muli %arg1, %mul3A_15 : i32
    "tpu.region"() ({
      %run_scoped3A = tpu.sem_alloc : memref<!tpu.dma_semaphore, #tpu.memory_space<semaphore_mem>>
      %dma_start3A_76 = arith.constant 0 : i32
      %dma_start3A_77 = tpu.memref_slice %arg13[%mul3A_16, %dma_start3A_76] : memref<10240x32xf32, #tpu.memory_space<vmem_shared>> -> memref<640x32xf32, #tpu.memory_space<vmem_shared>>
      %dma_start3A_78 = arith.constant 0 : i32
      %dma_start3A_79 = tpu.memref_slice %arg5[%mul3A_14, %dma_start3A_78] : memref<10240x32xf32, #tpu.memory_space<hbm>> -> memref<640x32xf32, #tpu.memory_space<hbm>>
      tpu.enqueue_dma source(%dma_start3A_79 : memref<640x32xf32, #tpu.memory_space<hbm>>) target(%dma_start3A_77 : memref<640x32xf32, #tpu.memory_space<vmem_shared>>) target_semaphore(%run_scoped3A : memref<!tpu.dma_semaphore, #tpu.memory_space<semaphore_mem>>)
      %dma_wait3A = arith.constant 0 : i32
      %dma_wait3A_80 = tpu.memref_slice %arg13[%mul3A_16, %dma_wait3A] : memref<10240x32xf32, #tpu.memory_space<vmem_shared>> -> memref<640x32xf32, #tpu.memory_space<vmem_shared>>
      %dma_wait3A_81 = arith.constant 0 : i32
      %dma_wait3A_82 = tpu.memref_slice %arg5[%mul3A_14, %dma_wait3A_81] : memref<10240x32xf32, #tpu.memory_space<hbm>> -> memref<640x32xf32, #tpu.memory_space<hbm>>
      tpu.wait_dma2 semaphore(%run_scoped3A : memref<!tpu.dma_semaphore, #tpu.memory_space<semaphore_mem>>) src(%dma_wait3A_82 : memref<640x32xf32, #tpu.memory_space<hbm>>) dst(%dma_wait3A_80 : memref<640x32xf32, #tpu.memory_space<vmem_shared>>)
      tpu.yield
    }) : () -> ()
    %barrier3A = arith.constant 0 : index
    tpu.barrier barrier_id(%barrier3A)
    %dma_start3A = arith.constant 0 : i32
    %dma_start3A_17 = arith.constant 0 : i32
    %dma_start3A_18 = tpu.memref_slice %arg7[%dma_start3A, %dma_start3A_17] : memref<80x128xi32, #tpu.memory_space<vmem>> -> memref<1x128xi32, #tpu.memory_space<vmem>>
    %dma_start3A_19 = tpu.memref_squeeze %dma_start3A_18 : memref<1x128xi32, #tpu.memory_space<vmem>> -> memref<128xi32, #tpu.memory_space<vmem>>
    %dma_start3A_20 = arith.constant 0 : i32
    %dma_start3A_21 = arith.constant 0 : i32
    %dma_start3A_22 = tpu.memref_slice %arg14[%dma_start3A_20, %dma_start3A_21] : memref<10240x32xf32, #tpu.memory_space<vmem_shared>> -> memref<10240x32xf32, #tpu.memory_space<vmem_shared>>
    tpu.enqueue_indirect_dma source(%dma_start3A_22 : memref<10240x32xf32, #tpu.memory_space<vmem_shared>>) target(%arg9 : memref<128x32xf32, #tpu.memory_space<vmem>>) offsets(%dma_start3A_19 : memref<128xi32, #tpu.memory_space<vmem>>) semaphore(%arg15 : memref<!tpu.dma_semaphore, #tpu.memory_space<semaphore_mem>>)
    %dma_start3A_23 = arith.constant 1 : i32
    %dma_start3A_24 = arith.constant 0 : i32
    %dma_start3A_25 = tpu.memref_slice %arg7[%dma_start3A_23, %dma_start3A_24] : memref<80x128xi32, #tpu.memory_space<vmem>> -> memref<1x128xi32, #tpu.memory_space<vmem>>
    %dma_start3A_26 = tpu.memref_squeeze %dma_start3A_25 : memref<1x128xi32, #tpu.memory_space<vmem>> -> memref<128xi32, #tpu.memory_space<vmem>>
    %dma_start3A_27 = arith.constant 0 : i32
    %dma_start3A_28 = arith.constant 0 : i32
    %dma_start3A_29 = tpu.memref_slice %arg14[%dma_start3A_27, %dma_start3A_28] : memref<10240x32xf32, #tpu.memory_space<vmem_shared>> -> memref<10240x32xf32, #tpu.memory_space<vmem_shared>>
    tpu.enqueue_indirect_dma source(%dma_start3A_29 : memref<10240x32xf32, #tpu.memory_space<vmem_shared>>) target(%arg10 : memref<128x32xf32, #tpu.memory_space<vmem>>) offsets(%dma_start3A_26 : memref<128xi32, #tpu.memory_space<vmem>>) semaphore(%arg16 : memref<!tpu.dma_semaphore, #tpu.memory_space<semaphore_mem>>)
    %dma_start3A_30 = arith.constant 2 : i32
    %dma_start3A_31 = arith.constant 0 : i32
    %dma_start3A_32 = tpu.memref_slice %arg7[%dma_start3A_30, %dma_start3A_31] : memref<80x128xi32, #tpu.memory_space<vmem>> -> memref<1x128xi32, #tpu.memory_space<vmem>>
    %dma_start3A_33 = tpu.memref_squeeze %dma_start3A_32 : memref<1x128xi32, #tpu.memory_space<vmem>> -> memref<128xi32, #tpu.memory_space<vmem>>
    %dma_start3A_34 = arith.constant 0 : i32
    %dma_start3A_35 = arith.constant 0 : i32
    %dma_start3A_36 = tpu.memref_slice %arg14[%dma_start3A_34, %dma_start3A_35] : memref<10240x32xf32, #tpu.memory_space<vmem_shared>> -> memref<10240x32xf32, #tpu.memory_space<vmem_shared>>
    tpu.enqueue_indirect_dma source(%dma_start3A_36 : memref<10240x32xf32, #tpu.memory_space<vmem_shared>>) target(%arg11 : memref<128x32xf32, #tpu.memory_space<vmem>>) offsets(%dma_start3A_33 : memref<128xi32, #tpu.memory_space<vmem>>) semaphore(%arg17 : memref<!tpu.dma_semaphore, #tpu.memory_space<semaphore_mem>>)
    %dma_start3A_37 = arith.constant 3 : i32
    %dma_start3A_38 = arith.constant 0 : i32
    %dma_start3A_39 = tpu.memref_slice %arg7[%dma_start3A_37, %dma_start3A_38] : memref<80x128xi32, #tpu.memory_space<vmem>> -> memref<1x128xi32, #tpu.memory_space<vmem>>
    %dma_start3A_40 = tpu.memref_squeeze %dma_start3A_39 : memref<1x128xi32, #tpu.memory_space<vmem>> -> memref<128xi32, #tpu.memory_space<vmem>>
    %dma_start3A_41 = arith.constant 0 : i32
    %dma_start3A_42 = arith.constant 0 : i32
    %dma_start3A_43 = tpu.memref_slice %arg14[%dma_start3A_41, %dma_start3A_42] : memref<10240x32xf32, #tpu.memory_space<vmem_shared>> -> memref<10240x32xf32, #tpu.memory_space<vmem_shared>>
    tpu.enqueue_indirect_dma source(%dma_start3A_43 : memref<10240x32xf32, #tpu.memory_space<vmem_shared>>) target(%arg12 : memref<128x32xf32, #tpu.memory_space<vmem>>) offsets(%dma_start3A_40 : memref<128xi32, #tpu.memory_space<vmem>>) semaphore(%arg18 : memref<!tpu.dma_semaphore, #tpu.memory_space<semaphore_mem>>)
    %jit3A_44 = arith.constant 4 : i32
    %div3A = arith.divsi %select_n3A, %jit3A_44 : i32
    %sign3A = arith.constant 0 : i32
    %sign3A_45 = arith.cmpi sgt, %select_n3A, %sign3A : i32
    %sign3A_46 = arith.extui %sign3A_45 : i1 to i32
    %sign3A_47 = arith.constant 0 : i32
    %sign3A_48 = arith.cmpi slt, %select_n3A, %sign3A_47 : i32
    %sign3A_49 = arith.extui %sign3A_48 : i1 to i32
    %sign3A_50 = arith.subi %sign3A_46, %sign3A_49 : i32
    %sign3A_51 = arith.constant 0 : i32
    %sign3A_52 = arith.cmpi sgt, %jit3A_44, %sign3A_51 : i32
    %sign3A_53 = arith.extui %sign3A_52 : i1 to i32
    %sign3A_54 = arith.constant 0 : i32
    %sign3A_55 = arith.cmpi slt, %jit3A_44, %sign3A_54 : i32
    %sign3A_56 = arith.extui %sign3A_55 : i1 to i32
    %sign3A_57 = arith.subi %sign3A_53, %sign3A_56 : i32
    %ne3A = arith.cmpi ne, %sign3A_50, %sign3A_57 : i32
    %rem3A = arith.remsi %select_n3A, %jit3A_44 : i32
    %ne3A_58 = arith.constant 0 : i32
    %ne3A_59 = arith.cmpi ne, %rem3A, %ne3A_58 : i32
    %and3A = arith.andi %ne3A, %ne3A_59 : i1
    %sub3A = arith.constant 1 : i32
    %sub3A_60 = arith.subi %div3A, %sub3A : i32
    %select_n3A_61 = arith.select %and3A, %sub3A_60, %div3A : i32
    %while3A = arith.constant 0 : i32
    %while3A_62 = arith.constant 0 : i32
    %while3A_63 = arith.subi %select_n3A_61, %while3A_62 : i32
    %while3A_64 = arith.addi %while3A_62, %while3A_63 : i32
    %while3A_65 = arith.constant 1 : i32
    %while3A_66 = arith.divsi %while3A_63, %while3A_65 : i32
    %while3A_67 = arith.muli %while3A_66, %while3A_65 : i32
    %while3A_68 = arith.addi %while3A_62, %while3A_67 : i32
    %while3A_69 = arith.constant 1 : i32
    scf.for %while3A_76 = %while3A_62 to %while3A_68 step %while3A_69  : i32 {
      %mul3A_77 = arith.constant 4 : i32
      %mul3A_78 = arith.muli %while3A_76, %mul3A_77 : i32
      %add3A_79 = arith.constant 0 : i32
      %add3A_80 = arith.addi %mul3A_78, %add3A_79 : i32
      %dma_wait3A = arith.constant 0 : i32
      %dma_wait3A_81 = tpu.memref_slice %arg7[%add3A_80, %dma_wait3A] : memref<80x128xi32, #tpu.memory_space<vmem>> -> memref<1x128xi32, #tpu.memory_space<vmem>>
      %dma_wait3A_82 = tpu.memref_squeeze %dma_wait3A_81 : memref<1x128xi32, #tpu.memory_space<vmem>> -> memref<128xi32, #tpu.memory_space<vmem>>
      %dma_wait3A_83 = arith.constant 0 : i32
      %dma_wait3A_84 = arith.constant 0 : i32
      %dma_wait3A_85 = tpu.memref_slice %arg14[%dma_wait3A_83, %dma_wait3A_84] : memref<10240x32xf32, #tpu.memory_space<vmem_shared>> -> memref<10240x32xf32, #tpu.memory_space<vmem_shared>>
      tpu.wait_indirect_dma semaphore(%arg15 : memref<!tpu.dma_semaphore, #tpu.memory_space<semaphore_mem>>) src(%dma_wait3A_85 : memref<10240x32xf32, #tpu.memory_space<vmem_shared>>) dst(%arg9 : memref<128x32xf32, #tpu.memory_space<vmem>>)
      "tpu.region"() ({
        %run_scoped3A = tpu.sem_alloc : memref<!tpu.dma_semaphore, #tpu.memory_space<semaphore_mem>>
        %dma_start3A_131 = arith.constant 0 : i32
        %dma_start3A_132 = tpu.memref_slice %arg8[%add3A_80, %dma_start3A_131] : memref<80x128xi32, #tpu.memory_space<vmem>> -> memref<1x128xi32, #tpu.memory_space<vmem>>
        %dma_start3A_133 = tpu.memref_squeeze %dma_start3A_132 : memref<1x128xi32, #tpu.memory_space<vmem>> -> memref<128xi32, #tpu.memory_space<vmem>>
        %dma_start3A_134 = arith.constant 0 : i32
        %dma_start3A_135 = arith.constant 0 : i32
        %dma_start3A_136 = tpu.memref_slice %arg13[%dma_start3A_134, %dma_start3A_135] : memref<10240x32xf32, #tpu.memory_space<vmem_shared>> -> memref<10240x32xf32, #tpu.memory_space<vmem_shared>>
        tpu.enqueue_indirect_dma source(%arg9 : memref<128x32xf32, #tpu.memory_space<vmem>>) target(%dma_start3A_136 : memref<10240x32xf32, #tpu.memory_space<vmem_shared>>) offsets(%dma_start3A_133 : memref<128xi32, #tpu.memory_space<vmem>>) semaphore(%run_scoped3A : memref<!tpu.dma_semaphore, #tpu.memory_space<semaphore_mem>>) {add = true}
        %dma_wait3A_137 = arith.constant 0 : i32
        %dma_wait3A_138 = tpu.memref_slice %arg8[%add3A_80, %dma_wait3A_137] : memref<80x128xi32, #tpu.memory_space<vmem>> -> memref<1x128xi32, #tpu.memory_space<vmem>>
        %dma_wait3A_139 = tpu.memref_squeeze %dma_wait3A_138 : memref<1x128xi32, #tpu.memory_space<vmem>> -> memref<128xi32, #tpu.memory_space<vmem>>
        %dma_wait3A_140 = arith.constant 0 : i32
        %dma_wait3A_141 = arith.constant 0 : i32
        %dma_wait3A_142 = tpu.memref_slice %arg13[%dma_wait3A_140, %dma_wait3A_141] : memref<10240x32xf32, #tpu.memory_space<vmem_shared>> -> memref<10240x32xf32, #tpu.memory_space<vmem_shared>>
        tpu.wait_indirect_dma semaphore(%run_scoped3A : memref<!tpu.dma_semaphore, #tpu.memory_space<semaphore_mem>>) src(%arg9 : memref<128x32xf32, #tpu.memory_space<vmem>>) dst(%dma_wait3A_142 : memref<10240x32xf32, #tpu.memory_space<vmem_shared>>)
        tpu.yield
      }) : () -> ()
      %add3A_86 = arith.constant 4 : i32
      %add3A_87 = arith.addi %add3A_80, %add3A_86 : i32
      %lt3A = arith.cmpi slt, %add3A_87, %select_n3A : i32
      %convert_element_type3A = arith.extui %lt3A : i1 to i32
      %cond3A = arith.constant 0 : i32
      %cond3A_88 = arith.cmpi ne, %convert_element_type3A, %cond3A : i32
      scf.if %cond3A_88 {
        %dma_start3A_131 = arith.constant 0 : i32
        %dma_start3A_132 = tpu.memref_slice %arg7[%add3A_87, %dma_start3A_131] : memref<80x128xi32, #tpu.memory_space<vmem>> -> memref<1x128xi32, #tpu.memory_space<vmem>>
        %dma_start3A_133 = tpu.memref_squeeze %dma_start3A_132 : memref<1x128xi32, #tpu.memory_space<vmem>> -> memref<128xi32, #tpu.memory_space<vmem>>
        %dma_start3A_134 = arith.constant 0 : i32
        %dma_start3A_135 = arith.constant 0 : i32
        %dma_start3A_136 = tpu.memref_slice %arg14[%dma_start3A_134, %dma_start3A_135] : memref<10240x32xf32, #tpu.memory_space<vmem_shared>> -> memref<10240x32xf32, #tpu.memory_space<vmem_shared>>
        tpu.enqueue_indirect_dma source(%dma_start3A_136 : memref<10240x32xf32, #tpu.memory_space<vmem_shared>>) target(%arg9 : memref<128x32xf32, #tpu.memory_space<vmem>>) offsets(%dma_start3A_133 : memref<128xi32, #tpu.memory_space<vmem>>) semaphore(%arg15 : memref<!tpu.dma_semaphore, #tpu.memory_space<semaphore_mem>>)
      } else {
      }
      %add3A_89 = arith.constant 1 : i32
      %add3A_90 = arith.addi %mul3A_78, %add3A_89 : i32
      %dma_wait3A_91 = arith.constant 0 : i32
      %dma_wait3A_92 = tpu.memref_slice %arg7[%add3A_90, %dma_wait3A_91] : memref<80x128xi32, #tpu.memory_space<vmem>> -> memref<1x128xi32, #tpu.memory_space<vmem>>
      %dma_wait3A_93 = tpu.memref_squeeze %dma_wait3A_92 : memref<1x128xi32, #tpu.memory_space<vmem>> -> memref<128xi32, #tpu.memory_space<vmem>>
      %dma_wait3A_94 = arith.constant 0 : i32
      %dma_wait3A_95 = arith.constant 0 : i32
      %dma_wait3A_96 = tpu.memref_slice %arg14[%dma_wait3A_94, %dma_wait3A_95] : memref<10240x32xf32, #tpu.memory_space<vmem_shared>> -> memref<10240x32xf32, #tpu.memory_space<vmem_shared>>
      tpu.wait_indirect_dma semaphore(%arg16 : memref<!tpu.dma_semaphore, #tpu.memory_space<semaphore_mem>>) src(%dma_wait3A_96 : memref<10240x32xf32, #tpu.memory_space<vmem_shared>>) dst(%arg10 : memref<128x32xf32, #tpu.memory_space<vmem>>)
      "tpu.region"() ({
        %run_scoped3A = tpu.sem_alloc : memref<!tpu.dma_semaphore, #tpu.memory_space<semaphore_mem>>
        %dma_start3A_131 = arith.constant 0 : i32
        %dma_start3A_132 = tpu.memref_slice %arg8[%add3A_90, %dma_start3A_131] : memref<80x128xi32, #tpu.memory_space<vmem>> -> memref<1x128xi32, #tpu.memory_space<vmem>>
        %dma_start3A_133 = tpu.memref_squeeze %dma_start3A_132 : memref<1x128xi32, #tpu.memory_space<vmem>> -> memref<128xi32, #tpu.memory_space<vmem>>
        %dma_start3A_134 = arith.constant 0 : i32
        %dma_start3A_135 = arith.constant 0 : i32
        %dma_start3A_136 = tpu.memref_slice %arg13[%dma_start3A_134, %dma_start3A_135] : memref<10240x32xf32, #tpu.memory_space<vmem_shared>> -> memref<10240x32xf32, #tpu.memory_space<vmem_shared>>
        tpu.enqueue_indirect_dma source(%arg10 : memref<128x32xf32, #tpu.memory_space<vmem>>) target(%dma_start3A_136 : memref<10240x32xf32, #tpu.memory_space<vmem_shared>>) offsets(%dma_start3A_133 : memref<128xi32, #tpu.memory_space<vmem>>) semaphore(%run_scoped3A : memref<!tpu.dma_semaphore, #tpu.memory_space<semaphore_mem>>) {add = true}
        %dma_wait3A_137 = arith.constant 0 : i32
        %dma_wait3A_138 = tpu.memref_slice %arg8[%add3A_90, %dma_wait3A_137] : memref<80x128xi32, #tpu.memory_space<vmem>> -> memref<1x128xi32, #tpu.memory_space<vmem>>
        %dma_wait3A_139 = tpu.memref_squeeze %dma_wait3A_138 : memref<1x128xi32, #tpu.memory_space<vmem>> -> memref<128xi32, #tpu.memory_space<vmem>>
        %dma_wait3A_140 = arith.constant 0 : i32
        %dma_wait3A_141 = arith.constant 0 : i32
        %dma_wait3A_142 = tpu.memref_slice %arg13[%dma_wait3A_140, %dma_wait3A_141] : memref<10240x32xf32, #tpu.memory_space<vmem_shared>> -> memref<10240x32xf32, #tpu.memory_space<vmem_shared>>
        tpu.wait_indirect_dma semaphore(%run_scoped3A : memref<!tpu.dma_semaphore, #tpu.memory_space<semaphore_mem>>) src(%arg10 : memref<128x32xf32, #tpu.memory_space<vmem>>) dst(%dma_wait3A_142 : memref<10240x32xf32, #tpu.memory_space<vmem_shared>>)
        tpu.yield
      }) : () -> ()
      %add3A_97 = arith.constant 4 : i32
      %add3A_98 = arith.addi %add3A_90, %add3A_97 : i32
      %lt3A_99 = arith.cmpi slt, %add3A_98, %select_n3A : i32
      %convert_element_type3A_100 = arith.extui %lt3A_99 : i1 to i32
      %cond3A_101 = arith.constant 0 : i32
      %cond3A_102 = arith.cmpi ne, %convert_element_type3A_100, %cond3A_101 : i32
      scf.if %cond3A_102 {
        %dma_start3A_131 = arith.constant 0 : i32
        %dma_start3A_132 = tpu.memref_slice %arg7[%add3A_98, %dma_start3A_131] : memref<80x128xi32, #tpu.memory_space<vmem>> -> memref<1x128xi32, #tpu.memory_space<vmem>>
        %dma_start3A_133 = tpu.memref_squeeze %dma_start3A_132 : memref<1x128xi32, #tpu.memory_space<vmem>> -> memref<128xi32, #tpu.memory_space<vmem>>
        %dma_start3A_134 = arith.constant 0 : i32
        %dma_start3A_135 = arith.constant 0 : i32
        %dma_start3A_136 = tpu.memref_slice %arg14[%dma_start3A_134, %dma_start3A_135] : memref<10240x32xf32, #tpu.memory_space<vmem_shared>> -> memref<10240x32xf32, #tpu.memory_space<vmem_shared>>
        tpu.enqueue_indirect_dma source(%dma_start3A_136 : memref<10240x32xf32, #tpu.memory_space<vmem_shared>>) target(%arg10 : memref<128x32xf32, #tpu.memory_space<vmem>>) offsets(%dma_start3A_133 : memref<128xi32, #tpu.memory_space<vmem>>) semaphore(%arg16 : memref<!tpu.dma_semaphore, #tpu.memory_space<semaphore_mem>>)
      } else {
      }
      %add3A_103 = arith.constant 2 : i32
      %add3A_104 = arith.addi %mul3A_78, %add3A_103 : i32
      %dma_wait3A_105 = arith.constant 0 : i32
      %dma_wait3A_106 = tpu.memref_slice %arg7[%add3A_104, %dma_wait3A_105] : memref<80x128xi32, #tpu.memory_space<vmem>> -> memref<1x128xi32, #tpu.memory_space<vmem>>
      %dma_wait3A_107 = tpu.memref_squeeze %dma_wait3A_106 : memref<1x128xi32, #tpu.memory_space<vmem>> -> memref<128xi32, #tpu.memory_space<vmem>>
      %dma_wait3A_108 = arith.constant 0 : i32
      %dma_wait3A_109 = arith.constant 0 : i32
      %dma_wait3A_110 = tpu.memref_slice %arg14[%dma_wait3A_108, %dma_wait3A_109] : memref<10240x32xf32, #tpu.memory_space<vmem_shared>> -> memref<10240x32xf32, #tpu.memory_space<vmem_shared>>
      tpu.wait_indirect_dma semaphore(%arg17 : memref<!tpu.dma_semaphore, #tpu.memory_space<semaphore_mem>>) src(%dma_wait3A_110 : memref<10240x32xf32, #tpu.memory_space<vmem_shared>>) dst(%arg11 : memref<128x32xf32, #tpu.memory_space<vmem>>)
      "tpu.region"() ({
        %run_scoped3A = tpu.sem_alloc : memref<!tpu.dma_semaphore, #tpu.memory_space<semaphore_mem>>
        %dma_start3A_131 = arith.constant 0 : i32
        %dma_start3A_132 = tpu.memref_slice %arg8[%add3A_104, %dma_start3A_131] : memref<80x128xi32, #tpu.memory_space<vmem>> -> memref<1x128xi32, #tpu.memory_space<vmem>>
        %dma_start3A_133 = tpu.memref_squeeze %dma_start3A_132 : memref<1x128xi32, #tpu.memory_space<vmem>> -> memref<128xi32, #tpu.memory_space<vmem>>
        %dma_start3A_134 = arith.constant 0 : i32
        %dma_start3A_135 = arith.constant 0 : i32
        %dma_start3A_136 = tpu.memref_slice %arg13[%dma_start3A_134, %dma_start3A_135] : memref<10240x32xf32, #tpu.memory_space<vmem_shared>> -> memref<10240x32xf32, #tpu.memory_space<vmem_shared>>
        tpu.enqueue_indirect_dma source(%arg11 : memref<128x32xf32, #tpu.memory_space<vmem>>) target(%dma_start3A_136 : memref<10240x32xf32, #tpu.memory_space<vmem_shared>>) offsets(%dma_start3A_133 : memref<128xi32, #tpu.memory_space<vmem>>) semaphore(%run_scoped3A : memref<!tpu.dma_semaphore, #tpu.memory_space<semaphore_mem>>) {add = true}
        %dma_wait3A_137 = arith.constant 0 : i32
        %dma_wait3A_138 = tpu.memref_slice %arg8[%add3A_104, %dma_wait3A_137] : memref<80x128xi32, #tpu.memory_space<vmem>> -> memref<1x128xi32, #tpu.memory_space<vmem>>
        %dma_wait3A_139 = tpu.memref_squeeze %dma_wait3A_138 : memref<1x128xi32, #tpu.memory_space<vmem>> -> memref<128xi32, #tpu.memory_space<vmem>>
        %dma_wait3A_140 = arith.constant 0 : i32
        %dma_wait3A_141 = arith.constant 0 : i32
        %dma_wait3A_142 = tpu.memref_slice %arg13[%dma_wait3A_140, %dma_wait3A_141] : memref<10240x32xf32, #tpu.memory_space<vmem_shared>> -> memref<10240x32xf32, #tpu.memory_space<vmem_shared>>
        tpu.wait_indirect_dma semaphore(%run_scoped3A : memref<!tpu.dma_semaphore, #tpu.memory_space<semaphore_mem>>) src(%arg11 : memref<128x32xf32, #tpu.memory_space<vmem>>) dst(%dma_wait3A_142 : memref<10240x32xf32, #tpu.memory_space<vmem_shared>>)
        tpu.yield
      }) : () -> ()
      %add3A_111 = arith.constant 4 : i32
      %add3A_112 = arith.addi %add3A_104, %add3A_111 : i32
      %lt3A_113 = arith.cmpi slt, %add3A_112, %select_n3A : i32
      %convert_element_type3A_114 = arith.extui %lt3A_113 : i1 to i32
      %cond3A_115 = arith.constant 0 : i32
      %cond3A_116 = arith.cmpi ne, %convert_element_type3A_114, %cond3A_115 : i32
      scf.if %cond3A_116 {
        %dma_start3A_131 = arith.constant 0 : i32
        %dma_start3A_132 = tpu.memref_slice %arg7[%add3A_112, %dma_start3A_131] : memref<80x128xi32, #tpu.memory_space<vmem>> -> memref<1x128xi32, #tpu.memory_space<vmem>>
        %dma_start3A_133 = tpu.memref_squeeze %dma_start3A_132 : memref<1x128xi32, #tpu.memory_space<vmem>> -> memref<128xi32, #tpu.memory_space<vmem>>
        %dma_start3A_134 = arith.constant 0 : i32
        %dma_start3A_135 = arith.constant 0 : i32
        %dma_start3A_136 = tpu.memref_slice %arg14[%dma_start3A_134, %dma_start3A_135] : memref<10240x32xf32, #tpu.memory_space<vmem_shared>> -> memref<10240x32xf32, #tpu.memory_space<vmem_shared>>
        tpu.enqueue_indirect_dma source(%dma_start3A_136 : memref<10240x32xf32, #tpu.memory_space<vmem_shared>>) target(%arg11 : memref<128x32xf32, #tpu.memory_space<vmem>>) offsets(%dma_start3A_133 : memref<128xi32, #tpu.memory_space<vmem>>) semaphore(%arg17 : memref<!tpu.dma_semaphore, #tpu.memory_space<semaphore_mem>>)
      } else {
      }
      %add3A_117 = arith.constant 3 : i32
      %add3A_118 = arith.addi %mul3A_78, %add3A_117 : i32
      %dma_wait3A_119 = arith.constant 0 : i32
      %dma_wait3A_120 = tpu.memref_slice %arg7[%add3A_118, %dma_wait3A_119] : memref<80x128xi32, #tpu.memory_space<vmem>> -> memref<1x128xi32, #tpu.memory_space<vmem>>
      %dma_wait3A_121 = tpu.memref_squeeze %dma_wait3A_120 : memref<1x128xi32, #tpu.memory_space<vmem>> -> memref<128xi32, #tpu.memory_space<vmem>>
      %dma_wait3A_122 = arith.constant 0 : i32
      %dma_wait3A_123 = arith.constant 0 : i32
      %dma_wait3A_124 = tpu.memref_slice %arg14[%dma_wait3A_122, %dma_wait3A_123] : memref<10240x32xf32, #tpu.memory_space<vmem_shared>> -> memref<10240x32xf32, #tpu.memory_space<vmem_shared>>
      tpu.wait_indirect_dma semaphore(%arg18 : memref<!tpu.dma_semaphore, #tpu.memory_space<semaphore_mem>>) src(%dma_wait3A_124 : memref<10240x32xf32, #tpu.memory_space<vmem_shared>>) dst(%arg12 : memref<128x32xf32, #tpu.memory_space<vmem>>)
      "tpu.region"() ({
        %run_scoped3A = tpu.sem_alloc : memref<!tpu.dma_semaphore, #tpu.memory_space<semaphore_mem>>
        %dma_start3A_131 = arith.constant 0 : i32
        %dma_start3A_132 = tpu.memref_slice %arg8[%add3A_118, %dma_start3A_131] : memref<80x128xi32, #tpu.memory_space<vmem>> -> memref<1x128xi32, #tpu.memory_space<vmem>>
        %dma_start3A_133 = tpu.memref_squeeze %dma_start3A_132 : memref<1x128xi32, #tpu.memory_space<vmem>> -> memref<128xi32, #tpu.memory_space<vmem>>
        %dma_start3A_134 = arith.constant 0 : i32
        %dma_start3A_135 = arith.constant 0 : i32
        %dma_start3A_136 = tpu.memref_slice %arg13[%dma_start3A_134, %dma_start3A_135] : memref<10240x32xf32, #tpu.memory_space<vmem_shared>> -> memref<10240x32xf32, #tpu.memory_space<vmem_shared>>
        tpu.enqueue_indirect_dma source(%arg12 : memref<128x32xf32, #tpu.memory_space<vmem>>) target(%dma_start3A_136 : memref<10240x32xf32, #tpu.memory_space<vmem_shared>>) offsets(%dma_start3A_133 : memref<128xi32, #tpu.memory_space<vmem>>) semaphore(%run_scoped3A : memref<!tpu.dma_semaphore, #tpu.memory_space<semaphore_mem>>) {add = true}
        %dma_wait3A_137 = arith.constant 0 : i32
        %dma_wait3A_138 = tpu.memref_slice %arg8[%add3A_118, %dma_wait3A_137] : memref<80x128xi32, #tpu.memory_space<vmem>> -> memref<1x128xi32, #tpu.memory_space<vmem>>
        %dma_wait3A_139 = tpu.memref_squeeze %dma_wait3A_138 : memref<1x128xi32, #tpu.memory_space<vmem>> -> memref<128xi32, #tpu.memory_space<vmem>>
        %dma_wait3A_140 = arith.constant 0 : i32
        %dma_wait3A_141 = arith.constant 0 : i32
        %dma_wait3A_142 = tpu.memref_slice %arg13[%dma_wait3A_140, %dma_wait3A_141] : memref<10240x32xf32, #tpu.memory_space<vmem_shared>> -> memref<10240x32xf32, #tpu.memory_space<vmem_shared>>
        tpu.wait_indirect_dma semaphore(%run_scoped3A : memref<!tpu.dma_semaphore, #tpu.memory_space<semaphore_mem>>) src(%arg12 : memref<128x32xf32, #tpu.memory_space<vmem>>) dst(%dma_wait3A_142 : memref<10240x32xf32, #tpu.memory_space<vmem_shared>>)
        tpu.yield
      }) : () -> ()
      %add3A_125 = arith.constant 4 : i32
      %add3A_126 = arith.addi %add3A_118, %add3A_125 : i32
      %lt3A_127 = arith.cmpi slt, %add3A_126, %select_n3A : i32
      %convert_element_type3A_128 = arith.extui %lt3A_127 : i1 to i32
      %cond3A_129 = arith.constant 0 : i32
      %cond3A_130 = arith.cmpi ne, %convert_element_type3A_128, %cond3A_129 : i32
      scf.if %cond3A_130 {
        %dma_start3A_131 = arith.constant 0 : i32
        %dma_start3A_132 = tpu.memref_slice %arg7[%add3A_126, %dma_start3A_131] : memref<80x128xi32, #tpu.memory_space<vmem>> -> memref<1x128xi32, #tpu.memory_space<vmem>>
        %dma_start3A_133 = tpu.memref_squeeze %dma_start3A_132 : memref<1x128xi32, #tpu.memory_space<vmem>> -> memref<128xi32, #tpu.memory_space<vmem>>
        %dma_start3A_134 = arith.constant 0 : i32
        %dma_start3A_135 = arith.constant 0 : i32
        %dma_start3A_136 = tpu.memref_slice %arg14[%dma_start3A_134, %dma_start3A_135] : memref<10240x32xf32, #tpu.memory_space<vmem_shared>> -> memref<10240x32xf32, #tpu.memory_space<vmem_shared>>
        tpu.enqueue_indirect_dma source(%dma_start3A_136 : memref<10240x32xf32, #tpu.memory_space<vmem_shared>>) target(%arg12 : memref<128x32xf32, #tpu.memory_space<vmem>>) offsets(%dma_start3A_133 : memref<128xi32, #tpu.memory_space<vmem>>) semaphore(%arg18 : memref<!tpu.dma_semaphore, #tpu.memory_space<semaphore_mem>>)
      } else {
      }
    }
    %while3A_70 = arith.constant 1 : i32
    scf.for %while3A_76 = %while3A_68 to %while3A_64 step %while3A_70  : i32 {
      %mul3A_77 = arith.constant 4 : i32
      %mul3A_78 = arith.muli %while3A_76, %mul3A_77 : i32
      %add3A_79 = arith.constant 0 : i32
      %add3A_80 = arith.addi %mul3A_78, %add3A_79 : i32
      %dma_wait3A = arith.constant 0 : i32
      %dma_wait3A_81 = tpu.memref_slice %arg7[%add3A_80, %dma_wait3A] : memref<80x128xi32, #tpu.memory_space<vmem>> -> memref<1x128xi32, #tpu.memory_space<vmem>>
      %dma_wait3A_82 = tpu.memref_squeeze %dma_wait3A_81 : memref<1x128xi32, #tpu.memory_space<vmem>> -> memref<128xi32, #tpu.memory_space<vmem>>
      %dma_wait3A_83 = arith.constant 0 : i32
      %dma_wait3A_84 = arith.constant 0 : i32
      %dma_wait3A_85 = tpu.memref_slice %arg14[%dma_wait3A_83, %dma_wait3A_84] : memref<10240x32xf32, #tpu.memory_space<vmem_shared>> -> memref<10240x32xf32, #tpu.memory_space<vmem_shared>>
      tpu.wait_indirect_dma semaphore(%arg15 : memref<!tpu.dma_semaphore, #tpu.memory_space<semaphore_mem>>) src(%dma_wait3A_85 : memref<10240x32xf32, #tpu.memory_space<vmem_shared>>) dst(%arg9 : memref<128x32xf32, #tpu.memory_space<vmem>>)
      "tpu.region"() ({
        %run_scoped3A = tpu.sem_alloc : memref<!tpu.dma_semaphore, #tpu.memory_space<semaphore_mem>>
        %dma_start3A_131 = arith.constant 0 : i32
        %dma_start3A_132 = tpu.memref_slice %arg8[%add3A_80, %dma_start3A_131] : memref<80x128xi32, #tpu.memory_space<vmem>> -> memref<1x128xi32, #tpu.memory_space<vmem>>
        %dma_start3A_133 = tpu.memref_squeeze %dma_start3A_132 : memref<1x128xi32, #tpu.memory_space<vmem>> -> memref<128xi32, #tpu.memory_space<vmem>>
        %dma_start3A_134 = arith.constant 0 : i32
        %dma_start3A_135 = arith.constant 0 : i32
        %dma_start3A_136 = tpu.memref_slice %arg13[%dma_start3A_134, %dma_start3A_135] : memref<10240x32xf32, #tpu.memory_space<vmem_shared>> -> memref<10240x32xf32, #tpu.memory_space<vmem_shared>>
        tpu.enqueue_indirect_dma source(%arg9 : memref<128x32xf32, #tpu.memory_space<vmem>>) target(%dma_start3A_136 : memref<10240x32xf32, #tpu.memory_space<vmem_shared>>) offsets(%dma_start3A_133 : memref<128xi32, #tpu.memory_space<vmem>>) semaphore(%run_scoped3A : memref<!tpu.dma_semaphore, #tpu.memory_space<semaphore_mem>>) {add = true}
        %dma_wait3A_137 = arith.constant 0 : i32
        %dma_wait3A_138 = tpu.memref_slice %arg8[%add3A_80, %dma_wait3A_137] : memref<80x128xi32, #tpu.memory_space<vmem>> -> memref<1x128xi32, #tpu.memory_space<vmem>>
        %dma_wait3A_139 = tpu.memref_squeeze %dma_wait3A_138 : memref<1x128xi32, #tpu.memory_space<vmem>> -> memref<128xi32, #tpu.memory_space<vmem>>
        %dma_wait3A_140 = arith.constant 0 : i32
        %dma_wait3A_141 = arith.constant 0 : i32
        %dma_wait3A_142 = tpu.memref_slice %arg13[%dma_wait3A_140, %dma_wait3A_141] : memref<10240x32xf32, #tpu.memory_space<vmem_shared>> -> memref<10240x32xf32, #tpu.memory_space<vmem_shared>>
        tpu.wait_indirect_dma semaphore(%run_scoped3A : memref<!tpu.dma_semaphore, #tpu.memory_space<semaphore_mem>>) src(%arg9 : memref<128x32xf32, #tpu.memory_space<vmem>>) dst(%dma_wait3A_142 : memref<10240x32xf32, #tpu.memory_space<vmem_shared>>)
        tpu.yield
      }) : () -> ()
      %add3A_86 = arith.constant 4 : i32
      %add3A_87 = arith.addi %add3A_80, %add3A_86 : i32
      %lt3A = arith.cmpi slt, %add3A_87, %select_n3A : i32
      %convert_element_type3A = arith.extui %lt3A : i1 to i32
      %cond3A = arith.constant 0 : i32
      %cond3A_88 = arith.cmpi ne, %convert_element_type3A, %cond3A : i32
      scf.if %cond3A_88 {
        %dma_start3A_131 = arith.constant 0 : i32
        %dma_start3A_132 = tpu.memref_slice %arg7[%add3A_87, %dma_start3A_131] : memref<80x128xi32, #tpu.memory_space<vmem>> -> memref<1x128xi32, #tpu.memory_space<vmem>>
        %dma_start3A_133 = tpu.memref_squeeze %dma_start3A_132 : memref<1x128xi32, #tpu.memory_space<vmem>> -> memref<128xi32, #tpu.memory_space<vmem>>
        %dma_start3A_134 = arith.constant 0 : i32
        %dma_start3A_135 = arith.constant 0 : i32
        %dma_start3A_136 = tpu.memref_slice %arg14[%dma_start3A_134, %dma_start3A_135] : memref<10240x32xf32, #tpu.memory_space<vmem_shared>> -> memref<10240x32xf32, #tpu.memory_space<vmem_shared>>
        tpu.enqueue_indirect_dma source(%dma_start3A_136 : memref<10240x32xf32, #tpu.memory_space<vmem_shared>>) target(%arg9 : memref<128x32xf32, #tpu.memory_space<vmem>>) offsets(%dma_start3A_133 : memref<128xi32, #tpu.memory_space<vmem>>) semaphore(%arg15 : memref<!tpu.dma_semaphore, #tpu.memory_space<semaphore_mem>>)
      } else {
      }
      %add3A_89 = arith.constant 1 : i32
      %add3A_90 = arith.addi %mul3A_78, %add3A_89 : i32
      %dma_wait3A_91 = arith.constant 0 : i32
      %dma_wait3A_92 = tpu.memref_slice %arg7[%add3A_90, %dma_wait3A_91] : memref<80x128xi32, #tpu.memory_space<vmem>> -> memref<1x128xi32, #tpu.memory_space<vmem>>
      %dma_wait3A_93 = tpu.memref_squeeze %dma_wait3A_92 : memref<1x128xi32, #tpu.memory_space<vmem>> -> memref<128xi32, #tpu.memory_space<vmem>>
      %dma_wait3A_94 = arith.constant 0 : i32
      %dma_wait3A_95 = arith.constant 0 : i32
      %dma_wait3A_96 = tpu.memref_slice %arg14[%dma_wait3A_94, %dma_wait3A_95] : memref<10240x32xf32, #tpu.memory_space<vmem_shared>> -> memref<10240x32xf32, #tpu.memory_space<vmem_shared>>
      tpu.wait_indirect_dma semaphore(%arg16 : memref<!tpu.dma_semaphore, #tpu.memory_space<semaphore_mem>>) src(%dma_wait3A_96 : memref<10240x32xf32, #tpu.memory_space<vmem_shared>>) dst(%arg10 : memref<128x32xf32, #tpu.memory_space<vmem>>)
      "tpu.region"() ({
        %run_scoped3A = tpu.sem_alloc : memref<!tpu.dma_semaphore, #tpu.memory_space<semaphore_mem>>
        %dma_start3A_131 = arith.constant 0 : i32
        %dma_start3A_132 = tpu.memref_slice %arg8[%add3A_90, %dma_start3A_131] : memref<80x128xi32, #tpu.memory_space<vmem>> -> memref<1x128xi32, #tpu.memory_space<vmem>>
        %dma_start3A_133 = tpu.memref_squeeze %dma_start3A_132 : memref<1x128xi32, #tpu.memory_space<vmem>> -> memref<128xi32, #tpu.memory_space<vmem>>
        %dma_start3A_134 = arith.constant 0 : i32
        %dma_start3A_135 = arith.constant 0 : i32
        %dma_start3A_136 = tpu.memref_slice %arg13[%dma_start3A_134, %dma_start3A_135] : memref<10240x32xf32, #tpu.memory_space<vmem_shared>> -> memref<10240x32xf32, #tpu.memory_space<vmem_shared>>
        tpu.enqueue_indirect_dma source(%arg10 : memref<128x32xf32, #tpu.memory_space<vmem>>) target(%dma_start3A_136 : memref<10240x32xf32, #tpu.memory_space<vmem_shared>>) offsets(%dma_start3A_133 : memref<128xi32, #tpu.memory_space<vmem>>) semaphore(%run_scoped3A : memref<!tpu.dma_semaphore, #tpu.memory_space<semaphore_mem>>) {add = true}
        %dma_wait3A_137 = arith.constant 0 : i32
        %dma_wait3A_138 = tpu.memref_slice %arg8[%add3A_90, %dma_wait3A_137] : memref<80x128xi32, #tpu.memory_space<vmem>> -> memref<1x128xi32, #tpu.memory_space<vmem>>
        %dma_wait3A_139 = tpu.memref_squeeze %dma_wait3A_138 : memref<1x128xi32, #tpu.memory_space<vmem>> -> memref<128xi32, #tpu.memory_space<vmem>>
        %dma_wait3A_140 = arith.constant 0 : i32
        %dma_wait3A_141 = arith.constant 0 : i32
        %dma_wait3A_142 = tpu.memref_slice %arg13[%dma_wait3A_140, %dma_wait3A_141] : memref<10240x32xf32, #tpu.memory_space<vmem_shared>> -> memref<10240x32xf32, #tpu.memory_space<vmem_shared>>
        tpu.wait_indirect_dma semaphore(%run_scoped3A : memref<!tpu.dma_semaphore, #tpu.memory_space<semaphore_mem>>) src(%arg10 : memref<128x32xf32, #tpu.memory_space<vmem>>) dst(%dma_wait3A_142 : memref<10240x32xf32, #tpu.memory_space<vmem_shared>>)
        tpu.yield
      }) : () -> ()
      %add3A_97 = arith.constant 4 : i32
      %add3A_98 = arith.addi %add3A_90, %add3A_97 : i32
      %lt3A_99 = arith.cmpi slt, %add3A_98, %select_n3A : i32
      %convert_element_type3A_100 = arith.extui %lt3A_99 : i1 to i32
      %cond3A_101 = arith.constant 0 : i32
      %cond3A_102 = arith.cmpi ne, %convert_element_type3A_100, %cond3A_101 : i32
      scf.if %cond3A_102 {
        %dma_start3A_131 = arith.constant 0 : i32
        %dma_start3A_132 = tpu.memref_slice %arg7[%add3A_98, %dma_start3A_131] : memref<80x128xi32, #tpu.memory_space<vmem>> -> memref<1x128xi32, #tpu.memory_space<vmem>>
        %dma_start3A_133 = tpu.memref_squeeze %dma_start3A_132 : memref<1x128xi32, #tpu.memory_space<vmem>> -> memref<128xi32, #tpu.memory_space<vmem>>
        %dma_start3A_134 = arith.constant 0 : i32
        %dma_start3A_135 = arith.constant 0 : i32
        %dma_start3A_136 = tpu.memref_slice %arg14[%dma_start3A_134, %dma_start3A_135] : memref<10240x32xf32, #tpu.memory_space<vmem_shared>> -> memref<10240x32xf32, #tpu.memory_space<vmem_shared>>
        tpu.enqueue_indirect_dma source(%dma_start3A_136 : memref<10240x32xf32, #tpu.memory_space<vmem_shared>>) target(%arg10 : memref<128x32xf32, #tpu.memory_space<vmem>>) offsets(%dma_start3A_133 : memref<128xi32, #tpu.memory_space<vmem>>) semaphore(%arg16 : memref<!tpu.dma_semaphore, #tpu.memory_space<semaphore_mem>>)
      } else {
      }
      %add3A_103 = arith.constant 2 : i32
      %add3A_104 = arith.addi %mul3A_78, %add3A_103 : i32
      %dma_wait3A_105 = arith.constant 0 : i32
      %dma_wait3A_106 = tpu.memref_slice %arg7[%add3A_104, %dma_wait3A_105] : memref<80x128xi32, #tpu.memory_space<vmem>> -> memref<1x128xi32, #tpu.memory_space<vmem>>
      %dma_wait3A_107 = tpu.memref_squeeze %dma_wait3A_106 : memref<1x128xi32, #tpu.memory_space<vmem>> -> memref<128xi32, #tpu.memory_space<vmem>>
      %dma_wait3A_108 = arith.constant 0 : i32
      %dma_wait3A_109 = arith.constant 0 : i32
      %dma_wait3A_110 = tpu.memref_slice %arg14[%dma_wait3A_108, %dma_wait3A_109] : memref<10240x32xf32, #tpu.memory_space<vmem_shared>> -> memref<10240x32xf32, #tpu.memory_space<vmem_shared>>
      tpu.wait_indirect_dma semaphore(%arg17 : memref<!tpu.dma_semaphore, #tpu.memory_space<semaphore_mem>>) src(%dma_wait3A_110 : memref<10240x32xf32, #tpu.memory_space<vmem_shared>>) dst(%arg11 : memref<128x32xf32, #tpu.memory_space<vmem>>)
      "tpu.region"() ({
        %run_scoped3A = tpu.sem_alloc : memref<!tpu.dma_semaphore, #tpu.memory_space<semaphore_mem>>
        %dma_start3A_131 = arith.constant 0 : i32
        %dma_start3A_132 = tpu.memref_slice %arg8[%add3A_104, %dma_start3A_131] : memref<80x128xi32, #tpu.memory_space<vmem>> -> memref<1x128xi32, #tpu.memory_space<vmem>>
        %dma_start3A_133 = tpu.memref_squeeze %dma_start3A_132 : memref<1x128xi32, #tpu.memory_space<vmem>> -> memref<128xi32, #tpu.memory_space<vmem>>
        %dma_start3A_134 = arith.constant 0 : i32
        %dma_start3A_135 = arith.constant 0 : i32
        %dma_start3A_136 = tpu.memref_slice %arg13[%dma_start3A_134, %dma_start3A_135] : memref<10240x32xf32, #tpu.memory_space<vmem_shared>> -> memref<10240x32xf32, #tpu.memory_space<vmem_shared>>
        tpu.enqueue_indirect_dma source(%arg11 : memref<128x32xf32, #tpu.memory_space<vmem>>) target(%dma_start3A_136 : memref<10240x32xf32, #tpu.memory_space<vmem_shared>>) offsets(%dma_start3A_133 : memref<128xi32, #tpu.memory_space<vmem>>) semaphore(%run_scoped3A : memref<!tpu.dma_semaphore, #tpu.memory_space<semaphore_mem>>) {add = true}
        %dma_wait3A_137 = arith.constant 0 : i32
        %dma_wait3A_138 = tpu.memref_slice %arg8[%add3A_104, %dma_wait3A_137] : memref<80x128xi32, #tpu.memory_space<vmem>> -> memref<1x128xi32, #tpu.memory_space<vmem>>
        %dma_wait3A_139 = tpu.memref_squeeze %dma_wait3A_138 : memref<1x128xi32, #tpu.memory_space<vmem>> -> memref<128xi32, #tpu.memory_space<vmem>>
        %dma_wait3A_140 = arith.constant 0 : i32
        %dma_wait3A_141 = arith.constant 0 : i32
        %dma_wait3A_142 = tpu.memref_slice %arg13[%dma_wait3A_140, %dma_wait3A_141] : memref<10240x32xf32, #tpu.memory_space<vmem_shared>> -> memref<10240x32xf32, #tpu.memory_space<vmem_shared>>
        tpu.wait_indirect_dma semaphore(%run_scoped3A : memref<!tpu.dma_semaphore, #tpu.memory_space<semaphore_mem>>) src(%arg11 : memref<128x32xf32, #tpu.memory_space<vmem>>) dst(%dma_wait3A_142 : memref<10240x32xf32, #tpu.memory_space<vmem_shared>>)
        tpu.yield
      }) : () -> ()
      %add3A_111 = arith.constant 4 : i32
      %add3A_112 = arith.addi %add3A_104, %add3A_111 : i32
      %lt3A_113 = arith.cmpi slt, %add3A_112, %select_n3A : i32
      %convert_element_type3A_114 = arith.extui %lt3A_113 : i1 to i32
      %cond3A_115 = arith.constant 0 : i32
      %cond3A_116 = arith.cmpi ne, %convert_element_type3A_114, %cond3A_115 : i32
      scf.if %cond3A_116 {
        %dma_start3A_131 = arith.constant 0 : i32
        %dma_start3A_132 = tpu.memref_slice %arg7[%add3A_112, %dma_start3A_131] : memref<80x128xi32, #tpu.memory_space<vmem>> -> memref<1x128xi32, #tpu.memory_space<vmem>>
        %dma_start3A_133 = tpu.memref_squeeze %dma_start3A_132 : memref<1x128xi32, #tpu.memory_space<vmem>> -> memref<128xi32, #tpu.memory_space<vmem>>
        %dma_start3A_134 = arith.constant 0 : i32
        %dma_start3A_135 = arith.constant 0 : i32
        %dma_start3A_136 = tpu.memref_slice %arg14[%dma_start3A_134, %dma_start3A_135] : memref<10240x32xf32, #tpu.memory_space<vmem_shared>> -> memref<10240x32xf32, #tpu.memory_space<vmem_shared>>
        tpu.enqueue_indirect_dma source(%dma_start3A_136 : memref<10240x32xf32, #tpu.memory_space<vmem_shared>>) target(%arg11 : memref<128x32xf32, #tpu.memory_space<vmem>>) offsets(%dma_start3A_133 : memref<128xi32, #tpu.memory_space<vmem>>) semaphore(%arg17 : memref<!tpu.dma_semaphore, #tpu.memory_space<semaphore_mem>>)
      } else {
      }
      %add3A_117 = arith.constant 3 : i32
      %add3A_118 = arith.addi %mul3A_78, %add3A_117 : i32
      %dma_wait3A_119 = arith.constant 0 : i32
      %dma_wait3A_120 = tpu.memref_slice %arg7[%add3A_118, %dma_wait3A_119] : memref<80x128xi32, #tpu.memory_space<vmem>> -> memref<1x128xi32, #tpu.memory_space<vmem>>
      %dma_wait3A_121 = tpu.memref_squeeze %dma_wait3A_120 : memref<1x128xi32, #tpu.memory_space<vmem>> -> memref<128xi32, #tpu.memory_space<vmem>>
      %dma_wait3A_122 = arith.constant 0 : i32
      %dma_wait3A_123 = arith.constant 0 : i32
      %dma_wait3A_124 = tpu.memref_slice %arg14[%dma_wait3A_122, %dma_wait3A_123] : memref<10240x32xf32, #tpu.memory_space<vmem_shared>> -> memref<10240x32xf32, #tpu.memory_space<vmem_shared>>
      tpu.wait_indirect_dma semaphore(%arg18 : memref<!tpu.dma_semaphore, #tpu.memory_space<semaphore_mem>>) src(%dma_wait3A_124 : memref<10240x32xf32, #tpu.memory_space<vmem_shared>>) dst(%arg12 : memref<128x32xf32, #tpu.memory_space<vmem>>)
      "tpu.region"() ({
        %run_scoped3A = tpu.sem_alloc : memref<!tpu.dma_semaphore, #tpu.memory_space<semaphore_mem>>
        %dma_start3A_131 = arith.constant 0 : i32
        %dma_start3A_132 = tpu.memref_slice %arg8[%add3A_118, %dma_start3A_131] : memref<80x128xi32, #tpu.memory_space<vmem>> -> memref<1x128xi32, #tpu.memory_space<vmem>>
        %dma_start3A_133 = tpu.memref_squeeze %dma_start3A_132 : memref<1x128xi32, #tpu.memory_space<vmem>> -> memref<128xi32, #tpu.memory_space<vmem>>
        %dma_start3A_134 = arith.constant 0 : i32
        %dma_start3A_135 = arith.constant 0 : i32
        %dma_start3A_136 = tpu.memref_slice %arg13[%dma_start3A_134, %dma_start3A_135] : memref<10240x32xf32, #tpu.memory_space<vmem_shared>> -> memref<10240x32xf32, #tpu.memory_space<vmem_shared>>
        tpu.enqueue_indirect_dma source(%arg12 : memref<128x32xf32, #tpu.memory_space<vmem>>) target(%dma_start3A_136 : memref<10240x32xf32, #tpu.memory_space<vmem_shared>>) offsets(%dma_start3A_133 : memref<128xi32, #tpu.memory_space<vmem>>) semaphore(%run_scoped3A : memref<!tpu.dma_semaphore, #tpu.memory_space<semaphore_mem>>) {add = true}
        %dma_wait3A_137 = arith.constant 0 : i32
        %dma_wait3A_138 = tpu.memref_slice %arg8[%add3A_118, %dma_wait3A_137] : memref<80x128xi32, #tpu.memory_space<vmem>> -> memref<1x128xi32, #tpu.memory_space<vmem>>
        %dma_wait3A_139 = tpu.memref_squeeze %dma_wait3A_138 : memref<1x128xi32, #tpu.memory_space<vmem>> -> memref<128xi32, #tpu.memory_space<vmem>>
        %dma_wait3A_140 = arith.constant 0 : i32
        %dma_wait3A_141 = arith.constant 0 : i32
        %dma_wait3A_142 = tpu.memref_slice %arg13[%dma_wait3A_140, %dma_wait3A_141] : memref<10240x32xf32, #tpu.memory_space<vmem_shared>> -> memref<10240x32xf32, #tpu.memory_space<vmem_shared>>
        tpu.wait_indirect_dma semaphore(%run_scoped3A : memref<!tpu.dma_semaphore, #tpu.memory_space<semaphore_mem>>) src(%arg12 : memref<128x32xf32, #tpu.memory_space<vmem>>) dst(%dma_wait3A_142 : memref<10240x32xf32, #tpu.memory_space<vmem_shared>>)
        tpu.yield
      }) : () -> ()
      %add3A_125 = arith.constant 4 : i32
      %add3A_126 = arith.addi %add3A_118, %add3A_125 : i32
      %lt3A_127 = arith.cmpi slt, %add3A_126, %select_n3A : i32
      %convert_element_type3A_128 = arith.extui %lt3A_127 : i1 to i32
      %cond3A_129 = arith.constant 0 : i32
      %cond3A_130 = arith.cmpi ne, %convert_element_type3A_128, %cond3A_129 : i32
      scf.if %cond3A_130 {
        %dma_start3A_131 = arith.constant 0 : i32
        %dma_start3A_132 = tpu.memref_slice %arg7[%add3A_126, %dma_start3A_131] : memref<80x128xi32, #tpu.memory_space<vmem>> -> memref<1x128xi32, #tpu.memory_space<vmem>>
        %dma_start3A_133 = tpu.memref_squeeze %dma_start3A_132 : memref<1x128xi32, #tpu.memory_space<vmem>> -> memref<128xi32, #tpu.memory_space<vmem>>
        %dma_start3A_134 = arith.constant 0 : i32
        %dma_start3A_135 = arith.constant 0 : i32
        %dma_start3A_136 = tpu.memref_slice %arg14[%dma_start3A_134, %dma_start3A_135] : memref<10240x32xf32, #tpu.memory_space<vmem_shared>> -> memref<10240x32xf32, #tpu.memory_space<vmem_shared>>
        tpu.enqueue_indirect_dma source(%dma_start3A_136 : memref<10240x32xf32, #tpu.memory_space<vmem_shared>>) target(%arg12 : memref<128x32xf32, #tpu.memory_space<vmem>>) offsets(%dma_start3A_133 : memref<128xi32, #tpu.memory_space<vmem>>) semaphore(%arg18 : memref<!tpu.dma_semaphore, #tpu.memory_space<semaphore_mem>>)
      } else {
      }
    }
    %barrier3A_71 = arith.constant 0 : index
    tpu.barrier barrier_id(%barrier3A_71)
    %mul3A_72 = arith.constant 640 : i32
    %mul3A_73 = arith.muli %arg1, %mul3A_72 : i32
    %mul3A_74 = arith.constant 640 : i32
    %mul3A_75 = arith.muli %arg1, %mul3A_74 : i32
    "tpu.region"() ({
      %run_scoped3A = tpu.sem_alloc : memref<!tpu.dma_semaphore, #tpu.memory_space<semaphore_mem>>
      %dma_start3A_76 = arith.constant 0 : i32
      %dma_start3A_77 = tpu.memref_slice %arg6[%arg0, %mul3A_75, %dma_start3A_76] : memref<2x10240x32xf32, #tpu.memory_space<hbm>> -> memref<1x640x32xf32, #tpu.memory_space<hbm>>
      %dma_start3A_78 = tpu.memref_squeeze %dma_start3A_77 : memref<1x640x32xf32, #tpu.memory_space<hbm>> -> memref<640x32xf32, #tpu.memory_space<hbm>>
      %dma_start3A_79 = arith.constant 0 : i32
      %dma_start3A_80 = tpu.memref_slice %arg13[%mul3A_73, %dma_start3A_79] : memref<10240x32xf32, #tpu.memory_space<vmem_shared>> -> memref<640x32xf32, #tpu.memory_space<vmem_shared>>
      tpu.enqueue_dma source(%dma_start3A_80 : memref<640x32xf32, #tpu.memory_space<vmem_shared>>) target(%dma_start3A_78 : memref<640x32xf32, #tpu.memory_space<hbm>>) target_semaphore(%run_scoped3A : memref<!tpu.dma_semaphore, #tpu.memory_space<semaphore_mem>>)
      %dma_wait3A = arith.constant 0 : i32
      %dma_wait3A_81 = tpu.memref_slice %arg6[%arg0, %mul3A_75, %dma_wait3A] : memref<2x10240x32xf32, #tpu.memory_space<hbm>> -> memref<1x640x32xf32, #tpu.memory_space<hbm>>
      %dma_wait3A_82 = tpu.memref_squeeze %dma_wait3A_81 : memref<1x640x32xf32, #tpu.memory_space<hbm>> -> memref<640x32xf32, #tpu.memory_space<hbm>>
      %dma_wait3A_83 = arith.constant 0 : i32
      %dma_wait3A_84 = tpu.memref_slice %arg13[%mul3A_73, %dma_wait3A_83] : memref<10240x32xf32, #tpu.memory_space<vmem_shared>> -> memref<640x32xf32, #tpu.memory_space<vmem_shared>>
      tpu.wait_dma2 semaphore(%run_scoped3A : memref<!tpu.dma_semaphore, #tpu.memory_space<semaphore_mem>>) src(%dma_wait3A_84 : memref<640x32xf32, #tpu.memory_space<vmem_shared>>) dst(%dma_wait3A_82 : memref<640x32xf32, #tpu.memory_space<hbm>>)
      tpu.yield
    }) : () -> ()
    return
  }
}

#map = affine_map<(d0, d1) -> (0, 0)>
#map1 = affine_map<(d0, d1) -> (0, 0, 0)>
module attributes {stable_mosaic.version = 14 : i64} {
  func.func @prop_kernel(%arg0: i32, %arg1: i32, %arg2: memref<10240x32xf32, #tpu.memory_space<hbm>>, %arg3: memref<2560x128xi32, #tpu.memory_space<hbm>>, %arg4: memref<2560x128xi32, #tpu.memory_space<hbm>>, %arg5: memref<10240x32xf32, #tpu.memory_space<hbm>>, %arg6: memref<2x10240x32xf32, #tpu.memory_space<hbm>>, %arg7: memref<80x128xi32, #tpu.memory_space<vmem>>, %arg8: memref<80x128xi32, #tpu.memory_space<vmem>>, %arg9: memref<128x32xf32, #tpu.memory_space<vmem>>, %arg10: memref<128x32xf32, #tpu.memory_space<vmem>>, %arg11: memref<128x32xf32, #tpu.memory_space<vmem>>, %arg12: memref<128x32xf32, #tpu.memory_space<vmem>>, %arg13: memref<10240x32xf32, #tpu.memory_space<vmem_shared>>, %arg14: memref<10240x32xf32, #tpu.memory_space<vmem_shared>>, %arg15: memref<!tpu.dma_semaphore, #tpu.memory_space<semaphore_mem>>, %arg16: memref<!tpu.dma_semaphore, #tpu.memory_space<semaphore_mem>>, %arg17: memref<!tpu.dma_semaphore, #tpu.memory_space<semaphore_mem>>, %arg18: memref<!tpu.dma_semaphore, #tpu.memory_space<semaphore_mem>>) attributes {dimension_semantics = [#tpu.dimension_semantics<core_parallel>, #tpu.dimension_semantics<subcore_parallel>], iteration_bounds = array<i64: 2, 16>, scalar_prefetch = 0 : i64, scratch_operands = 12 : i64, tpu.core_type = #tpu.core_type<sc_vector_subcore>, window_params = [{transform_indices = #map}, {transform_indices = #map}, {transform_indices = #map}, {transform_indices = #map}, {transform_indices = #map1}]} {
    %eq3A = arith.constant 1 : i32
    %eq3A_0 = arith.cmpi eq, %arg0, %eq3A : i32
    %jit3A = arith.constant 80 : i32
    %jit3A_1 = arith.constant 80 : i32
    %select_n3A = arith.select %eq3A_0, %jit3A, %jit3A_1 : i32
    %eq3A_2 = arith.constant 1 : i32
    %eq3A_3 = arith.cmpi eq, %arg0, %eq3A_2 : i32
    %mul3A = arith.constant 80 : i32
    %mul3A_4 = arith.muli %arg1, %mul3A : i32
    %mul3A_5 = arith.constant 80 : i32
    %mul3A_6 = arith.muli %arg1, %mul3A_5 : i32
    %add3A = arith.constant 1280 : i32
    %add3A_7 = arith.addi %add3A, %mul3A_6 : i32
    %select_n3A_8 = arith.select %eq3A_3, %mul3A_4, %add3A_7 : i32
    "tpu.region"() ({
      %run_scoped3A = tpu.sem_alloc : memref<!tpu.dma_semaphore, #tpu.memory_space<semaphore_mem>>
      %dma_start3A_76 = arith.constant 0 : i32
      %dma_start3A_77 = tpu.memref_slice %arg3[%select_n3A_8, %dma_start3A_76] : memref<2560x128xi32, #tpu.memory_space<hbm>> -> memref<80x128xi32, #tpu.memory_space<hbm>>
      %dma_start3A_78 = arith.constant 0 : i32
      %dma_start3A_79 = tpu.memref_slice %arg3[%select_n3A_8, %dma_start3A_78] : memref<2560x128xi32, #tpu.memory_space<hbm>> -> memref<80x128xi32, #tpu.memory_space<hbm>>
      tpu.enqueue_dma source(%dma_start3A_79 : memref<80x128xi32, #tpu.memory_space<hbm>>) target(%arg7 : memref<80x128xi32, #tpu.memory_space<vmem>>) target_semaphore(%run_scoped3A : memref<!tpu.dma_semaphore, #tpu.memory_space<semaphore_mem>>)
      %dma_wait3A = arith.constant 0 : i32
      %dma_wait3A_80 = tpu.memref_slice %arg3[%select_n3A_8, %dma_wait3A] : memref<2560x128xi32, #tpu.memory_space<hbm>> -> memref<80x128xi32, #tpu.memory_space<hbm>>
      %dma_wait3A_81 = arith.constant 0 : i32
      %dma_wait3A_82 = tpu.memref_slice %arg3[%select_n3A_8, %dma_wait3A_81] : memref<2560x128xi32, #tpu.memory_space<hbm>> -> memref<80x128xi32, #tpu.memory_space<hbm>>
      tpu.wait_dma2 semaphore(%run_scoped3A : memref<!tpu.dma_semaphore, #tpu.memory_space<semaphore_mem>>) src(%dma_wait3A_82 : memref<80x128xi32, #tpu.memory_space<hbm>>) dst(%arg7 : memref<80x128xi32, #tpu.memory_space<vmem>>)
      tpu.yield
    }) : () -> ()
    "tpu.region"() ({
      %run_scoped3A = tpu.sem_alloc : memref<!tpu.dma_semaphore, #tpu.memory_space<semaphore_mem>>
      %dma_start3A_76 = arith.constant 0 : i32
      %dma_start3A_77 = tpu.memref_slice %arg4[%select_n3A_8, %dma_start3A_76] : memref<2560x128xi32, #tpu.memory_space<hbm>> -> memref<80x128xi32, #tpu.memory_space<hbm>>
      %dma_start3A_78 = arith.constant 0 : i32
      %dma_start3A_79 = tpu.memref_slice %arg4[%select_n3A_8, %dma_start3A_78] : memref<2560x128xi32, #tpu.memory_space<hbm>> -> memref<80x128xi32, #tpu.memory_space<hbm>>
      tpu.enqueue_dma source(%dma_start3A_79 : memref<80x128xi32, #tpu.memory_space<hbm>>) target(%arg8 : memref<80x128xi32, #tpu.memory_space<vmem>>) target_semaphore(%run_scoped3A : memref<!tpu.dma_semaphore, #tpu.memory_space<semaphore_mem>>)
      %dma_wait3A = arith.constant 0 : i32
      %dma_wait3A_80 = tpu.memref_slice %arg4[%select_n3A_8, %dma_wait3A] : memref<2560x128xi32, #tpu.memory_space<hbm>> -> memref<80x128xi32, #tpu.memory_space<hbm>>
      %dma_wait3A_81 = arith.constant 0 : i32
      %dma_wait3A_82 = tpu.memref_slice %arg4[%select_n3A_8, %dma_wait3A_81] : memref<2560x128xi32, #tpu.memory_space<hbm>> -> memref<80x128xi32, #tpu.memory_space<hbm>>
      tpu.wait_dma2 semaphore(%run_scoped3A : memref<!tpu.dma_semaphore, #tpu.memory_space<semaphore_mem>>) src(%dma_wait3A_82 : memref<80x128xi32, #tpu.memory_space<hbm>>) dst(%arg8 : memref<80x128xi32, #tpu.memory_space<vmem>>)
      tpu.yield
    }) : () -> ()
    %mul3A_9 = arith.constant 640 : i32
    %mul3A_10 = arith.muli %arg1, %mul3A_9 : i32
    %mul3A_11 = arith.constant 640 : i32
    %mul3A_12 = arith.muli %arg1, %mul3A_11 : i32
    "tpu.region"() ({
      %run_scoped3A = tpu.sem_alloc : memref<!tpu.dma_semaphore, #tpu.memory_space<semaphore_mem>>
      %dma_start3A_76 = arith.constant 0 : i32
      %dma_start3A_77 = tpu.memref_slice %arg14[%mul3A_12, %dma_start3A_76] : memref<10240x32xf32, #tpu.memory_space<vmem_shared>> -> memref<640x32xf32, #tpu.memory_space<vmem_shared>>
      %dma_start3A_78 = arith.constant 0 : i32
      %dma_start3A_79 = tpu.memref_slice %arg2[%mul3A_10, %dma_start3A_78] : memref<10240x32xf32, #tpu.memory_space<hbm>> -> memref<640x32xf32, #tpu.memory_space<hbm>>
      tpu.enqueue_dma source(%dma_start3A_79 : memref<640x32xf32, #tpu.memory_space<hbm>>) target(%dma_start3A_77 : memref<640x32xf32, #tpu.memory_space<vmem_shared>>) target_semaphore(%run_scoped3A : memref<!tpu.dma_semaphore, #tpu.memory_space<semaphore_mem>>)
      %dma_wait3A = arith.constant 0 : i32
      %dma_wait3A_80 = tpu.memref_slice %arg14[%mul3A_12, %dma_wait3A] : memref<10240x32xf32, #tpu.memory_space<vmem_shared>> -> memref<640x32xf32, #tpu.memory_space<vmem_shared>>
      %dma_wait3A_81 = arith.constant 0 : i32
      %dma_wait3A_82 = tpu.memref_slice %arg2[%mul3A_10, %dma_wait3A_81] : memref<10240x32xf32, #tpu.memory_space<hbm>> -> memref<640x32xf32, #tpu.memory_space<hbm>>
      tpu.wait_dma2 semaphore(%run_scoped3A : memref<!tpu.dma_semaphore, #tpu.memory_space<semaphore_mem>>) src(%dma_wait3A_82 : memref<640x32xf32, #tpu.memory_space<hbm>>) dst(%dma_wait3A_80 : memref<640x32xf32, #tpu.memory_space<vmem_shared>>)
      tpu.yield
    }) : () -> ()
    %mul3A_13 = arith.constant 640 : i32
    %mul3A_14 = arith.muli %arg1, %mul3A_13 : i32
    %mul3A_15 = arith.constant 640 : i32
    %mul3A_16 = arith.muli %arg1, %mul3A_15 : i32
    "tpu.region"() ({
      %run_scoped3A = tpu.sem_alloc : memref<!tpu.dma_semaphore, #tpu.memory_space<semaphore_mem>>
      %dma_start3A_76 = arith.constant 0 : i32
      %dma_start3A_77 = tpu.memref_slice %arg13[%mul3A_16, %dma_start3A_76] : memref<10240x32xf32, #tpu.memory_space<vmem_shared>> -> memref<640x32xf32, #tpu.memory_space<vmem_shared>>
      %dma_start3A_78 = arith.constant 0 : i32
      %dma_start3A_79 = tpu.memref_slice %arg5[%mul3A_14, %dma_start3A_78] : memref<10240x32xf32, #tpu.memory_space<hbm>> -> memref<640x32xf32, #tpu.memory_space<hbm>>
      tpu.enqueue_dma source(%dma_start3A_79 : memref<640x32xf32, #tpu.memory_space<hbm>>) target(%dma_start3A_77 : memref<640x32xf32, #tpu.memory_space<vmem_shared>>) target_semaphore(%run_scoped3A : memref<!tpu.dma_semaphore, #tpu.memory_space<semaphore_mem>>)
      %dma_wait3A = arith.constant 0 : i32
      %dma_wait3A_80 = tpu.memref_slice %arg13[%mul3A_16, %dma_wait3A] : memref<10240x32xf32, #tpu.memory_space<vmem_shared>> -> memref<640x32xf32, #tpu.memory_space<vmem_shared>>
      %dma_wait3A_81 = arith.constant 0 : i32
      %dma_wait3A_82 = tpu.memref_slice %arg5[%mul3A_14, %dma_wait3A_81] : memref<10240x32xf32, #tpu.memory_space<hbm>> -> memref<640x32xf32, #tpu.memory_space<hbm>>
      tpu.wait_dma2 semaphore(%run_scoped3A : memref<!tpu.dma_semaphore, #tpu.memory_space<semaphore_mem>>) src(%dma_wait3A_82 : memref<640x32xf32, #tpu.memory_space<hbm>>) dst(%dma_wait3A_80 : memref<640x32xf32, #tpu.memory_space<vmem_shared>>)
      tpu.yield
    }) : () -> ()
    %barrier3A = arith.constant 0 : index
    tpu.barrier barrier_id(%barrier3A)
    %dma_start3A = arith.constant 0 : i32
    %dma_start3A_17 = arith.constant 0 : i32
    %dma_start3A_18 = tpu.memref_slice %arg7[%dma_start3A, %dma_start3A_17] : memref<80x128xi32, #tpu.memory_space<vmem>> -> memref<1x128xi32, #tpu.memory_space<vmem>>
    %dma_start3A_19 = tpu.memref_squeeze %dma_start3A_18 : memref<1x128xi32, #tpu.memory_space<vmem>> -> memref<128xi32, #tpu.memory_space<vmem>>
    %dma_start3A_20 = arith.constant 0 : i32
    %dma_start3A_21 = arith.constant 0 : i32
    %dma_start3A_22 = tpu.memref_slice %arg14[%dma_start3A_20, %dma_start3A_21] : memref<10240x32xf32, #tpu.memory_space<vmem_shared>> -> memref<10240x32xf32, #tpu.memory_space<vmem_shared>>
    tpu.enqueue_indirect_dma source(%dma_start3A_22 : memref<10240x32xf32, #tpu.memory_space<vmem_shared>>) target(%arg9 : memref<128x32xf32, #tpu.memory_space<vmem>>) offsets(%dma_start3A_19 : memref<128xi32, #tpu.memory_space<vmem>>) semaphore(%arg15 : memref<!tpu.dma_semaphore, #tpu.memory_space<semaphore_mem>>)
    %dma_start3A_23 = arith.constant 1 : i32
    %dma_start3A_24 = arith.constant 0 : i32
    %dma_start3A_25 = tpu.memref_slice %arg7[%dma_start3A_23, %dma_start3A_24] : memref<80x128xi32, #tpu.memory_space<vmem>> -> memref<1x128xi32, #tpu.memory_space<vmem>>
    %dma_start3A_26 = tpu.memref_squeeze %dma_start3A_25 : memref<1x128xi32, #tpu.memory_space<vmem>> -> memref<128xi32, #tpu.memory_space<vmem>>
    %dma_start3A_27 = arith.constant 0 : i32
    %dma_start3A_28 = arith.constant 0 : i32
    %dma_start3A_29 = tpu.memref_slice %arg14[%dma_start3A_27, %dma_start3A_28] : memref<10240x32xf32, #tpu.memory_space<vmem_shared>> -> memref<10240x32xf32, #tpu.memory_space<vmem_shared>>
    tpu.enqueue_indirect_dma source(%dma_start3A_29 : memref<10240x32xf32, #tpu.memory_space<vmem_shared>>) target(%arg10 : memref<128x32xf32, #tpu.memory_space<vmem>>) offsets(%dma_start3A_26 : memref<128xi32, #tpu.memory_space<vmem>>) semaphore(%arg16 : memref<!tpu.dma_semaphore, #tpu.memory_space<semaphore_mem>>)
    %dma_start3A_30 = arith.constant 2 : i32
    %dma_start3A_31 = arith.constant 0 : i32
    %dma_start3A_32 = tpu.memref_slice %arg7[%dma_start3A_30, %dma_start3A_31] : memref<80x128xi32, #tpu.memory_space<vmem>> -> memref<1x128xi32, #tpu.memory_space<vmem>>
    %dma_start3A_33 = tpu.memref_squeeze %dma_start3A_32 : memref<1x128xi32, #tpu.memory_space<vmem>> -> memref<128xi32, #tpu.memory_space<vmem>>
    %dma_start3A_34 = arith.constant 0 : i32
    %dma_start3A_35 = arith.constant 0 : i32
    %dma_start3A_36 = tpu.memref_slice %arg14[%dma_start3A_34, %dma_start3A_35] : memref<10240x32xf32, #tpu.memory_space<vmem_shared>> -> memref<10240x32xf32, #tpu.memory_space<vmem_shared>>
    tpu.enqueue_indirect_dma source(%dma_start3A_36 : memref<10240x32xf32, #tpu.memory_space<vmem_shared>>) target(%arg11 : memref<128x32xf32, #tpu.memory_space<vmem>>) offsets(%dma_start3A_33 : memref<128xi32, #tpu.memory_space<vmem>>) semaphore(%arg17 : memref<!tpu.dma_semaphore, #tpu.memory_space<semaphore_mem>>)
    %dma_start3A_37 = arith.constant 3 : i32
    %dma_start3A_38 = arith.constant 0 : i32
    %dma_start3A_39 = tpu.memref_slice %arg7[%dma_start3A_37, %dma_start3A_38] : memref<80x128xi32, #tpu.memory_space<vmem>> -> memref<1x128xi32, #tpu.memory_space<vmem>>
    %dma_start3A_40 = tpu.memref_squeeze %dma_start3A_39 : memref<1x128xi32, #tpu.memory_space<vmem>> -> memref<128xi32, #tpu.memory_space<vmem>>
    %dma_start3A_41 = arith.constant 0 : i32
    %dma_start3A_42 = arith.constant 0 : i32
    %dma_start3A_43 = tpu.memref_slice %arg14[%dma_start3A_41, %dma_start3A_42] : memref<10240x32xf32, #tpu.memory_space<vmem_shared>> -> memref<10240x32xf32, #tpu.memory_space<vmem_shared>>
    tpu.enqueue_indirect_dma source(%dma_start3A_43 : memref<10240x32xf32, #tpu.memory_space<vmem_shared>>) target(%arg12 : memref<128x32xf32, #tpu.memory_space<vmem>>) offsets(%dma_start3A_40 : memref<128xi32, #tpu.memory_space<vmem>>) semaphore(%arg18 : memref<!tpu.dma_semaphore, #tpu.memory_space<semaphore_mem>>)
    %jit3A_44 = arith.constant 4 : i32
    %div3A = arith.divsi %select_n3A, %jit3A_44 : i32
    %sign3A = arith.constant 0 : i32
    %sign3A_45 = arith.cmpi sgt, %select_n3A, %sign3A : i32
    %sign3A_46 = arith.extui %sign3A_45 : i1 to i32
    %sign3A_47 = arith.constant 0 : i32
    %sign3A_48 = arith.cmpi slt, %select_n3A, %sign3A_47 : i32
    %sign3A_49 = arith.extui %sign3A_48 : i1 to i32
    %sign3A_50 = arith.subi %sign3A_46, %sign3A_49 : i32
    %sign3A_51 = arith.constant 0 : i32
    %sign3A_52 = arith.cmpi sgt, %jit3A_44, %sign3A_51 : i32
    %sign3A_53 = arith.extui %sign3A_52 : i1 to i32
    %sign3A_54 = arith.constant 0 : i32
    %sign3A_55 = arith.cmpi slt, %jit3A_44, %sign3A_54 : i32
    %sign3A_56 = arith.extui %sign3A_55 : i1 to i32
    %sign3A_57 = arith.subi %sign3A_53, %sign3A_56 : i32
    %ne3A = arith.cmpi ne, %sign3A_50, %sign3A_57 : i32
    %rem3A = arith.remsi %select_n3A, %jit3A_44 : i32
    %ne3A_58 = arith.constant 0 : i32
    %ne3A_59 = arith.cmpi ne, %rem3A, %ne3A_58 : i32
    %and3A = arith.andi %ne3A, %ne3A_59 : i1
    %sub3A = arith.constant 1 : i32
    %sub3A_60 = arith.subi %div3A, %sub3A : i32
    %select_n3A_61 = arith.select %and3A, %sub3A_60, %div3A : i32
    %while3A = arith.constant 0 : i32
    %while3A_62 = arith.constant 0 : i32
    %while3A_63 = arith.subi %select_n3A_61, %while3A_62 : i32
    %while3A_64 = arith.addi %while3A_62, %while3A_63 : i32
    %while3A_65 = arith.constant 1 : i32
    %while3A_66 = arith.divsi %while3A_63, %while3A_65 : i32
    %while3A_67 = arith.muli %while3A_66, %while3A_65 : i32
    %while3A_68 = arith.addi %while3A_62, %while3A_67 : i32
    %while3A_69 = arith.constant 1 : i32
    scf.for %while3A_76 = %while3A_62 to %while3A_68 step %while3A_69  : i32 {
      %mul3A_77 = arith.constant 4 : i32
      %mul3A_78 = arith.muli %while3A_76, %mul3A_77 : i32
      %add3A_79 = arith.constant 0 : i32
      %add3A_80 = arith.addi %mul3A_78, %add3A_79 : i32
      %dma_wait3A = arith.constant 0 : i32
      %dma_wait3A_81 = tpu.memref_slice %arg7[%add3A_80, %dma_wait3A] : memref<80x128xi32, #tpu.memory_space<vmem>> -> memref<1x128xi32, #tpu.memory_space<vmem>>
      %dma_wait3A_82 = tpu.memref_squeeze %dma_wait3A_81 : memref<1x128xi32, #tpu.memory_space<vmem>> -> memref<128xi32, #tpu.memory_space<vmem>>
      %dma_wait3A_83 = arith.constant 0 : i32
      %dma_wait3A_84 = arith.constant 0 : i32
      %dma_wait3A_85 = tpu.memref_slice %arg14[%dma_wait3A_83, %dma_wait3A_84] : memref<10240x32xf32, #tpu.memory_space<vmem_shared>> -> memref<10240x32xf32, #tpu.memory_space<vmem_shared>>
      tpu.wait_indirect_dma semaphore(%arg15 : memref<!tpu.dma_semaphore, #tpu.memory_space<semaphore_mem>>) src(%dma_wait3A_85 : memref<10240x32xf32, #tpu.memory_space<vmem_shared>>) dst(%arg9 : memref<128x32xf32, #tpu.memory_space<vmem>>)
      "tpu.region"() ({
        %run_scoped3A = tpu.sem_alloc : memref<!tpu.dma_semaphore, #tpu.memory_space<semaphore_mem>>
        %dma_start3A_131 = arith.constant 0 : i32
        %dma_start3A_132 = tpu.memref_slice %arg8[%add3A_80, %dma_start3A_131] : memref<80x128xi32, #tpu.memory_space<vmem>> -> memref<1x128xi32, #tpu.memory_space<vmem>>
        %dma_start3A_133 = tpu.memref_squeeze %dma_start3A_132 : memref<1x128xi32, #tpu.memory_space<vmem>> -> memref<128xi32, #tpu.memory_space<vmem>>
        %dma_start3A_134 = arith.constant 0 : i32
        %dma_start3A_135 = arith.constant 0 : i32
        %dma_start3A_136 = tpu.memref_slice %arg13[%dma_start3A_134, %dma_start3A_135] : memref<10240x32xf32, #tpu.memory_space<vmem_shared>> -> memref<10240x32xf32, #tpu.memory_space<vmem_shared>>
        tpu.enqueue_indirect_dma source(%arg9 : memref<128x32xf32, #tpu.memory_space<vmem>>) target(%dma_start3A_136 : memref<10240x32xf32, #tpu.memory_space<vmem_shared>>) offsets(%dma_start3A_133 : memref<128xi32, #tpu.memory_space<vmem>>) semaphore(%run_scoped3A : memref<!tpu.dma_semaphore, #tpu.memory_space<semaphore_mem>>) {add = true}
        %dma_wait3A_137 = arith.constant 0 : i32
        %dma_wait3A_138 = tpu.memref_slice %arg8[%add3A_80, %dma_wait3A_137] : memref<80x128xi32, #tpu.memory_space<vmem>> -> memref<1x128xi32, #tpu.memory_space<vmem>>
        %dma_wait3A_139 = tpu.memref_squeeze %dma_wait3A_138 : memref<1x128xi32, #tpu.memory_space<vmem>> -> memref<128xi32, #tpu.memory_space<vmem>>
        %dma_wait3A_140 = arith.constant 0 : i32
        %dma_wait3A_141 = arith.constant 0 : i32
        %dma_wait3A_142 = tpu.memref_slice %arg13[%dma_wait3A_140, %dma_wait3A_141] : memref<10240x32xf32, #tpu.memory_space<vmem_shared>> -> memref<10240x32xf32, #tpu.memory_space<vmem_shared>>
        tpu.wait_indirect_dma semaphore(%run_scoped3A : memref<!tpu.dma_semaphore, #tpu.memory_space<semaphore_mem>>) src(%arg9 : memref<128x32xf32, #tpu.memory_space<vmem>>) dst(%dma_wait3A_142 : memref<10240x32xf32, #tpu.memory_space<vmem_shared>>)
        tpu.yield
      }) : () -> ()
      %add3A_86 = arith.constant 4 : i32
      %add3A_87 = arith.addi %add3A_80, %add3A_86 : i32
      %lt3A = arith.cmpi slt, %add3A_87, %select_n3A : i32
      %convert_element_type3A = arith.extui %lt3A : i1 to i32
      %cond3A = arith.constant 0 : i32
      %cond3A_88 = arith.cmpi ne, %convert_element_type3A, %cond3A : i32
      scf.if %cond3A_88 {
        %dma_start3A_131 = arith.constant 0 : i32
        %dma_start3A_132 = tpu.memref_slice %arg7[%add3A_87, %dma_start3A_131] : memref<80x128xi32, #tpu.memory_space<vmem>> -> memref<1x128xi32, #tpu.memory_space<vmem>>
        %dma_start3A_133 = tpu.memref_squeeze %dma_start3A_132 : memref<1x128xi32, #tpu.memory_space<vmem>> -> memref<128xi32, #tpu.memory_space<vmem>>
        %dma_start3A_134 = arith.constant 0 : i32
        %dma_start3A_135 = arith.constant 0 : i32
        %dma_start3A_136 = tpu.memref_slice %arg14[%dma_start3A_134, %dma_start3A_135] : memref<10240x32xf32, #tpu.memory_space<vmem_shared>> -> memref<10240x32xf32, #tpu.memory_space<vmem_shared>>
        tpu.enqueue_indirect_dma source(%dma_start3A_136 : memref<10240x32xf32, #tpu.memory_space<vmem_shared>>) target(%arg9 : memref<128x32xf32, #tpu.memory_space<vmem>>) offsets(%dma_start3A_133 : memref<128xi32, #tpu.memory_space<vmem>>) semaphore(%arg15 : memref<!tpu.dma_semaphore, #tpu.memory_space<semaphore_mem>>)
      } else {
      }
      %add3A_89 = arith.constant 1 : i32
      %add3A_90 = arith.addi %mul3A_78, %add3A_89 : i32
      %dma_wait3A_91 = arith.constant 0 : i32
      %dma_wait3A_92 = tpu.memref_slice %arg7[%add3A_90, %dma_wait3A_91] : memref<80x128xi32, #tpu.memory_space<vmem>> -> memref<1x128xi32, #tpu.memory_space<vmem>>
      %dma_wait3A_93 = tpu.memref_squeeze %dma_wait3A_92 : memref<1x128xi32, #tpu.memory_space<vmem>> -> memref<128xi32, #tpu.memory_space<vmem>>
      %dma_wait3A_94 = arith.constant 0 : i32
      %dma_wait3A_95 = arith.constant 0 : i32
      %dma_wait3A_96 = tpu.memref_slice %arg14[%dma_wait3A_94, %dma_wait3A_95] : memref<10240x32xf32, #tpu.memory_space<vmem_shared>> -> memref<10240x32xf32, #tpu.memory_space<vmem_shared>>
      tpu.wait_indirect_dma semaphore(%arg16 : memref<!tpu.dma_semaphore, #tpu.memory_space<semaphore_mem>>) src(%dma_wait3A_96 : memref<10240x32xf32, #tpu.memory_space<vmem_shared>>) dst(%arg10 : memref<128x32xf32, #tpu.memory_space<vmem>>)
      "tpu.region"() ({
        %run_scoped3A = tpu.sem_alloc : memref<!tpu.dma_semaphore, #tpu.memory_space<semaphore_mem>>
        %dma_start3A_131 = arith.constant 0 : i32
        %dma_start3A_132 = tpu.memref_slice %arg8[%add3A_90, %dma_start3A_131] : memref<80x128xi32, #tpu.memory_space<vmem>> -> memref<1x128xi32, #tpu.memory_space<vmem>>
        %dma_start3A_133 = tpu.memref_squeeze %dma_start3A_132 : memref<1x128xi32, #tpu.memory_space<vmem>> -> memref<128xi32, #tpu.memory_space<vmem>>
        %dma_start3A_134 = arith.constant 0 : i32
        %dma_start3A_135 = arith.constant 0 : i32
        %dma_start3A_136 = tpu.memref_slice %arg13[%dma_start3A_134, %dma_start3A_135] : memref<10240x32xf32, #tpu.memory_space<vmem_shared>> -> memref<10240x32xf32, #tpu.memory_space<vmem_shared>>
        tpu.enqueue_indirect_dma source(%arg10 : memref<128x32xf32, #tpu.memory_space<vmem>>) target(%dma_start3A_136 : memref<10240x32xf32, #tpu.memory_space<vmem_shared>>) offsets(%dma_start3A_133 : memref<128xi32, #tpu.memory_space<vmem>>) semaphore(%run_scoped3A : memref<!tpu.dma_semaphore, #tpu.memory_space<semaphore_mem>>) {add = true}
        %dma_wait3A_137 = arith.constant 0 : i32
        %dma_wait3A_138 = tpu.memref_slice %arg8[%add3A_90, %dma_wait3A_137] : memref<80x128xi32, #tpu.memory_space<vmem>> -> memref<1x128xi32, #tpu.memory_space<vmem>>
        %dma_wait3A_139 = tpu.memref_squeeze %dma_wait3A_138 : memref<1x128xi32, #tpu.memory_space<vmem>> -> memref<128xi32, #tpu.memory_space<vmem>>
        %dma_wait3A_140 = arith.constant 0 : i32
        %dma_wait3A_141 = arith.constant 0 : i32
        %dma_wait3A_142 = tpu.memref_slice %arg13[%dma_wait3A_140, %dma_wait3A_141] : memref<10240x32xf32, #tpu.memory_space<vmem_shared>> -> memref<10240x32xf32, #tpu.memory_space<vmem_shared>>
        tpu.wait_indirect_dma semaphore(%run_scoped3A : memref<!tpu.dma_semaphore, #tpu.memory_space<semaphore_mem>>) src(%arg10 : memref<128x32xf32, #tpu.memory_space<vmem>>) dst(%dma_wait3A_142 : memref<10240x32xf32, #tpu.memory_space<vmem_shared>>)
        tpu.yield
      }) : () -> ()
      %add3A_97 = arith.constant 4 : i32
      %add3A_98 = arith.addi %add3A_90, %add3A_97 : i32
      %lt3A_99 = arith.cmpi slt, %add3A_98, %select_n3A : i32
      %convert_element_type3A_100 = arith.extui %lt3A_99 : i1 to i32
      %cond3A_101 = arith.constant 0 : i32
      %cond3A_102 = arith.cmpi ne, %convert_element_type3A_100, %cond3A_101 : i32
      scf.if %cond3A_102 {
        %dma_start3A_131 = arith.constant 0 : i32
        %dma_start3A_132 = tpu.memref_slice %arg7[%add3A_98, %dma_start3A_131] : memref<80x128xi32, #tpu.memory_space<vmem>> -> memref<1x128xi32, #tpu.memory_space<vmem>>
        %dma_start3A_133 = tpu.memref_squeeze %dma_start3A_132 : memref<1x128xi32, #tpu.memory_space<vmem>> -> memref<128xi32, #tpu.memory_space<vmem>>
        %dma_start3A_134 = arith.constant 0 : i32
        %dma_start3A_135 = arith.constant 0 : i32
        %dma_start3A_136 = tpu.memref_slice %arg14[%dma_start3A_134, %dma_start3A_135] : memref<10240x32xf32, #tpu.memory_space<vmem_shared>> -> memref<10240x32xf32, #tpu.memory_space<vmem_shared>>
        tpu.enqueue_indirect_dma source(%dma_start3A_136 : memref<10240x32xf32, #tpu.memory_space<vmem_shared>>) target(%arg10 : memref<128x32xf32, #tpu.memory_space<vmem>>) offsets(%dma_start3A_133 : memref<128xi32, #tpu.memory_space<vmem>>) semaphore(%arg16 : memref<!tpu.dma_semaphore, #tpu.memory_space<semaphore_mem>>)
      } else {
      }
      %add3A_103 = arith.constant 2 : i32
      %add3A_104 = arith.addi %mul3A_78, %add3A_103 : i32
      %dma_wait3A_105 = arith.constant 0 : i32
      %dma_wait3A_106 = tpu.memref_slice %arg7[%add3A_104, %dma_wait3A_105] : memref<80x128xi32, #tpu.memory_space<vmem>> -> memref<1x128xi32, #tpu.memory_space<vmem>>
      %dma_wait3A_107 = tpu.memref_squeeze %dma_wait3A_106 : memref<1x128xi32, #tpu.memory_space<vmem>> -> memref<128xi32, #tpu.memory_space<vmem>>
      %dma_wait3A_108 = arith.constant 0 : i32
      %dma_wait3A_109 = arith.constant 0 : i32
      %dma_wait3A_110 = tpu.memref_slice %arg14[%dma_wait3A_108, %dma_wait3A_109] : memref<10240x32xf32, #tpu.memory_space<vmem_shared>> -> memref<10240x32xf32, #tpu.memory_space<vmem_shared>>
      tpu.wait_indirect_dma semaphore(%arg17 : memref<!tpu.dma_semaphore, #tpu.memory_space<semaphore_mem>>) src(%dma_wait3A_110 : memref<10240x32xf32, #tpu.memory_space<vmem_shared>>) dst(%arg11 : memref<128x32xf32, #tpu.memory_space<vmem>>)
      "tpu.region"() ({
        %run_scoped3A = tpu.sem_alloc : memref<!tpu.dma_semaphore, #tpu.memory_space<semaphore_mem>>
        %dma_start3A_131 = arith.constant 0 : i32
        %dma_start3A_132 = tpu.memref_slice %arg8[%add3A_104, %dma_start3A_131] : memref<80x128xi32, #tpu.memory_space<vmem>> -> memref<1x128xi32, #tpu.memory_space<vmem>>
        %dma_start3A_133 = tpu.memref_squeeze %dma_start3A_132 : memref<1x128xi32, #tpu.memory_space<vmem>> -> memref<128xi32, #tpu.memory_space<vmem>>
        %dma_start3A_134 = arith.constant 0 : i32
        %dma_start3A_135 = arith.constant 0 : i32
        %dma_start3A_136 = tpu.memref_slice %arg13[%dma_start3A_134, %dma_start3A_135] : memref<10240x32xf32, #tpu.memory_space<vmem_shared>> -> memref<10240x32xf32, #tpu.memory_space<vmem_shared>>
        tpu.enqueue_indirect_dma source(%arg11 : memref<128x32xf32, #tpu.memory_space<vmem>>) target(%dma_start3A_136 : memref<10240x32xf32, #tpu.memory_space<vmem_shared>>) offsets(%dma_start3A_133 : memref<128xi32, #tpu.memory_space<vmem>>) semaphore(%run_scoped3A : memref<!tpu.dma_semaphore, #tpu.memory_space<semaphore_mem>>) {add = true}
        %dma_wait3A_137 = arith.constant 0 : i32
        %dma_wait3A_138 = tpu.memref_slice %arg8[%add3A_104, %dma_wait3A_137] : memref<80x128xi32, #tpu.memory_space<vmem>> -> memref<1x128xi32, #tpu.memory_space<vmem>>
        %dma_wait3A_139 = tpu.memref_squeeze %dma_wait3A_138 : memref<1x128xi32, #tpu.memory_space<vmem>> -> memref<128xi32, #tpu.memory_space<vmem>>
        %dma_wait3A_140 = arith.constant 0 : i32
        %dma_wait3A_141 = arith.constant 0 : i32
        %dma_wait3A_142 = tpu.memref_slice %arg13[%dma_wait3A_140, %dma_wait3A_141] : memref<10240x32xf32, #tpu.memory_space<vmem_shared>> -> memref<10240x32xf32, #tpu.memory_space<vmem_shared>>
        tpu.wait_indirect_dma semaphore(%run_scoped3A : memref<!tpu.dma_semaphore, #tpu.memory_space<semaphore_mem>>) src(%arg11 : memref<128x32xf32, #tpu.memory_space<vmem>>) dst(%dma_wait3A_142 : memref<10240x32xf32, #tpu.memory_space<vmem_shared>>)
        tpu.yield
      }) : () -> ()
      %add3A_111 = arith.constant 4 : i32
      %add3A_112 = arith.addi %add3A_104, %add3A_111 : i32
      %lt3A_113 = arith.cmpi slt, %add3A_112, %select_n3A : i32
      %convert_element_type3A_114 = arith.extui %lt3A_113 : i1 to i32
      %cond3A_115 = arith.constant 0 : i32
      %cond3A_116 = arith.cmpi ne, %convert_element_type3A_114, %cond3A_115 : i32
      scf.if %cond3A_116 {
        %dma_start3A_131 = arith.constant 0 : i32
        %dma_start3A_132 = tpu.memref_slice %arg7[%add3A_112, %dma_start3A_131] : memref<80x128xi32, #tpu.memory_space<vmem>> -> memref<1x128xi32, #tpu.memory_space<vmem>>
        %dma_start3A_133 = tpu.memref_squeeze %dma_start3A_132 : memref<1x128xi32, #tpu.memory_space<vmem>> -> memref<128xi32, #tpu.memory_space<vmem>>
        %dma_start3A_134 = arith.constant 0 : i32
        %dma_start3A_135 = arith.constant 0 : i32
        %dma_start3A_136 = tpu.memref_slice %arg14[%dma_start3A_134, %dma_start3A_135] : memref<10240x32xf32, #tpu.memory_space<vmem_shared>> -> memref<10240x32xf32, #tpu.memory_space<vmem_shared>>
        tpu.enqueue_indirect_dma source(%dma_start3A_136 : memref<10240x32xf32, #tpu.memory_space<vmem_shared>>) target(%arg11 : memref<128x32xf32, #tpu.memory_space<vmem>>) offsets(%dma_start3A_133 : memref<128xi32, #tpu.memory_space<vmem>>) semaphore(%arg17 : memref<!tpu.dma_semaphore, #tpu.memory_space<semaphore_mem>>)
      } else {
      }
      %add3A_117 = arith.constant 3 : i32
      %add3A_118 = arith.addi %mul3A_78, %add3A_117 : i32
      %dma_wait3A_119 = arith.constant 0 : i32
      %dma_wait3A_120 = tpu.memref_slice %arg7[%add3A_118, %dma_wait3A_119] : memref<80x128xi32, #tpu.memory_space<vmem>> -> memref<1x128xi32, #tpu.memory_space<vmem>>
      %dma_wait3A_121 = tpu.memref_squeeze %dma_wait3A_120 : memref<1x128xi32, #tpu.memory_space<vmem>> -> memref<128xi32, #tpu.memory_space<vmem>>
      %dma_wait3A_122 = arith.constant 0 : i32
      %dma_wait3A_123 = arith.constant 0 : i32
      %dma_wait3A_124 = tpu.memref_slice %arg14[%dma_wait3A_122, %dma_wait3A_123] : memref<10240x32xf32, #tpu.memory_space<vmem_shared>> -> memref<10240x32xf32, #tpu.memory_space<vmem_shared>>
      tpu.wait_indirect_dma semaphore(%arg18 : memref<!tpu.dma_semaphore, #tpu.memory_space<semaphore_mem>>) src(%dma_wait3A_124 : memref<10240x32xf32, #tpu.memory_space<vmem_shared>>) dst(%arg12 : memref<128x32xf32, #tpu.memory_space<vmem>>)
      "tpu.region"() ({
        %run_scoped3A = tpu.sem_alloc : memref<!tpu.dma_semaphore, #tpu.memory_space<semaphore_mem>>
        %dma_start3A_131 = arith.constant 0 : i32
        %dma_start3A_132 = tpu.memref_slice %arg8[%add3A_118, %dma_start3A_131] : memref<80x128xi32, #tpu.memory_space<vmem>> -> memref<1x128xi32, #tpu.memory_space<vmem>>
        %dma_start3A_133 = tpu.memref_squeeze %dma_start3A_132 : memref<1x128xi32, #tpu.memory_space<vmem>> -> memref<128xi32, #tpu.memory_space<vmem>>
        %dma_start3A_134 = arith.constant 0 : i32
        %dma_start3A_135 = arith.constant 0 : i32
        %dma_start3A_136 = tpu.memref_slice %arg13[%dma_start3A_134, %dma_start3A_135] : memref<10240x32xf32, #tpu.memory_space<vmem_shared>> -> memref<10240x32xf32, #tpu.memory_space<vmem_shared>>
        tpu.enqueue_indirect_dma source(%arg12 : memref<128x32xf32, #tpu.memory_space<vmem>>) target(%dma_start3A_136 : memref<10240x32xf32, #tpu.memory_space<vmem_shared>>) offsets(%dma_start3A_133 : memref<128xi32, #tpu.memory_space<vmem>>) semaphore(%run_scoped3A : memref<!tpu.dma_semaphore, #tpu.memory_space<semaphore_mem>>) {add = true}
        %dma_wait3A_137 = arith.constant 0 : i32
        %dma_wait3A_138 = tpu.memref_slice %arg8[%add3A_118, %dma_wait3A_137] : memref<80x128xi32, #tpu.memory_space<vmem>> -> memref<1x128xi32, #tpu.memory_space<vmem>>
        %dma_wait3A_139 = tpu.memref_squeeze %dma_wait3A_138 : memref<1x128xi32, #tpu.memory_space<vmem>> -> memref<128xi32, #tpu.memory_space<vmem>>
        %dma_wait3A_140 = arith.constant 0 : i32
        %dma_wait3A_141 = arith.constant 0 : i32
        %dma_wait3A_142 = tpu.memref_slice %arg13[%dma_wait3A_140, %dma_wait3A_141] : memref<10240x32xf32, #tpu.memory_space<vmem_shared>> -> memref<10240x32xf32, #tpu.memory_space<vmem_shared>>
        tpu.wait_indirect_dma semaphore(%run_scoped3A : memref<!tpu.dma_semaphore, #tpu.memory_space<semaphore_mem>>) src(%arg12 : memref<128x32xf32, #tpu.memory_space<vmem>>) dst(%dma_wait3A_142 : memref<10240x32xf32, #tpu.memory_space<vmem_shared>>)
        tpu.yield
      }) : () -> ()
      %add3A_125 = arith.constant 4 : i32
      %add3A_126 = arith.addi %add3A_118, %add3A_125 : i32
      %lt3A_127 = arith.cmpi slt, %add3A_126, %select_n3A : i32
      %convert_element_type3A_128 = arith.extui %lt3A_127 : i1 to i32
      %cond3A_129 = arith.constant 0 : i32
      %cond3A_130 = arith.cmpi ne, %convert_element_type3A_128, %cond3A_129 : i32
      scf.if %cond3A_130 {
        %dma_start3A_131 = arith.constant 0 : i32
        %dma_start3A_132 = tpu.memref_slice %arg7[%add3A_126, %dma_start3A_131] : memref<80x128xi32, #tpu.memory_space<vmem>> -> memref<1x128xi32, #tpu.memory_space<vmem>>
        %dma_start3A_133 = tpu.memref_squeeze %dma_start3A_132 : memref<1x128xi32, #tpu.memory_space<vmem>> -> memref<128xi32, #tpu.memory_space<vmem>>
        %dma_start3A_134 = arith.constant 0 : i32
        %dma_start3A_135 = arith.constant 0 : i32
        %dma_start3A_136 = tpu.memref_slice %arg14[%dma_start3A_134, %dma_start3A_135] : memref<10240x32xf32, #tpu.memory_space<vmem_shared>> -> memref<10240x32xf32, #tpu.memory_space<vmem_shared>>
        tpu.enqueue_indirect_dma source(%dma_start3A_136 : memref<10240x32xf32, #tpu.memory_space<vmem_shared>>) target(%arg12 : memref<128x32xf32, #tpu.memory_space<vmem>>) offsets(%dma_start3A_133 : memref<128xi32, #tpu.memory_space<vmem>>) semaphore(%arg18 : memref<!tpu.dma_semaphore, #tpu.memory_space<semaphore_mem>>)
      } else {
      }
    }
    %while3A_70 = arith.constant 1 : i32
    scf.for %while3A_76 = %while3A_68 to %while3A_64 step %while3A_70  : i32 {
      %mul3A_77 = arith.constant 4 : i32
      %mul3A_78 = arith.muli %while3A_76, %mul3A_77 : i32
      %add3A_79 = arith.constant 0 : i32
      %add3A_80 = arith.addi %mul3A_78, %add3A_79 : i32
      %dma_wait3A = arith.constant 0 : i32
      %dma_wait3A_81 = tpu.memref_slice %arg7[%add3A_80, %dma_wait3A] : memref<80x128xi32, #tpu.memory_space<vmem>> -> memref<1x128xi32, #tpu.memory_space<vmem>>
      %dma_wait3A_82 = tpu.memref_squeeze %dma_wait3A_81 : memref<1x128xi32, #tpu.memory_space<vmem>> -> memref<128xi32, #tpu.memory_space<vmem>>
      %dma_wait3A_83 = arith.constant 0 : i32
      %dma_wait3A_84 = arith.constant 0 : i32
      %dma_wait3A_85 = tpu.memref_slice %arg14[%dma_wait3A_83, %dma_wait3A_84] : memref<10240x32xf32, #tpu.memory_space<vmem_shared>> -> memref<10240x32xf32, #tpu.memory_space<vmem_shared>>
      tpu.wait_indirect_dma semaphore(%arg15 : memref<!tpu.dma_semaphore, #tpu.memory_space<semaphore_mem>>) src(%dma_wait3A_85 : memref<10240x32xf32, #tpu.memory_space<vmem_shared>>) dst(%arg9 : memref<128x32xf32, #tpu.memory_space<vmem>>)
      "tpu.region"() ({
        %run_scoped3A = tpu.sem_alloc : memref<!tpu.dma_semaphore, #tpu.memory_space<semaphore_mem>>
        %dma_start3A_131 = arith.constant 0 : i32
        %dma_start3A_132 = tpu.memref_slice %arg8[%add3A_80, %dma_start3A_131] : memref<80x128xi32, #tpu.memory_space<vmem>> -> memref<1x128xi32, #tpu.memory_space<vmem>>
        %dma_start3A_133 = tpu.memref_squeeze %dma_start3A_132 : memref<1x128xi32, #tpu.memory_space<vmem>> -> memref<128xi32, #tpu.memory_space<vmem>>
        %dma_start3A_134 = arith.constant 0 : i32
        %dma_start3A_135 = arith.constant 0 : i32
        %dma_start3A_136 = tpu.memref_slice %arg13[%dma_start3A_134, %dma_start3A_135] : memref<10240x32xf32, #tpu.memory_space<vmem_shared>> -> memref<10240x32xf32, #tpu.memory_space<vmem_shared>>
        tpu.enqueue_indirect_dma source(%arg9 : memref<128x32xf32, #tpu.memory_space<vmem>>) target(%dma_start3A_136 : memref<10240x32xf32, #tpu.memory_space<vmem_shared>>) offsets(%dma_start3A_133 : memref<128xi32, #tpu.memory_space<vmem>>) semaphore(%run_scoped3A : memref<!tpu.dma_semaphore, #tpu.memory_space<semaphore_mem>>) {add = true}
        %dma_wait3A_137 = arith.constant 0 : i32
        %dma_wait3A_138 = tpu.memref_slice %arg8[%add3A_80, %dma_wait3A_137] : memref<80x128xi32, #tpu.memory_space<vmem>> -> memref<1x128xi32, #tpu.memory_space<vmem>>
        %dma_wait3A_139 = tpu.memref_squeeze %dma_wait3A_138 : memref<1x128xi32, #tpu.memory_space<vmem>> -> memref<128xi32, #tpu.memory_space<vmem>>
        %dma_wait3A_140 = arith.constant 0 : i32
        %dma_wait3A_141 = arith.constant 0 : i32
        %dma_wait3A_142 = tpu.memref_slice %arg13[%dma_wait3A_140, %dma_wait3A_141] : memref<10240x32xf32, #tpu.memory_space<vmem_shared>> -> memref<10240x32xf32, #tpu.memory_space<vmem_shared>>
        tpu.wait_indirect_dma semaphore(%run_scoped3A : memref<!tpu.dma_semaphore, #tpu.memory_space<semaphore_mem>>) src(%arg9 : memref<128x32xf32, #tpu.memory_space<vmem>>) dst(%dma_wait3A_142 : memref<10240x32xf32, #tpu.memory_space<vmem_shared>>)
        tpu.yield
      }) : () -> ()
      %add3A_86 = arith.constant 4 : i32
      %add3A_87 = arith.addi %add3A_80, %add3A_86 : i32
      %lt3A = arith.cmpi slt, %add3A_87, %select_n3A : i32
      %convert_element_type3A = arith.extui %lt3A : i1 to i32
      %cond3A = arith.constant 0 : i32
      %cond3A_88 = arith.cmpi ne, %convert_element_type3A, %cond3A : i32
      scf.if %cond3A_88 {
        %dma_start3A_131 = arith.constant 0 : i32
        %dma_start3A_132 = tpu.memref_slice %arg7[%add3A_87, %dma_start3A_131] : memref<80x128xi32, #tpu.memory_space<vmem>> -> memref<1x128xi32, #tpu.memory_space<vmem>>
        %dma_start3A_133 = tpu.memref_squeeze %dma_start3A_132 : memref<1x128xi32, #tpu.memory_space<vmem>> -> memref<128xi32, #tpu.memory_space<vmem>>
        %dma_start3A_134 = arith.constant 0 : i32
        %dma_start3A_135 = arith.constant 0 : i32
        %dma_start3A_136 = tpu.memref_slice %arg14[%dma_start3A_134, %dma_start3A_135] : memref<10240x32xf32, #tpu.memory_space<vmem_shared>> -> memref<10240x32xf32, #tpu.memory_space<vmem_shared>>
        tpu.enqueue_indirect_dma source(%dma_start3A_136 : memref<10240x32xf32, #tpu.memory_space<vmem_shared>>) target(%arg9 : memref<128x32xf32, #tpu.memory_space<vmem>>) offsets(%dma_start3A_133 : memref<128xi32, #tpu.memory_space<vmem>>) semaphore(%arg15 : memref<!tpu.dma_semaphore, #tpu.memory_space<semaphore_mem>>)
      } else {
      }
      %add3A_89 = arith.constant 1 : i32
      %add3A_90 = arith.addi %mul3A_78, %add3A_89 : i32
      %dma_wait3A_91 = arith.constant 0 : i32
      %dma_wait3A_92 = tpu.memref_slice %arg7[%add3A_90, %dma_wait3A_91] : memref<80x128xi32, #tpu.memory_space<vmem>> -> memref<1x128xi32, #tpu.memory_space<vmem>>
      %dma_wait3A_93 = tpu.memref_squeeze %dma_wait3A_92 : memref<1x128xi32, #tpu.memory_space<vmem>> -> memref<128xi32, #tpu.memory_space<vmem>>
      %dma_wait3A_94 = arith.constant 0 : i32
      %dma_wait3A_95 = arith.constant 0 : i32
      %dma_wait3A_96 = tpu.memref_slice %arg14[%dma_wait3A_94, %dma_wait3A_95] : memref<10240x32xf32, #tpu.memory_space<vmem_shared>> -> memref<10240x32xf32, #tpu.memory_space<vmem_shared>>
      tpu.wait_indirect_dma semaphore(%arg16 : memref<!tpu.dma_semaphore, #tpu.memory_space<semaphore_mem>>) src(%dma_wait3A_96 : memref<10240x32xf32, #tpu.memory_space<vmem_shared>>) dst(%arg10 : memref<128x32xf32, #tpu.memory_space<vmem>>)
      "tpu.region"() ({
        %run_scoped3A = tpu.sem_alloc : memref<!tpu.dma_semaphore, #tpu.memory_space<semaphore_mem>>
        %dma_start3A_131 = arith.constant 0 : i32
        %dma_start3A_132 = tpu.memref_slice %arg8[%add3A_90, %dma_start3A_131] : memref<80x128xi32, #tpu.memory_space<vmem>> -> memref<1x128xi32, #tpu.memory_space<vmem>>
        %dma_start3A_133 = tpu.memref_squeeze %dma_start3A_132 : memref<1x128xi32, #tpu.memory_space<vmem>> -> memref<128xi32, #tpu.memory_space<vmem>>
        %dma_start3A_134 = arith.constant 0 : i32
        %dma_start3A_135 = arith.constant 0 : i32
        %dma_start3A_136 = tpu.memref_slice %arg13[%dma_start3A_134, %dma_start3A_135] : memref<10240x32xf32, #tpu.memory_space<vmem_shared>> -> memref<10240x32xf32, #tpu.memory_space<vmem_shared>>
        tpu.enqueue_indirect_dma source(%arg10 : memref<128x32xf32, #tpu.memory_space<vmem>>) target(%dma_start3A_136 : memref<10240x32xf32, #tpu.memory_space<vmem_shared>>) offsets(%dma_start3A_133 : memref<128xi32, #tpu.memory_space<vmem>>) semaphore(%run_scoped3A : memref<!tpu.dma_semaphore, #tpu.memory_space<semaphore_mem>>) {add = true}
        %dma_wait3A_137 = arith.constant 0 : i32
        %dma_wait3A_138 = tpu.memref_slice %arg8[%add3A_90, %dma_wait3A_137] : memref<80x128xi32, #tpu.memory_space<vmem>> -> memref<1x128xi32, #tpu.memory_space<vmem>>
        %dma_wait3A_139 = tpu.memref_squeeze %dma_wait3A_138 : memref<1x128xi32, #tpu.memory_space<vmem>> -> memref<128xi32, #tpu.memory_space<vmem>>
        %dma_wait3A_140 = arith.constant 0 : i32
        %dma_wait3A_141 = arith.constant 0 : i32
        %dma_wait3A_142 = tpu.memref_slice %arg13[%dma_wait3A_140, %dma_wait3A_141] : memref<10240x32xf32, #tpu.memory_space<vmem_shared>> -> memref<10240x32xf32, #tpu.memory_space<vmem_shared>>
        tpu.wait_indirect_dma semaphore(%run_scoped3A : memref<!tpu.dma_semaphore, #tpu.memory_space<semaphore_mem>>) src(%arg10 : memref<128x32xf32, #tpu.memory_space<vmem>>) dst(%dma_wait3A_142 : memref<10240x32xf32, #tpu.memory_space<vmem_shared>>)
        tpu.yield
      }) : () -> ()
      %add3A_97 = arith.constant 4 : i32
      %add3A_98 = arith.addi %add3A_90, %add3A_97 : i32
      %lt3A_99 = arith.cmpi slt, %add3A_98, %select_n3A : i32
      %convert_element_type3A_100 = arith.extui %lt3A_99 : i1 to i32
      %cond3A_101 = arith.constant 0 : i32
      %cond3A_102 = arith.cmpi ne, %convert_element_type3A_100, %cond3A_101 : i32
      scf.if %cond3A_102 {
        %dma_start3A_131 = arith.constant 0 : i32
        %dma_start3A_132 = tpu.memref_slice %arg7[%add3A_98, %dma_start3A_131] : memref<80x128xi32, #tpu.memory_space<vmem>> -> memref<1x128xi32, #tpu.memory_space<vmem>>
        %dma_start3A_133 = tpu.memref_squeeze %dma_start3A_132 : memref<1x128xi32, #tpu.memory_space<vmem>> -> memref<128xi32, #tpu.memory_space<vmem>>
        %dma_start3A_134 = arith.constant 0 : i32
        %dma_start3A_135 = arith.constant 0 : i32
        %dma_start3A_136 = tpu.memref_slice %arg14[%dma_start3A_134, %dma_start3A_135] : memref<10240x32xf32, #tpu.memory_space<vmem_shared>> -> memref<10240x32xf32, #tpu.memory_space<vmem_shared>>
        tpu.enqueue_indirect_dma source(%dma_start3A_136 : memref<10240x32xf32, #tpu.memory_space<vmem_shared>>) target(%arg10 : memref<128x32xf32, #tpu.memory_space<vmem>>) offsets(%dma_start3A_133 : memref<128xi32, #tpu.memory_space<vmem>>) semaphore(%arg16 : memref<!tpu.dma_semaphore, #tpu.memory_space<semaphore_mem>>)
      } else {
      }
      %add3A_103 = arith.constant 2 : i32
      %add3A_104 = arith.addi %mul3A_78, %add3A_103 : i32
      %dma_wait3A_105 = arith.constant 0 : i32
      %dma_wait3A_106 = tpu.memref_slice %arg7[%add3A_104, %dma_wait3A_105] : memref<80x128xi32, #tpu.memory_space<vmem>> -> memref<1x128xi32, #tpu.memory_space<vmem>>
      %dma_wait3A_107 = tpu.memref_squeeze %dma_wait3A_106 : memref<1x128xi32, #tpu.memory_space<vmem>> -> memref<128xi32, #tpu.memory_space<vmem>>
      %dma_wait3A_108 = arith.constant 0 : i32
      %dma_wait3A_109 = arith.constant 0 : i32
      %dma_wait3A_110 = tpu.memref_slice %arg14[%dma_wait3A_108, %dma_wait3A_109] : memref<10240x32xf32, #tpu.memory_space<vmem_shared>> -> memref<10240x32xf32, #tpu.memory_space<vmem_shared>>
      tpu.wait_indirect_dma semaphore(%arg17 : memref<!tpu.dma_semaphore, #tpu.memory_space<semaphore_mem>>) src(%dma_wait3A_110 : memref<10240x32xf32, #tpu.memory_space<vmem_shared>>) dst(%arg11 : memref<128x32xf32, #tpu.memory_space<vmem>>)
      "tpu.region"() ({
        %run_scoped3A = tpu.sem_alloc : memref<!tpu.dma_semaphore, #tpu.memory_space<semaphore_mem>>
        %dma_start3A_131 = arith.constant 0 : i32
        %dma_start3A_132 = tpu.memref_slice %arg8[%add3A_104, %dma_start3A_131] : memref<80x128xi32, #tpu.memory_space<vmem>> -> memref<1x128xi32, #tpu.memory_space<vmem>>
        %dma_start3A_133 = tpu.memref_squeeze %dma_start3A_132 : memref<1x128xi32, #tpu.memory_space<vmem>> -> memref<128xi32, #tpu.memory_space<vmem>>
        %dma_start3A_134 = arith.constant 0 : i32
        %dma_start3A_135 = arith.constant 0 : i32
        %dma_start3A_136 = tpu.memref_slice %arg13[%dma_start3A_134, %dma_start3A_135] : memref<10240x32xf32, #tpu.memory_space<vmem_shared>> -> memref<10240x32xf32, #tpu.memory_space<vmem_shared>>
        tpu.enqueue_indirect_dma source(%arg11 : memref<128x32xf32, #tpu.memory_space<vmem>>) target(%dma_start3A_136 : memref<10240x32xf32, #tpu.memory_space<vmem_shared>>) offsets(%dma_start3A_133 : memref<128xi32, #tpu.memory_space<vmem>>) semaphore(%run_scoped3A : memref<!tpu.dma_semaphore, #tpu.memory_space<semaphore_mem>>) {add = true}
        %dma_wait3A_137 = arith.constant 0 : i32
        %dma_wait3A_138 = tpu.memref_slice %arg8[%add3A_104, %dma_wait3A_137] : memref<80x128xi32, #tpu.memory_space<vmem>> -> memref<1x128xi32, #tpu.memory_space<vmem>>
        %dma_wait3A_139 = tpu.memref_squeeze %dma_wait3A_138 : memref<1x128xi32, #tpu.memory_space<vmem>> -> memref<128xi32, #tpu.memory_space<vmem>>
        %dma_wait3A_140 = arith.constant 0 : i32
        %dma_wait3A_141 = arith.constant 0 : i32
        %dma_wait3A_142 = tpu.memref_slice %arg13[%dma_wait3A_140, %dma_wait3A_141] : memref<10240x32xf32, #tpu.memory_space<vmem_shared>> -> memref<10240x32xf32, #tpu.memory_space<vmem_shared>>
        tpu.wait_indirect_dma semaphore(%run_scoped3A : memref<!tpu.dma_semaphore, #tpu.memory_space<semaphore_mem>>) src(%arg11 : memref<128x32xf32, #tpu.memory_space<vmem>>) dst(%dma_wait3A_142 : memref<10240x32xf32, #tpu.memory_space<vmem_shared>>)
        tpu.yield
      }) : () -> ()
      %add3A_111 = arith.constant 4 : i32
      %add3A_112 = arith.addi %add3A_104, %add3A_111 : i32
      %lt3A_113 = arith.cmpi slt, %add3A_112, %select_n3A : i32
      %convert_element_type3A_114 = arith.extui %lt3A_113 : i1 to i32
      %cond3A_115 = arith.constant 0 : i32
      %cond3A_116 = arith.cmpi ne, %convert_element_type3A_114, %cond3A_115 : i32
      scf.if %cond3A_116 {
        %dma_start3A_131 = arith.constant 0 : i32
        %dma_start3A_132 = tpu.memref_slice %arg7[%add3A_112, %dma_start3A_131] : memref<80x128xi32, #tpu.memory_space<vmem>> -> memref<1x128xi32, #tpu.memory_space<vmem>>
        %dma_start3A_133 = tpu.memref_squeeze %dma_start3A_132 : memref<1x128xi32, #tpu.memory_space<vmem>> -> memref<128xi32, #tpu.memory_space<vmem>>
        %dma_start3A_134 = arith.constant 0 : i32
        %dma_start3A_135 = arith.constant 0 : i32
        %dma_start3A_136 = tpu.memref_slice %arg14[%dma_start3A_134, %dma_start3A_135] : memref<10240x32xf32, #tpu.memory_space<vmem_shared>> -> memref<10240x32xf32, #tpu.memory_space<vmem_shared>>
        tpu.enqueue_indirect_dma source(%dma_start3A_136 : memref<10240x32xf32, #tpu.memory_space<vmem_shared>>) target(%arg11 : memref<128x32xf32, #tpu.memory_space<vmem>>) offsets(%dma_start3A_133 : memref<128xi32, #tpu.memory_space<vmem>>) semaphore(%arg17 : memref<!tpu.dma_semaphore, #tpu.memory_space<semaphore_mem>>)
      } else {
      }
      %add3A_117 = arith.constant 3 : i32
      %add3A_118 = arith.addi %mul3A_78, %add3A_117 : i32
      %dma_wait3A_119 = arith.constant 0 : i32
      %dma_wait3A_120 = tpu.memref_slice %arg7[%add3A_118, %dma_wait3A_119] : memref<80x128xi32, #tpu.memory_space<vmem>> -> memref<1x128xi32, #tpu.memory_space<vmem>>
      %dma_wait3A_121 = tpu.memref_squeeze %dma_wait3A_120 : memref<1x128xi32, #tpu.memory_space<vmem>> -> memref<128xi32, #tpu.memory_space<vmem>>
      %dma_wait3A_122 = arith.constant 0 : i32
      %dma_wait3A_123 = arith.constant 0 : i32
      %dma_wait3A_124 = tpu.memref_slice %arg14[%dma_wait3A_122, %dma_wait3A_123] : memref<10240x32xf32, #tpu.memory_space<vmem_shared>> -> memref<10240x32xf32, #tpu.memory_space<vmem_shared>>
      tpu.wait_indirect_dma semaphore(%arg18 : memref<!tpu.dma_semaphore, #tpu.memory_space<semaphore_mem>>) src(%dma_wait3A_124 : memref<10240x32xf32, #tpu.memory_space<vmem_shared>>) dst(%arg12 : memref<128x32xf32, #tpu.memory_space<vmem>>)
      "tpu.region"() ({
        %run_scoped3A = tpu.sem_alloc : memref<!tpu.dma_semaphore, #tpu.memory_space<semaphore_mem>>
        %dma_start3A_131 = arith.constant 0 : i32
        %dma_start3A_132 = tpu.memref_slice %arg8[%add3A_118, %dma_start3A_131] : memref<80x128xi32, #tpu.memory_space<vmem>> -> memref<1x128xi32, #tpu.memory_space<vmem>>
        %dma_start3A_133 = tpu.memref_squeeze %dma_start3A_132 : memref<1x128xi32, #tpu.memory_space<vmem>> -> memref<128xi32, #tpu.memory_space<vmem>>
        %dma_start3A_134 = arith.constant 0 : i32
        %dma_start3A_135 = arith.constant 0 : i32
        %dma_start3A_136 = tpu.memref_slice %arg13[%dma_start3A_134, %dma_start3A_135] : memref<10240x32xf32, #tpu.memory_space<vmem_shared>> -> memref<10240x32xf32, #tpu.memory_space<vmem_shared>>
        tpu.enqueue_indirect_dma source(%arg12 : memref<128x32xf32, #tpu.memory_space<vmem>>) target(%dma_start3A_136 : memref<10240x32xf32, #tpu.memory_space<vmem_shared>>) offsets(%dma_start3A_133 : memref<128xi32, #tpu.memory_space<vmem>>) semaphore(%run_scoped3A : memref<!tpu.dma_semaphore, #tpu.memory_space<semaphore_mem>>) {add = true}
        %dma_wait3A_137 = arith.constant 0 : i32
        %dma_wait3A_138 = tpu.memref_slice %arg8[%add3A_118, %dma_wait3A_137] : memref<80x128xi32, #tpu.memory_space<vmem>> -> memref<1x128xi32, #tpu.memory_space<vmem>>
        %dma_wait3A_139 = tpu.memref_squeeze %dma_wait3A_138 : memref<1x128xi32, #tpu.memory_space<vmem>> -> memref<128xi32, #tpu.memory_space<vmem>>
        %dma_wait3A_140 = arith.constant 0 : i32
        %dma_wait3A_141 = arith.constant 0 : i32
        %dma_wait3A_142 = tpu.memref_slice %arg13[%dma_wait3A_140, %dma_wait3A_141] : memref<10240x32xf32, #tpu.memory_space<vmem_shared>> -> memref<10240x32xf32, #tpu.memory_space<vmem_shared>>
        tpu.wait_indirect_dma semaphore(%run_scoped3A : memref<!tpu.dma_semaphore, #tpu.memory_space<semaphore_mem>>) src(%arg12 : memref<128x32xf32, #tpu.memory_space<vmem>>) dst(%dma_wait3A_142 : memref<10240x32xf32, #tpu.memory_space<vmem_shared>>)
        tpu.yield
      }) : () -> ()
      %add3A_125 = arith.constant 4 : i32
      %add3A_126 = arith.addi %add3A_118, %add3A_125 : i32
      %lt3A_127 = arith.cmpi slt, %add3A_126, %select_n3A : i32
      %convert_element_type3A_128 = arith.extui %lt3A_127 : i1 to i32
      %cond3A_129 = arith.constant 0 : i32
      %cond3A_130 = arith.cmpi ne, %convert_element_type3A_128, %cond3A_129 : i32
      scf.if %cond3A_130 {
        %dma_start3A_131 = arith.constant 0 : i32
        %dma_start3A_132 = tpu.memref_slice %arg7[%add3A_126, %dma_start3A_131] : memref<80x128xi32, #tpu.memory_space<vmem>> -> memref<1x128xi32, #tpu.memory_space<vmem>>
        %dma_start3A_133 = tpu.memref_squeeze %dma_start3A_132 : memref<1x128xi32, #tpu.memory_space<vmem>> -> memref<128xi32, #tpu.memory_space<vmem>>
        %dma_start3A_134 = arith.constant 0 : i32
        %dma_start3A_135 = arith.constant 0 : i32
        %dma_start3A_136 = tpu.memref_slice %arg14[%dma_start3A_134, %dma_start3A_135] : memref<10240x32xf32, #tpu.memory_space<vmem_shared>> -> memref<10240x32xf32, #tpu.memory_space<vmem_shared>>
        tpu.enqueue_indirect_dma source(%dma_start3A_136 : memref<10240x32xf32, #tpu.memory_space<vmem_shared>>) target(%arg12 : memref<128x32xf32, #tpu.memory_space<vmem>>) offsets(%dma_start3A_133 : memref<128xi32, #tpu.memory_space<vmem>>) semaphore(%arg18 : memref<!tpu.dma_semaphore, #tpu.memory_space<semaphore_mem>>)
      } else {
      }
    }
    %barrier3A_71 = arith.constant 0 : index
    tpu.barrier barrier_id(%barrier3A_71)
    %mul3A_72 = arith.constant 640 : i32
    %mul3A_73 = arith.muli %arg1, %mul3A_72 : i32
    %mul3A_74 = arith.constant 640 : i32
    %mul3A_75 = arith.muli %arg1, %mul3A_74 : i32
    "tpu.region"() ({
      %run_scoped3A = tpu.sem_alloc : memref<!tpu.dma_semaphore, #tpu.memory_space<semaphore_mem>>
      %dma_start3A_76 = arith.constant 0 : i32
      %dma_start3A_77 = tpu.memref_slice %arg6[%arg0, %mul3A_75, %dma_start3A_76] : memref<2x10240x32xf32, #tpu.memory_space<hbm>> -> memref<1x640x32xf32, #tpu.memory_space<hbm>>
      %dma_start3A_78 = tpu.memref_squeeze %dma_start3A_77 : memref<1x640x32xf32, #tpu.memory_space<hbm>> -> memref<640x32xf32, #tpu.memory_space<hbm>>
      %dma_start3A_79 = arith.constant 0 : i32
      %dma_start3A_80 = tpu.memref_slice %arg13[%mul3A_73, %dma_start3A_79] : memref<10240x32xf32, #tpu.memory_space<vmem_shared>> -> memref<640x32xf32, #tpu.memory_space<vmem_shared>>
      tpu.enqueue_dma source(%dma_start3A_80 : memref<640x32xf32, #tpu.memory_space<vmem_shared>>) target(%dma_start3A_78 : memref<640x32xf32, #tpu.memory_space<hbm>>) target_semaphore(%run_scoped3A : memref<!tpu.dma_semaphore, #tpu.memory_space<semaphore_mem>>)
      %dma_wait3A = arith.constant 0 : i32
      %dma_wait3A_81 = tpu.memref_slice %arg6[%arg0, %mul3A_75, %dma_wait3A] : memref<2x10240x32xf32, #tpu.memory_space<hbm>> -> memref<1x640x32xf32, #tpu.memory_space<hbm>>
      %dma_wait3A_82 = tpu.memref_squeeze %dma_wait3A_81 : memref<1x640x32xf32, #tpu.memory_space<hbm>> -> memref<640x32xf32, #tpu.memory_space<hbm>>
      %dma_wait3A_83 = arith.constant 0 : i32
      %dma_wait3A_84 = tpu.memref_slice %arg13[%mul3A_73, %dma_wait3A_83] : memref<10240x32xf32, #tpu.memory_space<vmem_shared>> -> memref<640x32xf32, #tpu.memory_space<vmem_shared>>
      tpu.wait_dma2 semaphore(%run_scoped3A : memref<!tpu.dma_semaphore, #tpu.memory_space<semaphore_mem>>) src(%dma_wait3A_84 : memref<640x32xf32, #tpu.memory_space<vmem_shared>>) dst(%dma_wait3A_82 : memref<640x32xf32, #tpu.memory_space<hbm>>)
      tpu.yield
    }) : () -> ()
    return
  }
}

#map = affine_map<(d0, d1) -> (0, 0)>
#map1 = affine_map<(d0, d1) -> (0, 0, 0)>
module attributes {stable_mosaic.version = 14 : i64} {
  func.func @prop_kernel(%arg0: i32, %arg1: i32, %arg2: memref<10240x32xf32, #tpu.memory_space<hbm>>, %arg3: memref<2560x128xi32, #tpu.memory_space<hbm>>, %arg4: memref<2560x128xi32, #tpu.memory_space<hbm>>, %arg5: memref<10240x32xf32, #tpu.memory_space<hbm>>, %arg6: memref<2x10240x32xf32, #tpu.memory_space<hbm>>, %arg7: memref<80x128xi32, #tpu.memory_space<vmem>>, %arg8: memref<80x128xi32, #tpu.memory_space<vmem>>, %arg9: memref<128x32xf32, #tpu.memory_space<vmem>>, %arg10: memref<128x32xf32, #tpu.memory_space<vmem>>, %arg11: memref<128x32xf32, #tpu.memory_space<vmem>>, %arg12: memref<128x32xf32, #tpu.memory_space<vmem>>, %arg13: memref<10240x32xf32, #tpu.memory_space<vmem_shared>>, %arg14: memref<10240x32xf32, #tpu.memory_space<vmem_shared>>, %arg15: memref<!tpu.dma_semaphore, #tpu.memory_space<semaphore_mem>>, %arg16: memref<!tpu.dma_semaphore, #tpu.memory_space<semaphore_mem>>, %arg17: memref<!tpu.dma_semaphore, #tpu.memory_space<semaphore_mem>>, %arg18: memref<!tpu.dma_semaphore, #tpu.memory_space<semaphore_mem>>) attributes {dimension_semantics = [#tpu.dimension_semantics<core_parallel>, #tpu.dimension_semantics<subcore_parallel>], iteration_bounds = array<i64: 2, 16>, scalar_prefetch = 0 : i64, scratch_operands = 12 : i64, tpu.core_type = #tpu.core_type<sc_vector_subcore>, window_params = [{transform_indices = #map}, {transform_indices = #map}, {transform_indices = #map}, {transform_indices = #map}, {transform_indices = #map1}]} {
    %eq3A = arith.constant 1 : i32
    %eq3A_0 = arith.cmpi eq, %arg0, %eq3A : i32
    %jit3A = arith.constant 80 : i32
    %jit3A_1 = arith.constant 80 : i32
    %select_n3A = arith.select %eq3A_0, %jit3A, %jit3A_1 : i32
    %eq3A_2 = arith.constant 1 : i32
    %eq3A_3 = arith.cmpi eq, %arg0, %eq3A_2 : i32
    %mul3A = arith.constant 80 : i32
    %mul3A_4 = arith.muli %arg1, %mul3A : i32
    %mul3A_5 = arith.constant 80 : i32
    %mul3A_6 = arith.muli %arg1, %mul3A_5 : i32
    %add3A = arith.constant 1280 : i32
    %add3A_7 = arith.addi %add3A, %mul3A_6 : i32
    %select_n3A_8 = arith.select %eq3A_3, %mul3A_4, %add3A_7 : i32
    "tpu.region"() ({
      %run_scoped3A = tpu.sem_alloc : memref<!tpu.dma_semaphore, #tpu.memory_space<semaphore_mem>>
      %dma_start3A_76 = arith.constant 0 : i32
      %dma_start3A_77 = tpu.memref_slice %arg3[%select_n3A_8, %dma_start3A_76] : memref<2560x128xi32, #tpu.memory_space<hbm>> -> memref<80x128xi32, #tpu.memory_space<hbm>>
      %dma_start3A_78 = arith.constant 0 : i32
      %dma_start3A_79 = tpu.memref_slice %arg3[%select_n3A_8, %dma_start3A_78] : memref<2560x128xi32, #tpu.memory_space<hbm>> -> memref<80x128xi32, #tpu.memory_space<hbm>>
      tpu.enqueue_dma source(%dma_start3A_79 : memref<80x128xi32, #tpu.memory_space<hbm>>) target(%arg7 : memref<80x128xi32, #tpu.memory_space<vmem>>) target_semaphore(%run_scoped3A : memref<!tpu.dma_semaphore, #tpu.memory_space<semaphore_mem>>)
      %dma_wait3A = arith.constant 0 : i32
      %dma_wait3A_80 = tpu.memref_slice %arg3[%select_n3A_8, %dma_wait3A] : memref<2560x128xi32, #tpu.memory_space<hbm>> -> memref<80x128xi32, #tpu.memory_space<hbm>>
      %dma_wait3A_81 = arith.constant 0 : i32
      %dma_wait3A_82 = tpu.memref_slice %arg3[%select_n3A_8, %dma_wait3A_81] : memref<2560x128xi32, #tpu.memory_space<hbm>> -> memref<80x128xi32, #tpu.memory_space<hbm>>
      tpu.wait_dma2 semaphore(%run_scoped3A : memref<!tpu.dma_semaphore, #tpu.memory_space<semaphore_mem>>) src(%dma_wait3A_82 : memref<80x128xi32, #tpu.memory_space<hbm>>) dst(%arg7 : memref<80x128xi32, #tpu.memory_space<vmem>>)
      tpu.yield
    }) : () -> ()
    "tpu.region"() ({
      %run_scoped3A = tpu.sem_alloc : memref<!tpu.dma_semaphore, #tpu.memory_space<semaphore_mem>>
      %dma_start3A_76 = arith.constant 0 : i32
      %dma_start3A_77 = tpu.memref_slice %arg4[%select_n3A_8, %dma_start3A_76] : memref<2560x128xi32, #tpu.memory_space<hbm>> -> memref<80x128xi32, #tpu.memory_space<hbm>>
      %dma_start3A_78 = arith.constant 0 : i32
      %dma_start3A_79 = tpu.memref_slice %arg4[%select_n3A_8, %dma_start3A_78] : memref<2560x128xi32, #tpu.memory_space<hbm>> -> memref<80x128xi32, #tpu.memory_space<hbm>>
      tpu.enqueue_dma source(%dma_start3A_79 : memref<80x128xi32, #tpu.memory_space<hbm>>) target(%arg8 : memref<80x128xi32, #tpu.memory_space<vmem>>) target_semaphore(%run_scoped3A : memref<!tpu.dma_semaphore, #tpu.memory_space<semaphore_mem>>)
      %dma_wait3A = arith.constant 0 : i32
      %dma_wait3A_80 = tpu.memref_slice %arg4[%select_n3A_8, %dma_wait3A] : memref<2560x128xi32, #tpu.memory_space<hbm>> -> memref<80x128xi32, #tpu.memory_space<hbm>>
      %dma_wait3A_81 = arith.constant 0 : i32
      %dma_wait3A_82 = tpu.memref_slice %arg4[%select_n3A_8, %dma_wait3A_81] : memref<2560x128xi32, #tpu.memory_space<hbm>> -> memref<80x128xi32, #tpu.memory_space<hbm>>
      tpu.wait_dma2 semaphore(%run_scoped3A : memref<!tpu.dma_semaphore, #tpu.memory_space<semaphore_mem>>) src(%dma_wait3A_82 : memref<80x128xi32, #tpu.memory_space<hbm>>) dst(%arg8 : memref<80x128xi32, #tpu.memory_space<vmem>>)
      tpu.yield
    }) : () -> ()
    %mul3A_9 = arith.constant 640 : i32
    %mul3A_10 = arith.muli %arg1, %mul3A_9 : i32
    %mul3A_11 = arith.constant 640 : i32
    %mul3A_12 = arith.muli %arg1, %mul3A_11 : i32
    "tpu.region"() ({
      %run_scoped3A = tpu.sem_alloc : memref<!tpu.dma_semaphore, #tpu.memory_space<semaphore_mem>>
      %dma_start3A_76 = arith.constant 0 : i32
      %dma_start3A_77 = tpu.memref_slice %arg14[%mul3A_12, %dma_start3A_76] : memref<10240x32xf32, #tpu.memory_space<vmem_shared>> -> memref<640x32xf32, #tpu.memory_space<vmem_shared>>
      %dma_start3A_78 = arith.constant 0 : i32
      %dma_start3A_79 = tpu.memref_slice %arg2[%mul3A_10, %dma_start3A_78] : memref<10240x32xf32, #tpu.memory_space<hbm>> -> memref<640x32xf32, #tpu.memory_space<hbm>>
      tpu.enqueue_dma source(%dma_start3A_79 : memref<640x32xf32, #tpu.memory_space<hbm>>) target(%dma_start3A_77 : memref<640x32xf32, #tpu.memory_space<vmem_shared>>) target_semaphore(%run_scoped3A : memref<!tpu.dma_semaphore, #tpu.memory_space<semaphore_mem>>)
      %dma_wait3A = arith.constant 0 : i32
      %dma_wait3A_80 = tpu.memref_slice %arg14[%mul3A_12, %dma_wait3A] : memref<10240x32xf32, #tpu.memory_space<vmem_shared>> -> memref<640x32xf32, #tpu.memory_space<vmem_shared>>
      %dma_wait3A_81 = arith.constant 0 : i32
      %dma_wait3A_82 = tpu.memref_slice %arg2[%mul3A_10, %dma_wait3A_81] : memref<10240x32xf32, #tpu.memory_space<hbm>> -> memref<640x32xf32, #tpu.memory_space<hbm>>
      tpu.wait_dma2 semaphore(%run_scoped3A : memref<!tpu.dma_semaphore, #tpu.memory_space<semaphore_mem>>) src(%dma_wait3A_82 : memref<640x32xf32, #tpu.memory_space<hbm>>) dst(%dma_wait3A_80 : memref<640x32xf32, #tpu.memory_space<vmem_shared>>)
      tpu.yield
    }) : () -> ()
    %mul3A_13 = arith.constant 640 : i32
    %mul3A_14 = arith.muli %arg1, %mul3A_13 : i32
    %mul3A_15 = arith.constant 640 : i32
    %mul3A_16 = arith.muli %arg1, %mul3A_15 : i32
    "tpu.region"() ({
      %run_scoped3A = tpu.sem_alloc : memref<!tpu.dma_semaphore, #tpu.memory_space<semaphore_mem>>
      %dma_start3A_76 = arith.constant 0 : i32
      %dma_start3A_77 = tpu.memref_slice %arg13[%mul3A_16, %dma_start3A_76] : memref<10240x32xf32, #tpu.memory_space<vmem_shared>> -> memref<640x32xf32, #tpu.memory_space<vmem_shared>>
      %dma_start3A_78 = arith.constant 0 : i32
      %dma_start3A_79 = tpu.memref_slice %arg5[%mul3A_14, %dma_start3A_78] : memref<10240x32xf32, #tpu.memory_space<hbm>> -> memref<640x32xf32, #tpu.memory_space<hbm>>
      tpu.enqueue_dma source(%dma_start3A_79 : memref<640x32xf32, #tpu.memory_space<hbm>>) target(%dma_start3A_77 : memref<640x32xf32, #tpu.memory_space<vmem_shared>>) target_semaphore(%run_scoped3A : memref<!tpu.dma_semaphore, #tpu.memory_space<semaphore_mem>>)
      %dma_wait3A = arith.constant 0 : i32
      %dma_wait3A_80 = tpu.memref_slice %arg13[%mul3A_16, %dma_wait3A] : memref<10240x32xf32, #tpu.memory_space<vmem_shared>> -> memref<640x32xf32, #tpu.memory_space<vmem_shared>>
      %dma_wait3A_81 = arith.constant 0 : i32
      %dma_wait3A_82 = tpu.memref_slice %arg5[%mul3A_14, %dma_wait3A_81] : memref<10240x32xf32, #tpu.memory_space<hbm>> -> memref<640x32xf32, #tpu.memory_space<hbm>>
      tpu.wait_dma2 semaphore(%run_scoped3A : memref<!tpu.dma_semaphore, #tpu.memory_space<semaphore_mem>>) src(%dma_wait3A_82 : memref<640x32xf32, #tpu.memory_space<hbm>>) dst(%dma_wait3A_80 : memref<640x32xf32, #tpu.memory_space<vmem_shared>>)
      tpu.yield
    }) : () -> ()
    %barrier3A = arith.constant 0 : index
    tpu.barrier barrier_id(%barrier3A)
    %dma_start3A = arith.constant 0 : i32
    %dma_start3A_17 = arith.constant 0 : i32
    %dma_start3A_18 = tpu.memref_slice %arg7[%dma_start3A, %dma_start3A_17] : memref<80x128xi32, #tpu.memory_space<vmem>> -> memref<1x128xi32, #tpu.memory_space<vmem>>
    %dma_start3A_19 = tpu.memref_squeeze %dma_start3A_18 : memref<1x128xi32, #tpu.memory_space<vmem>> -> memref<128xi32, #tpu.memory_space<vmem>>
    %dma_start3A_20 = arith.constant 0 : i32
    %dma_start3A_21 = arith.constant 0 : i32
    %dma_start3A_22 = tpu.memref_slice %arg14[%dma_start3A_20, %dma_start3A_21] : memref<10240x32xf32, #tpu.memory_space<vmem_shared>> -> memref<10240x32xf32, #tpu.memory_space<vmem_shared>>
    tpu.enqueue_indirect_dma source(%dma_start3A_22 : memref<10240x32xf32, #tpu.memory_space<vmem_shared>>) target(%arg9 : memref<128x32xf32, #tpu.memory_space<vmem>>) offsets(%dma_start3A_19 : memref<128xi32, #tpu.memory_space<vmem>>) semaphore(%arg15 : memref<!tpu.dma_semaphore, #tpu.memory_space<semaphore_mem>>)
    %dma_start3A_23 = arith.constant 1 : i32
    %dma_start3A_24 = arith.constant 0 : i32
    %dma_start3A_25 = tpu.memref_slice %arg7[%dma_start3A_23, %dma_start3A_24] : memref<80x128xi32, #tpu.memory_space<vmem>> -> memref<1x128xi32, #tpu.memory_space<vmem>>
    %dma_start3A_26 = tpu.memref_squeeze %dma_start3A_25 : memref<1x128xi32, #tpu.memory_space<vmem>> -> memref<128xi32, #tpu.memory_space<vmem>>
    %dma_start3A_27 = arith.constant 0 : i32
    %dma_start3A_28 = arith.constant 0 : i32
    %dma_start3A_29 = tpu.memref_slice %arg14[%dma_start3A_27, %dma_start3A_28] : memref<10240x32xf32, #tpu.memory_space<vmem_shared>> -> memref<10240x32xf32, #tpu.memory_space<vmem_shared>>
    tpu.enqueue_indirect_dma source(%dma_start3A_29 : memref<10240x32xf32, #tpu.memory_space<vmem_shared>>) target(%arg10 : memref<128x32xf32, #tpu.memory_space<vmem>>) offsets(%dma_start3A_26 : memref<128xi32, #tpu.memory_space<vmem>>) semaphore(%arg16 : memref<!tpu.dma_semaphore, #tpu.memory_space<semaphore_mem>>)
    %dma_start3A_30 = arith.constant 2 : i32
    %dma_start3A_31 = arith.constant 0 : i32
    %dma_start3A_32 = tpu.memref_slice %arg7[%dma_start3A_30, %dma_start3A_31] : memref<80x128xi32, #tpu.memory_space<vmem>> -> memref<1x128xi32, #tpu.memory_space<vmem>>
    %dma_start3A_33 = tpu.memref_squeeze %dma_start3A_32 : memref<1x128xi32, #tpu.memory_space<vmem>> -> memref<128xi32, #tpu.memory_space<vmem>>
    %dma_start3A_34 = arith.constant 0 : i32
    %dma_start3A_35 = arith.constant 0 : i32
    %dma_start3A_36 = tpu.memref_slice %arg14[%dma_start3A_34, %dma_start3A_35] : memref<10240x32xf32, #tpu.memory_space<vmem_shared>> -> memref<10240x32xf32, #tpu.memory_space<vmem_shared>>
    tpu.enqueue_indirect_dma source(%dma_start3A_36 : memref<10240x32xf32, #tpu.memory_space<vmem_shared>>) target(%arg11 : memref<128x32xf32, #tpu.memory_space<vmem>>) offsets(%dma_start3A_33 : memref<128xi32, #tpu.memory_space<vmem>>) semaphore(%arg17 : memref<!tpu.dma_semaphore, #tpu.memory_space<semaphore_mem>>)
    %dma_start3A_37 = arith.constant 3 : i32
    %dma_start3A_38 = arith.constant 0 : i32
    %dma_start3A_39 = tpu.memref_slice %arg7[%dma_start3A_37, %dma_start3A_38] : memref<80x128xi32, #tpu.memory_space<vmem>> -> memref<1x128xi32, #tpu.memory_space<vmem>>
    %dma_start3A_40 = tpu.memref_squeeze %dma_start3A_39 : memref<1x128xi32, #tpu.memory_space<vmem>> -> memref<128xi32, #tpu.memory_space<vmem>>
    %dma_start3A_41 = arith.constant 0 : i32
    %dma_start3A_42 = arith.constant 0 : i32
    %dma_start3A_43 = tpu.memref_slice %arg14[%dma_start3A_41, %dma_start3A_42] : memref<10240x32xf32, #tpu.memory_space<vmem_shared>> -> memref<10240x32xf32, #tpu.memory_space<vmem_shared>>
    tpu.enqueue_indirect_dma source(%dma_start3A_43 : memref<10240x32xf32, #tpu.memory_space<vmem_shared>>) target(%arg12 : memref<128x32xf32, #tpu.memory_space<vmem>>) offsets(%dma_start3A_40 : memref<128xi32, #tpu.memory_space<vmem>>) semaphore(%arg18 : memref<!tpu.dma_semaphore, #tpu.memory_space<semaphore_mem>>)
    %jit3A_44 = arith.constant 4 : i32
    %div3A = arith.divsi %select_n3A, %jit3A_44 : i32
    %sign3A = arith.constant 0 : i32
    %sign3A_45 = arith.cmpi sgt, %select_n3A, %sign3A : i32
    %sign3A_46 = arith.extui %sign3A_45 : i1 to i32
    %sign3A_47 = arith.constant 0 : i32
    %sign3A_48 = arith.cmpi slt, %select_n3A, %sign3A_47 : i32
    %sign3A_49 = arith.extui %sign3A_48 : i1 to i32
    %sign3A_50 = arith.subi %sign3A_46, %sign3A_49 : i32
    %sign3A_51 = arith.constant 0 : i32
    %sign3A_52 = arith.cmpi sgt, %jit3A_44, %sign3A_51 : i32
    %sign3A_53 = arith.extui %sign3A_52 : i1 to i32
    %sign3A_54 = arith.constant 0 : i32
    %sign3A_55 = arith.cmpi slt, %jit3A_44, %sign3A_54 : i32
    %sign3A_56 = arith.extui %sign3A_55 : i1 to i32
    %sign3A_57 = arith.subi %sign3A_53, %sign3A_56 : i32
    %ne3A = arith.cmpi ne, %sign3A_50, %sign3A_57 : i32
    %rem3A = arith.remsi %select_n3A, %jit3A_44 : i32
    %ne3A_58 = arith.constant 0 : i32
    %ne3A_59 = arith.cmpi ne, %rem3A, %ne3A_58 : i32
    %and3A = arith.andi %ne3A, %ne3A_59 : i1
    %sub3A = arith.constant 1 : i32
    %sub3A_60 = arith.subi %div3A, %sub3A : i32
    %select_n3A_61 = arith.select %and3A, %sub3A_60, %div3A : i32
    %while3A = arith.constant 0 : i32
    %while3A_62 = arith.constant 0 : i32
    %while3A_63 = arith.subi %select_n3A_61, %while3A_62 : i32
    %while3A_64 = arith.addi %while3A_62, %while3A_63 : i32
    %while3A_65 = arith.constant 1 : i32
    %while3A_66 = arith.divsi %while3A_63, %while3A_65 : i32
    %while3A_67 = arith.muli %while3A_66, %while3A_65 : i32
    %while3A_68 = arith.addi %while3A_62, %while3A_67 : i32
    %while3A_69 = arith.constant 1 : i32
    scf.for %while3A_76 = %while3A_62 to %while3A_68 step %while3A_69  : i32 {
      %mul3A_77 = arith.constant 4 : i32
      %mul3A_78 = arith.muli %while3A_76, %mul3A_77 : i32
      %add3A_79 = arith.constant 0 : i32
      %add3A_80 = arith.addi %mul3A_78, %add3A_79 : i32
      %dma_wait3A = arith.constant 0 : i32
      %dma_wait3A_81 = tpu.memref_slice %arg7[%add3A_80, %dma_wait3A] : memref<80x128xi32, #tpu.memory_space<vmem>> -> memref<1x128xi32, #tpu.memory_space<vmem>>
      %dma_wait3A_82 = tpu.memref_squeeze %dma_wait3A_81 : memref<1x128xi32, #tpu.memory_space<vmem>> -> memref<128xi32, #tpu.memory_space<vmem>>
      %dma_wait3A_83 = arith.constant 0 : i32
      %dma_wait3A_84 = arith.constant 0 : i32
      %dma_wait3A_85 = tpu.memref_slice %arg14[%dma_wait3A_83, %dma_wait3A_84] : memref<10240x32xf32, #tpu.memory_space<vmem_shared>> -> memref<10240x32xf32, #tpu.memory_space<vmem_shared>>
      tpu.wait_indirect_dma semaphore(%arg15 : memref<!tpu.dma_semaphore, #tpu.memory_space<semaphore_mem>>) src(%dma_wait3A_85 : memref<10240x32xf32, #tpu.memory_space<vmem_shared>>) dst(%arg9 : memref<128x32xf32, #tpu.memory_space<vmem>>)
      "tpu.region"() ({
        %run_scoped3A = tpu.sem_alloc : memref<!tpu.dma_semaphore, #tpu.memory_space<semaphore_mem>>
        %dma_start3A_131 = arith.constant 0 : i32
        %dma_start3A_132 = tpu.memref_slice %arg8[%add3A_80, %dma_start3A_131] : memref<80x128xi32, #tpu.memory_space<vmem>> -> memref<1x128xi32, #tpu.memory_space<vmem>>
        %dma_start3A_133 = tpu.memref_squeeze %dma_start3A_132 : memref<1x128xi32, #tpu.memory_space<vmem>> -> memref<128xi32, #tpu.memory_space<vmem>>
        %dma_start3A_134 = arith.constant 0 : i32
        %dma_start3A_135 = arith.constant 0 : i32
        %dma_start3A_136 = tpu.memref_slice %arg13[%dma_start3A_134, %dma_start3A_135] : memref<10240x32xf32, #tpu.memory_space<vmem_shared>> -> memref<10240x32xf32, #tpu.memory_space<vmem_shared>>
        tpu.enqueue_indirect_dma source(%arg9 : memref<128x32xf32, #tpu.memory_space<vmem>>) target(%dma_start3A_136 : memref<10240x32xf32, #tpu.memory_space<vmem_shared>>) offsets(%dma_start3A_133 : memref<128xi32, #tpu.memory_space<vmem>>) semaphore(%run_scoped3A : memref<!tpu.dma_semaphore, #tpu.memory_space<semaphore_mem>>) {add = true}
        %dma_wait3A_137 = arith.constant 0 : i32
        %dma_wait3A_138 = tpu.memref_slice %arg8[%add3A_80, %dma_wait3A_137] : memref<80x128xi32, #tpu.memory_space<vmem>> -> memref<1x128xi32, #tpu.memory_space<vmem>>
        %dma_wait3A_139 = tpu.memref_squeeze %dma_wait3A_138 : memref<1x128xi32, #tpu.memory_space<vmem>> -> memref<128xi32, #tpu.memory_space<vmem>>
        %dma_wait3A_140 = arith.constant 0 : i32
        %dma_wait3A_141 = arith.constant 0 : i32
        %dma_wait3A_142 = tpu.memref_slice %arg13[%dma_wait3A_140, %dma_wait3A_141] : memref<10240x32xf32, #tpu.memory_space<vmem_shared>> -> memref<10240x32xf32, #tpu.memory_space<vmem_shared>>
        tpu.wait_indirect_dma semaphore(%run_scoped3A : memref<!tpu.dma_semaphore, #tpu.memory_space<semaphore_mem>>) src(%arg9 : memref<128x32xf32, #tpu.memory_space<vmem>>) dst(%dma_wait3A_142 : memref<10240x32xf32, #tpu.memory_space<vmem_shared>>)
        tpu.yield
      }) : () -> ()
      %add3A_86 = arith.constant 4 : i32
      %add3A_87 = arith.addi %add3A_80, %add3A_86 : i32
      %lt3A = arith.cmpi slt, %add3A_87, %select_n3A : i32
      %convert_element_type3A = arith.extui %lt3A : i1 to i32
      %cond3A = arith.constant 0 : i32
      %cond3A_88 = arith.cmpi ne, %convert_element_type3A, %cond3A : i32
      scf.if %cond3A_88 {
        %dma_start3A_131 = arith.constant 0 : i32
        %dma_start3A_132 = tpu.memref_slice %arg7[%add3A_87, %dma_start3A_131] : memref<80x128xi32, #tpu.memory_space<vmem>> -> memref<1x128xi32, #tpu.memory_space<vmem>>
        %dma_start3A_133 = tpu.memref_squeeze %dma_start3A_132 : memref<1x128xi32, #tpu.memory_space<vmem>> -> memref<128xi32, #tpu.memory_space<vmem>>
        %dma_start3A_134 = arith.constant 0 : i32
        %dma_start3A_135 = arith.constant 0 : i32
        %dma_start3A_136 = tpu.memref_slice %arg14[%dma_start3A_134, %dma_start3A_135] : memref<10240x32xf32, #tpu.memory_space<vmem_shared>> -> memref<10240x32xf32, #tpu.memory_space<vmem_shared>>
        tpu.enqueue_indirect_dma source(%dma_start3A_136 : memref<10240x32xf32, #tpu.memory_space<vmem_shared>>) target(%arg9 : memref<128x32xf32, #tpu.memory_space<vmem>>) offsets(%dma_start3A_133 : memref<128xi32, #tpu.memory_space<vmem>>) semaphore(%arg15 : memref<!tpu.dma_semaphore, #tpu.memory_space<semaphore_mem>>)
      } else {
      }
      %add3A_89 = arith.constant 1 : i32
      %add3A_90 = arith.addi %mul3A_78, %add3A_89 : i32
      %dma_wait3A_91 = arith.constant 0 : i32
      %dma_wait3A_92 = tpu.memref_slice %arg7[%add3A_90, %dma_wait3A_91] : memref<80x128xi32, #tpu.memory_space<vmem>> -> memref<1x128xi32, #tpu.memory_space<vmem>>
      %dma_wait3A_93 = tpu.memref_squeeze %dma_wait3A_92 : memref<1x128xi32, #tpu.memory_space<vmem>> -> memref<128xi32, #tpu.memory_space<vmem>>
      %dma_wait3A_94 = arith.constant 0 : i32
      %dma_wait3A_95 = arith.constant 0 : i32
      %dma_wait3A_96 = tpu.memref_slice %arg14[%dma_wait3A_94, %dma_wait3A_95] : memref<10240x32xf32, #tpu.memory_space<vmem_shared>> -> memref<10240x32xf32, #tpu.memory_space<vmem_shared>>
      tpu.wait_indirect_dma semaphore(%arg16 : memref<!tpu.dma_semaphore, #tpu.memory_space<semaphore_mem>>) src(%dma_wait3A_96 : memref<10240x32xf32, #tpu.memory_space<vmem_shared>>) dst(%arg10 : memref<128x32xf32, #tpu.memory_space<vmem>>)
      "tpu.region"() ({
        %run_scoped3A = tpu.sem_alloc : memref<!tpu.dma_semaphore, #tpu.memory_space<semaphore_mem>>
        %dma_start3A_131 = arith.constant 0 : i32
        %dma_start3A_132 = tpu.memref_slice %arg8[%add3A_90, %dma_start3A_131] : memref<80x128xi32, #tpu.memory_space<vmem>> -> memref<1x128xi32, #tpu.memory_space<vmem>>
        %dma_start3A_133 = tpu.memref_squeeze %dma_start3A_132 : memref<1x128xi32, #tpu.memory_space<vmem>> -> memref<128xi32, #tpu.memory_space<vmem>>
        %dma_start3A_134 = arith.constant 0 : i32
        %dma_start3A_135 = arith.constant 0 : i32
        %dma_start3A_136 = tpu.memref_slice %arg13[%dma_start3A_134, %dma_start3A_135] : memref<10240x32xf32, #tpu.memory_space<vmem_shared>> -> memref<10240x32xf32, #tpu.memory_space<vmem_shared>>
        tpu.enqueue_indirect_dma source(%arg10 : memref<128x32xf32, #tpu.memory_space<vmem>>) target(%dma_start3A_136 : memref<10240x32xf32, #tpu.memory_space<vmem_shared>>) offsets(%dma_start3A_133 : memref<128xi32, #tpu.memory_space<vmem>>) semaphore(%run_scoped3A : memref<!tpu.dma_semaphore, #tpu.memory_space<semaphore_mem>>) {add = true}
        %dma_wait3A_137 = arith.constant 0 : i32
        %dma_wait3A_138 = tpu.memref_slice %arg8[%add3A_90, %dma_wait3A_137] : memref<80x128xi32, #tpu.memory_space<vmem>> -> memref<1x128xi32, #tpu.memory_space<vmem>>
        %dma_wait3A_139 = tpu.memref_squeeze %dma_wait3A_138 : memref<1x128xi32, #tpu.memory_space<vmem>> -> memref<128xi32, #tpu.memory_space<vmem>>
        %dma_wait3A_140 = arith.constant 0 : i32
        %dma_wait3A_141 = arith.constant 0 : i32
        %dma_wait3A_142 = tpu.memref_slice %arg13[%dma_wait3A_140, %dma_wait3A_141] : memref<10240x32xf32, #tpu.memory_space<vmem_shared>> -> memref<10240x32xf32, #tpu.memory_space<vmem_shared>>
        tpu.wait_indirect_dma semaphore(%run_scoped3A : memref<!tpu.dma_semaphore, #tpu.memory_space<semaphore_mem>>) src(%arg10 : memref<128x32xf32, #tpu.memory_space<vmem>>) dst(%dma_wait3A_142 : memref<10240x32xf32, #tpu.memory_space<vmem_shared>>)
        tpu.yield
      }) : () -> ()
      %add3A_97 = arith.constant 4 : i32
      %add3A_98 = arith.addi %add3A_90, %add3A_97 : i32
      %lt3A_99 = arith.cmpi slt, %add3A_98, %select_n3A : i32
      %convert_element_type3A_100 = arith.extui %lt3A_99 : i1 to i32
      %cond3A_101 = arith.constant 0 : i32
      %cond3A_102 = arith.cmpi ne, %convert_element_type3A_100, %cond3A_101 : i32
      scf.if %cond3A_102 {
        %dma_start3A_131 = arith.constant 0 : i32
        %dma_start3A_132 = tpu.memref_slice %arg7[%add3A_98, %dma_start3A_131] : memref<80x128xi32, #tpu.memory_space<vmem>> -> memref<1x128xi32, #tpu.memory_space<vmem>>
        %dma_start3A_133 = tpu.memref_squeeze %dma_start3A_132 : memref<1x128xi32, #tpu.memory_space<vmem>> -> memref<128xi32, #tpu.memory_space<vmem>>
        %dma_start3A_134 = arith.constant 0 : i32
        %dma_start3A_135 = arith.constant 0 : i32
        %dma_start3A_136 = tpu.memref_slice %arg14[%dma_start3A_134, %dma_start3A_135] : memref<10240x32xf32, #tpu.memory_space<vmem_shared>> -> memref<10240x32xf32, #tpu.memory_space<vmem_shared>>
        tpu.enqueue_indirect_dma source(%dma_start3A_136 : memref<10240x32xf32, #tpu.memory_space<vmem_shared>>) target(%arg10 : memref<128x32xf32, #tpu.memory_space<vmem>>) offsets(%dma_start3A_133 : memref<128xi32, #tpu.memory_space<vmem>>) semaphore(%arg16 : memref<!tpu.dma_semaphore, #tpu.memory_space<semaphore_mem>>)
      } else {
      }
      %add3A_103 = arith.constant 2 : i32
      %add3A_104 = arith.addi %mul3A_78, %add3A_103 : i32
      %dma_wait3A_105 = arith.constant 0 : i32
      %dma_wait3A_106 = tpu.memref_slice %arg7[%add3A_104, %dma_wait3A_105] : memref<80x128xi32, #tpu.memory_space<vmem>> -> memref<1x128xi32, #tpu.memory_space<vmem>>
      %dma_wait3A_107 = tpu.memref_squeeze %dma_wait3A_106 : memref<1x128xi32, #tpu.memory_space<vmem>> -> memref<128xi32, #tpu.memory_space<vmem>>
      %dma_wait3A_108 = arith.constant 0 : i32
      %dma_wait3A_109 = arith.constant 0 : i32
      %dma_wait3A_110 = tpu.memref_slice %arg14[%dma_wait3A_108, %dma_wait3A_109] : memref<10240x32xf32, #tpu.memory_space<vmem_shared>> -> memref<10240x32xf32, #tpu.memory_space<vmem_shared>>
      tpu.wait_indirect_dma semaphore(%arg17 : memref<!tpu.dma_semaphore, #tpu.memory_space<semaphore_mem>>) src(%dma_wait3A_110 : memref<10240x32xf32, #tpu.memory_space<vmem_shared>>) dst(%arg11 : memref<128x32xf32, #tpu.memory_space<vmem>>)
      "tpu.region"() ({
        %run_scoped3A = tpu.sem_alloc : memref<!tpu.dma_semaphore, #tpu.memory_space<semaphore_mem>>
        %dma_start3A_131 = arith.constant 0 : i32
        %dma_start3A_132 = tpu.memref_slice %arg8[%add3A_104, %dma_start3A_131] : memref<80x128xi32, #tpu.memory_space<vmem>> -> memref<1x128xi32, #tpu.memory_space<vmem>>
        %dma_start3A_133 = tpu.memref_squeeze %dma_start3A_132 : memref<1x128xi32, #tpu.memory_space<vmem>> -> memref<128xi32, #tpu.memory_space<vmem>>
        %dma_start3A_134 = arith.constant 0 : i32
        %dma_start3A_135 = arith.constant 0 : i32
        %dma_start3A_136 = tpu.memref_slice %arg13[%dma_start3A_134, %dma_start3A_135] : memref<10240x32xf32, #tpu.memory_space<vmem_shared>> -> memref<10240x32xf32, #tpu.memory_space<vmem_shared>>
        tpu.enqueue_indirect_dma source(%arg11 : memref<128x32xf32, #tpu.memory_space<vmem>>) target(%dma_start3A_136 : memref<10240x32xf32, #tpu.memory_space<vmem_shared>>) offsets(%dma_start3A_133 : memref<128xi32, #tpu.memory_space<vmem>>) semaphore(%run_scoped3A : memref<!tpu.dma_semaphore, #tpu.memory_space<semaphore_mem>>) {add = true}
        %dma_wait3A_137 = arith.constant 0 : i32
        %dma_wait3A_138 = tpu.memref_slice %arg8[%add3A_104, %dma_wait3A_137] : memref<80x128xi32, #tpu.memory_space<vmem>> -> memref<1x128xi32, #tpu.memory_space<vmem>>
        %dma_wait3A_139 = tpu.memref_squeeze %dma_wait3A_138 : memref<1x128xi32, #tpu.memory_space<vmem>> -> memref<128xi32, #tpu.memory_space<vmem>>
        %dma_wait3A_140 = arith.constant 0 : i32
        %dma_wait3A_141 = arith.constant 0 : i32
        %dma_wait3A_142 = tpu.memref_slice %arg13[%dma_wait3A_140, %dma_wait3A_141] : memref<10240x32xf32, #tpu.memory_space<vmem_shared>> -> memref<10240x32xf32, #tpu.memory_space<vmem_shared>>
        tpu.wait_indirect_dma semaphore(%run_scoped3A : memref<!tpu.dma_semaphore, #tpu.memory_space<semaphore_mem>>) src(%arg11 : memref<128x32xf32, #tpu.memory_space<vmem>>) dst(%dma_wait3A_142 : memref<10240x32xf32, #tpu.memory_space<vmem_shared>>)
        tpu.yield
      }) : () -> ()
      %add3A_111 = arith.constant 4 : i32
      %add3A_112 = arith.addi %add3A_104, %add3A_111 : i32
      %lt3A_113 = arith.cmpi slt, %add3A_112, %select_n3A : i32
      %convert_element_type3A_114 = arith.extui %lt3A_113 : i1 to i32
      %cond3A_115 = arith.constant 0 : i32
      %cond3A_116 = arith.cmpi ne, %convert_element_type3A_114, %cond3A_115 : i32
      scf.if %cond3A_116 {
        %dma_start3A_131 = arith.constant 0 : i32
        %dma_start3A_132 = tpu.memref_slice %arg7[%add3A_112, %dma_start3A_131] : memref<80x128xi32, #tpu.memory_space<vmem>> -> memref<1x128xi32, #tpu.memory_space<vmem>>
        %dma_start3A_133 = tpu.memref_squeeze %dma_start3A_132 : memref<1x128xi32, #tpu.memory_space<vmem>> -> memref<128xi32, #tpu.memory_space<vmem>>
        %dma_start3A_134 = arith.constant 0 : i32
        %dma_start3A_135 = arith.constant 0 : i32
        %dma_start3A_136 = tpu.memref_slice %arg14[%dma_start3A_134, %dma_start3A_135] : memref<10240x32xf32, #tpu.memory_space<vmem_shared>> -> memref<10240x32xf32, #tpu.memory_space<vmem_shared>>
        tpu.enqueue_indirect_dma source(%dma_start3A_136 : memref<10240x32xf32, #tpu.memory_space<vmem_shared>>) target(%arg11 : memref<128x32xf32, #tpu.memory_space<vmem>>) offsets(%dma_start3A_133 : memref<128xi32, #tpu.memory_space<vmem>>) semaphore(%arg17 : memref<!tpu.dma_semaphore, #tpu.memory_space<semaphore_mem>>)
      } else {
      }
      %add3A_117 = arith.constant 3 : i32
      %add3A_118 = arith.addi %mul3A_78, %add3A_117 : i32
      %dma_wait3A_119 = arith.constant 0 : i32
      %dma_wait3A_120 = tpu.memref_slice %arg7[%add3A_118, %dma_wait3A_119] : memref<80x128xi32, #tpu.memory_space<vmem>> -> memref<1x128xi32, #tpu.memory_space<vmem>>
      %dma_wait3A_121 = tpu.memref_squeeze %dma_wait3A_120 : memref<1x128xi32, #tpu.memory_space<vmem>> -> memref<128xi32, #tpu.memory_space<vmem>>
      %dma_wait3A_122 = arith.constant 0 : i32
      %dma_wait3A_123 = arith.constant 0 : i32
      %dma_wait3A_124 = tpu.memref_slice %arg14[%dma_wait3A_122, %dma_wait3A_123] : memref<10240x32xf32, #tpu.memory_space<vmem_shared>> -> memref<10240x32xf32, #tpu.memory_space<vmem_shared>>
      tpu.wait_indirect_dma semaphore(%arg18 : memref<!tpu.dma_semaphore, #tpu.memory_space<semaphore_mem>>) src(%dma_wait3A_124 : memref<10240x32xf32, #tpu.memory_space<vmem_shared>>) dst(%arg12 : memref<128x32xf32, #tpu.memory_space<vmem>>)
      "tpu.region"() ({
        %run_scoped3A = tpu.sem_alloc : memref<!tpu.dma_semaphore, #tpu.memory_space<semaphore_mem>>
        %dma_start3A_131 = arith.constant 0 : i32
        %dma_start3A_132 = tpu.memref_slice %arg8[%add3A_118, %dma_start3A_131] : memref<80x128xi32, #tpu.memory_space<vmem>> -> memref<1x128xi32, #tpu.memory_space<vmem>>
        %dma_start3A_133 = tpu.memref_squeeze %dma_start3A_132 : memref<1x128xi32, #tpu.memory_space<vmem>> -> memref<128xi32, #tpu.memory_space<vmem>>
        %dma_start3A_134 = arith.constant 0 : i32
        %dma_start3A_135 = arith.constant 0 : i32
        %dma_start3A_136 = tpu.memref_slice %arg13[%dma_start3A_134, %dma_start3A_135] : memref<10240x32xf32, #tpu.memory_space<vmem_shared>> -> memref<10240x32xf32, #tpu.memory_space<vmem_shared>>
        tpu.enqueue_indirect_dma source(%arg12 : memref<128x32xf32, #tpu.memory_space<vmem>>) target(%dma_start3A_136 : memref<10240x32xf32, #tpu.memory_space<vmem_shared>>) offsets(%dma_start3A_133 : memref<128xi32, #tpu.memory_space<vmem>>) semaphore(%run_scoped3A : memref<!tpu.dma_semaphore, #tpu.memory_space<semaphore_mem>>) {add = true}
        %dma_wait3A_137 = arith.constant 0 : i32
        %dma_wait3A_138 = tpu.memref_slice %arg8[%add3A_118, %dma_wait3A_137] : memref<80x128xi32, #tpu.memory_space<vmem>> -> memref<1x128xi32, #tpu.memory_space<vmem>>
        %dma_wait3A_139 = tpu.memref_squeeze %dma_wait3A_138 : memref<1x128xi32, #tpu.memory_space<vmem>> -> memref<128xi32, #tpu.memory_space<vmem>>
        %dma_wait3A_140 = arith.constant 0 : i32
        %dma_wait3A_141 = arith.constant 0 : i32
        %dma_wait3A_142 = tpu.memref_slice %arg13[%dma_wait3A_140, %dma_wait3A_141] : memref<10240x32xf32, #tpu.memory_space<vmem_shared>> -> memref<10240x32xf32, #tpu.memory_space<vmem_shared>>
        tpu.wait_indirect_dma semaphore(%run_scoped3A : memref<!tpu.dma_semaphore, #tpu.memory_space<semaphore_mem>>) src(%arg12 : memref<128x32xf32, #tpu.memory_space<vmem>>) dst(%dma_wait3A_142 : memref<10240x32xf32, #tpu.memory_space<vmem_shared>>)
        tpu.yield
      }) : () -> ()
      %add3A_125 = arith.constant 4 : i32
      %add3A_126 = arith.addi %add3A_118, %add3A_125 : i32
      %lt3A_127 = arith.cmpi slt, %add3A_126, %select_n3A : i32
      %convert_element_type3A_128 = arith.extui %lt3A_127 : i1 to i32
      %cond3A_129 = arith.constant 0 : i32
      %cond3A_130 = arith.cmpi ne, %convert_element_type3A_128, %cond3A_129 : i32
      scf.if %cond3A_130 {
        %dma_start3A_131 = arith.constant 0 : i32
        %dma_start3A_132 = tpu.memref_slice %arg7[%add3A_126, %dma_start3A_131] : memref<80x128xi32, #tpu.memory_space<vmem>> -> memref<1x128xi32, #tpu.memory_space<vmem>>
        %dma_start3A_133 = tpu.memref_squeeze %dma_start3A_132 : memref<1x128xi32, #tpu.memory_space<vmem>> -> memref<128xi32, #tpu.memory_space<vmem>>
        %dma_start3A_134 = arith.constant 0 : i32
        %dma_start3A_135 = arith.constant 0 : i32
        %dma_start3A_136 = tpu.memref_slice %arg14[%dma_start3A_134, %dma_start3A_135] : memref<10240x32xf32, #tpu.memory_space<vmem_shared>> -> memref<10240x32xf32, #tpu.memory_space<vmem_shared>>
        tpu.enqueue_indirect_dma source(%dma_start3A_136 : memref<10240x32xf32, #tpu.memory_space<vmem_shared>>) target(%arg12 : memref<128x32xf32, #tpu.memory_space<vmem>>) offsets(%dma_start3A_133 : memref<128xi32, #tpu.memory_space<vmem>>) semaphore(%arg18 : memref<!tpu.dma_semaphore, #tpu.memory_space<semaphore_mem>>)
      } else {
      }
    }
    %while3A_70 = arith.constant 1 : i32
    scf.for %while3A_76 = %while3A_68 to %while3A_64 step %while3A_70  : i32 {
      %mul3A_77 = arith.constant 4 : i32
      %mul3A_78 = arith.muli %while3A_76, %mul3A_77 : i32
      %add3A_79 = arith.constant 0 : i32
      %add3A_80 = arith.addi %mul3A_78, %add3A_79 : i32
      %dma_wait3A = arith.constant 0 : i32
      %dma_wait3A_81 = tpu.memref_slice %arg7[%add3A_80, %dma_wait3A] : memref<80x128xi32, #tpu.memory_space<vmem>> -> memref<1x128xi32, #tpu.memory_space<vmem>>
      %dma_wait3A_82 = tpu.memref_squeeze %dma_wait3A_81 : memref<1x128xi32, #tpu.memory_space<vmem>> -> memref<128xi32, #tpu.memory_space<vmem>>
      %dma_wait3A_83 = arith.constant 0 : i32
      %dma_wait3A_84 = arith.constant 0 : i32
      %dma_wait3A_85 = tpu.memref_slice %arg14[%dma_wait3A_83, %dma_wait3A_84] : memref<10240x32xf32, #tpu.memory_space<vmem_shared>> -> memref<10240x32xf32, #tpu.memory_space<vmem_shared>>
      tpu.wait_indirect_dma semaphore(%arg15 : memref<!tpu.dma_semaphore, #tpu.memory_space<semaphore_mem>>) src(%dma_wait3A_85 : memref<10240x32xf32, #tpu.memory_space<vmem_shared>>) dst(%arg9 : memref<128x32xf32, #tpu.memory_space<vmem>>)
      "tpu.region"() ({
        %run_scoped3A = tpu.sem_alloc : memref<!tpu.dma_semaphore, #tpu.memory_space<semaphore_mem>>
        %dma_start3A_131 = arith.constant 0 : i32
        %dma_start3A_132 = tpu.memref_slice %arg8[%add3A_80, %dma_start3A_131] : memref<80x128xi32, #tpu.memory_space<vmem>> -> memref<1x128xi32, #tpu.memory_space<vmem>>
        %dma_start3A_133 = tpu.memref_squeeze %dma_start3A_132 : memref<1x128xi32, #tpu.memory_space<vmem>> -> memref<128xi32, #tpu.memory_space<vmem>>
        %dma_start3A_134 = arith.constant 0 : i32
        %dma_start3A_135 = arith.constant 0 : i32
        %dma_start3A_136 = tpu.memref_slice %arg13[%dma_start3A_134, %dma_start3A_135] : memref<10240x32xf32, #tpu.memory_space<vmem_shared>> -> memref<10240x32xf32, #tpu.memory_space<vmem_shared>>
        tpu.enqueue_indirect_dma source(%arg9 : memref<128x32xf32, #tpu.memory_space<vmem>>) target(%dma_start3A_136 : memref<10240x32xf32, #tpu.memory_space<vmem_shared>>) offsets(%dma_start3A_133 : memref<128xi32, #tpu.memory_space<vmem>>) semaphore(%run_scoped3A : memref<!tpu.dma_semaphore, #tpu.memory_space<semaphore_mem>>) {add = true}
        %dma_wait3A_137 = arith.constant 0 : i32
        %dma_wait3A_138 = tpu.memref_slice %arg8[%add3A_80, %dma_wait3A_137] : memref<80x128xi32, #tpu.memory_space<vmem>> -> memref<1x128xi32, #tpu.memory_space<vmem>>
        %dma_wait3A_139 = tpu.memref_squeeze %dma_wait3A_138 : memref<1x128xi32, #tpu.memory_space<vmem>> -> memref<128xi32, #tpu.memory_space<vmem>>
        %dma_wait3A_140 = arith.constant 0 : i32
        %dma_wait3A_141 = arith.constant 0 : i32
        %dma_wait3A_142 = tpu.memref_slice %arg13[%dma_wait3A_140, %dma_wait3A_141] : memref<10240x32xf32, #tpu.memory_space<vmem_shared>> -> memref<10240x32xf32, #tpu.memory_space<vmem_shared>>
        tpu.wait_indirect_dma semaphore(%run_scoped3A : memref<!tpu.dma_semaphore, #tpu.memory_space<semaphore_mem>>) src(%arg9 : memref<128x32xf32, #tpu.memory_space<vmem>>) dst(%dma_wait3A_142 : memref<10240x32xf32, #tpu.memory_space<vmem_shared>>)
        tpu.yield
      }) : () -> ()
      %add3A_86 = arith.constant 4 : i32
      %add3A_87 = arith.addi %add3A_80, %add3A_86 : i32
      %lt3A = arith.cmpi slt, %add3A_87, %select_n3A : i32
      %convert_element_type3A = arith.extui %lt3A : i1 to i32
      %cond3A = arith.constant 0 : i32
      %cond3A_88 = arith.cmpi ne, %convert_element_type3A, %cond3A : i32
      scf.if %cond3A_88 {
        %dma_start3A_131 = arith.constant 0 : i32
        %dma_start3A_132 = tpu.memref_slice %arg7[%add3A_87, %dma_start3A_131] : memref<80x128xi32, #tpu.memory_space<vmem>> -> memref<1x128xi32, #tpu.memory_space<vmem>>
        %dma_start3A_133 = tpu.memref_squeeze %dma_start3A_132 : memref<1x128xi32, #tpu.memory_space<vmem>> -> memref<128xi32, #tpu.memory_space<vmem>>
        %dma_start3A_134 = arith.constant 0 : i32
        %dma_start3A_135 = arith.constant 0 : i32
        %dma_start3A_136 = tpu.memref_slice %arg14[%dma_start3A_134, %dma_start3A_135] : memref<10240x32xf32, #tpu.memory_space<vmem_shared>> -> memref<10240x32xf32, #tpu.memory_space<vmem_shared>>
        tpu.enqueue_indirect_dma source(%dma_start3A_136 : memref<10240x32xf32, #tpu.memory_space<vmem_shared>>) target(%arg9 : memref<128x32xf32, #tpu.memory_space<vmem>>) offsets(%dma_start3A_133 : memref<128xi32, #tpu.memory_space<vmem>>) semaphore(%arg15 : memref<!tpu.dma_semaphore, #tpu.memory_space<semaphore_mem>>)
      } else {
      }
      %add3A_89 = arith.constant 1 : i32
      %add3A_90 = arith.addi %mul3A_78, %add3A_89 : i32
      %dma_wait3A_91 = arith.constant 0 : i32
      %dma_wait3A_92 = tpu.memref_slice %arg7[%add3A_90, %dma_wait3A_91] : memref<80x128xi32, #tpu.memory_space<vmem>> -> memref<1x128xi32, #tpu.memory_space<vmem>>
      %dma_wait3A_93 = tpu.memref_squeeze %dma_wait3A_92 : memref<1x128xi32, #tpu.memory_space<vmem>> -> memref<128xi32, #tpu.memory_space<vmem>>
      %dma_wait3A_94 = arith.constant 0 : i32
      %dma_wait3A_95 = arith.constant 0 : i32
      %dma_wait3A_96 = tpu.memref_slice %arg14[%dma_wait3A_94, %dma_wait3A_95] : memref<10240x32xf32, #tpu.memory_space<vmem_shared>> -> memref<10240x32xf32, #tpu.memory_space<vmem_shared>>
      tpu.wait_indirect_dma semaphore(%arg16 : memref<!tpu.dma_semaphore, #tpu.memory_space<semaphore_mem>>) src(%dma_wait3A_96 : memref<10240x32xf32, #tpu.memory_space<vmem_shared>>) dst(%arg10 : memref<128x32xf32, #tpu.memory_space<vmem>>)
      "tpu.region"() ({
        %run_scoped3A = tpu.sem_alloc : memref<!tpu.dma_semaphore, #tpu.memory_space<semaphore_mem>>
        %dma_start3A_131 = arith.constant 0 : i32
        %dma_start3A_132 = tpu.memref_slice %arg8[%add3A_90, %dma_start3A_131] : memref<80x128xi32, #tpu.memory_space<vmem>> -> memref<1x128xi32, #tpu.memory_space<vmem>>
        %dma_start3A_133 = tpu.memref_squeeze %dma_start3A_132 : memref<1x128xi32, #tpu.memory_space<vmem>> -> memref<128xi32, #tpu.memory_space<vmem>>
        %dma_start3A_134 = arith.constant 0 : i32
        %dma_start3A_135 = arith.constant 0 : i32
        %dma_start3A_136 = tpu.memref_slice %arg13[%dma_start3A_134, %dma_start3A_135] : memref<10240x32xf32, #tpu.memory_space<vmem_shared>> -> memref<10240x32xf32, #tpu.memory_space<vmem_shared>>
        tpu.enqueue_indirect_dma source(%arg10 : memref<128x32xf32, #tpu.memory_space<vmem>>) target(%dma_start3A_136 : memref<10240x32xf32, #tpu.memory_space<vmem_shared>>) offsets(%dma_start3A_133 : memref<128xi32, #tpu.memory_space<vmem>>) semaphore(%run_scoped3A : memref<!tpu.dma_semaphore, #tpu.memory_space<semaphore_mem>>) {add = true}
        %dma_wait3A_137 = arith.constant 0 : i32
        %dma_wait3A_138 = tpu.memref_slice %arg8[%add3A_90, %dma_wait3A_137] : memref<80x128xi32, #tpu.memory_space<vmem>> -> memref<1x128xi32, #tpu.memory_space<vmem>>
        %dma_wait3A_139 = tpu.memref_squeeze %dma_wait3A_138 : memref<1x128xi32, #tpu.memory_space<vmem>> -> memref<128xi32, #tpu.memory_space<vmem>>
        %dma_wait3A_140 = arith.constant 0 : i32
        %dma_wait3A_141 = arith.constant 0 : i32
        %dma_wait3A_142 = tpu.memref_slice %arg13[%dma_wait3A_140, %dma_wait3A_141] : memref<10240x32xf32, #tpu.memory_space<vmem_shared>> -> memref<10240x32xf32, #tpu.memory_space<vmem_shared>>
        tpu.wait_indirect_dma semaphore(%run_scoped3A : memref<!tpu.dma_semaphore, #tpu.memory_space<semaphore_mem>>) src(%arg10 : memref<128x32xf32, #tpu.memory_space<vmem>>) dst(%dma_wait3A_142 : memref<10240x32xf32, #tpu.memory_space<vmem_shared>>)
        tpu.yield
      }) : () -> ()
      %add3A_97 = arith.constant 4 : i32
      %add3A_98 = arith.addi %add3A_90, %add3A_97 : i32
      %lt3A_99 = arith.cmpi slt, %add3A_98, %select_n3A : i32
      %convert_element_type3A_100 = arith.extui %lt3A_99 : i1 to i32
      %cond3A_101 = arith.constant 0 : i32
      %cond3A_102 = arith.cmpi ne, %convert_element_type3A_100, %cond3A_101 : i32
      scf.if %cond3A_102 {
        %dma_start3A_131 = arith.constant 0 : i32
        %dma_start3A_132 = tpu.memref_slice %arg7[%add3A_98, %dma_start3A_131] : memref<80x128xi32, #tpu.memory_space<vmem>> -> memref<1x128xi32, #tpu.memory_space<vmem>>
        %dma_start3A_133 = tpu.memref_squeeze %dma_start3A_132 : memref<1x128xi32, #tpu.memory_space<vmem>> -> memref<128xi32, #tpu.memory_space<vmem>>
        %dma_start3A_134 = arith.constant 0 : i32
        %dma_start3A_135 = arith.constant 0 : i32
        %dma_start3A_136 = tpu.memref_slice %arg14[%dma_start3A_134, %dma_start3A_135] : memref<10240x32xf32, #tpu.memory_space<vmem_shared>> -> memref<10240x32xf32, #tpu.memory_space<vmem_shared>>
        tpu.enqueue_indirect_dma source(%dma_start3A_136 : memref<10240x32xf32, #tpu.memory_space<vmem_shared>>) target(%arg10 : memref<128x32xf32, #tpu.memory_space<vmem>>) offsets(%dma_start3A_133 : memref<128xi32, #tpu.memory_space<vmem>>) semaphore(%arg16 : memref<!tpu.dma_semaphore, #tpu.memory_space<semaphore_mem>>)
      } else {
      }
      %add3A_103 = arith.constant 2 : i32
      %add3A_104 = arith.addi %mul3A_78, %add3A_103 : i32
      %dma_wait3A_105 = arith.constant 0 : i32
      %dma_wait3A_106 = tpu.memref_slice %arg7[%add3A_104, %dma_wait3A_105] : memref<80x128xi32, #tpu.memory_space<vmem>> -> memref<1x128xi32, #tpu.memory_space<vmem>>
      %dma_wait3A_107 = tpu.memref_squeeze %dma_wait3A_106 : memref<1x128xi32, #tpu.memory_space<vmem>> -> memref<128xi32, #tpu.memory_space<vmem>>
      %dma_wait3A_108 = arith.constant 0 : i32
      %dma_wait3A_109 = arith.constant 0 : i32
      %dma_wait3A_110 = tpu.memref_slice %arg14[%dma_wait3A_108, %dma_wait3A_109] : memref<10240x32xf32, #tpu.memory_space<vmem_shared>> -> memref<10240x32xf32, #tpu.memory_space<vmem_shared>>
      tpu.wait_indirect_dma semaphore(%arg17 : memref<!tpu.dma_semaphore, #tpu.memory_space<semaphore_mem>>) src(%dma_wait3A_110 : memref<10240x32xf32, #tpu.memory_space<vmem_shared>>) dst(%arg11 : memref<128x32xf32, #tpu.memory_space<vmem>>)
      "tpu.region"() ({
        %run_scoped3A = tpu.sem_alloc : memref<!tpu.dma_semaphore, #tpu.memory_space<semaphore_mem>>
        %dma_start3A_131 = arith.constant 0 : i32
        %dma_start3A_132 = tpu.memref_slice %arg8[%add3A_104, %dma_start3A_131] : memref<80x128xi32, #tpu.memory_space<vmem>> -> memref<1x128xi32, #tpu.memory_space<vmem>>
        %dma_start3A_133 = tpu.memref_squeeze %dma_start3A_132 : memref<1x128xi32, #tpu.memory_space<vmem>> -> memref<128xi32, #tpu.memory_space<vmem>>
        %dma_start3A_134 = arith.constant 0 : i32
        %dma_start3A_135 = arith.constant 0 : i32
        %dma_start3A_136 = tpu.memref_slice %arg13[%dma_start3A_134, %dma_start3A_135] : memref<10240x32xf32, #tpu.memory_space<vmem_shared>> -> memref<10240x32xf32, #tpu.memory_space<vmem_shared>>
        tpu.enqueue_indirect_dma source(%arg11 : memref<128x32xf32, #tpu.memory_space<vmem>>) target(%dma_start3A_136 : memref<10240x32xf32, #tpu.memory_space<vmem_shared>>) offsets(%dma_start3A_133 : memref<128xi32, #tpu.memory_space<vmem>>) semaphore(%run_scoped3A : memref<!tpu.dma_semaphore, #tpu.memory_space<semaphore_mem>>) {add = true}
        %dma_wait3A_137 = arith.constant 0 : i32
        %dma_wait3A_138 = tpu.memref_slice %arg8[%add3A_104, %dma_wait3A_137] : memref<80x128xi32, #tpu.memory_space<vmem>> -> memref<1x128xi32, #tpu.memory_space<vmem>>
        %dma_wait3A_139 = tpu.memref_squeeze %dma_wait3A_138 : memref<1x128xi32, #tpu.memory_space<vmem>> -> memref<128xi32, #tpu.memory_space<vmem>>
        %dma_wait3A_140 = arith.constant 0 : i32
        %dma_wait3A_141 = arith.constant 0 : i32
        %dma_wait3A_142 = tpu.memref_slice %arg13[%dma_wait3A_140, %dma_wait3A_141] : memref<10240x32xf32, #tpu.memory_space<vmem_shared>> -> memref<10240x32xf32, #tpu.memory_space<vmem_shared>>
        tpu.wait_indirect_dma semaphore(%run_scoped3A : memref<!tpu.dma_semaphore, #tpu.memory_space<semaphore_mem>>) src(%arg11 : memref<128x32xf32, #tpu.memory_space<vmem>>) dst(%dma_wait3A_142 : memref<10240x32xf32, #tpu.memory_space<vmem_shared>>)
        tpu.yield
      }) : () -> ()
      %add3A_111 = arith.constant 4 : i32
      %add3A_112 = arith.addi %add3A_104, %add3A_111 : i32
      %lt3A_113 = arith.cmpi slt, %add3A_112, %select_n3A : i32
      %convert_element_type3A_114 = arith.extui %lt3A_113 : i1 to i32
      %cond3A_115 = arith.constant 0 : i32
      %cond3A_116 = arith.cmpi ne, %convert_element_type3A_114, %cond3A_115 : i32
      scf.if %cond3A_116 {
        %dma_start3A_131 = arith.constant 0 : i32
        %dma_start3A_132 = tpu.memref_slice %arg7[%add3A_112, %dma_start3A_131] : memref<80x128xi32, #tpu.memory_space<vmem>> -> memref<1x128xi32, #tpu.memory_space<vmem>>
        %dma_start3A_133 = tpu.memref_squeeze %dma_start3A_132 : memref<1x128xi32, #tpu.memory_space<vmem>> -> memref<128xi32, #tpu.memory_space<vmem>>
        %dma_start3A_134 = arith.constant 0 : i32
        %dma_start3A_135 = arith.constant 0 : i32
        %dma_start3A_136 = tpu.memref_slice %arg14[%dma_start3A_134, %dma_start3A_135] : memref<10240x32xf32, #tpu.memory_space<vmem_shared>> -> memref<10240x32xf32, #tpu.memory_space<vmem_shared>>
        tpu.enqueue_indirect_dma source(%dma_start3A_136 : memref<10240x32xf32, #tpu.memory_space<vmem_shared>>) target(%arg11 : memref<128x32xf32, #tpu.memory_space<vmem>>) offsets(%dma_start3A_133 : memref<128xi32, #tpu.memory_space<vmem>>) semaphore(%arg17 : memref<!tpu.dma_semaphore, #tpu.memory_space<semaphore_mem>>)
      } else {
      }
      %add3A_117 = arith.constant 3 : i32
      %add3A_118 = arith.addi %mul3A_78, %add3A_117 : i32
      %dma_wait3A_119 = arith.constant 0 : i32
      %dma_wait3A_120 = tpu.memref_slice %arg7[%add3A_118, %dma_wait3A_119] : memref<80x128xi32, #tpu.memory_space<vmem>> -> memref<1x128xi32, #tpu.memory_space<vmem>>
      %dma_wait3A_121 = tpu.memref_squeeze %dma_wait3A_120 : memref<1x128xi32, #tpu.memory_space<vmem>> -> memref<128xi32, #tpu.memory_space<vmem>>
      %dma_wait3A_122 = arith.constant 0 : i32
      %dma_wait3A_123 = arith.constant 0 : i32
      %dma_wait3A_124 = tpu.memref_slice %arg14[%dma_wait3A_122, %dma_wait3A_123] : memref<10240x32xf32, #tpu.memory_space<vmem_shared>> -> memref<10240x32xf32, #tpu.memory_space<vmem_shared>>
      tpu.wait_indirect_dma semaphore(%arg18 : memref<!tpu.dma_semaphore, #tpu.memory_space<semaphore_mem>>) src(%dma_wait3A_124 : memref<10240x32xf32, #tpu.memory_space<vmem_shared>>) dst(%arg12 : memref<128x32xf32, #tpu.memory_space<vmem>>)
      "tpu.region"() ({
        %run_scoped3A = tpu.sem_alloc : memref<!tpu.dma_semaphore, #tpu.memory_space<semaphore_mem>>
        %dma_start3A_131 = arith.constant 0 : i32
        %dma_start3A_132 = tpu.memref_slice %arg8[%add3A_118, %dma_start3A_131] : memref<80x128xi32, #tpu.memory_space<vmem>> -> memref<1x128xi32, #tpu.memory_space<vmem>>
        %dma_start3A_133 = tpu.memref_squeeze %dma_start3A_132 : memref<1x128xi32, #tpu.memory_space<vmem>> -> memref<128xi32, #tpu.memory_space<vmem>>
        %dma_start3A_134 = arith.constant 0 : i32
        %dma_start3A_135 = arith.constant 0 : i32
        %dma_start3A_136 = tpu.memref_slice %arg13[%dma_start3A_134, %dma_start3A_135] : memref<10240x32xf32, #tpu.memory_space<vmem_shared>> -> memref<10240x32xf32, #tpu.memory_space<vmem_shared>>
        tpu.enqueue_indirect_dma source(%arg12 : memref<128x32xf32, #tpu.memory_space<vmem>>) target(%dma_start3A_136 : memref<10240x32xf32, #tpu.memory_space<vmem_shared>>) offsets(%dma_start3A_133 : memref<128xi32, #tpu.memory_space<vmem>>) semaphore(%run_scoped3A : memref<!tpu.dma_semaphore, #tpu.memory_space<semaphore_mem>>) {add = true}
        %dma_wait3A_137 = arith.constant 0 : i32
        %dma_wait3A_138 = tpu.memref_slice %arg8[%add3A_118, %dma_wait3A_137] : memref<80x128xi32, #tpu.memory_space<vmem>> -> memref<1x128xi32, #tpu.memory_space<vmem>>
        %dma_wait3A_139 = tpu.memref_squeeze %dma_wait3A_138 : memref<1x128xi32, #tpu.memory_space<vmem>> -> memref<128xi32, #tpu.memory_space<vmem>>
        %dma_wait3A_140 = arith.constant 0 : i32
        %dma_wait3A_141 = arith.constant 0 : i32
        %dma_wait3A_142 = tpu.memref_slice %arg13[%dma_wait3A_140, %dma_wait3A_141] : memref<10240x32xf32, #tpu.memory_space<vmem_shared>> -> memref<10240x32xf32, #tpu.memory_space<vmem_shared>>
        tpu.wait_indirect_dma semaphore(%run_scoped3A : memref<!tpu.dma_semaphore, #tpu.memory_space<semaphore_mem>>) src(%arg12 : memref<128x32xf32, #tpu.memory_space<vmem>>) dst(%dma_wait3A_142 : memref<10240x32xf32, #tpu.memory_space<vmem_shared>>)
        tpu.yield
      }) : () -> ()
      %add3A_125 = arith.constant 4 : i32
      %add3A_126 = arith.addi %add3A_118, %add3A_125 : i32
      %lt3A_127 = arith.cmpi slt, %add3A_126, %select_n3A : i32
      %convert_element_type3A_128 = arith.extui %lt3A_127 : i1 to i32
      %cond3A_129 = arith.constant 0 : i32
      %cond3A_130 = arith.cmpi ne, %convert_element_type3A_128, %cond3A_129 : i32
      scf.if %cond3A_130 {
        %dma_start3A_131 = arith.constant 0 : i32
        %dma_start3A_132 = tpu.memref_slice %arg7[%add3A_126, %dma_start3A_131] : memref<80x128xi32, #tpu.memory_space<vmem>> -> memref<1x128xi32, #tpu.memory_space<vmem>>
        %dma_start3A_133 = tpu.memref_squeeze %dma_start3A_132 : memref<1x128xi32, #tpu.memory_space<vmem>> -> memref<128xi32, #tpu.memory_space<vmem>>
        %dma_start3A_134 = arith.constant 0 : i32
        %dma_start3A_135 = arith.constant 0 : i32
        %dma_start3A_136 = tpu.memref_slice %arg14[%dma_start3A_134, %dma_start3A_135] : memref<10240x32xf32, #tpu.memory_space<vmem_shared>> -> memref<10240x32xf32, #tpu.memory_space<vmem_shared>>
        tpu.enqueue_indirect_dma source(%dma_start3A_136 : memref<10240x32xf32, #tpu.memory_space<vmem_shared>>) target(%arg12 : memref<128x32xf32, #tpu.memory_space<vmem>>) offsets(%dma_start3A_133 : memref<128xi32, #tpu.memory_space<vmem>>) semaphore(%arg18 : memref<!tpu.dma_semaphore, #tpu.memory_space<semaphore_mem>>)
      } else {
      }
    }
    %barrier3A_71 = arith.constant 0 : index
    tpu.barrier barrier_id(%barrier3A_71)
    %mul3A_72 = arith.constant 640 : i32
    %mul3A_73 = arith.muli %arg1, %mul3A_72 : i32
    %mul3A_74 = arith.constant 640 : i32
    %mul3A_75 = arith.muli %arg1, %mul3A_74 : i32
    "tpu.region"() ({
      %run_scoped3A = tpu.sem_alloc : memref<!tpu.dma_semaphore, #tpu.memory_space<semaphore_mem>>
      %dma_start3A_76 = arith.constant 0 : i32
      %dma_start3A_77 = tpu.memref_slice %arg6[%arg0, %mul3A_75, %dma_start3A_76] : memref<2x10240x32xf32, #tpu.memory_space<hbm>> -> memref<1x640x32xf32, #tpu.memory_space<hbm>>
      %dma_start3A_78 = tpu.memref_squeeze %dma_start3A_77 : memref<1x640x32xf32, #tpu.memory_space<hbm>> -> memref<640x32xf32, #tpu.memory_space<hbm>>
      %dma_start3A_79 = arith.constant 0 : i32
      %dma_start3A_80 = tpu.memref_slice %arg13[%mul3A_73, %dma_start3A_79] : memref<10240x32xf32, #tpu.memory_space<vmem_shared>> -> memref<640x32xf32, #tpu.memory_space<vmem_shared>>
      tpu.enqueue_dma source(%dma_start3A_80 : memref<640x32xf32, #tpu.memory_space<vmem_shared>>) target(%dma_start3A_78 : memref<640x32xf32, #tpu.memory_space<hbm>>) target_semaphore(%run_scoped3A : memref<!tpu.dma_semaphore, #tpu.memory_space<semaphore_mem>>)
      %dma_wait3A = arith.constant 0 : i32
      %dma_wait3A_81 = tpu.memref_slice %arg6[%arg0, %mul3A_75, %dma_wait3A] : memref<2x10240x32xf32, #tpu.memory_space<hbm>> -> memref<1x640x32xf32, #tpu.memory_space<hbm>>
      %dma_wait3A_82 = tpu.memref_squeeze %dma_wait3A_81 : memref<1x640x32xf32, #tpu.memory_space<hbm>> -> memref<640x32xf32, #tpu.memory_space<hbm>>
      %dma_wait3A_83 = arith.constant 0 : i32
      %dma_wait3A_84 = tpu.memref_slice %arg13[%mul3A_73, %dma_wait3A_83] : memref<10240x32xf32, #tpu.memory_space<vmem_shared>> -> memref<640x32xf32, #tpu.memory_space<vmem_shared>>
      tpu.wait_dma2 semaphore(%run_scoped3A : memref<!tpu.dma_semaphore, #tpu.memory_space<semaphore_mem>>) src(%dma_wait3A_84 : memref<640x32xf32, #tpu.memory_space<vmem_shared>>) dst(%dma_wait3A_82 : memref<640x32xf32, #tpu.memory_space<hbm>>)
      tpu.yield
    }) : () -> ()
    return
  }
}

#map = affine_map<(d0, d1) -> (0, 0)>
#map1 = affine_map<(d0, d1) -> (0, 0, 0)>
module attributes {stable_mosaic.version = 14 : i64} {
  func.func @prop_kernel(%arg0: i32, %arg1: i32, %arg2: memref<10240x32xf32, #tpu.memory_space<hbm>>, %arg3: memref<2560x128xi32, #tpu.memory_space<hbm>>, %arg4: memref<2560x128xi32, #tpu.memory_space<hbm>>, %arg5: memref<10240x32xf32, #tpu.memory_space<hbm>>, %arg6: memref<2x10240x32xf32, #tpu.memory_space<hbm>>, %arg7: memref<80x128xi32, #tpu.memory_space<vmem>>, %arg8: memref<80x128xi32, #tpu.memory_space<vmem>>, %arg9: memref<128x32xf32, #tpu.memory_space<vmem>>, %arg10: memref<128x32xf32, #tpu.memory_space<vmem>>, %arg11: memref<128x32xf32, #tpu.memory_space<vmem>>, %arg12: memref<128x32xf32, #tpu.memory_space<vmem>>, %arg13: memref<10240x32xf32, #tpu.memory_space<vmem_shared>>, %arg14: memref<10240x32xf32, #tpu.memory_space<vmem_shared>>, %arg15: memref<!tpu.dma_semaphore, #tpu.memory_space<semaphore_mem>>, %arg16: memref<!tpu.dma_semaphore, #tpu.memory_space<semaphore_mem>>, %arg17: memref<!tpu.dma_semaphore, #tpu.memory_space<semaphore_mem>>, %arg18: memref<!tpu.dma_semaphore, #tpu.memory_space<semaphore_mem>>) attributes {dimension_semantics = [#tpu.dimension_semantics<core_parallel>, #tpu.dimension_semantics<subcore_parallel>], iteration_bounds = array<i64: 2, 16>, scalar_prefetch = 0 : i64, scratch_operands = 12 : i64, tpu.core_type = #tpu.core_type<sc_vector_subcore>, window_params = [{transform_indices = #map}, {transform_indices = #map}, {transform_indices = #map}, {transform_indices = #map}, {transform_indices = #map1}]} {
    %eq3A = arith.constant 1 : i32
    %eq3A_0 = arith.cmpi eq, %arg0, %eq3A : i32
    %jit3A = arith.constant 80 : i32
    %jit3A_1 = arith.constant 80 : i32
    %select_n3A = arith.select %eq3A_0, %jit3A, %jit3A_1 : i32
    %eq3A_2 = arith.constant 1 : i32
    %eq3A_3 = arith.cmpi eq, %arg0, %eq3A_2 : i32
    %mul3A = arith.constant 80 : i32
    %mul3A_4 = arith.muli %arg1, %mul3A : i32
    %mul3A_5 = arith.constant 80 : i32
    %mul3A_6 = arith.muli %arg1, %mul3A_5 : i32
    %add3A = arith.constant 1280 : i32
    %add3A_7 = arith.addi %add3A, %mul3A_6 : i32
    %select_n3A_8 = arith.select %eq3A_3, %mul3A_4, %add3A_7 : i32
    "tpu.region"() ({
      %run_scoped3A = tpu.sem_alloc : memref<!tpu.dma_semaphore, #tpu.memory_space<semaphore_mem>>
      %dma_start3A_76 = arith.constant 0 : i32
      %dma_start3A_77 = tpu.memref_slice %arg3[%select_n3A_8, %dma_start3A_76] : memref<2560x128xi32, #tpu.memory_space<hbm>> -> memref<80x128xi32, #tpu.memory_space<hbm>>
      %dma_start3A_78 = arith.constant 0 : i32
      %dma_start3A_79 = tpu.memref_slice %arg3[%select_n3A_8, %dma_start3A_78] : memref<2560x128xi32, #tpu.memory_space<hbm>> -> memref<80x128xi32, #tpu.memory_space<hbm>>
      tpu.enqueue_dma source(%dma_start3A_79 : memref<80x128xi32, #tpu.memory_space<hbm>>) target(%arg7 : memref<80x128xi32, #tpu.memory_space<vmem>>) target_semaphore(%run_scoped3A : memref<!tpu.dma_semaphore, #tpu.memory_space<semaphore_mem>>)
      %dma_wait3A = arith.constant 0 : i32
      %dma_wait3A_80 = tpu.memref_slice %arg3[%select_n3A_8, %dma_wait3A] : memref<2560x128xi32, #tpu.memory_space<hbm>> -> memref<80x128xi32, #tpu.memory_space<hbm>>
      %dma_wait3A_81 = arith.constant 0 : i32
      %dma_wait3A_82 = tpu.memref_slice %arg3[%select_n3A_8, %dma_wait3A_81] : memref<2560x128xi32, #tpu.memory_space<hbm>> -> memref<80x128xi32, #tpu.memory_space<hbm>>
      tpu.wait_dma2 semaphore(%run_scoped3A : memref<!tpu.dma_semaphore, #tpu.memory_space<semaphore_mem>>) src(%dma_wait3A_82 : memref<80x128xi32, #tpu.memory_space<hbm>>) dst(%arg7 : memref<80x128xi32, #tpu.memory_space<vmem>>)
      tpu.yield
    }) : () -> ()
    "tpu.region"() ({
      %run_scoped3A = tpu.sem_alloc : memref<!tpu.dma_semaphore, #tpu.memory_space<semaphore_mem>>
      %dma_start3A_76 = arith.constant 0 : i32
      %dma_start3A_77 = tpu.memref_slice %arg4[%select_n3A_8, %dma_start3A_76] : memref<2560x128xi32, #tpu.memory_space<hbm>> -> memref<80x128xi32, #tpu.memory_space<hbm>>
      %dma_start3A_78 = arith.constant 0 : i32
      %dma_start3A_79 = tpu.memref_slice %arg4[%select_n3A_8, %dma_start3A_78] : memref<2560x128xi32, #tpu.memory_space<hbm>> -> memref<80x128xi32, #tpu.memory_space<hbm>>
      tpu.enqueue_dma source(%dma_start3A_79 : memref<80x128xi32, #tpu.memory_space<hbm>>) target(%arg8 : memref<80x128xi32, #tpu.memory_space<vmem>>) target_semaphore(%run_scoped3A : memref<!tpu.dma_semaphore, #tpu.memory_space<semaphore_mem>>)
      %dma_wait3A = arith.constant 0 : i32
      %dma_wait3A_80 = tpu.memref_slice %arg4[%select_n3A_8, %dma_wait3A] : memref<2560x128xi32, #tpu.memory_space<hbm>> -> memref<80x128xi32, #tpu.memory_space<hbm>>
      %dma_wait3A_81 = arith.constant 0 : i32
      %dma_wait3A_82 = tpu.memref_slice %arg4[%select_n3A_8, %dma_wait3A_81] : memref<2560x128xi32, #tpu.memory_space<hbm>> -> memref<80x128xi32, #tpu.memory_space<hbm>>
      tpu.wait_dma2 semaphore(%run_scoped3A : memref<!tpu.dma_semaphore, #tpu.memory_space<semaphore_mem>>) src(%dma_wait3A_82 : memref<80x128xi32, #tpu.memory_space<hbm>>) dst(%arg8 : memref<80x128xi32, #tpu.memory_space<vmem>>)
      tpu.yield
    }) : () -> ()
    %mul3A_9 = arith.constant 640 : i32
    %mul3A_10 = arith.muli %arg1, %mul3A_9 : i32
    %mul3A_11 = arith.constant 640 : i32
    %mul3A_12 = arith.muli %arg1, %mul3A_11 : i32
    "tpu.region"() ({
      %run_scoped3A = tpu.sem_alloc : memref<!tpu.dma_semaphore, #tpu.memory_space<semaphore_mem>>
      %dma_start3A_76 = arith.constant 0 : i32
      %dma_start3A_77 = tpu.memref_slice %arg14[%mul3A_12, %dma_start3A_76] : memref<10240x32xf32, #tpu.memory_space<vmem_shared>> -> memref<640x32xf32, #tpu.memory_space<vmem_shared>>
      %dma_start3A_78 = arith.constant 0 : i32
      %dma_start3A_79 = tpu.memref_slice %arg2[%mul3A_10, %dma_start3A_78] : memref<10240x32xf32, #tpu.memory_space<hbm>> -> memref<640x32xf32, #tpu.memory_space<hbm>>
      tpu.enqueue_dma source(%dma_start3A_79 : memref<640x32xf32, #tpu.memory_space<hbm>>) target(%dma_start3A_77 : memref<640x32xf32, #tpu.memory_space<vmem_shared>>) target_semaphore(%run_scoped3A : memref<!tpu.dma_semaphore, #tpu.memory_space<semaphore_mem>>)
      %dma_wait3A = arith.constant 0 : i32
      %dma_wait3A_80 = tpu.memref_slice %arg14[%mul3A_12, %dma_wait3A] : memref<10240x32xf32, #tpu.memory_space<vmem_shared>> -> memref<640x32xf32, #tpu.memory_space<vmem_shared>>
      %dma_wait3A_81 = arith.constant 0 : i32
      %dma_wait3A_82 = tpu.memref_slice %arg2[%mul3A_10, %dma_wait3A_81] : memref<10240x32xf32, #tpu.memory_space<hbm>> -> memref<640x32xf32, #tpu.memory_space<hbm>>
      tpu.wait_dma2 semaphore(%run_scoped3A : memref<!tpu.dma_semaphore, #tpu.memory_space<semaphore_mem>>) src(%dma_wait3A_82 : memref<640x32xf32, #tpu.memory_space<hbm>>) dst(%dma_wait3A_80 : memref<640x32xf32, #tpu.memory_space<vmem_shared>>)
      tpu.yield
    }) : () -> ()
    %mul3A_13 = arith.constant 640 : i32
    %mul3A_14 = arith.muli %arg1, %mul3A_13 : i32
    %mul3A_15 = arith.constant 640 : i32
    %mul3A_16 = arith.muli %arg1, %mul3A_15 : i32
    "tpu.region"() ({
      %run_scoped3A = tpu.sem_alloc : memref<!tpu.dma_semaphore, #tpu.memory_space<semaphore_mem>>
      %dma_start3A_76 = arith.constant 0 : i32
      %dma_start3A_77 = tpu.memref_slice %arg13[%mul3A_16, %dma_start3A_76] : memref<10240x32xf32, #tpu.memory_space<vmem_shared>> -> memref<640x32xf32, #tpu.memory_space<vmem_shared>>
      %dma_start3A_78 = arith.constant 0 : i32
      %dma_start3A_79 = tpu.memref_slice %arg5[%mul3A_14, %dma_start3A_78] : memref<10240x32xf32, #tpu.memory_space<hbm>> -> memref<640x32xf32, #tpu.memory_space<hbm>>
      tpu.enqueue_dma source(%dma_start3A_79 : memref<640x32xf32, #tpu.memory_space<hbm>>) target(%dma_start3A_77 : memref<640x32xf32, #tpu.memory_space<vmem_shared>>) target_semaphore(%run_scoped3A : memref<!tpu.dma_semaphore, #tpu.memory_space<semaphore_mem>>)
      %dma_wait3A = arith.constant 0 : i32
      %dma_wait3A_80 = tpu.memref_slice %arg13[%mul3A_16, %dma_wait3A] : memref<10240x32xf32, #tpu.memory_space<vmem_shared>> -> memref<640x32xf32, #tpu.memory_space<vmem_shared>>
      %dma_wait3A_81 = arith.constant 0 : i32
      %dma_wait3A_82 = tpu.memref_slice %arg5[%mul3A_14, %dma_wait3A_81] : memref<10240x32xf32, #tpu.memory_space<hbm>> -> memref<640x32xf32, #tpu.memory_space<hbm>>
      tpu.wait_dma2 semaphore(%run_scoped3A : memref<!tpu.dma_semaphore, #tpu.memory_space<semaphore_mem>>) src(%dma_wait3A_82 : memref<640x32xf32, #tpu.memory_space<hbm>>) dst(%dma_wait3A_80 : memref<640x32xf32, #tpu.memory_space<vmem_shared>>)
      tpu.yield
    }) : () -> ()
    %barrier3A = arith.constant 0 : index
    tpu.barrier barrier_id(%barrier3A)
    %dma_start3A = arith.constant 0 : i32
    %dma_start3A_17 = arith.constant 0 : i32
    %dma_start3A_18 = tpu.memref_slice %arg7[%dma_start3A, %dma_start3A_17] : memref<80x128xi32, #tpu.memory_space<vmem>> -> memref<1x128xi32, #tpu.memory_space<vmem>>
    %dma_start3A_19 = tpu.memref_squeeze %dma_start3A_18 : memref<1x128xi32, #tpu.memory_space<vmem>> -> memref<128xi32, #tpu.memory_space<vmem>>
    %dma_start3A_20 = arith.constant 0 : i32
    %dma_start3A_21 = arith.constant 0 : i32
    %dma_start3A_22 = tpu.memref_slice %arg14[%dma_start3A_20, %dma_start3A_21] : memref<10240x32xf32, #tpu.memory_space<vmem_shared>> -> memref<10240x32xf32, #tpu.memory_space<vmem_shared>>
    tpu.enqueue_indirect_dma source(%dma_start3A_22 : memref<10240x32xf32, #tpu.memory_space<vmem_shared>>) target(%arg9 : memref<128x32xf32, #tpu.memory_space<vmem>>) offsets(%dma_start3A_19 : memref<128xi32, #tpu.memory_space<vmem>>) semaphore(%arg15 : memref<!tpu.dma_semaphore, #tpu.memory_space<semaphore_mem>>)
    %dma_start3A_23 = arith.constant 1 : i32
    %dma_start3A_24 = arith.constant 0 : i32
    %dma_start3A_25 = tpu.memref_slice %arg7[%dma_start3A_23, %dma_start3A_24] : memref<80x128xi32, #tpu.memory_space<vmem>> -> memref<1x128xi32, #tpu.memory_space<vmem>>
    %dma_start3A_26 = tpu.memref_squeeze %dma_start3A_25 : memref<1x128xi32, #tpu.memory_space<vmem>> -> memref<128xi32, #tpu.memory_space<vmem>>
    %dma_start3A_27 = arith.constant 0 : i32
    %dma_start3A_28 = arith.constant 0 : i32
    %dma_start3A_29 = tpu.memref_slice %arg14[%dma_start3A_27, %dma_start3A_28] : memref<10240x32xf32, #tpu.memory_space<vmem_shared>> -> memref<10240x32xf32, #tpu.memory_space<vmem_shared>>
    tpu.enqueue_indirect_dma source(%dma_start3A_29 : memref<10240x32xf32, #tpu.memory_space<vmem_shared>>) target(%arg10 : memref<128x32xf32, #tpu.memory_space<vmem>>) offsets(%dma_start3A_26 : memref<128xi32, #tpu.memory_space<vmem>>) semaphore(%arg16 : memref<!tpu.dma_semaphore, #tpu.memory_space<semaphore_mem>>)
    %dma_start3A_30 = arith.constant 2 : i32
    %dma_start3A_31 = arith.constant 0 : i32
    %dma_start3A_32 = tpu.memref_slice %arg7[%dma_start3A_30, %dma_start3A_31] : memref<80x128xi32, #tpu.memory_space<vmem>> -> memref<1x128xi32, #tpu.memory_space<vmem>>
    %dma_start3A_33 = tpu.memref_squeeze %dma_start3A_32 : memref<1x128xi32, #tpu.memory_space<vmem>> -> memref<128xi32, #tpu.memory_space<vmem>>
    %dma_start3A_34 = arith.constant 0 : i32
    %dma_start3A_35 = arith.constant 0 : i32
    %dma_start3A_36 = tpu.memref_slice %arg14[%dma_start3A_34, %dma_start3A_35] : memref<10240x32xf32, #tpu.memory_space<vmem_shared>> -> memref<10240x32xf32, #tpu.memory_space<vmem_shared>>
    tpu.enqueue_indirect_dma source(%dma_start3A_36 : memref<10240x32xf32, #tpu.memory_space<vmem_shared>>) target(%arg11 : memref<128x32xf32, #tpu.memory_space<vmem>>) offsets(%dma_start3A_33 : memref<128xi32, #tpu.memory_space<vmem>>) semaphore(%arg17 : memref<!tpu.dma_semaphore, #tpu.memory_space<semaphore_mem>>)
    %dma_start3A_37 = arith.constant 3 : i32
    %dma_start3A_38 = arith.constant 0 : i32
    %dma_start3A_39 = tpu.memref_slice %arg7[%dma_start3A_37, %dma_start3A_38] : memref<80x128xi32, #tpu.memory_space<vmem>> -> memref<1x128xi32, #tpu.memory_space<vmem>>
    %dma_start3A_40 = tpu.memref_squeeze %dma_start3A_39 : memref<1x128xi32, #tpu.memory_space<vmem>> -> memref<128xi32, #tpu.memory_space<vmem>>
    %dma_start3A_41 = arith.constant 0 : i32
    %dma_start3A_42 = arith.constant 0 : i32
    %dma_start3A_43 = tpu.memref_slice %arg14[%dma_start3A_41, %dma_start3A_42] : memref<10240x32xf32, #tpu.memory_space<vmem_shared>> -> memref<10240x32xf32, #tpu.memory_space<vmem_shared>>
    tpu.enqueue_indirect_dma source(%dma_start3A_43 : memref<10240x32xf32, #tpu.memory_space<vmem_shared>>) target(%arg12 : memref<128x32xf32, #tpu.memory_space<vmem>>) offsets(%dma_start3A_40 : memref<128xi32, #tpu.memory_space<vmem>>) semaphore(%arg18 : memref<!tpu.dma_semaphore, #tpu.memory_space<semaphore_mem>>)
    %jit3A_44 = arith.constant 4 : i32
    %div3A = arith.divsi %select_n3A, %jit3A_44 : i32
    %sign3A = arith.constant 0 : i32
    %sign3A_45 = arith.cmpi sgt, %select_n3A, %sign3A : i32
    %sign3A_46 = arith.extui %sign3A_45 : i1 to i32
    %sign3A_47 = arith.constant 0 : i32
    %sign3A_48 = arith.cmpi slt, %select_n3A, %sign3A_47 : i32
    %sign3A_49 = arith.extui %sign3A_48 : i1 to i32
    %sign3A_50 = arith.subi %sign3A_46, %sign3A_49 : i32
    %sign3A_51 = arith.constant 0 : i32
    %sign3A_52 = arith.cmpi sgt, %jit3A_44, %sign3A_51 : i32
    %sign3A_53 = arith.extui %sign3A_52 : i1 to i32
    %sign3A_54 = arith.constant 0 : i32
    %sign3A_55 = arith.cmpi slt, %jit3A_44, %sign3A_54 : i32
    %sign3A_56 = arith.extui %sign3A_55 : i1 to i32
    %sign3A_57 = arith.subi %sign3A_53, %sign3A_56 : i32
    %ne3A = arith.cmpi ne, %sign3A_50, %sign3A_57 : i32
    %rem3A = arith.remsi %select_n3A, %jit3A_44 : i32
    %ne3A_58 = arith.constant 0 : i32
    %ne3A_59 = arith.cmpi ne, %rem3A, %ne3A_58 : i32
    %and3A = arith.andi %ne3A, %ne3A_59 : i1
    %sub3A = arith.constant 1 : i32
    %sub3A_60 = arith.subi %div3A, %sub3A : i32
    %select_n3A_61 = arith.select %and3A, %sub3A_60, %div3A : i32
    %while3A = arith.constant 0 : i32
    %while3A_62 = arith.constant 0 : i32
    %while3A_63 = arith.subi %select_n3A_61, %while3A_62 : i32
    %while3A_64 = arith.addi %while3A_62, %while3A_63 : i32
    %while3A_65 = arith.constant 1 : i32
    %while3A_66 = arith.divsi %while3A_63, %while3A_65 : i32
    %while3A_67 = arith.muli %while3A_66, %while3A_65 : i32
    %while3A_68 = arith.addi %while3A_62, %while3A_67 : i32
    %while3A_69 = arith.constant 1 : i32
    scf.for %while3A_76 = %while3A_62 to %while3A_68 step %while3A_69  : i32 {
      %mul3A_77 = arith.constant 4 : i32
      %mul3A_78 = arith.muli %while3A_76, %mul3A_77 : i32
      %add3A_79 = arith.constant 0 : i32
      %add3A_80 = arith.addi %mul3A_78, %add3A_79 : i32
      %dma_wait3A = arith.constant 0 : i32
      %dma_wait3A_81 = tpu.memref_slice %arg7[%add3A_80, %dma_wait3A] : memref<80x128xi32, #tpu.memory_space<vmem>> -> memref<1x128xi32, #tpu.memory_space<vmem>>
      %dma_wait3A_82 = tpu.memref_squeeze %dma_wait3A_81 : memref<1x128xi32, #tpu.memory_space<vmem>> -> memref<128xi32, #tpu.memory_space<vmem>>
      %dma_wait3A_83 = arith.constant 0 : i32
      %dma_wait3A_84 = arith.constant 0 : i32
      %dma_wait3A_85 = tpu.memref_slice %arg14[%dma_wait3A_83, %dma_wait3A_84] : memref<10240x32xf32, #tpu.memory_space<vmem_shared>> -> memref<10240x32xf32, #tpu.memory_space<vmem_shared>>
      tpu.wait_indirect_dma semaphore(%arg15 : memref<!tpu.dma_semaphore, #tpu.memory_space<semaphore_mem>>) src(%dma_wait3A_85 : memref<10240x32xf32, #tpu.memory_space<vmem_shared>>) dst(%arg9 : memref<128x32xf32, #tpu.memory_space<vmem>>)
      "tpu.region"() ({
        %run_scoped3A = tpu.sem_alloc : memref<!tpu.dma_semaphore, #tpu.memory_space<semaphore_mem>>
        %dma_start3A_131 = arith.constant 0 : i32
        %dma_start3A_132 = tpu.memref_slice %arg8[%add3A_80, %dma_start3A_131] : memref<80x128xi32, #tpu.memory_space<vmem>> -> memref<1x128xi32, #tpu.memory_space<vmem>>
        %dma_start3A_133 = tpu.memref_squeeze %dma_start3A_132 : memref<1x128xi32, #tpu.memory_space<vmem>> -> memref<128xi32, #tpu.memory_space<vmem>>
        %dma_start3A_134 = arith.constant 0 : i32
        %dma_start3A_135 = arith.constant 0 : i32
        %dma_start3A_136 = tpu.memref_slice %arg13[%dma_start3A_134, %dma_start3A_135] : memref<10240x32xf32, #tpu.memory_space<vmem_shared>> -> memref<10240x32xf32, #tpu.memory_space<vmem_shared>>
        tpu.enqueue_indirect_dma source(%arg9 : memref<128x32xf32, #tpu.memory_space<vmem>>) target(%dma_start3A_136 : memref<10240x32xf32, #tpu.memory_space<vmem_shared>>) offsets(%dma_start3A_133 : memref<128xi32, #tpu.memory_space<vmem>>) semaphore(%run_scoped3A : memref<!tpu.dma_semaphore, #tpu.memory_space<semaphore_mem>>) {add = true}
        %dma_wait3A_137 = arith.constant 0 : i32
        %dma_wait3A_138 = tpu.memref_slice %arg8[%add3A_80, %dma_wait3A_137] : memref<80x128xi32, #tpu.memory_space<vmem>> -> memref<1x128xi32, #tpu.memory_space<vmem>>
        %dma_wait3A_139 = tpu.memref_squeeze %dma_wait3A_138 : memref<1x128xi32, #tpu.memory_space<vmem>> -> memref<128xi32, #tpu.memory_space<vmem>>
        %dma_wait3A_140 = arith.constant 0 : i32
        %dma_wait3A_141 = arith.constant 0 : i32
        %dma_wait3A_142 = tpu.memref_slice %arg13[%dma_wait3A_140, %dma_wait3A_141] : memref<10240x32xf32, #tpu.memory_space<vmem_shared>> -> memref<10240x32xf32, #tpu.memory_space<vmem_shared>>
        tpu.wait_indirect_dma semaphore(%run_scoped3A : memref<!tpu.dma_semaphore, #tpu.memory_space<semaphore_mem>>) src(%arg9 : memref<128x32xf32, #tpu.memory_space<vmem>>) dst(%dma_wait3A_142 : memref<10240x32xf32, #tpu.memory_space<vmem_shared>>)
        tpu.yield
      }) : () -> ()
      %add3A_86 = arith.constant 4 : i32
      %add3A_87 = arith.addi %add3A_80, %add3A_86 : i32
      %lt3A = arith.cmpi slt, %add3A_87, %select_n3A : i32
      %convert_element_type3A = arith.extui %lt3A : i1 to i32
      %cond3A = arith.constant 0 : i32
      %cond3A_88 = arith.cmpi ne, %convert_element_type3A, %cond3A : i32
      scf.if %cond3A_88 {
        %dma_start3A_131 = arith.constant 0 : i32
        %dma_start3A_132 = tpu.memref_slice %arg7[%add3A_87, %dma_start3A_131] : memref<80x128xi32, #tpu.memory_space<vmem>> -> memref<1x128xi32, #tpu.memory_space<vmem>>
        %dma_start3A_133 = tpu.memref_squeeze %dma_start3A_132 : memref<1x128xi32, #tpu.memory_space<vmem>> -> memref<128xi32, #tpu.memory_space<vmem>>
        %dma_start3A_134 = arith.constant 0 : i32
        %dma_start3A_135 = arith.constant 0 : i32
        %dma_start3A_136 = tpu.memref_slice %arg14[%dma_start3A_134, %dma_start3A_135] : memref<10240x32xf32, #tpu.memory_space<vmem_shared>> -> memref<10240x32xf32, #tpu.memory_space<vmem_shared>>
        tpu.enqueue_indirect_dma source(%dma_start3A_136 : memref<10240x32xf32, #tpu.memory_space<vmem_shared>>) target(%arg9 : memref<128x32xf32, #tpu.memory_space<vmem>>) offsets(%dma_start3A_133 : memref<128xi32, #tpu.memory_space<vmem>>) semaphore(%arg15 : memref<!tpu.dma_semaphore, #tpu.memory_space<semaphore_mem>>)
      } else {
      }
      %add3A_89 = arith.constant 1 : i32
      %add3A_90 = arith.addi %mul3A_78, %add3A_89 : i32
      %dma_wait3A_91 = arith.constant 0 : i32
      %dma_wait3A_92 = tpu.memref_slice %arg7[%add3A_90, %dma_wait3A_91] : memref<80x128xi32, #tpu.memory_space<vmem>> -> memref<1x128xi32, #tpu.memory_space<vmem>>
      %dma_wait3A_93 = tpu.memref_squeeze %dma_wait3A_92 : memref<1x128xi32, #tpu.memory_space<vmem>> -> memref<128xi32, #tpu.memory_space<vmem>>
      %dma_wait3A_94 = arith.constant 0 : i32
      %dma_wait3A_95 = arith.constant 0 : i32
      %dma_wait3A_96 = tpu.memref_slice %arg14[%dma_wait3A_94, %dma_wait3A_95] : memref<10240x32xf32, #tpu.memory_space<vmem_shared>> -> memref<10240x32xf32, #tpu.memory_space<vmem_shared>>
      tpu.wait_indirect_dma semaphore(%arg16 : memref<!tpu.dma_semaphore, #tpu.memory_space<semaphore_mem>>) src(%dma_wait3A_96 : memref<10240x32xf32, #tpu.memory_space<vmem_shared>>) dst(%arg10 : memref<128x32xf32, #tpu.memory_space<vmem>>)
      "tpu.region"() ({
        %run_scoped3A = tpu.sem_alloc : memref<!tpu.dma_semaphore, #tpu.memory_space<semaphore_mem>>
        %dma_start3A_131 = arith.constant 0 : i32
        %dma_start3A_132 = tpu.memref_slice %arg8[%add3A_90, %dma_start3A_131] : memref<80x128xi32, #tpu.memory_space<vmem>> -> memref<1x128xi32, #tpu.memory_space<vmem>>
        %dma_start3A_133 = tpu.memref_squeeze %dma_start3A_132 : memref<1x128xi32, #tpu.memory_space<vmem>> -> memref<128xi32, #tpu.memory_space<vmem>>
        %dma_start3A_134 = arith.constant 0 : i32
        %dma_start3A_135 = arith.constant 0 : i32
        %dma_start3A_136 = tpu.memref_slice %arg13[%dma_start3A_134, %dma_start3A_135] : memref<10240x32xf32, #tpu.memory_space<vmem_shared>> -> memref<10240x32xf32, #tpu.memory_space<vmem_shared>>
        tpu.enqueue_indirect_dma source(%arg10 : memref<128x32xf32, #tpu.memory_space<vmem>>) target(%dma_start3A_136 : memref<10240x32xf32, #tpu.memory_space<vmem_shared>>) offsets(%dma_start3A_133 : memref<128xi32, #tpu.memory_space<vmem>>) semaphore(%run_scoped3A : memref<!tpu.dma_semaphore, #tpu.memory_space<semaphore_mem>>) {add = true}
        %dma_wait3A_137 = arith.constant 0 : i32
        %dma_wait3A_138 = tpu.memref_slice %arg8[%add3A_90, %dma_wait3A_137] : memref<80x128xi32, #tpu.memory_space<vmem>> -> memref<1x128xi32, #tpu.memory_space<vmem>>
        %dma_wait3A_139 = tpu.memref_squeeze %dma_wait3A_138 : memref<1x128xi32, #tpu.memory_space<vmem>> -> memref<128xi32, #tpu.memory_space<vmem>>
        %dma_wait3A_140 = arith.constant 0 : i32
        %dma_wait3A_141 = arith.constant 0 : i32
        %dma_wait3A_142 = tpu.memref_slice %arg13[%dma_wait3A_140, %dma_wait3A_141] : memref<10240x32xf32, #tpu.memory_space<vmem_shared>> -> memref<10240x32xf32, #tpu.memory_space<vmem_shared>>
        tpu.wait_indirect_dma semaphore(%run_scoped3A : memref<!tpu.dma_semaphore, #tpu.memory_space<semaphore_mem>>) src(%arg10 : memref<128x32xf32, #tpu.memory_space<vmem>>) dst(%dma_wait3A_142 : memref<10240x32xf32, #tpu.memory_space<vmem_shared>>)
        tpu.yield
      }) : () -> ()
      %add3A_97 = arith.constant 4 : i32
      %add3A_98 = arith.addi %add3A_90, %add3A_97 : i32
      %lt3A_99 = arith.cmpi slt, %add3A_98, %select_n3A : i32
      %convert_element_type3A_100 = arith.extui %lt3A_99 : i1 to i32
      %cond3A_101 = arith.constant 0 : i32
      %cond3A_102 = arith.cmpi ne, %convert_element_type3A_100, %cond3A_101 : i32
      scf.if %cond3A_102 {
        %dma_start3A_131 = arith.constant 0 : i32
        %dma_start3A_132 = tpu.memref_slice %arg7[%add3A_98, %dma_start3A_131] : memref<80x128xi32, #tpu.memory_space<vmem>> -> memref<1x128xi32, #tpu.memory_space<vmem>>
        %dma_start3A_133 = tpu.memref_squeeze %dma_start3A_132 : memref<1x128xi32, #tpu.memory_space<vmem>> -> memref<128xi32, #tpu.memory_space<vmem>>
        %dma_start3A_134 = arith.constant 0 : i32
        %dma_start3A_135 = arith.constant 0 : i32
        %dma_start3A_136 = tpu.memref_slice %arg14[%dma_start3A_134, %dma_start3A_135] : memref<10240x32xf32, #tpu.memory_space<vmem_shared>> -> memref<10240x32xf32, #tpu.memory_space<vmem_shared>>
        tpu.enqueue_indirect_dma source(%dma_start3A_136 : memref<10240x32xf32, #tpu.memory_space<vmem_shared>>) target(%arg10 : memref<128x32xf32, #tpu.memory_space<vmem>>) offsets(%dma_start3A_133 : memref<128xi32, #tpu.memory_space<vmem>>) semaphore(%arg16 : memref<!tpu.dma_semaphore, #tpu.memory_space<semaphore_mem>>)
      } else {
      }
      %add3A_103 = arith.constant 2 : i32
      %add3A_104 = arith.addi %mul3A_78, %add3A_103 : i32
      %dma_wait3A_105 = arith.constant 0 : i32
      %dma_wait3A_106 = tpu.memref_slice %arg7[%add3A_104, %dma_wait3A_105] : memref<80x128xi32, #tpu.memory_space<vmem>> -> memref<1x128xi32, #tpu.memory_space<vmem>>
      %dma_wait3A_107 = tpu.memref_squeeze %dma_wait3A_106 : memref<1x128xi32, #tpu.memory_space<vmem>> -> memref<128xi32, #tpu.memory_space<vmem>>
      %dma_wait3A_108 = arith.constant 0 : i32
      %dma_wait3A_109 = arith.constant 0 : i32
      %dma_wait3A_110 = tpu.memref_slice %arg14[%dma_wait3A_108, %dma_wait3A_109] : memref<10240x32xf32, #tpu.memory_space<vmem_shared>> -> memref<10240x32xf32, #tpu.memory_space<vmem_shared>>
      tpu.wait_indirect_dma semaphore(%arg17 : memref<!tpu.dma_semaphore, #tpu.memory_space<semaphore_mem>>) src(%dma_wait3A_110 : memref<10240x32xf32, #tpu.memory_space<vmem_shared>>) dst(%arg11 : memref<128x32xf32, #tpu.memory_space<vmem>>)
      "tpu.region"() ({
        %run_scoped3A = tpu.sem_alloc : memref<!tpu.dma_semaphore, #tpu.memory_space<semaphore_mem>>
        %dma_start3A_131 = arith.constant 0 : i32
        %dma_start3A_132 = tpu.memref_slice %arg8[%add3A_104, %dma_start3A_131] : memref<80x128xi32, #tpu.memory_space<vmem>> -> memref<1x128xi32, #tpu.memory_space<vmem>>
        %dma_start3A_133 = tpu.memref_squeeze %dma_start3A_132 : memref<1x128xi32, #tpu.memory_space<vmem>> -> memref<128xi32, #tpu.memory_space<vmem>>
        %dma_start3A_134 = arith.constant 0 : i32
        %dma_start3A_135 = arith.constant 0 : i32
        %dma_start3A_136 = tpu.memref_slice %arg13[%dma_start3A_134, %dma_start3A_135] : memref<10240x32xf32, #tpu.memory_space<vmem_shared>> -> memref<10240x32xf32, #tpu.memory_space<vmem_shared>>
        tpu.enqueue_indirect_dma source(%arg11 : memref<128x32xf32, #tpu.memory_space<vmem>>) target(%dma_start3A_136 : memref<10240x32xf32, #tpu.memory_space<vmem_shared>>) offsets(%dma_start3A_133 : memref<128xi32, #tpu.memory_space<vmem>>) semaphore(%run_scoped3A : memref<!tpu.dma_semaphore, #tpu.memory_space<semaphore_mem>>) {add = true}
        %dma_wait3A_137 = arith.constant 0 : i32
        %dma_wait3A_138 = tpu.memref_slice %arg8[%add3A_104, %dma_wait3A_137] : memref<80x128xi32, #tpu.memory_space<vmem>> -> memref<1x128xi32, #tpu.memory_space<vmem>>
        %dma_wait3A_139 = tpu.memref_squeeze %dma_wait3A_138 : memref<1x128xi32, #tpu.memory_space<vmem>> -> memref<128xi32, #tpu.memory_space<vmem>>
        %dma_wait3A_140 = arith.constant 0 : i32
        %dma_wait3A_141 = arith.constant 0 : i32
        %dma_wait3A_142 = tpu.memref_slice %arg13[%dma_wait3A_140, %dma_wait3A_141] : memref<10240x32xf32, #tpu.memory_space<vmem_shared>> -> memref<10240x32xf32, #tpu.memory_space<vmem_shared>>
        tpu.wait_indirect_dma semaphore(%run_scoped3A : memref<!tpu.dma_semaphore, #tpu.memory_space<semaphore_mem>>) src(%arg11 : memref<128x32xf32, #tpu.memory_space<vmem>>) dst(%dma_wait3A_142 : memref<10240x32xf32, #tpu.memory_space<vmem_shared>>)
        tpu.yield
      }) : () -> ()
      %add3A_111 = arith.constant 4 : i32
      %add3A_112 = arith.addi %add3A_104, %add3A_111 : i32
      %lt3A_113 = arith.cmpi slt, %add3A_112, %select_n3A : i32
      %convert_element_type3A_114 = arith.extui %lt3A_113 : i1 to i32
      %cond3A_115 = arith.constant 0 : i32
      %cond3A_116 = arith.cmpi ne, %convert_element_type3A_114, %cond3A_115 : i32
      scf.if %cond3A_116 {
        %dma_start3A_131 = arith.constant 0 : i32
        %dma_start3A_132 = tpu.memref_slice %arg7[%add3A_112, %dma_start3A_131] : memref<80x128xi32, #tpu.memory_space<vmem>> -> memref<1x128xi32, #tpu.memory_space<vmem>>
        %dma_start3A_133 = tpu.memref_squeeze %dma_start3A_132 : memref<1x128xi32, #tpu.memory_space<vmem>> -> memref<128xi32, #tpu.memory_space<vmem>>
        %dma_start3A_134 = arith.constant 0 : i32
        %dma_start3A_135 = arith.constant 0 : i32
        %dma_start3A_136 = tpu.memref_slice %arg14[%dma_start3A_134, %dma_start3A_135] : memref<10240x32xf32, #tpu.memory_space<vmem_shared>> -> memref<10240x32xf32, #tpu.memory_space<vmem_shared>>
        tpu.enqueue_indirect_dma source(%dma_start3A_136 : memref<10240x32xf32, #tpu.memory_space<vmem_shared>>) target(%arg11 : memref<128x32xf32, #tpu.memory_space<vmem>>) offsets(%dma_start3A_133 : memref<128xi32, #tpu.memory_space<vmem>>) semaphore(%arg17 : memref<!tpu.dma_semaphore, #tpu.memory_space<semaphore_mem>>)
      } else {
      }
      %add3A_117 = arith.constant 3 : i32
      %add3A_118 = arith.addi %mul3A_78, %add3A_117 : i32
      %dma_wait3A_119 = arith.constant 0 : i32
      %dma_wait3A_120 = tpu.memref_slice %arg7[%add3A_118, %dma_wait3A_119] : memref<80x128xi32, #tpu.memory_space<vmem>> -> memref<1x128xi32, #tpu.memory_space<vmem>>
      %dma_wait3A_121 = tpu.memref_squeeze %dma_wait3A_120 : memref<1x128xi32, #tpu.memory_space<vmem>> -> memref<128xi32, #tpu.memory_space<vmem>>
      %dma_wait3A_122 = arith.constant 0 : i32
      %dma_wait3A_123 = arith.constant 0 : i32
      %dma_wait3A_124 = tpu.memref_slice %arg14[%dma_wait3A_122, %dma_wait3A_123] : memref<10240x32xf32, #tpu.memory_space<vmem_shared>> -> memref<10240x32xf32, #tpu.memory_space<vmem_shared>>
      tpu.wait_indirect_dma semaphore(%arg18 : memref<!tpu.dma_semaphore, #tpu.memory_space<semaphore_mem>>) src(%dma_wait3A_124 : memref<10240x32xf32, #tpu.memory_space<vmem_shared>>) dst(%arg12 : memref<128x32xf32, #tpu.memory_space<vmem>>)
      "tpu.region"() ({
        %run_scoped3A = tpu.sem_alloc : memref<!tpu.dma_semaphore, #tpu.memory_space<semaphore_mem>>
        %dma_start3A_131 = arith.constant 0 : i32
        %dma_start3A_132 = tpu.memref_slice %arg8[%add3A_118, %dma_start3A_131] : memref<80x128xi32, #tpu.memory_space<vmem>> -> memref<1x128xi32, #tpu.memory_space<vmem>>
        %dma_start3A_133 = tpu.memref_squeeze %dma_start3A_132 : memref<1x128xi32, #tpu.memory_space<vmem>> -> memref<128xi32, #tpu.memory_space<vmem>>
        %dma_start3A_134 = arith.constant 0 : i32
        %dma_start3A_135 = arith.constant 0 : i32
        %dma_start3A_136 = tpu.memref_slice %arg13[%dma_start3A_134, %dma_start3A_135] : memref<10240x32xf32, #tpu.memory_space<vmem_shared>> -> memref<10240x32xf32, #tpu.memory_space<vmem_shared>>
        tpu.enqueue_indirect_dma source(%arg12 : memref<128x32xf32, #tpu.memory_space<vmem>>) target(%dma_start3A_136 : memref<10240x32xf32, #tpu.memory_space<vmem_shared>>) offsets(%dma_start3A_133 : memref<128xi32, #tpu.memory_space<vmem>>) semaphore(%run_scoped3A : memref<!tpu.dma_semaphore, #tpu.memory_space<semaphore_mem>>) {add = true}
        %dma_wait3A_137 = arith.constant 0 : i32
        %dma_wait3A_138 = tpu.memref_slice %arg8[%add3A_118, %dma_wait3A_137] : memref<80x128xi32, #tpu.memory_space<vmem>> -> memref<1x128xi32, #tpu.memory_space<vmem>>
        %dma_wait3A_139 = tpu.memref_squeeze %dma_wait3A_138 : memref<1x128xi32, #tpu.memory_space<vmem>> -> memref<128xi32, #tpu.memory_space<vmem>>
        %dma_wait3A_140 = arith.constant 0 : i32
        %dma_wait3A_141 = arith.constant 0 : i32
        %dma_wait3A_142 = tpu.memref_slice %arg13[%dma_wait3A_140, %dma_wait3A_141] : memref<10240x32xf32, #tpu.memory_space<vmem_shared>> -> memref<10240x32xf32, #tpu.memory_space<vmem_shared>>
        tpu.wait_indirect_dma semaphore(%run_scoped3A : memref<!tpu.dma_semaphore, #tpu.memory_space<semaphore_mem>>) src(%arg12 : memref<128x32xf32, #tpu.memory_space<vmem>>) dst(%dma_wait3A_142 : memref<10240x32xf32, #tpu.memory_space<vmem_shared>>)
        tpu.yield
      }) : () -> ()
      %add3A_125 = arith.constant 4 : i32
      %add3A_126 = arith.addi %add3A_118, %add3A_125 : i32
      %lt3A_127 = arith.cmpi slt, %add3A_126, %select_n3A : i32
      %convert_element_type3A_128 = arith.extui %lt3A_127 : i1 to i32
      %cond3A_129 = arith.constant 0 : i32
      %cond3A_130 = arith.cmpi ne, %convert_element_type3A_128, %cond3A_129 : i32
      scf.if %cond3A_130 {
        %dma_start3A_131 = arith.constant 0 : i32
        %dma_start3A_132 = tpu.memref_slice %arg7[%add3A_126, %dma_start3A_131] : memref<80x128xi32, #tpu.memory_space<vmem>> -> memref<1x128xi32, #tpu.memory_space<vmem>>
        %dma_start3A_133 = tpu.memref_squeeze %dma_start3A_132 : memref<1x128xi32, #tpu.memory_space<vmem>> -> memref<128xi32, #tpu.memory_space<vmem>>
        %dma_start3A_134 = arith.constant 0 : i32
        %dma_start3A_135 = arith.constant 0 : i32
        %dma_start3A_136 = tpu.memref_slice %arg14[%dma_start3A_134, %dma_start3A_135] : memref<10240x32xf32, #tpu.memory_space<vmem_shared>> -> memref<10240x32xf32, #tpu.memory_space<vmem_shared>>
        tpu.enqueue_indirect_dma source(%dma_start3A_136 : memref<10240x32xf32, #tpu.memory_space<vmem_shared>>) target(%arg12 : memref<128x32xf32, #tpu.memory_space<vmem>>) offsets(%dma_start3A_133 : memref<128xi32, #tpu.memory_space<vmem>>) semaphore(%arg18 : memref<!tpu.dma_semaphore, #tpu.memory_space<semaphore_mem>>)
      } else {
      }
    }
    %while3A_70 = arith.constant 1 : i32
    scf.for %while3A_76 = %while3A_68 to %while3A_64 step %while3A_70  : i32 {
      %mul3A_77 = arith.constant 4 : i32
      %mul3A_78 = arith.muli %while3A_76, %mul3A_77 : i32
      %add3A_79 = arith.constant 0 : i32
      %add3A_80 = arith.addi %mul3A_78, %add3A_79 : i32
      %dma_wait3A = arith.constant 0 : i32
      %dma_wait3A_81 = tpu.memref_slice %arg7[%add3A_80, %dma_wait3A] : memref<80x128xi32, #tpu.memory_space<vmem>> -> memref<1x128xi32, #tpu.memory_space<vmem>>
      %dma_wait3A_82 = tpu.memref_squeeze %dma_wait3A_81 : memref<1x128xi32, #tpu.memory_space<vmem>> -> memref<128xi32, #tpu.memory_space<vmem>>
      %dma_wait3A_83 = arith.constant 0 : i32
      %dma_wait3A_84 = arith.constant 0 : i32
      %dma_wait3A_85 = tpu.memref_slice %arg14[%dma_wait3A_83, %dma_wait3A_84] : memref<10240x32xf32, #tpu.memory_space<vmem_shared>> -> memref<10240x32xf32, #tpu.memory_space<vmem_shared>>
      tpu.wait_indirect_dma semaphore(%arg15 : memref<!tpu.dma_semaphore, #tpu.memory_space<semaphore_mem>>) src(%dma_wait3A_85 : memref<10240x32xf32, #tpu.memory_space<vmem_shared>>) dst(%arg9 : memref<128x32xf32, #tpu.memory_space<vmem>>)
      "tpu.region"() ({
        %run_scoped3A = tpu.sem_alloc : memref<!tpu.dma_semaphore, #tpu.memory_space<semaphore_mem>>
        %dma_start3A_131 = arith.constant 0 : i32
        %dma_start3A_132 = tpu.memref_slice %arg8[%add3A_80, %dma_start3A_131] : memref<80x128xi32, #tpu.memory_space<vmem>> -> memref<1x128xi32, #tpu.memory_space<vmem>>
        %dma_start3A_133 = tpu.memref_squeeze %dma_start3A_132 : memref<1x128xi32, #tpu.memory_space<vmem>> -> memref<128xi32, #tpu.memory_space<vmem>>
        %dma_start3A_134 = arith.constant 0 : i32
        %dma_start3A_135 = arith.constant 0 : i32
        %dma_start3A_136 = tpu.memref_slice %arg13[%dma_start3A_134, %dma_start3A_135] : memref<10240x32xf32, #tpu.memory_space<vmem_shared>> -> memref<10240x32xf32, #tpu.memory_space<vmem_shared>>
        tpu.enqueue_indirect_dma source(%arg9 : memref<128x32xf32, #tpu.memory_space<vmem>>) target(%dma_start3A_136 : memref<10240x32xf32, #tpu.memory_space<vmem_shared>>) offsets(%dma_start3A_133 : memref<128xi32, #tpu.memory_space<vmem>>) semaphore(%run_scoped3A : memref<!tpu.dma_semaphore, #tpu.memory_space<semaphore_mem>>) {add = true}
        %dma_wait3A_137 = arith.constant 0 : i32
        %dma_wait3A_138 = tpu.memref_slice %arg8[%add3A_80, %dma_wait3A_137] : memref<80x128xi32, #tpu.memory_space<vmem>> -> memref<1x128xi32, #tpu.memory_space<vmem>>
        %dma_wait3A_139 = tpu.memref_squeeze %dma_wait3A_138 : memref<1x128xi32, #tpu.memory_space<vmem>> -> memref<128xi32, #tpu.memory_space<vmem>>
        %dma_wait3A_140 = arith.constant 0 : i32
        %dma_wait3A_141 = arith.constant 0 : i32
        %dma_wait3A_142 = tpu.memref_slice %arg13[%dma_wait3A_140, %dma_wait3A_141] : memref<10240x32xf32, #tpu.memory_space<vmem_shared>> -> memref<10240x32xf32, #tpu.memory_space<vmem_shared>>
        tpu.wait_indirect_dma semaphore(%run_scoped3A : memref<!tpu.dma_semaphore, #tpu.memory_space<semaphore_mem>>) src(%arg9 : memref<128x32xf32, #tpu.memory_space<vmem>>) dst(%dma_wait3A_142 : memref<10240x32xf32, #tpu.memory_space<vmem_shared>>)
        tpu.yield
      }) : () -> ()
      %add3A_86 = arith.constant 4 : i32
      %add3A_87 = arith.addi %add3A_80, %add3A_86 : i32
      %lt3A = arith.cmpi slt, %add3A_87, %select_n3A : i32
      %convert_element_type3A = arith.extui %lt3A : i1 to i32
      %cond3A = arith.constant 0 : i32
      %cond3A_88 = arith.cmpi ne, %convert_element_type3A, %cond3A : i32
      scf.if %cond3A_88 {
        %dma_start3A_131 = arith.constant 0 : i32
        %dma_start3A_132 = tpu.memref_slice %arg7[%add3A_87, %dma_start3A_131] : memref<80x128xi32, #tpu.memory_space<vmem>> -> memref<1x128xi32, #tpu.memory_space<vmem>>
        %dma_start3A_133 = tpu.memref_squeeze %dma_start3A_132 : memref<1x128xi32, #tpu.memory_space<vmem>> -> memref<128xi32, #tpu.memory_space<vmem>>
        %dma_start3A_134 = arith.constant 0 : i32
        %dma_start3A_135 = arith.constant 0 : i32
        %dma_start3A_136 = tpu.memref_slice %arg14[%dma_start3A_134, %dma_start3A_135] : memref<10240x32xf32, #tpu.memory_space<vmem_shared>> -> memref<10240x32xf32, #tpu.memory_space<vmem_shared>>
        tpu.enqueue_indirect_dma source(%dma_start3A_136 : memref<10240x32xf32, #tpu.memory_space<vmem_shared>>) target(%arg9 : memref<128x32xf32, #tpu.memory_space<vmem>>) offsets(%dma_start3A_133 : memref<128xi32, #tpu.memory_space<vmem>>) semaphore(%arg15 : memref<!tpu.dma_semaphore, #tpu.memory_space<semaphore_mem>>)
      } else {
      }
      %add3A_89 = arith.constant 1 : i32
      %add3A_90 = arith.addi %mul3A_78, %add3A_89 : i32
      %dma_wait3A_91 = arith.constant 0 : i32
      %dma_wait3A_92 = tpu.memref_slice %arg7[%add3A_90, %dma_wait3A_91] : memref<80x128xi32, #tpu.memory_space<vmem>> -> memref<1x128xi32, #tpu.memory_space<vmem>>
      %dma_wait3A_93 = tpu.memref_squeeze %dma_wait3A_92 : memref<1x128xi32, #tpu.memory_space<vmem>> -> memref<128xi32, #tpu.memory_space<vmem>>
      %dma_wait3A_94 = arith.constant 0 : i32
      %dma_wait3A_95 = arith.constant 0 : i32
      %dma_wait3A_96 = tpu.memref_slice %arg14[%dma_wait3A_94, %dma_wait3A_95] : memref<10240x32xf32, #tpu.memory_space<vmem_shared>> -> memref<10240x32xf32, #tpu.memory_space<vmem_shared>>
      tpu.wait_indirect_dma semaphore(%arg16 : memref<!tpu.dma_semaphore, #tpu.memory_space<semaphore_mem>>) src(%dma_wait3A_96 : memref<10240x32xf32, #tpu.memory_space<vmem_shared>>) dst(%arg10 : memref<128x32xf32, #tpu.memory_space<vmem>>)
      "tpu.region"() ({
        %run_scoped3A = tpu.sem_alloc : memref<!tpu.dma_semaphore, #tpu.memory_space<semaphore_mem>>
        %dma_start3A_131 = arith.constant 0 : i32
        %dma_start3A_132 = tpu.memref_slice %arg8[%add3A_90, %dma_start3A_131] : memref<80x128xi32, #tpu.memory_space<vmem>> -> memref<1x128xi32, #tpu.memory_space<vmem>>
        %dma_start3A_133 = tpu.memref_squeeze %dma_start3A_132 : memref<1x128xi32, #tpu.memory_space<vmem>> -> memref<128xi32, #tpu.memory_space<vmem>>
        %dma_start3A_134 = arith.constant 0 : i32
        %dma_start3A_135 = arith.constant 0 : i32
        %dma_start3A_136 = tpu.memref_slice %arg13[%dma_start3A_134, %dma_start3A_135] : memref<10240x32xf32, #tpu.memory_space<vmem_shared>> -> memref<10240x32xf32, #tpu.memory_space<vmem_shared>>
        tpu.enqueue_indirect_dma source(%arg10 : memref<128x32xf32, #tpu.memory_space<vmem>>) target(%dma_start3A_136 : memref<10240x32xf32, #tpu.memory_space<vmem_shared>>) offsets(%dma_start3A_133 : memref<128xi32, #tpu.memory_space<vmem>>) semaphore(%run_scoped3A : memref<!tpu.dma_semaphore, #tpu.memory_space<semaphore_mem>>) {add = true}
        %dma_wait3A_137 = arith.constant 0 : i32
        %dma_wait3A_138 = tpu.memref_slice %arg8[%add3A_90, %dma_wait3A_137] : memref<80x128xi32, #tpu.memory_space<vmem>> -> memref<1x128xi32, #tpu.memory_space<vmem>>
        %dma_wait3A_139 = tpu.memref_squeeze %dma_wait3A_138 : memref<1x128xi32, #tpu.memory_space<vmem>> -> memref<128xi32, #tpu.memory_space<vmem>>
        %dma_wait3A_140 = arith.constant 0 : i32
        %dma_wait3A_141 = arith.constant 0 : i32
        %dma_wait3A_142 = tpu.memref_slice %arg13[%dma_wait3A_140, %dma_wait3A_141] : memref<10240x32xf32, #tpu.memory_space<vmem_shared>> -> memref<10240x32xf32, #tpu.memory_space<vmem_shared>>
        tpu.wait_indirect_dma semaphore(%run_scoped3A : memref<!tpu.dma_semaphore, #tpu.memory_space<semaphore_mem>>) src(%arg10 : memref<128x32xf32, #tpu.memory_space<vmem>>) dst(%dma_wait3A_142 : memref<10240x32xf32, #tpu.memory_space<vmem_shared>>)
        tpu.yield
      }) : () -> ()
      %add3A_97 = arith.constant 4 : i32
      %add3A_98 = arith.addi %add3A_90, %add3A_97 : i32
      %lt3A_99 = arith.cmpi slt, %add3A_98, %select_n3A : i32
      %convert_element_type3A_100 = arith.extui %lt3A_99 : i1 to i32
      %cond3A_101 = arith.constant 0 : i32
      %cond3A_102 = arith.cmpi ne, %convert_element_type3A_100, %cond3A_101 : i32
      scf.if %cond3A_102 {
        %dma_start3A_131 = arith.constant 0 : i32
        %dma_start3A_132 = tpu.memref_slice %arg7[%add3A_98, %dma_start3A_131] : memref<80x128xi32, #tpu.memory_space<vmem>> -> memref<1x128xi32, #tpu.memory_space<vmem>>
        %dma_start3A_133 = tpu.memref_squeeze %dma_start3A_132 : memref<1x128xi32, #tpu.memory_space<vmem>> -> memref<128xi32, #tpu.memory_space<vmem>>
        %dma_start3A_134 = arith.constant 0 : i32
        %dma_start3A_135 = arith.constant 0 : i32
        %dma_start3A_136 = tpu.memref_slice %arg14[%dma_start3A_134, %dma_start3A_135] : memref<10240x32xf32, #tpu.memory_space<vmem_shared>> -> memref<10240x32xf32, #tpu.memory_space<vmem_shared>>
        tpu.enqueue_indirect_dma source(%dma_start3A_136 : memref<10240x32xf32, #tpu.memory_space<vmem_shared>>) target(%arg10 : memref<128x32xf32, #tpu.memory_space<vmem>>) offsets(%dma_start3A_133 : memref<128xi32, #tpu.memory_space<vmem>>) semaphore(%arg16 : memref<!tpu.dma_semaphore, #tpu.memory_space<semaphore_mem>>)
      } else {
      }
      %add3A_103 = arith.constant 2 : i32
      %add3A_104 = arith.addi %mul3A_78, %add3A_103 : i32
      %dma_wait3A_105 = arith.constant 0 : i32
      %dma_wait3A_106 = tpu.memref_slice %arg7[%add3A_104, %dma_wait3A_105] : memref<80x128xi32, #tpu.memory_space<vmem>> -> memref<1x128xi32, #tpu.memory_space<vmem>>
      %dma_wait3A_107 = tpu.memref_squeeze %dma_wait3A_106 : memref<1x128xi32, #tpu.memory_space<vmem>> -> memref<128xi32, #tpu.memory_space<vmem>>
      %dma_wait3A_108 = arith.constant 0 : i32
      %dma_wait3A_109 = arith.constant 0 : i32
      %dma_wait3A_110 = tpu.memref_slice %arg14[%dma_wait3A_108, %dma_wait3A_109] : memref<10240x32xf32, #tpu.memory_space<vmem_shared>> -> memref<10240x32xf32, #tpu.memory_space<vmem_shared>>
      tpu.wait_indirect_dma semaphore(%arg17 : memref<!tpu.dma_semaphore, #tpu.memory_space<semaphore_mem>>) src(%dma_wait3A_110 : memref<10240x32xf32, #tpu.memory_space<vmem_shared>>) dst(%arg11 : memref<128x32xf32, #tpu.memory_space<vmem>>)
      "tpu.region"() ({
        %run_scoped3A = tpu.sem_alloc : memref<!tpu.dma_semaphore, #tpu.memory_space<semaphore_mem>>
        %dma_start3A_131 = arith.constant 0 : i32
        %dma_start3A_132 = tpu.memref_slice %arg8[%add3A_104, %dma_start3A_131] : memref<80x128xi32, #tpu.memory_space<vmem>> -> memref<1x128xi32, #tpu.memory_space<vmem>>
        %dma_start3A_133 = tpu.memref_squeeze %dma_start3A_132 : memref<1x128xi32, #tpu.memory_space<vmem>> -> memref<128xi32, #tpu.memory_space<vmem>>
        %dma_start3A_134 = arith.constant 0 : i32
        %dma_start3A_135 = arith.constant 0 : i32
        %dma_start3A_136 = tpu.memref_slice %arg13[%dma_start3A_134, %dma_start3A_135] : memref<10240x32xf32, #tpu.memory_space<vmem_shared>> -> memref<10240x32xf32, #tpu.memory_space<vmem_shared>>
        tpu.enqueue_indirect_dma source(%arg11 : memref<128x32xf32, #tpu.memory_space<vmem>>) target(%dma_start3A_136 : memref<10240x32xf32, #tpu.memory_space<vmem_shared>>) offsets(%dma_start3A_133 : memref<128xi32, #tpu.memory_space<vmem>>) semaphore(%run_scoped3A : memref<!tpu.dma_semaphore, #tpu.memory_space<semaphore_mem>>) {add = true}
        %dma_wait3A_137 = arith.constant 0 : i32
        %dma_wait3A_138 = tpu.memref_slice %arg8[%add3A_104, %dma_wait3A_137] : memref<80x128xi32, #tpu.memory_space<vmem>> -> memref<1x128xi32, #tpu.memory_space<vmem>>
        %dma_wait3A_139 = tpu.memref_squeeze %dma_wait3A_138 : memref<1x128xi32, #tpu.memory_space<vmem>> -> memref<128xi32, #tpu.memory_space<vmem>>
        %dma_wait3A_140 = arith.constant 0 : i32
        %dma_wait3A_141 = arith.constant 0 : i32
        %dma_wait3A_142 = tpu.memref_slice %arg13[%dma_wait3A_140, %dma_wait3A_141] : memref<10240x32xf32, #tpu.memory_space<vmem_shared>> -> memref<10240x32xf32, #tpu.memory_space<vmem_shared>>
        tpu.wait_indirect_dma semaphore(%run_scoped3A : memref<!tpu.dma_semaphore, #tpu.memory_space<semaphore_mem>>) src(%arg11 : memref<128x32xf32, #tpu.memory_space<vmem>>) dst(%dma_wait3A_142 : memref<10240x32xf32, #tpu.memory_space<vmem_shared>>)
        tpu.yield
      }) : () -> ()
      %add3A_111 = arith.constant 4 : i32
      %add3A_112 = arith.addi %add3A_104, %add3A_111 : i32
      %lt3A_113 = arith.cmpi slt, %add3A_112, %select_n3A : i32
      %convert_element_type3A_114 = arith.extui %lt3A_113 : i1 to i32
      %cond3A_115 = arith.constant 0 : i32
      %cond3A_116 = arith.cmpi ne, %convert_element_type3A_114, %cond3A_115 : i32
      scf.if %cond3A_116 {
        %dma_start3A_131 = arith.constant 0 : i32
        %dma_start3A_132 = tpu.memref_slice %arg7[%add3A_112, %dma_start3A_131] : memref<80x128xi32, #tpu.memory_space<vmem>> -> memref<1x128xi32, #tpu.memory_space<vmem>>
        %dma_start3A_133 = tpu.memref_squeeze %dma_start3A_132 : memref<1x128xi32, #tpu.memory_space<vmem>> -> memref<128xi32, #tpu.memory_space<vmem>>
        %dma_start3A_134 = arith.constant 0 : i32
        %dma_start3A_135 = arith.constant 0 : i32
        %dma_start3A_136 = tpu.memref_slice %arg14[%dma_start3A_134, %dma_start3A_135] : memref<10240x32xf32, #tpu.memory_space<vmem_shared>> -> memref<10240x32xf32, #tpu.memory_space<vmem_shared>>
        tpu.enqueue_indirect_dma source(%dma_start3A_136 : memref<10240x32xf32, #tpu.memory_space<vmem_shared>>) target(%arg11 : memref<128x32xf32, #tpu.memory_space<vmem>>) offsets(%dma_start3A_133 : memref<128xi32, #tpu.memory_space<vmem>>) semaphore(%arg17 : memref<!tpu.dma_semaphore, #tpu.memory_space<semaphore_mem>>)
      } else {
      }
      %add3A_117 = arith.constant 3 : i32
      %add3A_118 = arith.addi %mul3A_78, %add3A_117 : i32
      %dma_wait3A_119 = arith.constant 0 : i32
      %dma_wait3A_120 = tpu.memref_slice %arg7[%add3A_118, %dma_wait3A_119] : memref<80x128xi32, #tpu.memory_space<vmem>> -> memref<1x128xi32, #tpu.memory_space<vmem>>
      %dma_wait3A_121 = tpu.memref_squeeze %dma_wait3A_120 : memref<1x128xi32, #tpu.memory_space<vmem>> -> memref<128xi32, #tpu.memory_space<vmem>>
      %dma_wait3A_122 = arith.constant 0 : i32
      %dma_wait3A_123 = arith.constant 0 : i32
      %dma_wait3A_124 = tpu.memref_slice %arg14[%dma_wait3A_122, %dma_wait3A_123] : memref<10240x32xf32, #tpu.memory_space<vmem_shared>> -> memref<10240x32xf32, #tpu.memory_space<vmem_shared>>
      tpu.wait_indirect_dma semaphore(%arg18 : memref<!tpu.dma_semaphore, #tpu.memory_space<semaphore_mem>>) src(%dma_wait3A_124 : memref<10240x32xf32, #tpu.memory_space<vmem_shared>>) dst(%arg12 : memref<128x32xf32, #tpu.memory_space<vmem>>)
      "tpu.region"() ({
        %run_scoped3A = tpu.sem_alloc : memref<!tpu.dma_semaphore, #tpu.memory_space<semaphore_mem>>
        %dma_start3A_131 = arith.constant 0 : i32
        %dma_start3A_132 = tpu.memref_slice %arg8[%add3A_118, %dma_start3A_131] : memref<80x128xi32, #tpu.memory_space<vmem>> -> memref<1x128xi32, #tpu.memory_space<vmem>>
        %dma_start3A_133 = tpu.memref_squeeze %dma_start3A_132 : memref<1x128xi32, #tpu.memory_space<vmem>> -> memref<128xi32, #tpu.memory_space<vmem>>
        %dma_start3A_134 = arith.constant 0 : i32
        %dma_start3A_135 = arith.constant 0 : i32
        %dma_start3A_136 = tpu.memref_slice %arg13[%dma_start3A_134, %dma_start3A_135] : memref<10240x32xf32, #tpu.memory_space<vmem_shared>> -> memref<10240x32xf32, #tpu.memory_space<vmem_shared>>
        tpu.enqueue_indirect_dma source(%arg12 : memref<128x32xf32, #tpu.memory_space<vmem>>) target(%dma_start3A_136 : memref<10240x32xf32, #tpu.memory_space<vmem_shared>>) offsets(%dma_start3A_133 : memref<128xi32, #tpu.memory_space<vmem>>) semaphore(%run_scoped3A : memref<!tpu.dma_semaphore, #tpu.memory_space<semaphore_mem>>) {add = true}
        %dma_wait3A_137 = arith.constant 0 : i32
        %dma_wait3A_138 = tpu.memref_slice %arg8[%add3A_118, %dma_wait3A_137] : memref<80x128xi32, #tpu.memory_space<vmem>> -> memref<1x128xi32, #tpu.memory_space<vmem>>
        %dma_wait3A_139 = tpu.memref_squeeze %dma_wait3A_138 : memref<1x128xi32, #tpu.memory_space<vmem>> -> memref<128xi32, #tpu.memory_space<vmem>>
        %dma_wait3A_140 = arith.constant 0 : i32
        %dma_wait3A_141 = arith.constant 0 : i32
        %dma_wait3A_142 = tpu.memref_slice %arg13[%dma_wait3A_140, %dma_wait3A_141] : memref<10240x32xf32, #tpu.memory_space<vmem_shared>> -> memref<10240x32xf32, #tpu.memory_space<vmem_shared>>
        tpu.wait_indirect_dma semaphore(%run_scoped3A : memref<!tpu.dma_semaphore, #tpu.memory_space<semaphore_mem>>) src(%arg12 : memref<128x32xf32, #tpu.memory_space<vmem>>) dst(%dma_wait3A_142 : memref<10240x32xf32, #tpu.memory_space<vmem_shared>>)
        tpu.yield
      }) : () -> ()
      %add3A_125 = arith.constant 4 : i32
      %add3A_126 = arith.addi %add3A_118, %add3A_125 : i32
      %lt3A_127 = arith.cmpi slt, %add3A_126, %select_n3A : i32
      %convert_element_type3A_128 = arith.extui %lt3A_127 : i1 to i32
      %cond3A_129 = arith.constant 0 : i32
      %cond3A_130 = arith.cmpi ne, %convert_element_type3A_128, %cond3A_129 : i32
      scf.if %cond3A_130 {
        %dma_start3A_131 = arith.constant 0 : i32
        %dma_start3A_132 = tpu.memref_slice %arg7[%add3A_126, %dma_start3A_131] : memref<80x128xi32, #tpu.memory_space<vmem>> -> memref<1x128xi32, #tpu.memory_space<vmem>>
        %dma_start3A_133 = tpu.memref_squeeze %dma_start3A_132 : memref<1x128xi32, #tpu.memory_space<vmem>> -> memref<128xi32, #tpu.memory_space<vmem>>
        %dma_start3A_134 = arith.constant 0 : i32
        %dma_start3A_135 = arith.constant 0 : i32
        %dma_start3A_136 = tpu.memref_slice %arg14[%dma_start3A_134, %dma_start3A_135] : memref<10240x32xf32, #tpu.memory_space<vmem_shared>> -> memref<10240x32xf32, #tpu.memory_space<vmem_shared>>
        tpu.enqueue_indirect_dma source(%dma_start3A_136 : memref<10240x32xf32, #tpu.memory_space<vmem_shared>>) target(%arg12 : memref<128x32xf32, #tpu.memory_space<vmem>>) offsets(%dma_start3A_133 : memref<128xi32, #tpu.memory_space<vmem>>) semaphore(%arg18 : memref<!tpu.dma_semaphore, #tpu.memory_space<semaphore_mem>>)
      } else {
      }
    }
    %barrier3A_71 = arith.constant 0 : index
    tpu.barrier barrier_id(%barrier3A_71)
    %mul3A_72 = arith.constant 640 : i32
    %mul3A_73 = arith.muli %arg1, %mul3A_72 : i32
    %mul3A_74 = arith.constant 640 : i32
    %mul3A_75 = arith.muli %arg1, %mul3A_74 : i32
    "tpu.region"() ({
      %run_scoped3A = tpu.sem_alloc : memref<!tpu.dma_semaphore, #tpu.memory_space<semaphore_mem>>
      %dma_start3A_76 = arith.constant 0 : i32
      %dma_start3A_77 = tpu.memref_slice %arg6[%arg0, %mul3A_75, %dma_start3A_76] : memref<2x10240x32xf32, #tpu.memory_space<hbm>> -> memref<1x640x32xf32, #tpu.memory_space<hbm>>
      %dma_start3A_78 = tpu.memref_squeeze %dma_start3A_77 : memref<1x640x32xf32, #tpu.memory_space<hbm>> -> memref<640x32xf32, #tpu.memory_space<hbm>>
      %dma_start3A_79 = arith.constant 0 : i32
      %dma_start3A_80 = tpu.memref_slice %arg13[%mul3A_73, %dma_start3A_79] : memref<10240x32xf32, #tpu.memory_space<vmem_shared>> -> memref<640x32xf32, #tpu.memory_space<vmem_shared>>
      tpu.enqueue_dma source(%dma_start3A_80 : memref<640x32xf32, #tpu.memory_space<vmem_shared>>) target(%dma_start3A_78 : memref<640x32xf32, #tpu.memory_space<hbm>>) target_semaphore(%run_scoped3A : memref<!tpu.dma_semaphore, #tpu.memory_space<semaphore_mem>>)
      %dma_wait3A = arith.constant 0 : i32
      %dma_wait3A_81 = tpu.memref_slice %arg6[%arg0, %mul3A_75, %dma_wait3A] : memref<2x10240x32xf32, #tpu.memory_space<hbm>> -> memref<1x640x32xf32, #tpu.memory_space<hbm>>
      %dma_wait3A_82 = tpu.memref_squeeze %dma_wait3A_81 : memref<1x640x32xf32, #tpu.memory_space<hbm>> -> memref<640x32xf32, #tpu.memory_space<hbm>>
      %dma_wait3A_83 = arith.constant 0 : i32
      %dma_wait3A_84 = tpu.memref_slice %arg13[%mul3A_73, %dma_wait3A_83] : memref<10240x32xf32, #tpu.memory_space<vmem_shared>> -> memref<640x32xf32, #tpu.memory_space<vmem_shared>>
      tpu.wait_dma2 semaphore(%run_scoped3A : memref<!tpu.dma_semaphore, #tpu.memory_space<semaphore_mem>>) src(%dma_wait3A_84 : memref<640x32xf32, #tpu.memory_space<vmem_shared>>) dst(%dma_wait3A_82 : memref<640x32xf32, #tpu.memory_space<hbm>>)
      tpu.yield
    }) : () -> ()
    return
  }
}

module attributes {stable_mosaic.version = 14 : i64} {
  func.func @body(%arg0: i32, %arg1: memref<1024x128xf32, #tpu.memory_space<vmem>>, %arg2: memref<128x32xf32, #tpu.memory_space<vmem>>, %arg3: memref<1x32xf32, #tpu.memory_space<vmem>>, %arg4: memref<32x32xf32, #tpu.memory_space<vmem>>, %arg5: memref<1x32xf32, #tpu.memory_space<vmem>>, %arg6: memref<32x32xf32, #tpu.memory_space<vmem>>, %arg7: memref<1x32xf32, #tpu.memory_space<vmem>>, %arg8: memref<1024x32xf32, #tpu.memory_space<vmem>>, %arg9: memref<1024x32xf32, #tpu.memory_space<vmem>>) attributes {dimension_semantics = [#tpu.dimension_semantics<arbitrary>], iteration_bounds = array<i64: 10>, scalar_prefetch = 0 : i64, scratch_operands = 0 : i64, tpu.core_type = #tpu.core_type<tc>, window_params = [{transform_indices = @transform_0, window_bounds = array<i64: 1024, 128>}, {pipeline_mode = #tpu.pipeline_mode<synchronous>, transform_indices = @transform_1, window_bounds = array<i64: 128, 32>}, {pipeline_mode = #tpu.pipeline_mode<synchronous>, transform_indices = @transform_2, window_bounds = array<i64: 1, 32>}, {pipeline_mode = #tpu.pipeline_mode<synchronous>, transform_indices = @transform_3, window_bounds = array<i64: 32, 32>}, {pipeline_mode = #tpu.pipeline_mode<synchronous>, transform_indices = @transform_4, window_bounds = array<i64: 1, 32>}, {pipeline_mode = #tpu.pipeline_mode<synchronous>, transform_indices = @transform_5, window_bounds = array<i64: 32, 32>}, {pipeline_mode = #tpu.pipeline_mode<synchronous>, transform_indices = @transform_6, window_bounds = array<i64: 1, 32>}, {transform_indices = @transform_7, window_bounds = array<i64: 1024, 32>}, {transform_indices = @transform_8, window_bounds = array<i64: 1024, 32>}]} {
    %get3A = arith.constant 0 : index
    %get3A_0 = arith.constant 0 : index
    %get3A_1 = vector.load %arg1[%get3A, %get3A_0] : memref<1024x128xf32, #tpu.memory_space<vmem>>, vector<1024x128xf32>
    %get3A_2 = arith.constant 0 : index
    %get3A_3 = arith.constant 0 : index
    %get3A_4 = vector.load %arg2[%get3A_2, %get3A_3] : memref<128x32xf32, #tpu.memory_space<vmem>>, vector<128x32xf32>
    %dot_general3A = arith.constant dense<0.000000e+00> : vector<1024x32xf32>
    %dot_general3A_5 = tpu.matmul %get3A_1, %get3A_4, %dot_general3A {dimension_numbers = #tpu.dot_dimension_numbers<[1], [0], [0], [1], [0, 0, 1, 1], [], []>, transpose_lhs_hint = false} : vector<1024x128xf32>, vector<128x32xf32>, vector<1024x32xf32> -> vector<1024x32xf32>
    %get3A_6 = arith.constant 0 : index
    %get3A_7 = arith.constant 0 : index
    %get3A_8 = vector.load %arg3[%get3A_6, %get3A_7] : memref<1x32xf32, #tpu.memory_space<vmem>>, vector<1x32xf32>
    %add3A = vector.broadcast %get3A_8 : vector<1x32xf32> to vector<1024x32xf32>
    %add3A_9 = arith.addf %dot_general3A_5, %add3A : vector<1024x32xf32>
    %max3A = arith.constant 0.000000e+00 : f32
    %max3A_10 = vector.broadcast %max3A : f32 to vector<1024x32xf32>
    %max3A_11 = arith.maximumf %add3A_9, %max3A_10 : vector<1024x32xf32>
    %get3A_12 = arith.constant 0 : index
    %get3A_13 = arith.constant 0 : index
    %get3A_14 = vector.load %arg4[%get3A_12, %get3A_13] : memref<32x32xf32, #tpu.memory_space<vmem>>, vector<32x32xf32>
    %dot_general3A_15 = arith.constant dense<0.000000e+00> : vector<1024x32xf32>
    %dot_general3A_16 = tpu.matmul %max3A_11, %get3A_14, %dot_general3A_15 {dimension_numbers = #tpu.dot_dimension_numbers<[1], [0], [0], [1], [0, 0, 1, 1], [], []>, transpose_lhs_hint = false} : vector<1024x32xf32>, vector<32x32xf32>, vector<1024x32xf32> -> vector<1024x32xf32>
    %get3A_17 = arith.constant 0 : index
    %get3A_18 = arith.constant 0 : index
    %get3A_19 = vector.load %arg5[%get3A_17, %get3A_18] : memref<1x32xf32, #tpu.memory_space<vmem>>, vector<1x32xf32>
    %add3A_20 = vector.broadcast %get3A_19 : vector<1x32xf32> to vector<1024x32xf32>
    %add3A_21 = arith.addf %dot_general3A_16, %add3A_20 : vector<1024x32xf32>
    %max3A_22 = arith.constant 0.000000e+00 : f32
    %max3A_23 = vector.broadcast %max3A_22 : f32 to vector<1024x32xf32>
    %max3A_24 = arith.maximumf %add3A_21, %max3A_23 : vector<1024x32xf32>
    %swap3A = arith.constant 0 : index
    %swap3A_25 = arith.constant 0 : index
    %swap3A_26 = vector.load %arg8[%swap3A, %swap3A_25] : memref<1024x32xf32, #tpu.memory_space<vmem>>, vector<1024x32xf32>
    tpu.vector_store %arg8[%swap3A, %swap3A_25], %max3A_24 {strides = array<i32>} : memref<1024x32xf32, #tpu.memory_space<vmem>>, vector<1024x32xf32>,
    %get3A_27 = arith.constant 0 : index
    %get3A_28 = arith.constant 0 : index
    %get3A_29 = vector.load %arg6[%get3A_27, %get3A_28] : memref<32x32xf32, #tpu.memory_space<vmem>>, vector<32x32xf32>
    %dot_general3A_30 = arith.constant dense<0.000000e+00> : vector<1024x32xf32>
    %dot_general3A_31 = tpu.matmul %max3A_11, %get3A_29, %dot_general3A_30 {dimension_numbers = #tpu.dot_dimension_numbers<[1], [0], [0], [1], [0, 0, 1, 1], [], []>, transpose_lhs_hint = false} : vector<1024x32xf32>, vector<32x32xf32>, vector<1024x32xf32> -> vector<1024x32xf32>
    %get3A_32 = arith.constant 0 : index
    %get3A_33 = arith.constant 0 : index
    %get3A_34 = vector.load %arg7[%get3A_32, %get3A_33] : memref<1x32xf32, #tpu.memory_space<vmem>>, vector<1x32xf32>
    %add3A_35 = vector.broadcast %get3A_34 : vector<1x32xf32> to vector<1024x32xf32>
    %add3A_36 = arith.addf %dot_general3A_31, %add3A_35 : vector<1024x32xf32>
    %max3A_37 = arith.constant 0.000000e+00 : f32
    %max3A_38 = vector.broadcast %max3A_37 : f32 to vector<1024x32xf32>
    %max3A_39 = arith.maximumf %add3A_36, %max3A_38 : vector<1024x32xf32>
    %swap3A_40 = arith.constant 0 : index
    %swap3A_41 = arith.constant 0 : index
    %swap3A_42 = vector.load %arg9[%swap3A_40, %swap3A_41] : memref<1024x32xf32, #tpu.memory_space<vmem>>, vector<1024x32xf32>
    tpu.vector_store %arg9[%swap3A_40, %swap3A_41], %max3A_39 {strides = array<i32>} : memref<1024x32xf32, #tpu.memory_space<vmem>>, vector<1024x32xf32>,
    return
  }
  func.func @transform_0(%arg0: i32) -> (i32, i32) {
    %c0_i32 = arith.constant 0 : i32
    %c0_i32_0 = arith.constant 0 : i32
    return %arg0, %c0_i32 : i32, i32
  }
  func.func @transform_1(%arg0: i32) -> (i32, i32) {
    %c0_i32 = arith.constant 0 : i32
    %c0_i32_0 = arith.constant 0 : i32
    %c0_i32_1 = arith.constant 0 : i32
    return %c0_i32, %c0_i32_0 : i32, i32
  }
  func.func @transform_2(%arg0: i32) -> (i32, i32) {
    %c0_i32 = arith.constant 0 : i32
    %c0_i32_0 = arith.constant 0 : i32
    %c0_i32_1 = arith.constant 0 : i32
    return %c0_i32, %c0_i32_0 : i32, i32
  }
  func.func @transform_3(%arg0: i32) -> (i32, i32) {
    %c0_i32 = arith.constant 0 : i32
    %c0_i32_0 = arith.constant 0 : i32
    %c0_i32_1 = arith.constant 0 : i32
    return %c0_i32, %c0_i32_0 : i32, i32
  }
  func.func @transform_4(%arg0: i32) -> (i32, i32) {
    %c0_i32 = arith.constant 0 : i32
    %c0_i32_0 = arith.constant 0 : i32
    %c0_i32_1 = arith.constant 0 : i32
    return %c0_i32, %c0_i32_0 : i32, i32
  }
  func.func @transform_5(%arg0: i32) -> (i32, i32) {
    %c0_i32 = arith.constant 0 : i32
    %c0_i32_0 = arith.constant 0 : i32
    %c0_i32_1 = arith.constant 0 : i32
    return %c0_i32, %c0_i32_0 : i32, i32
  }
  func.func @transform_6(%arg0: i32) -> (i32, i32) {
    %c0_i32 = arith.constant 0 : i32
    %c0_i32_0 = arith.constant 0 : i32
    %c0_i32_1 = arith.constant 0 : i32
    return %c0_i32, %c0_i32_0 : i32, i32
  }
  func.func @transform_7(%arg0: i32) -> (i32, i32) {
    %c0_i32 = arith.constant 0 : i32
    %c0_i32_0 = arith.constant 0 : i32
    return %arg0, %c0_i32 : i32, i32
  }
  func.func @transform_8(%arg0: i32) -> (i32, i32) {
    %c0_i32 = arith.constant 0 : i32
    %c0_i32_0 = arith.constant 0 : i32
    return %arg0, %c0_i32 : i32, i32
  }
}

module attributes {stable_mosaic.version = 14 : i64} {
  func.func @body(%arg0: i32, %arg1: memref<1024x32xf32, #tpu.memory_space<vmem>>, %arg2: memref<2x1024x128xf32, #tpu.memory_space<vmem>>, %arg3: memref<1024x32xf32, #tpu.memory_space<vmem>>, %arg4: memref<1024x32xf32, #tpu.memory_space<vmem>>) attributes {dimension_semantics = [#tpu.dimension_semantics<arbitrary>], iteration_bounds = array<i64: 10>, scalar_prefetch = 0 : i64, scratch_operands = 0 : i64, tpu.core_type = #tpu.core_type<tc>, window_params = [{transform_indices = @transform_0, window_bounds = array<i64: 1024, 32>}, {transform_indices = @transform_1, window_bounds = array<i64: 2, 1024, 128>}, {transform_indices = @transform_2, window_bounds = array<i64: 1024, 32>}, {transform_indices = @transform_3, window_bounds = array<i64: 1024, 32>}]} {
    %get3A = arith.constant 0 : index
    %get3A_0 = arith.constant 0 : index
    %get3A_1 = arith.constant 0 : index
    %get3A_2 = vector.load %arg2[%get3A, %get3A_0, %get3A_1] : memref<2x1024x128xf32, #tpu.memory_space<vmem>>, vector<2x1024x128xf32>
    %slice3A = vector.extract_strided_slice %get3A_2 {offsets = [0, 0, 0], sizes = [1, 1024, 1], strides = [1, 1, 1]} : vector<2x1024x128xf32> to vector<1x1024x1xf32>
    %squeeze3A = vector.shape_cast %slice3A : vector<1x1024x1xf32> to vector<1024x1xf32>
    %slice3A_3 = vector.extract_strided_slice %get3A_2 {offsets = [1, 0, 0], sizes = [1, 1024, 1], strides = [1, 1, 1]} : vector<2x1024x128xf32> to vector<1x1024x1xf32>
    %squeeze3A_4 = vector.shape_cast %slice3A_3 : vector<1x1024x1xf32> to vector<1024x1xf32>
    %add3A = arith.addf %squeeze3A, %squeeze3A_4 : vector<1024x1xf32>
    %add3A_5 = arith.constant 1.000000e+00 : f32
    %add3A_6 = vector.broadcast %add3A_5 : f32 to vector<1024x1xf32>
    %add3A_7 = arith.addf %add3A, %add3A_6 : vector<1024x1xf32>
    %rsqrt3A = math.rsqrt %add3A_7 : vector<1024x1xf32>
    %get3A_8 = arith.constant 0 : index
    %get3A_9 = arith.constant 0 : index
    %get3A_10 = vector.load %arg1[%get3A_8, %get3A_9] : memref<1024x32xf32, #tpu.memory_space<vmem>>, vector<1024x32xf32>
    %mul3A = vector.broadcast %rsqrt3A : vector<1024x1xf32> to vector<1024x32xf32>
    %mul3A_11 = arith.mulf %mul3A, %get3A_10 : vector<1024x32xf32>
    %swap3A = arith.constant 0 : index
    %swap3A_12 = arith.constant 0 : index
    %swap3A_13 = vector.load %arg3[%swap3A, %swap3A_12] : memref<1024x32xf32, #tpu.memory_space<vmem>>, vector<1024x32xf32>
    tpu.vector_store %arg3[%swap3A, %swap3A_12], %mul3A_11 {strides = array<i32>} : memref<1024x32xf32, #tpu.memory_space<vmem>>, vector<1024x32xf32>,
    %broadcast_in_dim3A = vector.shape_cast %rsqrt3A : vector<1024x1xf32> to vector<1024x1xf32>
    %broadcast_in_dim3A_14 = vector.broadcast %broadcast_in_dim3A : vector<1024x1xf32> to vector<1024x32xf32>
    %swap3A_15 = arith.constant 0 : index
    %swap3A_16 = arith.constant 0 : index
    %swap3A_17 = vector.load %arg4[%swap3A_15, %swap3A_16] : memref<1024x32xf32, #tpu.memory_space<vmem>>, vector<1024x32xf32>
    tpu.vector_store %arg4[%swap3A_15, %swap3A_16], %broadcast_in_dim3A_14 {strides = array<i32>} : memref<1024x32xf32, #tpu.memory_space<vmem>>, vector<1024x32xf32>,
    return
  }
  func.func @transform_0(%arg0: i32) -> (i32, i32) {
    %c0_i32 = arith.constant 0 : i32
    %c0_i32_0 = arith.constant 0 : i32
    return %arg0, %c0_i32 : i32, i32
  }
  func.func @transform_1(%arg0: i32) -> (i32, i32, i32) {
    %c0_i32 = arith.constant 0 : i32
    %c0_i32_0 = arith.constant 0 : i32
    %c0_i32_1 = arith.constant 0 : i32
    return %c0_i32, %arg0, %c0_i32_0 : i32, i32, i32
  }
  func.func @transform_2(%arg0: i32) -> (i32, i32) {
    %c0_i32 = arith.constant 0 : i32
    %c0_i32_0 = arith.constant 0 : i32
    return %arg0, %c0_i32 : i32, i32
  }
  func.func @transform_3(%arg0: i32) -> (i32, i32) {
    %c0_i32 = arith.constant 0 : i32
    %c0_i32_0 = arith.constant 0 : i32
    return %arg0, %c0_i32 : i32, i32
  }
}

module attributes {stable_mosaic.version = 14 : i64} {
  func.func @body(%arg0: i32, %arg1: memref<2x512x128xf32, #tpu.memory_space<vmem>>, %arg2: memref<512x128xf32, #tpu.memory_space<vmem>>, %arg3: memref<512x128xf32, #tpu.memory_space<vmem>>, %arg4: memref<512x128xf32, #tpu.memory_space<vmem>>, %arg5: memref<128x128xf32, #tpu.memory_space<vmem>>, %arg6: memref<1x128xf32, #tpu.memory_space<vmem>>, %arg7: memref<128x128xf32, #tpu.memory_space<vmem>>, %arg8: memref<128x128xf32, #tpu.memory_space<vmem>>, %arg9: memref<1x128xf32, #tpu.memory_space<vmem>>, %arg10: memref<512x128xf32, #tpu.memory_space<vmem>>) attributes {dimension_semantics = [#tpu.dimension_semantics<arbitrary>], iteration_bounds = array<i64: 5>, scalar_prefetch = 0 : i64, scratch_operands = 0 : i64, tpu.core_type = #tpu.core_type<tc>, window_params = [{transform_indices = @transform_0, window_bounds = array<i64: 2, 512, 128>}, {transform_indices = @transform_1, window_bounds = array<i64: 512, 128>}, {transform_indices = @transform_2, window_bounds = array<i64: 512, 128>}, {transform_indices = @transform_3, window_bounds = array<i64: 512, 128>}, {pipeline_mode = #tpu.pipeline_mode<synchronous>, transform_indices = @transform_4, window_bounds = array<i64: 128, 128>}, {pipeline_mode = #tpu.pipeline_mode<synchronous>, transform_indices = @transform_5, window_bounds = array<i64: 1, 128>}, {pipeline_mode = #tpu.pipeline_mode<synchronous>, transform_indices = @transform_6, window_bounds = array<i64: 128, 128>}, {pipeline_mode = #tpu.pipeline_mode<synchronous>, transform_indices = @transform_7, window_bounds = array<i64: 128, 128>}, {pipeline_mode = #tpu.pipeline_mode<synchronous>, transform_indices = @transform_8, window_bounds = array<i64: 1, 128>}, {transform_indices = @transform_9, window_bounds = array<i64: 512, 128>}]} {
    %get3A = arith.constant 0 : index
    %get3A_0 = arith.constant 0 : index
    %get3A_1 = vector.load %arg4[%get3A, %get3A_0] : memref<512x128xf32, #tpu.memory_space<vmem>>, vector<512x128xf32>
    %get3A_2 = arith.constant 0 : index
    %get3A_3 = arith.constant 0 : index
    %get3A_4 = arith.constant 0 : index
    %get3A_5 = vector.load %arg1[%get3A_2, %get3A_3, %get3A_4] : memref<2x512x128xf32, #tpu.memory_space<vmem>>, vector<2x512x128xf32>
    %slice3A = vector.extract_strided_slice %get3A_5 {offsets = [0, 0, 0], sizes = [1, 512, 128], strides = [1, 1, 1]} : vector<2x512x128xf32> to vector<1x512x128xf32>
    %squeeze3A = vector.shape_cast %slice3A : vector<1x512x128xf32> to vector<512x128xf32>
    %slice3A_6 = vector.extract_strided_slice %get3A_5 {offsets = [1, 0, 0], sizes = [1, 512, 128], strides = [1, 1, 1]} : vector<2x512x128xf32> to vector<1x512x128xf32>
    %squeeze3A_7 = vector.shape_cast %slice3A_6 : vector<1x512x128xf32> to vector<512x128xf32>
    %add3A = arith.addf %squeeze3A, %squeeze3A_7 : vector<512x128xf32>
    %get3A_8 = arith.constant 0 : index
    %get3A_9 = arith.constant 0 : index
    %get3A_10 = vector.load %arg2[%get3A_8, %get3A_9] : memref<512x128xf32, #tpu.memory_space<vmem>>, vector<512x128xf32>
    %add3A_11 = arith.addf %add3A, %get3A_10 : vector<512x128xf32>
    %mul3A = arith.mulf %get3A_1, %add3A_11 : vector<512x128xf32>
    %get3A_12 = arith.constant 0 : index
    %get3A_13 = arith.constant 0 : index
    %get3A_14 = vector.load %arg5[%get3A_12, %get3A_13] : memref<128x128xf32, #tpu.memory_space<vmem>>, vector<128x128xf32>
    %dot_general3A = arith.constant dense<0.000000e+00> : vector<512x128xf32>
    %dot_general3A_15 = tpu.matmul %mul3A, %get3A_14, %dot_general3A {dimension_numbers = #tpu.dot_dimension_numbers<[1], [0], [0], [1], [0, 0, 1, 1], [], []>, transpose_lhs_hint = false} : vector<512x128xf32>, vector<128x128xf32>, vector<512x128xf32> -> vector<512x128xf32>
    %get3A_16 = arith.constant 0 : index
    %get3A_17 = arith.constant 0 : index
    %get3A_18 = vector.load %arg6[%get3A_16, %get3A_17] : memref<1x128xf32, #tpu.memory_space<vmem>>, vector<1x128xf32>
    %add3A_19 = vector.broadcast %get3A_18 : vector<1x128xf32> to vector<512x128xf32>
    %add3A_20 = arith.addf %dot_general3A_15, %add3A_19 : vector<512x128xf32>
    %max3A = arith.constant 0.000000e+00 : f32
    %max3A_21 = vector.broadcast %max3A : f32 to vector<512x128xf32>
    %max3A_22 = arith.maximumf %add3A_20, %max3A_21 : vector<512x128xf32>
    %get3A_23 = arith.constant 0 : index
    %get3A_24 = arith.constant 0 : index
    %get3A_25 = vector.load %arg3[%get3A_23, %get3A_24] : memref<512x128xf32, #tpu.memory_space<vmem>>, vector<512x128xf32>
    %get3A_26 = arith.constant 0 : index
    %get3A_27 = arith.constant 0 : index
    %get3A_28 = vector.load %arg7[%get3A_26, %get3A_27] : memref<128x128xf32, #tpu.memory_space<vmem>>, vector<128x128xf32>
    %dot_general3A_29 = arith.constant dense<0.000000e+00> : vector<512x128xf32>
    %dot_general3A_30 = tpu.matmul %get3A_25, %get3A_28, %dot_general3A_29 {dimension_numbers = #tpu.dot_dimension_numbers<[1], [0], [0], [1], [0, 0, 1, 1], [], []>, transpose_lhs_hint = false} : vector<512x128xf32>, vector<128x128xf32>, vector<512x128xf32> -> vector<512x128xf32>
    %get3A_31 = arith.constant 0 : index
    %get3A_32 = arith.constant 0 : index
    %get3A_33 = vector.load %arg8[%get3A_31, %get3A_32] : memref<128x128xf32, #tpu.memory_space<vmem>>, vector<128x128xf32>
    %dot_general3A_34 = arith.constant dense<0.000000e+00> : vector<512x128xf32>
    %dot_general3A_35 = tpu.matmul %max3A_22, %get3A_33, %dot_general3A_34 {dimension_numbers = #tpu.dot_dimension_numbers<[1], [0], [0], [1], [0, 0, 1, 1], [], []>, transpose_lhs_hint = false} : vector<512x128xf32>, vector<128x128xf32>, vector<512x128xf32> -> vector<512x128xf32>
    %add3A_36 = arith.addf %dot_general3A_30, %dot_general3A_35 : vector<512x128xf32>
    %get3A_37 = arith.constant 0 : index
    %get3A_38 = arith.constant 0 : index
    %get3A_39 = vector.load %arg9[%get3A_37, %get3A_38] : memref<1x128xf32, #tpu.memory_space<vmem>>, vector<1x128xf32>
    %add3A_40 = vector.broadcast %get3A_39 : vector<1x128xf32> to vector<512x128xf32>
    %add3A_41 = arith.addf %add3A_36, %add3A_40 : vector<512x128xf32>
    %max3A_42 = arith.constant 0.000000e+00 : f32
    %max3A_43 = vector.broadcast %max3A_42 : f32 to vector<512x128xf32>
    %max3A_44 = arith.maximumf %add3A_41, %max3A_43 : vector<512x128xf32>
    %mul3A_45 = arith.mulf %get3A_1, %max3A_44 : vector<512x128xf32>
    %swap3A = arith.constant 0 : index
    %swap3A_46 = arith.constant 0 : index
    %swap3A_47 = vector.load %arg10[%swap3A, %swap3A_46] : memref<512x128xf32, #tpu.memory_space<vmem>>, vector<512x128xf32>
    tpu.vector_store %arg10[%swap3A, %swap3A_46], %mul3A_45 {strides = array<i32>} : memref<512x128xf32, #tpu.memory_space<vmem>>, vector<512x128xf32>,
    return
  }
  func.func @transform_0(%arg0: i32) -> (i32, i32, i32) {
    %c0_i32 = arith.constant 0 : i32
    %c0_i32_0 = arith.constant 0 : i32
    %c0_i32_1 = arith.constant 0 : i32
    return %c0_i32, %arg0, %c0_i32_0 : i32, i32, i32
  }
  func.func @transform_1(%arg0: i32) -> (i32, i32) {
    %c0_i32 = arith.constant 0 : i32
    %c0_i32_0 = arith.constant 0 : i32
    return %arg0, %c0_i32 : i32, i32
  }
  func.func @transform_2(%arg0: i32) -> (i32, i32) {
    %c0_i32 = arith.constant 0 : i32
    %c0_i32_0 = arith.constant 0 : i32
    return %arg0, %c0_i32 : i32, i32
  }
  func.func @transform_3(%arg0: i32) -> (i32, i32) {
    %c0_i32 = arith.constant 0 : i32
    %c0_i32_0 = arith.constant 0 : i32
    return %arg0, %c0_i32 : i32, i32
  }
  func.func @transform_4(%arg0: i32) -> (i32, i32) {
    %c0_i32 = arith.constant 0 : i32
    %c0_i32_0 = arith.constant 0 : i32
    %c0_i32_1 = arith.constant 0 : i32
    return %c0_i32, %c0_i32_0 : i32, i32
  }
  func.func @transform_5(%arg0: i32) -> (i32, i32) {
    %c0_i32 = arith.constant 0 : i32
    %c0_i32_0 = arith.constant 0 : i32
    %c0_i32_1 = arith.constant 0 : i32
    return %c0_i32, %c0_i32_0 : i32, i32
  }
  func.func @transform_6(%arg0: i32) -> (i32, i32) {
    %c0_i32 = arith.constant 0 : i32
    %c0_i32_0 = arith.constant 0 : i32
    %c0_i32_1 = arith.constant 0 : i32
    return %c0_i32, %c0_i32_0 : i32, i32
  }
  func.func @transform_7(%arg0: i32) -> (i32, i32) {
    %c0_i32 = arith.constant 0 : i32
    %c0_i32_0 = arith.constant 0 : i32
    %c0_i32_1 = arith.constant 0 : i32
    return %c0_i32, %c0_i32_0 : i32, i32
  }
  func.func @transform_8(%arg0: i32) -> (i32, i32) {
    %c0_i32 = arith.constant 0 : i32
    %c0_i32_0 = arith.constant 0 : i32
    %c0_i32_1 = arith.constant 0 : i32
    return %c0_i32, %c0_i32_0 : i32, i32
  }
  func.func @transform_9(%arg0: i32) -> (i32, i32) {
    %c0_i32 = arith.constant 0 : i32
    %c0_i32_0 = arith.constant 0 : i32
    return %arg0, %c0_i32 : i32, i32
  }
}

module attributes {stable_mosaic.version = 14 : i64} {
  func.func @body(%arg0: i32, %arg1: memref<2x512x128xf32, #tpu.memory_space<vmem>>, %arg2: memref<512x128xf32, #tpu.memory_space<vmem>>, %arg3: memref<512x128xf32, #tpu.memory_space<vmem>>, %arg4: memref<512x128xf32, #tpu.memory_space<vmem>>, %arg5: memref<128x128xf32, #tpu.memory_space<vmem>>, %arg6: memref<1x128xf32, #tpu.memory_space<vmem>>, %arg7: memref<128x128xf32, #tpu.memory_space<vmem>>, %arg8: memref<128x128xf32, #tpu.memory_space<vmem>>, %arg9: memref<1x128xf32, #tpu.memory_space<vmem>>, %arg10: memref<128x128xf32, #tpu.memory_space<vmem>>, %arg11: memref<128x128xf32, #tpu.memory_space<vmem>>, %arg12: memref<1x128xf32, #tpu.memory_space<vmem>>, %arg13: memref<128x128xf32, #tpu.memory_space<vmem>>, %arg14: memref<1x128xf32, #tpu.memory_space<vmem>>, %arg15: memref<512x128xf32, #tpu.memory_space<vmem>>) attributes {dimension_semantics = [#tpu.dimension_semantics<arbitrary>], iteration_bounds = array<i64: 5>, scalar_prefetch = 0 : i64, scratch_operands = 0 : i64, tpu.core_type = #tpu.core_type<tc>, window_params = [{transform_indices = @transform_0, window_bounds = array<i64: 2, 512, 128>}, {transform_indices = @transform_1, window_bounds = array<i64: 512, 128>}, {transform_indices = @transform_2, window_bounds = array<i64: 512, 128>}, {transform_indices = @transform_3, window_bounds = array<i64: 512, 128>}, {pipeline_mode = #tpu.pipeline_mode<synchronous>, transform_indices = @transform_4, window_bounds = array<i64: 128, 128>}, {pipeline_mode = #tpu.pipeline_mode<synchronous>, transform_indices = @transform_5, window_bounds = array<i64: 1, 128>}, {pipeline_mode = #tpu.pipeline_mode<synchronous>, transform_indices = @transform_6, window_bounds = array<i64: 128, 128>}, {pipeline_mode = #tpu.pipeline_mode<synchronous>, transform_indices = @transform_7, window_bounds = array<i64: 128, 128>}, {pipeline_mode = #tpu.pipeline_mode<synchronous>, transform_indices = @transform_8, window_bounds = array<i64: 1, 128>}, {pipeline_mode = #tpu.pipeline_mode<synchronous>, transform_indices = @transform_9, window_bounds = array<i64: 128, 128>}, {pipeline_mode = #tpu.pipeline_mode<synchronous>, transform_indices = @transform_10, window_bounds = array<i64: 128, 128>}, {pipeline_mode = #tpu.pipeline_mode<synchronous>, transform_indices = @transform_11, window_bounds = array<i64: 1, 128>}, {pipeline_mode = #tpu.pipeline_mode<synchronous>, transform_indices = @transform_12, window_bounds = array<i64: 128, 128>}, {pipeline_mode = #tpu.pipeline_mode<synchronous>, transform_indices = @transform_13, window_bounds = array<i64: 1, 128>}, {transform_indices = @transform_14, window_bounds = array<i64: 512, 128>}]} {
    %get3A = arith.constant 0 : index
    %get3A_0 = arith.constant 0 : index
    %get3A_1 = vector.load %arg4[%get3A, %get3A_0] : memref<512x128xf32, #tpu.memory_space<vmem>>, vector<512x128xf32>
    %get3A_2 = arith.constant 0 : index
    %get3A_3 = arith.constant 0 : index
    %get3A_4 = arith.constant 0 : index
    %get3A_5 = vector.load %arg1[%get3A_2, %get3A_3, %get3A_4] : memref<2x512x128xf32, #tpu.memory_space<vmem>>, vector<2x512x128xf32>
    %slice3A = vector.extract_strided_slice %get3A_5 {offsets = [0, 0, 0], sizes = [1, 512, 128], strides = [1, 1, 1]} : vector<2x512x128xf32> to vector<1x512x128xf32>
    %squeeze3A = vector.shape_cast %slice3A : vector<1x512x128xf32> to vector<512x128xf32>
    %slice3A_6 = vector.extract_strided_slice %get3A_5 {offsets = [1, 0, 0], sizes = [1, 512, 128], strides = [1, 1, 1]} : vector<2x512x128xf32> to vector<1x512x128xf32>
    %squeeze3A_7 = vector.shape_cast %slice3A_6 : vector<1x512x128xf32> to vector<512x128xf32>
    %add3A = arith.addf %squeeze3A, %squeeze3A_7 : vector<512x128xf32>
    %get3A_8 = arith.constant 0 : index
    %get3A_9 = arith.constant 0 : index
    %get3A_10 = vector.load %arg2[%get3A_8, %get3A_9] : memref<512x128xf32, #tpu.memory_space<vmem>>, vector<512x128xf32>
    %add3A_11 = arith.addf %add3A, %get3A_10 : vector<512x128xf32>
    %mul3A = arith.mulf %get3A_1, %add3A_11 : vector<512x128xf32>
    %get3A_12 = arith.constant 0 : index
    %get3A_13 = arith.constant 0 : index
    %get3A_14 = vector.load %arg5[%get3A_12, %get3A_13] : memref<128x128xf32, #tpu.memory_space<vmem>>, vector<128x128xf32>
    %dot_general3A = arith.constant dense<0.000000e+00> : vector<512x128xf32>
    %dot_general3A_15 = tpu.matmul %mul3A, %get3A_14, %dot_general3A {dimension_numbers = #tpu.dot_dimension_numbers<[1], [0], [0], [1], [0, 0, 1, 1], [], []>, transpose_lhs_hint = false} : vector<512x128xf32>, vector<128x128xf32>, vector<512x128xf32> -> vector<512x128xf32>
    %get3A_16 = arith.constant 0 : index
    %get3A_17 = arith.constant 0 : index
    %get3A_18 = vector.load %arg6[%get3A_16, %get3A_17] : memref<1x128xf32, #tpu.memory_space<vmem>>, vector<1x128xf32>
    %add3A_19 = vector.broadcast %get3A_18 : vector<1x128xf32> to vector<512x128xf32>
    %add3A_20 = arith.addf %dot_general3A_15, %add3A_19 : vector<512x128xf32>
    %max3A = arith.constant 0.000000e+00 : f32
    %max3A_21 = vector.broadcast %max3A : f32 to vector<512x128xf32>
    %max3A_22 = arith.maximumf %add3A_20, %max3A_21 : vector<512x128xf32>
    %get3A_23 = arith.constant 0 : index
    %get3A_24 = arith.constant 0 : index
    %get3A_25 = vector.load %arg3[%get3A_23, %get3A_24] : memref<512x128xf32, #tpu.memory_space<vmem>>, vector<512x128xf32>
    %get3A_26 = arith.constant 0 : index
    %get3A_27 = arith.constant 0 : index
    %get3A_28 = vector.load %arg7[%get3A_26, %get3A_27] : memref<128x128xf32, #tpu.memory_space<vmem>>, vector<128x128xf32>
    %dot_general3A_29 = arith.constant dense<0.000000e+00> : vector<512x128xf32>
    %dot_general3A_30 = tpu.matmul %get3A_25, %get3A_28, %dot_general3A_29 {dimension_numbers = #tpu.dot_dimension_numbers<[1], [0], [0], [1], [0, 0, 1, 1], [], []>, transpose_lhs_hint = false} : vector<512x128xf32>, vector<128x128xf32>, vector<512x128xf32> -> vector<512x128xf32>
    %get3A_31 = arith.constant 0 : index
    %get3A_32 = arith.constant 0 : index
    %get3A_33 = vector.load %arg8[%get3A_31, %get3A_32] : memref<128x128xf32, #tpu.memory_space<vmem>>, vector<128x128xf32>
    %dot_general3A_34 = arith.constant dense<0.000000e+00> : vector<512x128xf32>
    %dot_general3A_35 = tpu.matmul %max3A_22, %get3A_33, %dot_general3A_34 {dimension_numbers = #tpu.dot_dimension_numbers<[1], [0], [0], [1], [0, 0, 1, 1], [], []>, transpose_lhs_hint = false} : vector<512x128xf32>, vector<128x128xf32>, vector<512x128xf32> -> vector<512x128xf32>
    %add3A_36 = arith.addf %dot_general3A_30, %dot_general3A_35 : vector<512x128xf32>
    %get3A_37 = arith.constant 0 : index
    %get3A_38 = arith.constant 0 : index
    %get3A_39 = vector.load %arg9[%get3A_37, %get3A_38] : memref<1x128xf32, #tpu.memory_space<vmem>>, vector<1x128xf32>
    %add3A_40 = vector.broadcast %get3A_39 : vector<1x128xf32> to vector<512x128xf32>
    %add3A_41 = arith.addf %add3A_36, %add3A_40 : vector<512x128xf32>
    %max3A_42 = arith.constant 0.000000e+00 : f32
    %max3A_43 = vector.broadcast %max3A_42 : f32 to vector<512x128xf32>
    %max3A_44 = arith.maximumf %add3A_41, %max3A_43 : vector<512x128xf32>
    %get3A_45 = arith.constant 0 : index
    %get3A_46 = arith.constant 0 : index
    %get3A_47 = vector.load %arg10[%get3A_45, %get3A_46] : memref<128x128xf32, #tpu.memory_space<vmem>>, vector<128x128xf32>
    %dot_general3A_48 = arith.constant dense<0.000000e+00> : vector<512x128xf32>
    %dot_general3A_49 = tpu.matmul %get3A_25, %get3A_47, %dot_general3A_48 {dimension_numbers = #tpu.dot_dimension_numbers<[1], [0], [0], [1], [0, 0, 1, 1], [], []>, transpose_lhs_hint = false} : vector<512x128xf32>, vector<128x128xf32>, vector<512x128xf32> -> vector<512x128xf32>
    %get3A_50 = arith.constant 0 : index
    %get3A_51 = arith.constant 0 : index
    %get3A_52 = vector.load %arg11[%get3A_50, %get3A_51] : memref<128x128xf32, #tpu.memory_space<vmem>>, vector<128x128xf32>
    %dot_general3A_53 = arith.constant dense<0.000000e+00> : vector<512x128xf32>
    %dot_general3A_54 = tpu.matmul %max3A_44, %get3A_52, %dot_general3A_53 {dimension_numbers = #tpu.dot_dimension_numbers<[1], [0], [0], [1], [0, 0, 1, 1], [], []>, transpose_lhs_hint = false} : vector<512x128xf32>, vector<128x128xf32>, vector<512x128xf32> -> vector<512x128xf32>
    %add3A_55 = arith.addf %dot_general3A_49, %dot_general3A_54 : vector<512x128xf32>
    %get3A_56 = arith.constant 0 : index
    %get3A_57 = arith.constant 0 : index
    %get3A_58 = vector.load %arg12[%get3A_56, %get3A_57] : memref<1x128xf32, #tpu.memory_space<vmem>>, vector<1x128xf32>
    %add3A_59 = vector.broadcast %get3A_58 : vector<1x128xf32> to vector<512x128xf32>
    %add3A_60 = arith.addf %add3A_55, %add3A_59 : vector<512x128xf32>
    %max3A_61 = arith.constant 0.000000e+00 : f32
    %max3A_62 = vector.broadcast %max3A_61 : f32 to vector<512x128xf32>
    %max3A_63 = arith.maximumf %add3A_60, %max3A_62 : vector<512x128xf32>
    %get3A_64 = arith.constant 0 : index
    %get3A_65 = arith.constant 0 : index
    %get3A_66 = vector.load %arg13[%get3A_64, %get3A_65] : memref<128x128xf32, #tpu.memory_space<vmem>>, vector<128x128xf32>
    %dot_general3A_67 = arith.constant dense<0.000000e+00> : vector<512x128xf32>
    %dot_general3A_68 = tpu.matmul %max3A_63, %get3A_66, %dot_general3A_67 {dimension_numbers = #tpu.dot_dimension_numbers<[1], [0], [0], [1], [0, 0, 1, 1], [], []>, transpose_lhs_hint = false} : vector<512x128xf32>, vector<128x128xf32>, vector<512x128xf32> -> vector<512x128xf32>
    %get3A_69 = arith.constant 0 : index
    %get3A_70 = arith.constant 0 : index
    %get3A_71 = vector.load %arg14[%get3A_69, %get3A_70] : memref<1x128xf32, #tpu.memory_space<vmem>>, vector<1x128xf32>
    %add3A_72 = vector.broadcast %get3A_71 : vector<1x128xf32> to vector<512x128xf32>
    %add3A_73 = arith.addf %dot_general3A_68, %add3A_72 : vector<512x128xf32>
    %max3A_74 = arith.constant 0.000000e+00 : f32
    %max3A_75 = vector.broadcast %max3A_74 : f32 to vector<512x128xf32>
    %max3A_76 = arith.maximumf %add3A_73, %max3A_75 : vector<512x128xf32>
    %swap3A = arith.constant 0 : index
    %swap3A_77 = arith.constant 0 : index
    %swap3A_78 = vector.load %arg15[%swap3A, %swap3A_77] : memref<512x128xf32, #tpu.memory_space<vmem>>, vector<512x128xf32>
    tpu.vector_store %arg15[%swap3A, %swap3A_77], %max3A_76 {strides = array<i32>} : memref<512x128xf32, #tpu.memory_space<vmem>>, vector<512x128xf32>,
    return
  }
  func.func @transform_0(%arg0: i32) -> (i32, i32, i32) {
    %c0_i32 = arith.constant 0 : i32
    %c0_i32_0 = arith.constant 0 : i32
    %c0_i32_1 = arith.constant 0 : i32
    return %c0_i32, %arg0, %c0_i32_0 : i32, i32, i32
  }
  func.func @transform_1(%arg0: i32) -> (i32, i32) {
    %c0_i32 = arith.constant 0 : i32
    %c0_i32_0 = arith.constant 0 : i32
    return %arg0, %c0_i32 : i32, i32
  }
  func.func @transform_2(%arg0: i32) -> (i32, i32) {
    %c0_i32 = arith.constant 0 : i32
    %c0_i32_0 = arith.constant 0 : i32
    return %arg0, %c0_i32 : i32, i32
  }
  func.func @transform_3(%arg0: i32) -> (i32, i32) {
    %c0_i32 = arith.constant 0 : i32
    %c0_i32_0 = arith.constant 0 : i32
    return %arg0, %c0_i32 : i32, i32
  }
  func.func @transform_4(%arg0: i32) -> (i32, i32) {
    %c0_i32 = arith.constant 0 : i32
    %c0_i32_0 = arith.constant 0 : i32
    %c0_i32_1 = arith.constant 0 : i32
    return %c0_i32, %c0_i32_0 : i32, i32
  }
  func.func @transform_5(%arg0: i32) -> (i32, i32) {
    %c0_i32 = arith.constant 0 : i32
    %c0_i32_0 = arith.constant 0 : i32
    %c0_i32_1 = arith.constant 0 : i32
    return %c0_i32, %c0_i32_0 : i32, i32
  }
  func.func @transform_6(%arg0: i32) -> (i32, i32) {
    %c0_i32 = arith.constant 0 : i32
    %c0_i32_0 = arith.constant 0 : i32
    %c0_i32_1 = arith.constant 0 : i32
    return %c0_i32, %c0_i32_0 : i32, i32
  }
  func.func @transform_7(%arg0: i32) -> (i32, i32) {
    %c0_i32 = arith.constant 0 : i32
    %c0_i32_0 = arith.constant 0 : i32
    %c0_i32_1 = arith.constant 0 : i32
    return %c0_i32, %c0_i32_0 : i32, i32
  }
  func.func @transform_8(%arg0: i32) -> (i32, i32) {
    %c0_i32 = arith.constant 0 : i32
    %c0_i32_0 = arith.constant 0 : i32
    %c0_i32_1 = arith.constant 0 : i32
    return %c0_i32, %c0_i32_0 : i32, i32
  }
  func.func @transform_9(%arg0: i32) -> (i32, i32) {
    %c0_i32 = arith.constant 0 : i32
    %c0_i32_0 = arith.constant 0 : i32
    %c0_i32_1 = arith.constant 0 : i32
    return %c0_i32, %c0_i32_0 : i32, i32
  }
  func.func @transform_10(%arg0: i32) -> (i32, i32) {
    %c0_i32 = arith.constant 0 : i32
    %c0_i32_0 = arith.constant 0 : i32
    %c0_i32_1 = arith.constant 0 : i32
    return %c0_i32, %c0_i32_0 : i32, i32
  }
  func.func @transform_11(%arg0: i32) -> (i32, i32) {
    %c0_i32 = arith.constant 0 : i32
    %c0_i32_0 = arith.constant 0 : i32
    %c0_i32_1 = arith.constant 0 : i32
    return %c0_i32, %c0_i32_0 : i32, i32
  }
  func.func @transform_12(%arg0: i32) -> (i32, i32) {
    %c0_i32 = arith.constant 0 : i32
    %c0_i32_0 = arith.constant 0 : i32
    %c0_i32_1 = arith.constant 0 : i32
    return %c0_i32, %c0_i32_0 : i32, i32
  }
  func.func @transform_13(%arg0: i32) -> (i32, i32) {
    %c0_i32 = arith.constant 0 : i32
    %c0_i32_0 = arith.constant 0 : i32
    %c0_i32_1 = arith.constant 0 : i32
    return %c0_i32, %c0_i32_0 : i32, i32
  }
  func.func @transform_14(%arg0: i32) -> (i32, i32) {
    %c0_i32 = arith.constant 0 : i32
    %c0_i32_0 = arith.constant 0 : i32
    return %arg0, %c0_i32 : i32, i32
  }
}

</mosaic_0001>

<sc_bundles>
// kernel: kernel.15.cloned.1.call-start
scs
__scs_entry_jumppad:
0x0: {  	(pc) =	sbr.rel $0x88, $3  }
0x1: {  	(tag) =	ssettag $0x0;
	lr =	simm.s32 $0x1  }
0x2: {  	[smem:$0x3F91] =	sst lr;
	_ =	strace $0xD0000000  }
0x3: {  	_ = 	snop  }
0x4: {  	_ = 	snop  }
0x5: {  	_ = 	snop  }
0x6: {  	_ = 	snop  }
0x7: {  	_ = 	snop  }
__scs_overlays_trampoline_lowered:
0x8: {  	[smem:$0x3FA0] =	sst s0  }
0x9: {  	[smem:$0x3FA1] =	sst s1  }
0xa: {  	[smem:$0x3FA2] =	sst s2  }
0xb: {  	[smem:$0x3FA3] =	sst s3  }
0xc: {  	[smem:$0x3FA4] =	sst s4  }
0xd: {  	[smem:$0x3FA5] =	sst s5  }
0xe: {  	[smem:$0x3FA6] =	sst s6  }
0xf: {  	[smem:$0x3FA7] =	sst s7  }
0x10: {  	[smem:$0x3FA8] =	sst s8  }
0x11: {  	[smem:$0x3FA9] =	sst s9;
	s0 =	simm.s32 @!p0 $0x0  }
0x12: {  	s1 =	sld [smem:$0x3F8F];
	s0 =	simm.s32 @p0 $0x1  }
0x13: {  	[smem:$0x3FAA] =	sst s0;
	s0 =	simm.s32 @!p1 $0x0  }
0x14: {  	s2 =	sld [smem:$0x3F8E];
	s0 =	simm.s32 @p1 $0x1  }
0x15: {  	[smem:$0x3FAB] =	sst s0;
	s0 =	simm.s32 @!p2 $0x0  }
0x16: {  	s3 =	sld [smem:$0x3FDB];
	s0 =	simm.s32 @p2 $0x1  }
0x17: {  	s4 =	simm.s32 $0x1BF5;
	[smem:$0x3FAD] =	sst s0  }
0x18: {  	s0 =	sld [smem:$0x3F90];
	_ =	swait.ge [sflag:s4], $0x0  }
0x19: {  	s7 =	sld [smem:$0x3F91]  }
0x1a: {  	s8 =	sadd.s32 $0xFFFFE003, lr  }
0x1b: {  	s9 =	sadd.s32 $0xFFFFFEF7, lr;
	s5 =	simm.s32 $0xFFFFFFFF;
	p2 =	slt.u32 s8, $0xFFFFF086  }
0x1c: {  	p1 =	slt.u32 s9, $0xF7A;
	s5 =	simm.s32 @!p2 $0x0  }
0x1d: {  	s5 =	simm.s32 @p1 $0x1;
	p0 =	seq.s32 s7, s2  }
0x1e: {  	s7 =	smul.u32 @!p0 $0xF7A, s2;
	p2 =	seq.s32 @!p0 s5, $0x0  }
0x1f: {  	s9 =	smul.u32 $0xF7A, s1;
	s8 =	simm.s32 @!p0 $0x1BF5;
	p2 =	por !p2, p0  }
0x20: {  	[sflag:s8] =	ssyncset.s32 @!p0 $0xFFFFF086;
	s6 =	sadd.s32 @!p0 s3, s7;
	s7 =	simm.s32 @!p0 $0x108  }
0x21: {  	s3 =	sadd.s32 s3, s9;
	s6 =	sadd.s32 @!p0 $0x88, s6;
	s7 =	simm.s32 @p2 $0x1082  }
0x22: {  	[simem:s7], [sflag:s8] =	dma.local @!p0 [hbm:s6], $0xF7A  }
0x23: {  	s9 =	sor.u32 $0xD0000000, s2;
	s6 =	simm.s32 $0x108;
	_ =	swait.ge @!p0 [sflag:s8], $0x0  }
0x24: {  	s3 =	sadd.s32 $0x88, s3;
	s6 =	simm.s32 @!p1 $0x1082;
	[sflag:s4] =	ssyncset.s32 $0xFFFFF086  }
0x25: {  	[simem:s6], [sflag:s4] =	dma.local [hbm:s3], $0xF7A  }
0x26: {  	[smem:$0x3F91] =	sst s1;
	(tag) =	ssettag s2;
	_ =	strace s9  }
0x27: {  	s1 =	sld [smem:$0x3FA1]  }
0x28: {  	s2 =	sld [smem:$0x3FA2]  }
0x29: {  	s4 =	sld [smem:$0x3FA4]  }
0x2a: {  	p0 =	seq.s32 s5, $0x0;
	s5 =	sld [smem:$0x3FA5]  }
0x2b: {  	s6 =	sld [smem:$0x3FA6]  }
0x2c: {  	s7 =	sld [smem:$0x3FA7]  }
0x2d: {  	s3 =	simm.s32 $0x108;
	s8 =	sld [smem:$0x3FA8]  }
0x2e: {  	s3 =	simm.s32 @!p0 $0x1082;
	s9 =	sld [smem:$0x3FA9]  }
0x2f: {  	lr =	sadd.s32 s0, s3;
	s0 =	sld [smem:$0x3FA0]  }
0x30: {  	s3 =	sld [smem:$0x3FA3]  }
0x31: {  	[smem:$0x3FAC] =	sst s10  }
0x32: {  	s10 =	sld [smem:$0x3FAA];
	_ =	sdelay $0x3  }
0x33: {  	p0 =	seq.s32 s10, $0x1;
	s10 =	sld [smem:$0x3FAC];
	_ =	sdelay $0x3  }
0x34: {  	[smem:$0x3FAC] =	sst s10  }
0x35: {  	s10 =	sld [smem:$0x3FAB];
	_ =	sdelay $0x3  }
0x36: {  	p1 =	seq.s32 s10, $0x1;
	s10 =	sld [smem:$0x3FAC];
	_ =	sdelay $0x3  }
0x37: {  	[smem:$0x3FAC] =	sst s10  }
0x38: {  	s10 =	sld [smem:$0x3FAD]  }
0x39: {  	_ = 	snop;
	(pc) =	sbr.ind lr, $3  }
0x3a: {  	_ = 	snop  }
0x3b: {  	_ = 	snop  }
0x3c: {  	p2 =	seq.s32 s10, $0x1;
	s10 =	sld [smem:$0x3FAC]  }
0x3d: {  	_ =	shalt  }
0x3e: {  	_ =	shalt  }
0x3f: {  	_ =	shalt  }
0x40: {  	_ =	shalt  }
0x41: {  	_ =	shalt  }
0x42: {  	_ =	shalt  }
0x43: {  	_ =	shalt  }
0x44: {  	_ =	shalt  }
0x45: {  	_ =	shalt  }
0x46: {  	_ =	shalt  }
0x47: {  	_ =	shalt  }
0x48: {  	_ =	shalt  }
0x49: {  	_ =	shalt  }
0x4a: {  	_ =	shalt  }
0x4b: {  	_ =	shalt  }
0x4c: {  	_ =	shalt  }
0x4d: {  	_ =	shalt  }
0x4e: {  	_ =	shalt  }
0x4f: {  	_ =	shalt  }
0x50: {  	_ =	shalt  }
0x51: {  	_ =	shalt  }
0x52: {  	_ =	shalt  }
0x53: {  	_ =	shalt  }
0x54: {  	_ =	shalt  }
0x55: {  	_ =	shalt  }
0x56: {  	_ =	shalt  }
0x57: {  	_ =	shalt  }
0x58: {  	_ =	shalt  }
0x59: {  	_ =	shalt  }
0x5a: {  	_ =	shalt  }
0x5b: {  	_ =	shalt  }
0x5c: {  	_ =	shalt  }
0x5d: {  	_ =	shalt  }
0x5e: {  	_ =	shalt  }
0x5f: {  	_ =	shalt  }
0x60: {  	_ =	shalt  }
0x61: {  	_ =	shalt  }
0x62: {  	_ =	shalt  }
0x63: {  	_ =	shalt  }
0x64: {  	_ =	shalt  }
0x65: {  	_ =	shalt  }
0x66: {  	_ =	shalt  }
0x67: {  	_ =	shalt  }
0x68: {  	_ =	shalt  }
0x69: {  	_ =	shalt  }
0x6a: {  	_ =	shalt  }
0x6b: {  	_ =	shalt  }
0x6c: {  	_ =	shalt  }
0x6d: {  	_ =	shalt  }
0x6e: {  	_ =	shalt  }
0x6f: {  	_ =	shalt  }
0x70: {  	_ =	shalt  }
0x71: {  	_ =	shalt  }
0x72: {  	_ =	shalt  }
0x73: {  	_ =	shalt  }
0x74: {  	_ =	shalt  }
0x75: {  	_ =	shalt  }
0x76: {  	_ =	shalt  }
0x77: {  	_ =	shalt  }
0x78: {  	_ =	shalt  }
0x79: {  	_ =	shalt  }
0x7a: {  	_ =	shalt  }
0x7b: {  	_ =	shalt  }
0x7c: {  	_ =	shalt  }
0x7d: {  	_ =	shalt  }
0x7e: {  	_ =	shalt  }
0x7f: {  	_ =	shalt  }
0x80: {  	_ =	shalt  }
0x81: {  	_ =	shalt  }
0x82: {  	_ =	shalt  }
0x83: {  	_ =	shalt  }
0x84: {  	_ =	shalt  }
0x85: {  	_ =	shalt  }
0x86: {  	_ =	shalt  }
0x87: {  	_ =	shalt  }
.Lfunc_end0:
.L_simem_size_0:
called_computation_lowered:
.L_overlay_start_0:
0x88: {  	s2 =	sld [smem:$0x3FD9]  }
0x89: {  	s3 =	sld [smem:$0x3FFE];
	_ =	sdelay $0x1  }
0x8a: {  	s1 =	srdreg.scid  }
0x8b: {  	s0 =	sand.u32 $0x1, s1  }
0x8c: {  	s17 =	sshll.u32 s0, $0xA;
	s2 =	sadd.s32 s3, s2  }
0x8d: {  	s2 =	sadd.s32 s2, s17  }
0x8e: {  	[smem:$0x3FB8] =	sst s2  }
0x8f: {  	_ = 	snop  }
0x90: {  	s2 =	sld [smem:$0x3FD0];
	(tm) =	ssettm $0x1  }
0x91: {  	s18 =	sld [smem:$0x3FFB];
	_ =	sdelay $0x3  }
0x92: {  	_ =	strace s18  }
0x93: {  	s3 =	sld [smem:$0x3FFC];
	_ =	sdelay $0x3  }
0x94: {  	_ =	strace s3  }
0x95: {  	s3 =	sld [smem:$0x3FFD];
	_ =	sdelay $0x3  }
0x96: {  	_ =	strace s3  }
0x97: {  	_ =	strace $0x8FFFFFFF  }
0x98: {  	s19 =	sld [smem:$0x3FDB];
	_ =	sdelay $0x1  }
0x99: {  	s4 =	simm.s32 $_scs_section_size  }
0x9a: {  	s5 =	simm.s32 $_size__tile_overlayer_lowered;
	s6 =	simm.s32 $_tile_overlayer_lowered  }
0x9b: {  	s22 =	simm.s32 $0x1BFF;
	s21 =	sshll.u32 s6, $0x1;
	s3 =	sadd.s32 s4, s19  }
0x9c: {  	s7 =	simm.s32 $0x0;
	s20 =	sshll.u32 s5, $0x1;
	s5 =	sadd.s32 s21, s3  }
0x9d: {  	[timem:s7], [sflag:s22] =	dma.local [hbm:s5], s20  }
0x9e: {  	_ =	swait.ge [sflag:s22], s20  }
0x9f: {  	s4 =	ssub.s32 $0x0, s20;
	[sflag:s22] =	ssyncset.done $0x0  }
0xa0: {  	[sflag:s22] =	ssyncadd.s32 s4;
	_ =	sdelay $0x1  }
0xa1: {  	s23 =	simm.s32 $0x1B8B  }
0xa2: {  	_ =	swait.ge [sflag:s23], $0x1  }
0xa3: {  	[sflag:s23] =	ssyncset.done $0x0  }
0xa4: {  	s25 =	simm.s32 $0x1B8E;
	s24 =	sld [smem:$0x3FFE];
	[sflag:s23] =	ssyncadd.s32 $0xFFFFFFFF  }
0xa5: {  	s26 =	simm.s32 $execute0_lowered;
	[smem:$0x3FD2] =	sst s25  }
0xa6: {  	s5 =	sshll.u32 s26, $0x1;
	_ =	strace $0x80000046;
	[dreg:$0x1] =	wrdreg $0xFFFFFFFF  }
0xa7: {  	s28 =	simm.s32 $_size_execute0_lowered;
	s3 =	sadd.s32 s3, s5;
	[dreg:$0x0] =	wrdreg $0x0  }
0xa8: {  	s5 =	sshll.u32 s28, $0x1;
	[dreg:$0x2] =	wrdreg s3  }
0xa9: {  	[dreg:$0x3] =	wrdreg s5  }
0xaa: {  	[dreg:$0x4] =	wrdreg $0xC0  }
0xab: {  	_ =	task [dreg:s7], $0x5FFFF  }
0xac: {  	[dreg:$0x1] =	wrdreg $0xFFFFFFFF  }
0xad: {  	[dreg:$0x0] =	wrdreg $0x60  }
0xae: {  	[dreg:$0x2] =	wrdreg s24  }
0xaf: {  	[dreg:$0x3] =	wrdreg s2  }
0xb0: {  	[dreg:$0x4] =	wrdreg $0x2C000  }
0xb1: {  	[dreg:$0x5] =	wrdreg $0x9  }
0xb2: {  	_ =	task.clear_ibuf [dreg:s7], $0x6FFFF;
	_ =	strace $0x90000046  }
0xb3: {  	s29 =	simm.s32 $0x9;
	_ =	strace $0x80000048  }
0xb4: {  	_ =	swait.ge [sflag:s29], $0x1  }
0xb5: {  	[sflag:s29] =	ssyncadd.s32 $0xFFFFFFFF  }
0xb6: {  	_ =	strace $0x90000048  }
0xb7: {  	_ =	sfence  }
0xb8: {  	s30 =	sld [smem:$0x0];
	_ =	sdelay $0x2  }
0xb9: {  	s31 =	sshll.u32 s1, $0xD;
	s1 =	sshrl.u32 s1, $0x2  }
0xba: {  	s3 =	sand.u32 $0x4000, s31;
	s1 =	sadd.s32 s1, s30  }
0xbb: {  	s0 =	sor.u32 s3, s0;
	s1 =	sshll.u32 s1, $0x11  }
0xbc: {  	s0 =	sor.u32 s1, s0  }
0xbd: {  	s0 =	sadd.s32 $0x8F2B, s0  }
0xbe: {  	[sflag:s0] =	ssyncadd.remote.s32 $0x1  }
0xbf: {  	_ =	sfence.sel $0xFFFF  }
0xc0: {  	[dreg:$0x0] =	wrdreg $0xFFFFFFFF;
	(pc) =	sbr.abs _section_cstart, $3  }
0xc1: {  	[dreg:$0x1] =	wrdreg $0xFFFFFFFF  }
0xc2: {  	_ =	task.clear_ibuf [dreg:s7], $0x2FFFF;
	_ =	strace $0x9FFFFFFF  }
0xc3: {  	(tm) =	ssettm $0x7FFFFFFF  }
tec
execute0_lowered:
.L_overlay_start_1:
0x0: {  	(tag) =	ssettag $0x1  }
0x1: {  	s5 =	rddreg [dreg:$0x0]  }
0x2: {  	s6 =	rddreg [dreg:$0x1]  }
0x3: {  	s2 =	rddreg [dreg:$0x2];
	s0 =	stileid.u32  }
0x4: {  	s3 =	srdreg.scid;
	s1 =	rddreg [dreg:$0x3];
	s13 =	simm.s32 $0x80  }
0x5: {  	s14 =	simm.s32 $0x100;
	s15 =	simm.s32 $0x180;
	s16 =	simm.s32 $0x1  }
0x6: {  	s17 =	simm.s32 $0x2;
	s18 =	simm.s32 $0x3;
	s19 =	simm.s32 $0x4  }
0x7: {  	s20 =	simm.s32 $0x10;
	s21 =	simm.s32 $0x0;
	s4 =	smul.u32 $0x2800, s0  }
0x8: {  	s7 =	sand.u32 $0x1, s3;
	s3 =	simm.s32 $0x0;
	s25 =	smul.u32 $0x14000, s0  }
0x9: {  	s28 =	smul.u32 $0x1400, s0;
	s31 =	sshll.u32 s0, $0x6;
	p0 =	seq.s32 s7, $0x0  }
0xa: {  	s9 =	smul.u32 $0x140000, s7;
	[smem:$0x7FF] =	sst s3;
	s7 =	ssub.s32 $0x2, s7  }
0xb: {  	s8 =	sadd.s32 $0x28000, s4;
	_ =	strace $0x80000047;
	s29 =	sshrl.u32 s7, $0x1  }
0xc: {  	s30 =	sshrl.u32 s28, $0x3;
	s12 =	sadd.s32 s28, s2;
	s4 =	smov.u32 @p0 s8  }
0xd: {  	s26 =	sadd.s32 s25, s9;
	s11 =	ssub.s32 s7, s29;
	s6 =	sadd.s32 s6, s30  }
0xe: {  	s9 =	simm.s32 $0x5;
	s4 =	sshrl.u32 s4, $0x3;
	s8 =	sshrl.u32 s26, $0x3  }
0xf: {  	s12 =	sshrl.u32 s12, $0x3;
	s10 =	sadd.s32 s4, s5;
	s8 =	sadd.s32 s8, s5  }
0x10: {  	s4 =	sadd.s32 $0x10000, s5;
	s5 =	sadd.s32 $0x6000, s10;
	s7 =	sadd.s32 $0x10200, s8  }
0x11: {  	s8 =	smax.u32 s11, $0x1;
	s10 =	simm.s32 $0x2800;
	s11 =	sor.u32 $0x1C05, s31  }
.LBB2_1:
0x12: {  	[tilespmem:s3], [sflag:$0x5] =	stream.linear.gather [hbm4b:s5+s3], $0x2800, $0x38;
	[tilespmem:$0x4000] =	vst v63  }
0x13: {  	_ =	swait.ge [sflag:s9], $0x2800  }
0x14: {  	[sflag:s9] =	ssyncset.done $0x0  }
0x15: {  	[sflag:s9] =	ssyncadd.s32 $0xFFFFD800  }
0x16: {  	[tilespmem:s10], [sflag:$0x5] =	stream.linear.gather [hbm4b:s4+s3], $0x400, $0x38;
	[tilespmem:$0x4000] =	vst v63  }
0x17: {  	_ =	swait.ge [sflag:s9], $0x400  }
0x18: {  	[sflag:s9] =	ssyncset.done $0x0  }
0x19: {  	[sflag:s9] =	ssyncadd.s32 $0xFFFFFC00  }
0x1a: {  	[spmem:s12], [sflag:s11] =	dma.local [hbm:s6], $0x280  }
0x1b: {  	_ =	swait.ge [sflag:s9], $0x280  }
0x1c: {  	[sflag:s9] =	ssyncset.done $0x0  }
0x1d: {  	[sflag:s9] =	ssyncadd.s32 $0xFFFFFD80  }
0x1e: {  	[bflag:$0x0] =	sbarrier.arrive $0xFFFF  }
0x1f: {  	[spmem:s2] =	stream.indirect.scatter.add.f32 [tilespmem:s10], [sflag:$0x1], $0x8, s3, s13, $0xb8;
	[tilespmem:$0x4000] =	vst v63  }
0x20: {  	_ = 	snop  }
0x21: {  	[spmem:s2] =	stream.indirect.scatter.add.f32 [tilespmem:s10], [sflag:$0x2], $0x8, s13, s13, $0xb8;
	[tilespmem:$0x4000] =	vst v63  }
0x22: {  	_ = 	snop  }
0x23: {  	[spmem:s2] =	stream.indirect.scatter.add.f32 [tilespmem:s10], [sflag:$0x3], $0x8, s14, s13, $0xb8;
	[tilespmem:$0x4000] =	vst v63  }
0x24: {  	_ = 	snop  }
0x25: {  	[spmem:s2] =	stream.indirect.scatter.add.f32 [tilespmem:s10], [sflag:$0x4], $0x8, s15, s13, $0xb8;
	[tilespmem:$0x4000] =	vst v63  }
0x26: {  	_ =	swait.ge [sflag:s16], $0x400  }
0x27: {  	[sflag:s16] =	ssyncset.done $0x0  }
0x28: {  	s22 =	simm.s32 $0x200;
	[sflag:s16] =	ssyncadd.s32 $0xFFFFFC00  }
0x29: {  	[spmem:s2] =	stream.indirect.scatter.add.f32 [tilespmem:s10], [sflag:$0x1], $0x8, s22, s13, $0xb8;
	[tilespmem:$0x4000] =	vst v63  }
0x2a: {  	_ =	swait.ge [sflag:s17], $0x400  }
0x2b: {  	[sflag:s17] =	ssyncset.done $0x0  }
0x2c: {  	s30 =	simm.s32 $0x280;
	[sflag:s17] =	ssyncadd.s32 $0xFFFFFC00  }
0x2d: {  	[spmem:s2] =	stream.indirect.scatter.add.f32 [tilespmem:s10], [sflag:$0x2], $0x8, s30, s13, $0xb8;
	[tilespmem:$0x4000] =	vst v63  }
0x2e: {  	_ =	swait.ge [sflag:s18], $0x400  }
0x2f: {  	[sflag:s18] =	ssyncset.done $0x0  }
0x30: {  	s31 =	simm.s32 $0x300;
	[sflag:s18] =	ssyncadd.s32 $0xFFFFFC00  }
0x31: {  	[spmem:s2] =	stream.indirect.scatter.add.f32 [tilespmem:s10], [sflag:$0x3], $0x8, s31, s13, $0xb8;
	[tilespmem:$0x4000] =	vst v63  }
0x32: {  	_ =	swait.ge [sflag:s19], $0x400  }
0x33: {  	[sflag:s19] =	ssyncset.done $0x0  }
0x34: {  	s23 =	simm.s32 $0x380;
	s22 =	simm.s32 $0xFFFF7000;
	[sflag:s19] =	ssyncadd.s32 $0xFFFFFC00  }
.LBB2_2:
0x35: {  	[spmem:s2] =	stream.indirect.scatter.add.f32 [tilespmem:s10], [sflag:$0x4], $0x8, s23, s13, $0xb8;
	[tilespmem:$0x4000] =	vst v63  }
0x36: {  	s23 =	smov.u32 s22  }
0x37: {  	p0 =	sne.s32 s22, $0xFFFFF800;
	s22 =	sadd.s32 $0x800, s22;
	_ =	swait.ge [sflag:s16], $0x400  }
0x38: {  	s23 =	sshra.s32 s23, $0x2;
	[sflag:s16] =	ssyncset.done $0x0  }
0x39: {  	s24 =	sadd.s32 $0x2800, s23;
	[sflag:s16] =	ssyncadd.s32 $0xFFFFFC00  }
0x3a: {  	[spmem:s2] =	stream.indirect.scatter.add.f32 [tilespmem:s10], [sflag:$0x1], $0x8, s24, s13, $0xb8;
	[tilespmem:$0x4000] =	vst v63  }
0x3b: {  	_ =	swait.ge [sflag:s17], $0x400  }
0x3c: {  	[sflag:s17] =	ssyncset.done $0x0  }
0x3d: {  	s24 =	sadd.s32 $0x2880, s23;
	[sflag:s17] =	ssyncadd.s32 $0xFFFFFC00  }
0x3e: {  	[spmem:s2] =	stream.indirect.scatter.add.f32 [tilespmem:s10], [sflag:$0x2], $0x8, s24, s13, $0xb8;
	[tilespmem:$0x4000] =	vst v63  }
0x3f: {  	_ =	swait.ge [sflag:s18], $0x400  }
0x40: {  	[sflag:s18] =	ssyncset.done $0x0  }
.Ltmp0:
0x41: {  	s24 =	sadd.s32 $0x2900, s23;
	[sflag:s18] =	ssyncadd.s32 $0xFFFFFC00;
	(pc) =	sbr.rel @p0 .LBB2_2-.Ltmp0, $4  }
0x42: {  	[spmem:s2] =	stream.indirect.scatter.add.f32 [tilespmem:s10], [sflag:$0x3], $0x8, s24, s13, $0xb8;
	[tilespmem:$0x4000] =	vst v63  }
0x43: {  	_ =	swait.ge [sflag:s19], $0x400  }
0x44: {  	[sflag:s19] =	ssyncset.done $0x0  }
0x45: {  	s23 =	sadd.s32 $0x2980, s23;
	[sflag:s19] =	ssyncadd.s32 $0xFFFFFC00  }
0x46: {  	[spmem:s2] =	stream.indirect.scatter.add.f32 [tilespmem:s10], [sflag:$0x4], $0x8, s23, s13, $0xb8;
	[tilespmem:$0x4000] =	vst v63  }
0x47: {  	_ =	swait.ge [sflag:s16], $0x400  }
0x48: {  	[sflag:s16] =	ssyncset.done $0x0  }
0x49: {  	[sflag:s16] =	ssyncadd.s32 $0xFFFFFC00  }
0x4a: {  	_ =	swait.ge [sflag:s17], $0x400  }
0x4b: {  	[sflag:s17] =	ssyncset.done $0x0  }
0x4c: {  	[sflag:s17] =	ssyncadd.s32 $0xFFFFFC00  }
0x4d: {  	_ =	swait.ge [sflag:s18], $0x400  }
0x4e: {  	[sflag:s18] =	ssyncset.done $0x0  }
0x4f: {  	[sflag:s18] =	ssyncadd.s32 $0xFFFFFC00  }
0x50: {  	_ =	swait.ge [sflag:s19], $0x400  }
0x51: {  	s21 =	sadd.s32 $0x1, s21;
	[sflag:s19] =	ssyncset.done $0x0  }
0x52: {  	p0 =	sne.s32 s21, s8;
	[sflag:s19] =	ssyncadd.s32 $0xFFFFFC00  }
.Ltmp1:
0x53: {  	[bflag:$0x0] =	sbarrier.arrive $0xFFFF;
	(pc) =	sbr.rel @p0 .LBB2_1-.Ltmp1, $4  }
0x54: {  	[hbm:s7@s20], [sflag:s11] =	dma.strided [spmem:s12@s16], $0x280, s16, $0x1   }
0x55: {  	_ =	swait.ge [sflag:s9], $0x280  }
0x56: {  	[sflag:s9] =	ssyncset.done $0x0  }
0x57: {  	[sflag:s9] =	ssyncadd.s32 $0xFFFFFD80  }
0x58: {  	_ =	sfence.sel $0x180000  }
0x59: {  	[bflag:$0x0] =	sbarrier.arrive $0xFFFF  }
0x5a: {  	p0 =	sne.s32 s0, $0x0;
	_ =	strace $0x90000047  }
0x5b: {  	s0 =	sadd.s32 @!p0 $0x100000, s1;
	[bflag:$0x2] =	sbarrier.arrive $0xFFFF  }
0x5c: {  	[sflag:s0] =	ssyncadd.tile.s32 @!p0 $0x1;
	_ =	shalt  }
.Lfunc_end2:
_tile_overlayer_lowered:
.L_overlay_start_2:
0x5d: {  	(tag) =	ssettag $0x2  }
0x5e: {  	s0 =	rddreg [dreg:$0x0];
	s2 =	stileid.u32  }
0x5f: {  	s1 =	rddreg [dreg:$0x1];
	p0 =	sne.s32 s2, $0x0  }
0x60: {  	s3 =	rddreg [dreg:$0x2];
	[bflag:$0x3] =	sbarrier.arrive $0xFFFF;
	s2 =	simm.s32 @!p0 $0x1C05  }
0x61: {  	[timem:s3], [sflag:s2] =	dma.local @!p0 [hbm:s0], s1  }
0x62: {  	s0 =	simm.s32 @!p0 $0x5  }
0x63: {  	_ =	swait.ge @!p0 [sflag:s0], s1  }
0x64: {  	s1 =	ssub.s32 @!p0 $0x0, s1;
	[sflag:s0] =	ssyncset.done @!p0 $0x0  }
0x65: {  	[sflag:s0] =	ssyncadd.s32 @!p0 s1  }
0x66: {  	[bflag:$0x3] =	sbarrier.arrive $0xFFFF  }
0x67: {  	_ =	shalt  }

// kernel: kernel.18.cloned.1.call-start
scs
__scs_entry_jumppad:
0x0: {  	(pc) =	sbr.rel $0x88, $3  }
0x1: {  	(tag) =	ssettag $0x0;
	lr =	simm.s32 $0x1  }
0x2: {  	[smem:$0x3F91] =	sst lr;
	_ =	strace $0xD0000000  }
0x3: {  	_ = 	snop  }
0x4: {  	_ = 	snop  }
0x5: {  	_ = 	snop  }
0x6: {  	_ = 	snop  }
0x7: {  	_ = 	snop  }
__scs_overlays_trampoline_lowered:
0x8: {  	[smem:$0x3FA0] =	sst s0  }
0x9: {  	[smem:$0x3FA1] =	sst s1  }
0xa: {  	[smem:$0x3FA2] =	sst s2  }
0xb: {  	[smem:$0x3FA3] =	sst s3  }
0xc: {  	[smem:$0x3FA4] =	sst s4  }
0xd: {  	[smem:$0x3FA5] =	sst s5  }
0xe: {  	[smem:$0x3FA6] =	sst s6  }
0xf: {  	[smem:$0x3FA7] =	sst s7  }
0x10: {  	[smem:$0x3FA8] =	sst s8  }
0x11: {  	[smem:$0x3FA9] =	sst s9;
	s0 =	simm.s32 @!p0 $0x0  }
0x12: {  	s1 =	sld [smem:$0x3F8F];
	s0 =	simm.s32 @p0 $0x1  }
0x13: {  	[smem:$0x3FAA] =	sst s0;
	s0 =	simm.s32 @!p1 $0x0  }
0x14: {  	s2 =	sld [smem:$0x3F8E];
	s0 =	simm.s32 @p1 $0x1  }
0x15: {  	[smem:$0x3FAB] =	sst s0;
	s0 =	simm.s32 @!p2 $0x0  }
0x16: {  	s3 =	sld [smem:$0x3FDB];
	s0 =	simm.s32 @p2 $0x1  }
0x17: {  	s4 =	simm.s32 $0x1BF5;
	[smem:$0x3FAD] =	sst s0  }
0x18: {  	s0 =	sld [smem:$0x3F90];
	_ =	swait.ge [sflag:s4], $0x0  }
0x19: {  	s7 =	sld [smem:$0x3F91]  }
0x1a: {  	s8 =	sadd.s32 $0xFFFFE003, lr  }
0x1b: {  	s9 =	sadd.s32 $0xFFFFFEF7, lr;
	s5 =	simm.s32 $0xFFFFFFFF;
	p2 =	slt.u32 s8, $0xFFFFF086  }
0x1c: {  	p1 =	slt.u32 s9, $0xF7A;
	s5 =	simm.s32 @!p2 $0x0  }
0x1d: {  	s5 =	simm.s32 @p1 $0x1;
	p0 =	seq.s32 s7, s2  }
0x1e: {  	s7 =	smul.u32 @!p0 $0xF7A, s2;
	p2 =	seq.s32 @!p0 s5, $0x0  }
0x1f: {  	s9 =	smul.u32 $0xF7A, s1;
	s8 =	simm.s32 @!p0 $0x1BF5;
	p2 =	por !p2, p0  }
0x20: {  	[sflag:s8] =	ssyncset.s32 @!p0 $0xFFFFF086;
	s6 =	sadd.s32 @!p0 s3, s7;
	s7 =	simm.s32 @!p0 $0x108  }
0x21: {  	s3 =	sadd.s32 s3, s9;
	s6 =	sadd.s32 @!p0 $0x88, s6;
	s7 =	simm.s32 @p2 $0x1082  }
0x22: {  	[simem:s7], [sflag:s8] =	dma.local @!p0 [hbm:s6], $0xF7A  }
0x23: {  	s9 =	sor.u32 $0xD0000000, s2;
	s6 =	simm.s32 $0x108;
	_ =	swait.ge @!p0 [sflag:s8], $0x0  }
0x24: {  	s3 =	sadd.s32 $0x88, s3;
	s6 =	simm.s32 @!p1 $0x1082;
	[sflag:s4] =	ssyncset.s32 $0xFFFFF086  }
0x25: {  	[simem:s6], [sflag:s4] =	dma.local [hbm:s3], $0xF7A  }
0x26: {  	[smem:$0x3F91] =	sst s1;
	(tag) =	ssettag s2;
	_ =	strace s9  }
0x27: {  	s1 =	sld [smem:$0x3FA1]  }
0x28: {  	s2 =	sld [smem:$0x3FA2]  }
0x29: {  	s4 =	sld [smem:$0x3FA4]  }
0x2a: {  	p0 =	seq.s32 s5, $0x0;
	s5 =	sld [smem:$0x3FA5]  }
0x2b: {  	s6 =	sld [smem:$0x3FA6]  }
0x2c: {  	s7 =	sld [smem:$0x3FA7]  }
0x2d: {  	s3 =	simm.s32 $0x108;
	s8 =	sld [smem:$0x3FA8]  }
0x2e: {  	s3 =	simm.s32 @!p0 $0x1082;
	s9 =	sld [smem:$0x3FA9]  }
0x2f: {  	lr =	sadd.s32 s0, s3;
	s0 =	sld [smem:$0x3FA0]  }
0x30: {  	s3 =	sld [smem:$0x3FA3]  }
0x31: {  	[smem:$0x3FAC] =	sst s10  }
0x32: {  	s10 =	sld [smem:$0x3FAA];
	_ =	sdelay $0x3  }
0x33: {  	p0 =	seq.s32 s10, $0x1;
	s10 =	sld [smem:$0x3FAC];
	_ =	sdelay $0x3  }
0x34: {  	[smem:$0x3FAC] =	sst s10  }
0x35: {  	s10 =	sld [smem:$0x3FAB];
	_ =	sdelay $0x3  }
0x36: {  	p1 =	seq.s32 s10, $0x1;
	s10 =	sld [smem:$0x3FAC];
	_ =	sdelay $0x3  }
0x37: {  	[smem:$0x3FAC] =	sst s10  }
0x38: {  	s10 =	sld [smem:$0x3FAD]  }
0x39: {  	_ = 	snop;
	(pc) =	sbr.ind lr, $3  }
0x3a: {  	_ = 	snop  }
0x3b: {  	_ = 	snop  }
0x3c: {  	p2 =	seq.s32 s10, $0x1;
	s10 =	sld [smem:$0x3FAC]  }
0x3d: {  	_ =	shalt  }
0x3e: {  	_ =	shalt  }
0x3f: {  	_ =	shalt  }
0x40: {  	_ =	shalt  }
0x41: {  	_ =	shalt  }
0x42: {  	_ =	shalt  }
0x43: {  	_ =	shalt  }
0x44: {  	_ =	shalt  }
0x45: {  	_ =	shalt  }
0x46: {  	_ =	shalt  }
0x47: {  	_ =	shalt  }
0x48: {  	_ =	shalt  }
0x49: {  	_ =	shalt  }
0x4a: {  	_ =	shalt  }
0x4b: {  	_ =	shalt  }
0x4c: {  	_ =	shalt  }
0x4d: {  	_ =	shalt  }
0x4e: {  	_ =	shalt  }
0x4f: {  	_ =	shalt  }
0x50: {  	_ =	shalt  }
0x51: {  	_ =	shalt  }
0x52: {  	_ =	shalt  }
0x53: {  	_ =	shalt  }
0x54: {  	_ =	shalt  }
0x55: {  	_ =	shalt  }
0x56: {  	_ =	shalt  }
0x57: {  	_ =	shalt  }
0x58: {  	_ =	shalt  }
0x59: {  	_ =	shalt  }
0x5a: {  	_ =	shalt  }
0x5b: {  	_ =	shalt  }
0x5c: {  	_ =	shalt  }
0x5d: {  	_ =	shalt  }
0x5e: {  	_ =	shalt  }
0x5f: {  	_ =	shalt  }
0x60: {  	_ =	shalt  }
0x61: {  	_ =	shalt  }
0x62: {  	_ =	shalt  }
0x63: {  	_ =	shalt  }
0x64: {  	_ =	shalt  }
0x65: {  	_ =	shalt  }
0x66: {  	_ =	shalt  }
0x67: {  	_ =	shalt  }
0x68: {  	_ =	shalt  }
0x69: {  	_ =	shalt  }
0x6a: {  	_ =	shalt  }
0x6b: {  	_ =	shalt  }
0x6c: {  	_ =	shalt  }
0x6d: {  	_ =	shalt  }
0x6e: {  	_ =	shalt  }
0x6f: {  	_ =	shalt  }
0x70: {  	_ =	shalt  }
0x71: {  	_ =	shalt  }
0x72: {  	_ =	shalt  }
0x73: {  	_ =	shalt  }
0x74: {  	_ =	shalt  }
0x75: {  	_ =	shalt  }
0x76: {  	_ =	shalt  }
0x77: {  	_ =	shalt  }
0x78: {  	_ =	shalt  }
0x79: {  	_ =	shalt  }
0x7a: {  	_ =	shalt  }
0x7b: {  	_ =	shalt  }
0x7c: {  	_ =	shalt  }
0x7d: {  	_ =	shalt  }
0x7e: {  	_ =	shalt  }
0x7f: {  	_ =	shalt  }
0x80: {  	_ =	shalt  }
0x81: {  	_ =	shalt  }
0x82: {  	_ =	shalt  }
0x83: {  	_ =	shalt  }
0x84: {  	_ =	shalt  }
0x85: {  	_ =	shalt  }
0x86: {  	_ =	shalt  }
0x87: {  	_ =	shalt  }
.Lfunc_end0:
.L_simem_size_0:
called_computation.1_lowered:
.L_overlay_start_0:
0x88: {  	s2 =	sld [smem:$0x3FD9]  }
0x89: {  	s3 =	sld [smem:$0x3FFE];
	_ =	sdelay $0x1  }
0x8a: {  	s1 =	srdreg.scid  }
0x8b: {  	s0 =	sand.u32 $0x1, s1  }
0x8c: {  	s16 =	sshll.u32 s0, $0xA;
	s2 =	sadd.s32 s3, s2  }
0x8d: {  	s2 =	sadd.s32 s2, s16  }
0x8e: {  	[smem:$0x3FB8] =	sst s2  }
0x8f: {  	_ = 	snop  }
0x90: {  	(tm) =	ssettm $0x1  }
0x91: {  	s17 =	sld [smem:$0x3FFB];
	_ =	sdelay $0x3  }
0x92: {  	_ =	strace s17  }
0x93: {  	s2 =	sld [smem:$0x3FFC];
	_ =	sdelay $0x3  }
0x94: {  	_ =	strace s2  }
0x95: {  	s2 =	sld [smem:$0x3FFD];
	_ =	sdelay $0x3  }
0x96: {  	_ =	strace s2  }
0x97: {  	_ =	strace $0x8FFFFFFF  }
0x98: {  	s18 =	sld [smem:$0x3FDB];
	_ =	sdelay $0x1  }
0x99: {  	s19 =	simm.s32 $_scs_section_size  }
0x9a: {  	s4 =	simm.s32 $_size__tile_overlayer_lowered;
	s5 =	simm.s32 $_tile_overlayer_lowered  }
0x9b: {  	s22 =	simm.s32 $0x1BFF;
	s21 =	sshll.u32 s5, $0x1;
	s2 =	sadd.s32 s19, s18  }
0x9c: {  	s6 =	simm.s32 $0x0;
	s20 =	sshll.u32 s4, $0x1;
	s4 =	sadd.s32 s21, s2  }
0x9d: {  	[timem:s6], [sflag:s22] =	dma.local [hbm:s4], s20  }
0x9e: {  	_ =	swait.ge [sflag:s22], s20  }
0x9f: {  	s3 =	ssub.s32 $0x0, s20;
	[sflag:s22] =	ssyncset.done $0x0  }
0xa0: {  	[sflag:s22] =	ssyncadd.s32 s3;
	_ =	sdelay $0x1  }
0xa1: {  	s23 =	simm.s32 $0x1B8B  }
0xa2: {  	_ =	swait.ge [sflag:s23], $0x1  }
0xa3: {  	[sflag:s23] =	ssyncset.done $0x0  }
0xa4: {  	s25 =	simm.s32 $0x1B8E;
	s24 =	sld [smem:$0x3FFE];
	[sflag:s23] =	ssyncadd.s32 $0xFFFFFFFF  }
0xa5: {  	s26 =	simm.s32 $execute0_lowered;
	[smem:$0x3FD2] =	sst s25  }
0xa6: {  	s4 =	sshll.u32 s26, $0x1;
	_ =	strace $0x80000049;
	[dreg:$0x1] =	wrdreg $0xFFFFFFFF  }
0xa7: {  	s28 =	simm.s32 $_size_execute0_lowered;
	s2 =	sadd.s32 s2, s4;
	[dreg:$0x0] =	wrdreg $0x0  }
0xa8: {  	s4 =	sshll.u32 s28, $0x1;
	[dreg:$0x2] =	wrdreg s2  }
0xa9: {  	[dreg:$0x3] =	wrdreg s4  }
0xaa: {  	[dreg:$0x4] =	wrdreg $0xC0  }
0xab: {  	_ =	task [dreg:s6], $0x5FFFF  }
0xac: {  	[dreg:$0x1] =	wrdreg $0xFFFFFFFF  }
0xad: {  	[dreg:$0x0] =	wrdreg $0x60  }
0xae: {  	[dreg:$0x2] =	wrdreg s24  }
0xaf: {  	[dreg:$0x3] =	wrdreg $0xE0000  }
0xb0: {  	[dreg:$0x4] =	wrdreg $0x90000  }
0xb1: {  	[dreg:$0x5] =	wrdreg $0x9  }
0xb2: {  	_ =	task.clear_ibuf [dreg:s6], $0x6FFFF;
	_ =	strace $0x90000049  }
0xb3: {  	s29 =	simm.s32 $0x9;
	_ =	strace $0x8000004B  }
0xb4: {  	_ =	swait.ge [sflag:s29], $0x1  }
0xb5: {  	[sflag:s29] =	ssyncadd.s32 $0xFFFFFFFF  }
0xb6: {  	_ =	strace $0x9000004B  }
0xb7: {  	_ =	sfence  }
0xb8: {  	s30 =	sld [smem:$0x0];
	_ =	sdelay $0x2  }
0xb9: {  	s31 =	sshll.u32 s1, $0xD;
	s1 =	sshrl.u32 s1, $0x2  }
0xba: {  	s3 =	sand.u32 $0x4000, s31;
	s1 =	sadd.s32 s1, s30  }
0xbb: {  	s0 =	sor.u32 s3, s0;
	s1 =	sshll.u32 s1, $0x11  }
0xbc: {  	s0 =	sor.u32 s1, s0  }
0xbd: {  	s0 =	sadd.s32 $0x8F2B, s0  }
0xbe: {  	[sflag:s0] =	ssyncadd.remote.s32 $0x1  }
0xbf: {  	_ =	sfence.sel $0xFFFF  }
0xc0: {  	[dreg:$0x0] =	wrdreg $0xFFFFFFFF;
	(pc) =	sbr.abs _section_cstart, $3  }
0xc1: {  	[dreg:$0x1] =	wrdreg $0xFFFFFFFF  }
0xc2: {  	_ =	task.clear_ibuf [dreg:s6], $0x2FFFF;
	_ =	strace $0x9FFFFFFF  }
0xc3: {  	(tm) =	ssettm $0x7FFFFFFF  }
tec
execute0_lowered:
.L_overlay_start_1:
0x0: {  	(tag) =	ssettag $0x1  }
0x1: {  	s0 =	rddreg [dreg:$0x0]  }
0x2: {  	s2 =	rddreg [dreg:$0x1]  }
0x3: {  	s3 =	rddreg [dreg:$0x2];
	s11 =	stileid.u32;
	s4 =	simm.s32 $0x0  }
0x4: {  	s1 =	srdreg.scid;
	s16 =	simm.s32 $0x80;
	s17 =	simm.s32 $0x5000  }
0x5: {  	s18 =	simm.s32 $0x6000;
	s20 =	simm.s32 $0x7000;
	s21 =	simm.s32 $0x180  }
0x6: {  	s22 =	simm.s32 $0x8000;
	s28 =	simm.s32 $0x4E00;
	s29 =	simm.s32 $0x4E80  }
0x7: {  	s30 =	simm.s32 $0x4F00;
	s31 =	simm.s32 $0x4F80;
	s5 =	smul.u32 $0x2800, s11  }
0x8: {  	[smem:$0x7FF] =	sst s4;
	s1 =	sand.u32 $0x1, s1;
	s8 =	smul.u32 $0x5000, s11  }
0x9: {  	s26 =	sshll.u32 s11, $0x6;
	s11 =	simm.s32 $0x5;
	p0 =	seq.s32 s1, $0x0  }
0xa: {  	s23 =	smul.u32 $0x50000, s1;
	_ =	strace $0x8000004A;
	s1 =	ssub.s32 $0x2, s1  }
0xb: {  	s13 =	sor.u32 $0x1C05, s26;
	s26 =	simm.s32 $0x4;
	s6 =	sadd.s32 $0x28000, s5  }
0xc: {  	s25 =	sshrl.u32 s8, $0x3;
	s9 =	sshrl.u32 s1, $0x1;
	s12 =	sadd.s32 s8, s2  }
0xd: {  	s15 =	sadd.s32 s8, s3;
	s5 =	smov.u32 @p0 s6;
	s24 =	sadd.s32 s8, s23  }
0xe: {  	s10 =	sadd.s32 s25, s0;
	s1 =	ssub.s32 s1, s9;
	s14 =	sshrl.u32 s12, $0x3  }
0xf: {  	s15 =	sshrl.u32 s15, $0x3;
	s23 =	simm.s32 $0x1;
	s5 =	sshrl.u32 s5, $0x3  }
0x10: {  	s25 =	simm.s32 $0x3;
	s7 =	sadd.s32 s5, s0;
	s5 =	sshrl.u32 s24, $0x3  }
0x11: {  	s8 =	sadd.s32 $0x1A000, s10;
	s24 =	simm.s32 $0x2;
	s0 =	sadd.s32 s5, s0  }
0x12: {  	s5 =	sadd.s32 $0x60200, s7;
	s6 =	sadd.s32 $0x6000, s7;
	s7 =	sadd.s32 $0x10000, s10  }
0x13: {  	s10 =	smax.u32 s1, $0x1;
	s9 =	sadd.s32 $0x24000, s0;
	s0 =	simm.s32 $0x0  }
.LBB2_1:
0x14: {  	[tilespmem:s4], [sflag:$0x5] =	stream.linear.gather [hbm4b:s5+s4], $0x2800, $0x38;
	[tilespmem:$0x13000] =	vst v63  }
0x15: {  	_ =	swait.ge [sflag:s11], $0x2800  }
0x16: {  	[sflag:s11] =	ssyncset.done $0x0  }
0x17: {  	s1 =	simm.s32 $0x2800;
	[sflag:s11] =	ssyncadd.s32 $0xFFFFD800  }
0x18: {  	[tilespmem:s1], [sflag:$0x5] =	stream.linear.gather [hbm4b:s6+s4], $0x2800, $0x38;
	[tilespmem:$0x13000] =	vst v63  }
0x19: {  	_ =	swait.ge [sflag:s11], $0x2800  }
0x1a: {  	[sflag:s11] =	ssyncset.done $0x0  }
0x1b: {  	[sflag:s11] =	ssyncadd.s32 $0xFFFFD800  }
0x1c: {  	[spmem:s14], [sflag:s13] =	dma.local [hbm:s7], $0xA00  }
0x1d: {  	_ =	swait.ge [sflag:s11], $0xA00  }
0x1e: {  	[sflag:s11] =	ssyncset.done $0x0  }
0x1f: {  	[sflag:s11] =	ssyncadd.s32 $0xFFFFF600  }
0x20: {  	[spmem:s15], [sflag:s13] =	dma.local [hbm:s8], $0xA00  }
0x21: {  	_ =	swait.ge [sflag:s11], $0xA00  }
0x22: {  	[sflag:s11] =	ssyncset.done $0x0  }
0x23: {  	[sflag:s11] =	ssyncadd.s32 $0xFFFFF600  }
0x24: {  	[bflag:$0x0] =	sbarrier.arrive $0xFFFF  }
0x25: {  	[tilespmem:s17], [sflag:$0x1] =	stream.indirect.gather [spmem:s2], $0x20, s4, s16, $0xb8;
	[tilespmem:$0x13000] =	vst v63  }
0x26: {  	_ = 	snop  }
0x27: {  	[tilespmem:s18], [sflag:$0x2] =	stream.indirect.gather [spmem:s2], $0x20, s16, s16, $0xb8;
	[tilespmem:$0x13000] =	vst v63  }
0x28: {  	s12 =	simm.s32 $0x100  }
0x29: {  	[tilespmem:s20], [sflag:$0x3] =	stream.indirect.gather [spmem:s2], $0x20, s12, s16, $0xb8;
	[tilespmem:$0x13000] =	vst v63  }
0x2a: {  	_ = 	snop  }
0x2b: {  	[tilespmem:s22], [sflag:$0x4] =	stream.indirect.gather [spmem:s2], $0x20, s21, s16, $0xb8;
	[tilespmem:$0x13000] =	vst v63  }
0x2c: {  	_ =	swait.ge [sflag:s23], $0x1000  }
0x2d: {  	[sflag:s23] =	ssyncset.done $0x0  }
0x2e: {  	s19 =	simm.s32 $0x2800;
	[sflag:s23] =	ssyncadd.s32 $0xFFFFF000  }
0x2f: {  	[spmem:s3] =	stream.indirect.scatter.add.f32 [tilespmem:s17], [sflag:$0x5], $0x20, s19, s16, $0xb8;
	[tilespmem:$0x13000] =	vst v63  }
0x30: {  	_ =	swait.ge [sflag:s11], $0x1000  }
0x31: {  	[sflag:s11] =	ssyncset.done $0x0  }
0x32: {  	s12 =	simm.s32 $0x200;
	[sflag:s11] =	ssyncadd.s32 $0xFFFFF000  }
0x33: {  	[tilespmem:s17], [sflag:$0x1] =	stream.indirect.gather [spmem:s2], $0x20, s12, s16, $0xb8;
	[tilespmem:$0x13000] =	vst v63  }
0x34: {  	_ =	swait.ge [sflag:s24], $0x1000  }
0x35: {  	[sflag:s24] =	ssyncset.done $0x0  }
0x36: {  	s19 =	simm.s32 $0x2880;
	[sflag:s24] =	ssyncadd.s32 $0xFFFFF000  }
0x37: {  	[spmem:s3] =	stream.indirect.scatter.add.f32 [tilespmem:s18], [sflag:$0x5], $0x20, s19, s16, $0xb8;
	[tilespmem:$0x13000] =	vst v63  }
0x38: {  	_ =	swait.ge [sflag:s11], $0x1000  }
0x39: {  	[sflag:s11] =	ssyncset.done $0x0  }
0x3a: {  	s12 =	simm.s32 $0x280;
	[sflag:s11] =	ssyncadd.s32 $0xFFFFF000  }
0x3b: {  	[tilespmem:s18], [sflag:$0x2] =	stream.indirect.gather [spmem:s2], $0x20, s12, s16, $0xb8;
	[tilespmem:$0x13000] =	vst v63  }
0x3c: {  	_ =	swait.ge [sflag:s25], $0x1000  }
0x3d: {  	[sflag:s25] =	ssyncset.done $0x0  }
0x3e: {  	s19 =	simm.s32 $0x2900;
	[sflag:s25] =	ssyncadd.s32 $0xFFFFF000  }
0x3f: {  	[spmem:s3] =	stream.indirect.scatter.add.f32 [tilespmem:s20], [sflag:$0x5], $0x20, s19, s16, $0xb8;
	[tilespmem:$0x13000] =	vst v63  }
0x40: {  	_ =	swait.ge [sflag:s11], $0x1000  }
0x41: {  	[sflag:s11] =	ssyncset.done $0x0  }
0x42: {  	s12 =	simm.s32 $0x300;
	[sflag:s11] =	ssyncadd.s32 $0xFFFFF000  }
0x43: {  	[tilespmem:s20], [sflag:$0x3] =	stream.indirect.gather [spmem:s2], $0x20, s12, s16, $0xb8;
	[tilespmem:$0x13000] =	vst v63  }
0x44: {  	_ =	swait.ge [sflag:s26], $0x1000  }
0x45: {  	[sflag:s26] =	ssyncset.done $0x0  }
0x46: {  	s19 =	simm.s32 $0x2980;
	[sflag:s26] =	ssyncadd.s32 $0xFFFFF000  }
0x47: {  	[spmem:s3] =	stream.indirect.scatter.add.f32 [tilespmem:s22], [sflag:$0x5], $0x20, s19, s16, $0xb8;
	[tilespmem:$0x13000] =	vst v63  }
0x48: {  	_ =	swait.ge [sflag:s11], $0x1000  }
0x49: {  	[sflag:s11] =	ssyncset.done $0x0  }
0x4a: {  	s1 =	simm.s32 $0x800;
	s12 =	simm.s32 $0x380;
	[sflag:s11] =	ssyncadd.s32 $0xFFFFF000  }
.LBB2_2:
0x4b: {  	[tilespmem:s22], [sflag:$0x4] =	stream.indirect.gather [spmem:s2], $0x20, s12, s16, $0xb8;
	[tilespmem:$0x13000] =	vst v63  }
0x4c: {  	s12 =	smov.u32 s1  }
0x4d: {  	p0 =	sne.s32 s1, $0x9000;
	s1 =	sadd.s32 $0x800, s1;
	_ =	swait.ge [sflag:s23], $0x1000  }
0x4e: {  	s12 =	sshra.s32 s12, $0x2;
	[sflag:s23] =	ssyncset.done $0x0  }
0x4f: {  	s19 =	sadd.s32 $0x2800, s12;
	[sflag:s23] =	ssyncadd.s32 $0xFFFFF000  }
0x50: {  	[spmem:s3] =	stream.indirect.scatter.add.f32 [tilespmem:s17], [sflag:$0x5], $0x20, s19, s16, $0xb8;
	[tilespmem:$0x13000] =	vst v63  }
0x51: {  	_ =	swait.ge [sflag:s11], $0x1000  }
0x52: {  	[sflag:s11] =	ssyncset.done $0x0  }
0x53: {  	s19 =	sadd.s32 $0x200, s12;
	[sflag:s11] =	ssyncadd.s32 $0xFFFFF000  }
0x54: {  	[tilespmem:s17], [sflag:$0x1] =	stream.indirect.gather [spmem:s2], $0x20, s19, s16, $0xb8;
	[tilespmem:$0x13000] =	vst v63  }
0x55: {  	_ =	swait.ge [sflag:s24], $0x1000  }
0x56: {  	[sflag:s24] =	ssyncset.done $0x0  }
0x57: {  	s19 =	sadd.s32 $0x2880, s12;
	[sflag:s24] =	ssyncadd.s32 $0xFFFFF000  }
0x58: {  	[spmem:s3] =	stream.indirect.scatter.add.f32 [tilespmem:s18], [sflag:$0x5], $0x20, s19, s16, $0xb8;
	[tilespmem:$0x13000] =	vst v63  }
0x59: {  	_ =	swait.ge [sflag:s11], $0x1000  }
0x5a: {  	[sflag:s11] =	ssyncset.done $0x0  }
0x5b: {  	s19 =	sadd.s32 $0x280, s12;
	[sflag:s11] =	ssyncadd.s32 $0xFFFFF000  }
0x5c: {  	[tilespmem:s18], [sflag:$0x2] =	stream.indirect.gather [spmem:s2], $0x20, s19, s16, $0xb8;
	[tilespmem:$0x13000] =	vst v63  }
0x5d: {  	_ =	swait.ge [sflag:s25], $0x1000  }
0x5e: {  	[sflag:s25] =	ssyncset.done $0x0  }
0x5f: {  	s19 =	sadd.s32 $0x2900, s12;
	[sflag:s25] =	ssyncadd.s32 $0xFFFFF000  }
0x60: {  	[spmem:s3] =	stream.indirect.scatter.add.f32 [tilespmem:s20], [sflag:$0x5], $0x20, s19, s16, $0xb8;
	[tilespmem:$0x13000] =	vst v63  }
0x61: {  	_ =	swait.ge [sflag:s11], $0x1000  }
0x62: {  	[sflag:s11] =	ssyncset.done $0x0  }
0x63: {  	s19 =	sadd.s32 $0x300, s12;
	[sflag:s11] =	ssyncadd.s32 $0xFFFFF000  }
0x64: {  	[tilespmem:s20], [sflag:$0x3] =	stream.indirect.gather [spmem:s2], $0x20, s19, s16, $0xb8;
	[tilespmem:$0x13000] =	vst v63  }
0x65: {  	_ =	swait.ge [sflag:s26], $0x1000  }
0x66: {  	[sflag:s26] =	ssyncset.done $0x0  }
.Ltmp0:
0x67: {  	s19 =	sadd.s32 $0x2980, s12;
	[sflag:s26] =	ssyncadd.s32 $0xFFFFF000;
	(pc) =	sbr.rel @p0 .LBB2_2-.Ltmp0, $4  }
0x68: {  	[spmem:s3] =	stream.indirect.scatter.add.f32 [tilespmem:s22], [sflag:$0x5], $0x20, s19, s16, $0xb8;
	[tilespmem:$0x13000] =	vst v63  }
0x69: {  	_ =	swait.ge [sflag:s11], $0x1000  }
0x6a: {  	[sflag:s11] =	ssyncset.done $0x0  }
0x6b: {  	s12 =	sadd.s32 $0x380, s12;
	[sflag:s11] =	ssyncadd.s32 $0xFFFFF000  }
0x6c: {  	[tilespmem:s22], [sflag:$0x4] =	stream.indirect.gather [spmem:s2], $0x20, s12, s16, $0xb8;
	[tilespmem:$0x13000] =	vst v63  }
0x6d: {  	_ =	swait.ge [sflag:s23], $0x1000  }
0x6e: {  	[sflag:s23] =	ssyncset.done $0x0  }
0x6f: {  	[sflag:s23] =	ssyncadd.s32 $0xFFFFF000  }
0x70: {  	[spmem:s3] =	stream.indirect.scatter.add.f32 [tilespmem:s17], [sflag:$0x5], $0x20, s28, s16, $0xb8;
	[tilespmem:$0x13000] =	vst v63  }
0x71: {  	_ =	swait.ge [sflag:s11], $0x1000  }
0x72: {  	[sflag:s11] =	ssyncset.done $0x0  }
0x73: {  	[sflag:s11] =	ssyncadd.s32 $0xFFFFF000  }
0x74: {  	_ =	swait.ge [sflag:s24], $0x1000  }
0x75: {  	[sflag:s24] =	ssyncset.done $0x0  }
0x76: {  	[sflag:s24] =	ssyncadd.s32 $0xFFFFF000  }
0x77: {  	[spmem:s3] =	stream.indirect.scatter.add.f32 [tilespmem:s18], [sflag:$0x5], $0x20, s29, s16, $0xb8;
	[tilespmem:$0x13000] =	vst v63  }
0x78: {  	_ =	swait.ge [sflag:s11], $0x1000  }
0x79: {  	[sflag:s11] =	ssyncset.done $0x0  }
0x7a: {  	[sflag:s11] =	ssyncadd.s32 $0xFFFFF000  }
0x7b: {  	_ =	swait.ge [sflag:s25], $0x1000  }
0x7c: {  	[sflag:s25] =	ssyncset.done $0x0  }
0x7d: {  	[sflag:s25] =	ssyncadd.s32 $0xFFFFF000  }
0x7e: {  	[spmem:s3] =	stream.indirect.scatter.add.f32 [tilespmem:s20], [sflag:$0x5], $0x20, s30, s16, $0xb8;
	[tilespmem:$0x13000] =	vst v63  }
0x7f: {  	_ =	swait.ge [sflag:s11], $0x1000  }
0x80: {  	[sflag:s11] =	ssyncset.done $0x0  }
0x81: {  	[sflag:s11] =	ssyncadd.s32 $0xFFFFF000  }
0x82: {  	_ =	swait.ge [sflag:s26], $0x1000  }
0x83: {  	[sflag:s26] =	ssyncset.done $0x0  }
0x84: {  	[sflag:s26] =	ssyncadd.s32 $0xFFFFF000  }
0x85: {  	[spmem:s3] =	stream.indirect.scatter.add.f32 [tilespmem:s22], [sflag:$0x5], $0x20, s31, s16, $0xb8;
	[tilespmem:$0x13000] =	vst v63  }
0x86: {  	_ =	swait.ge [sflag:s11], $0x1000  }
0x87: {  	s0 =	sadd.s32 $0x1, s0;
	[sflag:s11] =	ssyncset.done $0x0  }
0x88: {  	p0 =	sne.s32 s0, s10;
	[sflag:s11] =	ssyncadd.s32 $0xFFFFF000  }
.Ltmp1:
0x89: {  	[bflag:$0x0] =	sbarrier.arrive $0xFFFF;
	(pc) =	sbr.rel @p0 .LBB2_1-.Ltmp1, $4  }
0x8a: {  	[hbm:s9], [sflag:s13] =	dma.local [spmem:s15], $0xA00  }
0x8b: {  	_ =	swait.ge [sflag:s11], $0xA00  }
0x8c: {  	[sflag:s11] =	ssyncset.done $0x0  }
0x8d: {  	[sflag:s11] =	ssyncadd.s32 $0xFFFFF600  }
0x8e: {  	_ =	sfence.sel $0x180000  }
0x8f: {  	[bflag:$0x0] =	sbarrier.arrive $0xFFFF  }
0x90: {  	_ =	strace $0x9000004A  }
0x91: {  	s0 =	stileid.u32;
	[bflag:$0x2] =	sbarrier.arrive $0xFFFF  }
0x92: {  	p0 =	sne.s32 s0, $0x0;
	s0 =	rddreg [dreg:$0x3]  }
0x93: {  	s0 =	sadd.s32 @!p0 $0x100000, s0  }
0x94: {  	[sflag:s0] =	ssyncadd.tile.s32 @!p0 $0x1;
	_ =	shalt  }
.Lfunc_end2:
_tile_overlayer_lowered:
.L_overlay_start_2:
0x95: {  	(tag) =	ssettag $0x2  }
0x96: {  	s0 =	rddreg [dreg:$0x0];
	s2 =	stileid.u32  }
0x97: {  	s1 =	rddreg [dreg:$0x1];
	p0 =	sne.s32 s2, $0x0  }
0x98: {  	s3 =	rddreg [dreg:$0x2];
	[bflag:$0x3] =	sbarrier.arrive $0xFFFF;
	s2 =	simm.s32 @!p0 $0x1C05  }
0x99: {  	[timem:s3], [sflag:s2] =	dma.local @!p0 [hbm:s0], s1  }
0x9a: {  	s0 =	simm.s32 @!p0 $0x5  }
0x9b: {  	_ =	swait.ge @!p0 [sflag:s0], s1  }
0x9c: {  	s1 =	ssub.s32 @!p0 $0x0, s1;
	[sflag:s0] =	ssyncset.done @!p0 $0x0  }
0x9d: {  	[sflag:s0] =	ssyncadd.s32 @!p0 s1  }
0x9e: {  	[bflag:$0x3] =	sbarrier.arrive $0xFFFF  }
0x9f: {  	_ =	shalt  }

// kernel: kernel.21.cloned.1.call-start
scs
__scs_entry_jumppad:
0x0: {  	(pc) =	sbr.rel $0x88, $3  }
0x1: {  	(tag) =	ssettag $0x0;
	lr =	simm.s32 $0x1  }
0x2: {  	[smem:$0x3F91] =	sst lr;
	_ =	strace $0xD0000000  }
0x3: {  	_ = 	snop  }
0x4: {  	_ = 	snop  }
0x5: {  	_ = 	snop  }
0x6: {  	_ = 	snop  }
0x7: {  	_ = 	snop  }
__scs_overlays_trampoline_lowered:
0x8: {  	[smem:$0x3FA0] =	sst s0  }
0x9: {  	[smem:$0x3FA1] =	sst s1  }
0xa: {  	[smem:$0x3FA2] =	sst s2  }
0xb: {  	[smem:$0x3FA3] =	sst s3  }
0xc: {  	[smem:$0x3FA4] =	sst s4  }
0xd: {  	[smem:$0x3FA5] =	sst s5  }
0xe: {  	[smem:$0x3FA6] =	sst s6  }
0xf: {  	[smem:$0x3FA7] =	sst s7  }
0x10: {  	[smem:$0x3FA8] =	sst s8  }
0x11: {  	[smem:$0x3FA9] =	sst s9;
	s0 =	simm.s32 @!p0 $0x0  }
0x12: {  	s1 =	sld [smem:$0x3F8F];
	s0 =	simm.s32 @p0 $0x1  }
0x13: {  	[smem:$0x3FAA] =	sst s0;
	s0 =	simm.s32 @!p1 $0x0  }
0x14: {  	s2 =	sld [smem:$0x3F8E];
	s0 =	simm.s32 @p1 $0x1  }
0x15: {  	[smem:$0x3FAB] =	sst s0;
	s0 =	simm.s32 @!p2 $0x0  }
0x16: {  	s3 =	sld [smem:$0x3FDB];
	s0 =	simm.s32 @p2 $0x1  }
0x17: {  	s4 =	simm.s32 $0x1BF5;
	[smem:$0x3FAD] =	sst s0  }
0x18: {  	s0 =	sld [smem:$0x3F90];
	_ =	swait.ge [sflag:s4], $0x0  }
0x19: {  	s7 =	sld [smem:$0x3F91]  }
0x1a: {  	s8 =	sadd.s32 $0xFFFFE003, lr  }
0x1b: {  	s9 =	sadd.s32 $0xFFFFFEF7, lr;
	s5 =	simm.s32 $0xFFFFFFFF;
	p2 =	slt.u32 s8, $0xFFFFF086  }
0x1c: {  	p1 =	slt.u32 s9, $0xF7A;
	s5 =	simm.s32 @!p2 $0x0  }
0x1d: {  	s5 =	simm.s32 @p1 $0x1;
	p0 =	seq.s32 s7, s2  }
0x1e: {  	s7 =	smul.u32 @!p0 $0xF7A, s2;
	p2 =	seq.s32 @!p0 s5, $0x0  }
0x1f: {  	s9 =	smul.u32 $0xF7A, s1;
	s8 =	simm.s32 @!p0 $0x1BF5;
	p2 =	por !p2, p0  }
0x20: {  	[sflag:s8] =	ssyncset.s32 @!p0 $0xFFFFF086;
	s6 =	sadd.s32 @!p0 s3, s7;
	s7 =	simm.s32 @!p0 $0x108  }
0x21: {  	s3 =	sadd.s32 s3, s9;
	s6 =	sadd.s32 @!p0 $0x88, s6;
	s7 =	simm.s32 @p2 $0x1082  }
0x22: {  	[simem:s7], [sflag:s8] =	dma.local @!p0 [hbm:s6], $0xF7A  }
0x23: {  	s9 =	sor.u32 $0xD0000000, s2;
	s6 =	simm.s32 $0x108;
	_ =	swait.ge @!p0 [sflag:s8], $0x0  }
0x24: {  	s3 =	sadd.s32 $0x88, s3;
	s6 =	simm.s32 @!p1 $0x1082;
	[sflag:s4] =	ssyncset.s32 $0xFFFFF086  }
0x25: {  	[simem:s6], [sflag:s4] =	dma.local [hbm:s3], $0xF7A  }
0x26: {  	[smem:$0x3F91] =	sst s1;
	(tag) =	ssettag s2;
	_ =	strace s9  }
0x27: {  	s1 =	sld [smem:$0x3FA1]  }
0x28: {  	s2 =	sld [smem:$0x3FA2]  }
0x29: {  	s4 =	sld [smem:$0x3FA4]  }
0x2a: {  	p0 =	seq.s32 s5, $0x0;
	s5 =	sld [smem:$0x3FA5]  }
0x2b: {  	s6 =	sld [smem:$0x3FA6]  }
0x2c: {  	s7 =	sld [smem:$0x3FA7]  }
0x2d: {  	s3 =	simm.s32 $0x108;
	s8 =	sld [smem:$0x3FA8]  }
0x2e: {  	s3 =	simm.s32 @!p0 $0x1082;
	s9 =	sld [smem:$0x3FA9]  }
0x2f: {  	lr =	sadd.s32 s0, s3;
	s0 =	sld [smem:$0x3FA0]  }
0x30: {  	s3 =	sld [smem:$0x3FA3]  }
0x31: {  	[smem:$0x3FAC] =	sst s10  }
0x32: {  	s10 =	sld [smem:$0x3FAA];
	_ =	sdelay $0x3  }
0x33: {  	p0 =	seq.s32 s10, $0x1;
	s10 =	sld [smem:$0x3FAC];
	_ =	sdelay $0x3  }
0x34: {  	[smem:$0x3FAC] =	sst s10  }
0x35: {  	s10 =	sld [smem:$0x3FAB];
	_ =	sdelay $0x3  }
0x36: {  	p1 =	seq.s32 s10, $0x1;
	s10 =	sld [smem:$0x3FAC];
	_ =	sdelay $0x3  }
0x37: {  	[smem:$0x3FAC] =	sst s10  }
0x38: {  	s10 =	sld [smem:$0x3FAD]  }
0x39: {  	_ = 	snop;
	(pc) =	sbr.ind lr, $3  }
0x3a: {  	_ = 	snop  }
0x3b: {  	_ = 	snop  }
0x3c: {  	p2 =	seq.s32 s10, $0x1;
	s10 =	sld [smem:$0x3FAC]  }
0x3d: {  	_ =	shalt  }
0x3e: {  	_ =	shalt  }
0x3f: {  	_ =	shalt  }
0x40: {  	_ =	shalt  }
0x41: {  	_ =	shalt  }
0x42: {  	_ =	shalt  }
0x43: {  	_ =	shalt  }
0x44: {  	_ =	shalt  }
0x45: {  	_ =	shalt  }
0x46: {  	_ =	shalt  }
0x47: {  	_ =	shalt  }
0x48: {  	_ =	shalt  }
0x49: {  	_ =	shalt  }
0x4a: {  	_ =	shalt  }
0x4b: {  	_ =	shalt  }
0x4c: {  	_ =	shalt  }
0x4d: {  	_ =	shalt  }
0x4e: {  	_ =	shalt  }
0x4f: {  	_ =	shalt  }
0x50: {  	_ =	shalt  }
0x51: {  	_ =	shalt  }
0x52: {  	_ =	shalt  }
0x53: {  	_ =	shalt  }
0x54: {  	_ =	shalt  }
0x55: {  	_ =	shalt  }
0x56: {  	_ =	shalt  }
0x57: {  	_ =	shalt  }
0x58: {  	_ =	shalt  }
0x59: {  	_ =	shalt  }
0x5a: {  	_ =	shalt  }
0x5b: {  	_ =	shalt  }
0x5c: {  	_ =	shalt  }
0x5d: {  	_ =	shalt  }
0x5e: {  	_ =	shalt  }
0x5f: {  	_ =	shalt  }
0x60: {  	_ =	shalt  }
0x61: {  	_ =	shalt  }
0x62: {  	_ =	shalt  }
0x63: {  	_ =	shalt  }
0x64: {  	_ =	shalt  }
0x65: {  	_ =	shalt  }
0x66: {  	_ =	shalt  }
0x67: {  	_ =	shalt  }
0x68: {  	_ =	shalt  }
0x69: {  	_ =	shalt  }
0x6a: {  	_ =	shalt  }
0x6b: {  	_ =	shalt  }
0x6c: {  	_ =	shalt  }
0x6d: {  	_ =	shalt  }
0x6e: {  	_ =	shalt  }
0x6f: {  	_ =	shalt  }
0x70: {  	_ =	shalt  }
0x71: {  	_ =	shalt  }
0x72: {  	_ =	shalt  }
0x73: {  	_ =	shalt  }
0x74: {  	_ =	shalt  }
0x75: {  	_ =	shalt  }
0x76: {  	_ =	shalt  }
0x77: {  	_ =	shalt  }
0x78: {  	_ =	shalt  }
0x79: {  	_ =	shalt  }
0x7a: {  	_ =	shalt  }
0x7b: {  	_ =	shalt  }
0x7c: {  	_ =	shalt  }
0x7d: {  	_ =	shalt  }
0x7e: {  	_ =	shalt  }
0x7f: {  	_ =	shalt  }
0x80: {  	_ =	shalt  }
0x81: {  	_ =	shalt  }
0x82: {  	_ =	shalt  }
0x83: {  	_ =	shalt  }
0x84: {  	_ =	shalt  }
0x85: {  	_ =	shalt  }
0x86: {  	_ =	shalt  }
0x87: {  	_ =	shalt  }
.Lfunc_end0:
.L_simem_size_0:
called_computation.2_lowered:
.L_overlay_start_0:
0x88: {  	s2 =	sld [smem:$0x3FD9]  }
0x89: {  	s3 =	sld [smem:$0x3FFE];
	_ =	sdelay $0x1  }
0x8a: {  	s1 =	srdreg.scid  }
0x8b: {  	s0 =	sand.u32 $0x1, s1  }
0x8c: {  	s16 =	sshll.u32 s0, $0xA;
	s2 =	sadd.s32 s3, s2  }
0x8d: {  	s2 =	sadd.s32 s2, s16  }
0x8e: {  	[smem:$0x3FB8] =	sst s2  }
0x8f: {  	_ = 	snop  }
0x90: {  	(tm) =	ssettm $0x1  }
0x91: {  	s17 =	sld [smem:$0x3FFB];
	_ =	sdelay $0x3  }
0x92: {  	_ =	strace s17  }
0x93: {  	s2 =	sld [smem:$0x3FFC];
	_ =	sdelay $0x3  }
0x94: {  	_ =	strace s2  }
0x95: {  	s2 =	sld [smem:$0x3FFD];
	_ =	sdelay $0x3  }
0x96: {  	_ =	strace s2  }
0x97: {  	_ =	strace $0x8FFFFFFF  }
0x98: {  	s18 =	sld [smem:$0x3FDB];
	_ =	sdelay $0x1  }
0x99: {  	s19 =	simm.s32 $_scs_section_size  }
0x9a: {  	s4 =	simm.s32 $_size__tile_overlayer_lowered;
	s5 =	simm.s32 $_tile_overlayer_lowered  }
0x9b: {  	s22 =	simm.s32 $0x1BFF;
	s21 =	sshll.u32 s5, $0x1;
	s2 =	sadd.s32 s19, s18  }
0x9c: {  	s6 =	simm.s32 $0x0;
	s20 =	sshll.u32 s4, $0x1;
	s4 =	sadd.s32 s21, s2  }
0x9d: {  	[timem:s6], [sflag:s22] =	dma.local [hbm:s4], s20  }
0x9e: {  	_ =	swait.ge [sflag:s22], s20  }
0x9f: {  	s3 =	ssub.s32 $0x0, s20;
	[sflag:s22] =	ssyncset.done $0x0  }
0xa0: {  	[sflag:s22] =	ssyncadd.s32 s3;
	_ =	sdelay $0x1  }
0xa1: {  	s23 =	simm.s32 $0x1B8B  }
0xa2: {  	_ =	swait.ge [sflag:s23], $0x1  }
0xa3: {  	[sflag:s23] =	ssyncset.done $0x0  }
0xa4: {  	s25 =	simm.s32 $0x1B8E;
	s24 =	sld [smem:$0x3FFE];
	[sflag:s23] =	ssyncadd.s32 $0xFFFFFFFF  }
0xa5: {  	s26 =	simm.s32 $execute0_lowered;
	[smem:$0x3FD2] =	sst s25  }
0xa6: {  	s4 =	sshll.u32 s26, $0x1;
	_ =	strace $0x8000004C;
	[dreg:$0x1] =	wrdreg $0xFFFFFFFF  }
0xa7: {  	s28 =	simm.s32 $_size_execute0_lowered;
	s2 =	sadd.s32 s2, s4;
	[dreg:$0x0] =	wrdreg $0x0  }
0xa8: {  	s4 =	sshll.u32 s28, $0x1;
	[dreg:$0x2] =	wrdreg s2  }
0xa9: {  	[dreg:$0x3] =	wrdreg s4  }
0xaa: {  	[dreg:$0x4] =	wrdreg $0xC0  }
0xab: {  	_ =	task [dreg:s6], $0x5FFFF  }
0xac: {  	[dreg:$0x1] =	wrdreg $0xFFFFFFFF  }
0xad: {  	[dreg:$0x0] =	wrdreg $0x60  }
0xae: {  	[dreg:$0x2] =	wrdreg s24  }
0xaf: {  	[dreg:$0x3] =	wrdreg $0xE0000  }
0xb0: {  	[dreg:$0x4] =	wrdreg $0x90000  }
0xb1: {  	[dreg:$0x5] =	wrdreg $0x9  }
0xb2: {  	_ =	task.clear_ibuf [dreg:s6], $0x6FFFF;
	_ =	strace $0x9000004C  }
0xb3: {  	s29 =	simm.s32 $0x9;
	_ =	strace $0x8000004E  }
0xb4: {  	_ =	swait.ge [sflag:s29], $0x1  }
0xb5: {  	[sflag:s29] =	ssyncadd.s32 $0xFFFFFFFF  }
0xb6: {  	_ =	strace $0x9000004E  }
0xb7: {  	_ =	sfence  }
0xb8: {  	s30 =	sld [smem:$0x0];
	_ =	sdelay $0x2  }
0xb9: {  	s31 =	sshll.u32 s1, $0xD;
	s1 =	sshrl.u32 s1, $0x2  }
0xba: {  	s3 =	sand.u32 $0x4000, s31;
	s1 =	sadd.s32 s1, s30  }
0xbb: {  	s0 =	sor.u32 s3, s0;
	s1 =	sshll.u32 s1, $0x11  }
0xbc: {  	s0 =	sor.u32 s1, s0  }
0xbd: {  	s0 =	sadd.s32 $0x8F2B, s0  }
0xbe: {  	[sflag:s0] =	ssyncadd.remote.s32 $0x1  }
0xbf: {  	_ =	sfence.sel $0xFFFF  }
0xc0: {  	[dreg:$0x0] =	wrdreg $0xFFFFFFFF;
	(pc) =	sbr.abs _section_cstart, $3  }
0xc1: {  	[dreg:$0x1] =	wrdreg $0xFFFFFFFF  }
0xc2: {  	_ =	task.clear_ibuf [dreg:s6], $0x2FFFF;
	_ =	strace $0x9FFFFFFF  }
0xc3: {  	(tm) =	ssettm $0x7FFFFFFF  }
tec
execute0_lowered:
.L_overlay_start_1:
0x0: {  	(tag) =	ssettag $0x1  }
0x1: {  	s0 =	rddreg [dreg:$0x0]  }
0x2: {  	s2 =	rddreg [dreg:$0x1]  }
0x3: {  	s3 =	rddreg [dreg:$0x2];
	s11 =	stileid.u32;
	s4 =	simm.s32 $0x0  }
0x4: {  	s1 =	srdreg.scid;
	s16 =	simm.s32 $0x80;
	s17 =	simm.s32 $0x5000  }
0x5: {  	s18 =	simm.s32 $0x6000;
	s20 =	simm.s32 $0x7000;
	s21 =	simm.s32 $0x180  }
0x6: {  	s22 =	simm.s32 $0x8000;
	s28 =	simm.s32 $0x4E00;
	s29 =	simm.s32 $0x4E80  }
0x7: {  	s30 =	simm.s32 $0x4F00;
	s31 =	simm.s32 $0x4F80;
	s5 =	smul.u32 $0x2800, s11  }
0x8: {  	[smem:$0x7FF] =	sst s4;
	s1 =	sand.u32 $0x1, s1;
	s8 =	smul.u32 $0x5000, s11  }
0x9: {  	s26 =	sshll.u32 s11, $0x6;
	s11 =	simm.s32 $0x5;
	p0 =	seq.s32 s1, $0x0  }
0xa: {  	s23 =	smul.u32 $0x50000, s1;
	_ =	strace $0x8000004D;
	s1 =	ssub.s32 $0x2, s1  }
0xb: {  	s13 =	sor.u32 $0x1C05, s26;
	s26 =	simm.s32 $0x4;
	s6 =	sadd.s32 $0x28000, s5  }
0xc: {  	s25 =	sshrl.u32 s8, $0x3;
	s9 =	sshrl.u32 s1, $0x1;
	s12 =	sadd.s32 s8, s2  }
0xd: {  	s15 =	sadd.s32 s8, s3;
	s5 =	smov.u32 @p0 s6;
	s24 =	sadd.s32 s8, s23  }
0xe: {  	s10 =	sadd.s32 s25, s0;
	s1 =	ssub.s32 s1, s9;
	s14 =	sshrl.u32 s12, $0x3  }
0xf: {  	s15 =	sshrl.u32 s15, $0x3;
	s23 =	simm.s32 $0x1;
	s5 =	sshrl.u32 s5, $0x3  }
0x10: {  	s25 =	simm.s32 $0x3;
	s7 =	sadd.s32 s5, s0;
	s5 =	sshrl.u32 s24, $0x3  }
0x11: {  	s8 =	sadd.s32 $0x1A000, s10;
	s24 =	simm.s32 $0x2;
	s0 =	sadd.s32 s5, s0  }
0x12: {  	s5 =	sadd.s32 $0x60200, s7;
	s6 =	sadd.s32 $0x6000, s7;
	s7 =	sadd.s32 $0x10000, s10  }
0x13: {  	s10 =	smax.u32 s1, $0x1;
	s9 =	sadd.s32 $0x24000, s0;
	s0 =	simm.s32 $0x0  }
.LBB2_1:
0x14: {  	[tilespmem:s4], [sflag:$0x5] =	stream.linear.gather [hbm4b:s5+s4], $0x2800, $0x38;
	[tilespmem:$0x13000] =	vst v63  }
0x15: {  	_ =	swait.ge [sflag:s11], $0x2800  }
0x16: {  	[sflag:s11] =	ssyncset.done $0x0  }
0x17: {  	s1 =	simm.s32 $0x2800;
	[sflag:s11] =	ssyncadd.s32 $0xFFFFD800  }
0x18: {  	[tilespmem:s1], [sflag:$0x5] =	stream.linear.gather [hbm4b:s6+s4], $0x2800, $0x38;
	[tilespmem:$0x13000] =	vst v63  }
0x19: {  	_ =	swait.ge [sflag:s11], $0x2800  }
0x1a: {  	[sflag:s11] =	ssyncset.done $0x0  }
0x1b: {  	[sflag:s11] =	ssyncadd.s32 $0xFFFFD800  }
0x1c: {  	[spmem:s14], [sflag:s13] =	dma.local [hbm:s7], $0xA00  }
0x1d: {  	_ =	swait.ge [sflag:s11], $0xA00  }
0x1e: {  	[sflag:s11] =	ssyncset.done $0x0  }
0x1f: {  	[sflag:s11] =	ssyncadd.s32 $0xFFFFF600  }
0x20: {  	[spmem:s15], [sflag:s13] =	dma.local [hbm:s8], $0xA00  }
0x21: {  	_ =	swait.ge [sflag:s11], $0xA00  }
0x22: {  	[sflag:s11] =	ssyncset.done $0x0  }
0x23: {  	[sflag:s11] =	ssyncadd.s32 $0xFFFFF600  }
0x24: {  	[bflag:$0x0] =	sbarrier.arrive $0xFFFF  }
0x25: {  	[tilespmem:s17], [sflag:$0x1] =	stream.indirect.gather [spmem:s2], $0x20, s4, s16, $0xb8;
	[tilespmem:$0x13000] =	vst v63  }
0x26: {  	_ = 	snop  }
0x27: {  	[tilespmem:s18], [sflag:$0x2] =	stream.indirect.gather [spmem:s2], $0x20, s16, s16, $0xb8;
	[tilespmem:$0x13000] =	vst v63  }
0x28: {  	s12 =	simm.s32 $0x100  }
0x29: {  	[tilespmem:s20], [sflag:$0x3] =	stream.indirect.gather [spmem:s2], $0x20, s12, s16, $0xb8;
	[tilespmem:$0x13000] =	vst v63  }
0x2a: {  	_ = 	snop  }
0x2b: {  	[tilespmem:s22], [sflag:$0x4] =	stream.indirect.gather [spmem:s2], $0x20, s21, s16, $0xb8;
	[tilespmem:$0x13000] =	vst v63  }
0x2c: {  	_ =	swait.ge [sflag:s23], $0x1000  }
0x2d: {  	[sflag:s23] =	ssyncset.done $0x0  }
0x2e: {  	s19 =	simm.s32 $0x2800;
	[sflag:s23] =	ssyncadd.s32 $0xFFFFF000  }
0x2f: {  	[spmem:s3] =	stream.indirect.scatter.add.f32 [tilespmem:s17], [sflag:$0x5], $0x20, s19, s16, $0xb8;
	[tilespmem:$0x13000] =	vst v63  }
0x30: {  	_ =	swait.ge [sflag:s11], $0x1000  }
0x31: {  	[sflag:s11] =	ssyncset.done $0x0  }
0x32: {  	s12 =	simm.s32 $0x200;
	[sflag:s11] =	ssyncadd.s32 $0xFFFFF000  }
0x33: {  	[tilespmem:s17], [sflag:$0x1] =	stream.indirect.gather [spmem:s2], $0x20, s12, s16, $0xb8;
	[tilespmem:$0x13000] =	vst v63  }
0x34: {  	_ =	swait.ge [sflag:s24], $0x1000  }
0x35: {  	[sflag:s24] =	ssyncset.done $0x0  }
0x36: {  	s19 =	simm.s32 $0x2880;
	[sflag:s24] =	ssyncadd.s32 $0xFFFFF000  }
0x37: {  	[spmem:s3] =	stream.indirect.scatter.add.f32 [tilespmem:s18], [sflag:$0x5], $0x20, s19, s16, $0xb8;
	[tilespmem:$0x13000] =	vst v63  }
0x38: {  	_ =	swait.ge [sflag:s11], $0x1000  }
0x39: {  	[sflag:s11] =	ssyncset.done $0x0  }
0x3a: {  	s12 =	simm.s32 $0x280;
	[sflag:s11] =	ssyncadd.s32 $0xFFFFF000  }
0x3b: {  	[tilespmem:s18], [sflag:$0x2] =	stream.indirect.gather [spmem:s2], $0x20, s12, s16, $0xb8;
	[tilespmem:$0x13000] =	vst v63  }
0x3c: {  	_ =	swait.ge [sflag:s25], $0x1000  }
0x3d: {  	[sflag:s25] =	ssyncset.done $0x0  }
0x3e: {  	s19 =	simm.s32 $0x2900;
	[sflag:s25] =	ssyncadd.s32 $0xFFFFF000  }
0x3f: {  	[spmem:s3] =	stream.indirect.scatter.add.f32 [tilespmem:s20], [sflag:$0x5], $0x20, s19, s16, $0xb8;
	[tilespmem:$0x13000] =	vst v63  }
0x40: {  	_ =	swait.ge [sflag:s11], $0x1000  }
0x41: {  	[sflag:s11] =	ssyncset.done $0x0  }
0x42: {  	s12 =	simm.s32 $0x300;
	[sflag:s11] =	ssyncadd.s32 $0xFFFFF000  }
0x43: {  	[tilespmem:s20], [sflag:$0x3] =	stream.indirect.gather [spmem:s2], $0x20, s12, s16, $0xb8;
	[tilespmem:$0x13000] =	vst v63  }
0x44: {  	_ =	swait.ge [sflag:s26], $0x1000  }
0x45: {  	[sflag:s26] =	ssyncset.done $0x0  }
0x46: {  	s19 =	simm.s32 $0x2980;
	[sflag:s26] =	ssyncadd.s32 $0xFFFFF000  }
0x47: {  	[spmem:s3] =	stream.indirect.scatter.add.f32 [tilespmem:s22], [sflag:$0x5], $0x20, s19, s16, $0xb8;
	[tilespmem:$0x13000] =	vst v63  }
0x48: {  	_ =	swait.ge [sflag:s11], $0x1000  }
0x49: {  	[sflag:s11] =	ssyncset.done $0x0  }
0x4a: {  	s1 =	simm.s32 $0x800;
	s12 =	simm.s32 $0x380;
	[sflag:s11] =	ssyncadd.s32 $0xFFFFF000  }
.LBB2_2:
0x4b: {  	[tilespmem:s22], [sflag:$0x4] =	stream.indirect.gather [spmem:s2], $0x20, s12, s16, $0xb8;
	[tilespmem:$0x13000] =	vst v63  }
0x4c: {  	s12 =	smov.u32 s1  }
0x4d: {  	p0 =	sne.s32 s1, $0x9000;
	s1 =	sadd.s32 $0x800, s1;
	_ =	swait.ge [sflag:s23], $0x1000  }
0x4e: {  	s12 =	sshra.s32 s12, $0x2;
	[sflag:s23] =	ssyncset.done $0x0  }
0x4f: {  	s19 =	sadd.s32 $0x2800, s12;
	[sflag:s23] =	ssyncadd.s32 $0xFFFFF000  }
0x50: {  	[spmem:s3] =	stream.indirect.scatter.add.f32 [tilespmem:s17], [sflag:$0x5], $0x20, s19, s16, $0xb8;
	[tilespmem:$0x13000] =	vst v63  }
0x51: {  	_ =	swait.ge [sflag:s11], $0x1000  }
0x52: {  	[sflag:s11] =	ssyncset.done $0x0  }
0x53: {  	s19 =	sadd.s32 $0x200, s12;
	[sflag:s11] =	ssyncadd.s32 $0xFFFFF000  }
0x54: {  	[tilespmem:s17], [sflag:$0x1] =	stream.indirect.gather [spmem:s2], $0x20, s19, s16, $0xb8;
	[tilespmem:$0x13000] =	vst v63  }
0x55: {  	_ =	swait.ge [sflag:s24], $0x1000  }
0x56: {  	[sflag:s24] =	ssyncset.done $0x0  }
0x57: {  	s19 =	sadd.s32 $0x2880, s12;
	[sflag:s24] =	ssyncadd.s32 $0xFFFFF000  }
0x58: {  	[spmem:s3] =	stream.indirect.scatter.add.f32 [tilespmem:s18], [sflag:$0x5], $0x20, s19, s16, $0xb8;
	[tilespmem:$0x13000] =	vst v63  }
0x59: {  	_ =	swait.ge [sflag:s11], $0x1000  }
0x5a: {  	[sflag:s11] =	ssyncset.done $0x0  }
0x5b: {  	s19 =	sadd.s32 $0x280, s12;
	[sflag:s11] =	ssyncadd.s32 $0xFFFFF000  }
0x5c: {  	[tilespmem:s18], [sflag:$0x2] =	stream.indirect.gather [spmem:s2], $0x20, s19, s16, $0xb8;
	[tilespmem:$0x13000] =	vst v63  }
0x5d: {  	_ =	swait.ge [sflag:s25], $0x1000  }
0x5e: {  	[sflag:s25] =	ssyncset.done $0x0  }
0x5f: {  	s19 =	sadd.s32 $0x2900, s12;
	[sflag:s25] =	ssyncadd.s32 $0xFFFFF000  }
0x60: {  	[spmem:s3] =	stream.indirect.scatter.add.f32 [tilespmem:s20], [sflag:$0x5], $0x20, s19, s16, $0xb8;
	[tilespmem:$0x13000] =	vst v63  }
0x61: {  	_ =	swait.ge [sflag:s11], $0x1000  }
0x62: {  	[sflag:s11] =	ssyncset.done $0x0  }
0x63: {  	s19 =	sadd.s32 $0x300, s12;
	[sflag:s11] =	ssyncadd.s32 $0xFFFFF000  }
0x64: {  	[tilespmem:s20], [sflag:$0x3] =	stream.indirect.gather [spmem:s2], $0x20, s19, s16, $0xb8;
	[tilespmem:$0x13000] =	vst v63  }
0x65: {  	_ =	swait.ge [sflag:s26], $0x1000  }
0x66: {  	[sflag:s26] =	ssyncset.done $0x0  }
.Ltmp0:
0x67: {  	s19 =	sadd.s32 $0x2980, s12;
	[sflag:s26] =	ssyncadd.s32 $0xFFFFF000;
	(pc) =	sbr.rel @p0 .LBB2_2-.Ltmp0, $4  }
0x68: {  	[spmem:s3] =	stream.indirect.scatter.add.f32 [tilespmem:s22], [sflag:$0x5], $0x20, s19, s16, $0xb8;
	[tilespmem:$0x13000] =	vst v63  }
0x69: {  	_ =	swait.ge [sflag:s11], $0x1000  }
0x6a: {  	[sflag:s11] =	ssyncset.done $0x0  }
0x6b: {  	s12 =	sadd.s32 $0x380, s12;
	[sflag:s11] =	ssyncadd.s32 $0xFFFFF000  }
0x6c: {  	[tilespmem:s22], [sflag:$0x4] =	stream.indirect.gather [spmem:s2], $0x20, s12, s16, $0xb8;
	[tilespmem:$0x13000] =	vst v63  }
0x6d: {  	_ =	swait.ge [sflag:s23], $0x1000  }
0x6e: {  	[sflag:s23] =	ssyncset.done $0x0  }
0x6f: {  	[sflag:s23] =	ssyncadd.s32 $0xFFFFF000  }
0x70: {  	[spmem:s3] =	stream.indirect.scatter.add.f32 [tilespmem:s17], [sflag:$0x5], $0x20, s28, s16, $0xb8;
	[tilespmem:$0x13000] =	vst v63  }
0x71: {  	_ =	swait.ge [sflag:s11], $0x1000  }
0x72: {  	[sflag:s11] =	ssyncset.done $0x0  }
0x73: {  	[sflag:s11] =	ssyncadd.s32 $0xFFFFF000  }
0x74: {  	_ =	swait.ge [sflag:s24], $0x1000  }
0x75: {  	[sflag:s24] =	ssyncset.done $0x0  }
0x76: {  	[sflag:s24] =	ssyncadd.s32 $0xFFFFF000  }
0x77: {  	[spmem:s3] =	stream.indirect.scatter.add.f32 [tilespmem:s18], [sflag:$0x5], $0x20, s29, s16, $0xb8;
	[tilespmem:$0x13000] =	vst v63  }
0x78: {  	_ =	swait.ge [sflag:s11], $0x1000  }
0x79: {  	[sflag:s11] =	ssyncset.done $0x0  }
0x7a: {  	[sflag:s11] =	ssyncadd.s32 $0xFFFFF000  }
0x7b: {  	_ =	swait.ge [sflag:s25], $0x1000  }
0x7c: {  	[sflag:s25] =	ssyncset.done $0x0  }
0x7d: {  	[sflag:s25] =	ssyncadd.s32 $0xFFFFF000  }
0x7e: {  	[spmem:s3] =	stream.indirect.scatter.add.f32 [tilespmem:s20], [sflag:$0x5], $0x20, s30, s16, $0xb8;
	[tilespmem:$0x13000] =	vst v63  }
0x7f: {  	_ =	swait.ge [sflag:s11], $0x1000  }
0x80: {  	[sflag:s11] =	ssyncset.done $0x0  }
0x81: {  	[sflag:s11] =	ssyncadd.s32 $0xFFFFF000  }
0x82: {  	_ =	swait.ge [sflag:s26], $0x1000  }
0x83: {  	[sflag:s26] =	ssyncset.done $0x0  }
0x84: {  	[sflag:s26] =	ssyncadd.s32 $0xFFFFF000  }
0x85: {  	[spmem:s3] =	stream.indirect.scatter.add.f32 [tilespmem:s22], [sflag:$0x5], $0x20, s31, s16, $0xb8;
	[tilespmem:$0x13000] =	vst v63  }
0x86: {  	_ =	swait.ge [sflag:s11], $0x1000  }
0x87: {  	s0 =	sadd.s32 $0x1, s0;
	[sflag:s11] =	ssyncset.done $0x0  }
0x88: {  	p0 =	sne.s32 s0, s10;
	[sflag:s11] =	ssyncadd.s32 $0xFFFFF000  }
.Ltmp1:
0x89: {  	[bflag:$0x0] =	sbarrier.arrive $0xFFFF;
	(pc) =	sbr.rel @p0 .LBB2_1-.Ltmp1, $4  }
0x8a: {  	[hbm:s9], [sflag:s13] =	dma.local [spmem:s15], $0xA00  }
0x8b: {  	_ =	swait.ge [sflag:s11], $0xA00  }
0x8c: {  	[sflag:s11] =	ssyncset.done $0x0  }
0x8d: {  	[sflag:s11] =	ssyncadd.s32 $0xFFFFF600  }
0x8e: {  	_ =	sfence.sel $0x180000  }
0x8f: {  	[bflag:$0x0] =	sbarrier.arrive $0xFFFF  }
0x90: {  	_ =	strace $0x9000004D  }
0x91: {  	s0 =	stileid.u32;
	[bflag:$0x2] =	sbarrier.arrive $0xFFFF  }
0x92: {  	p0 =	sne.s32 s0, $0x0;
	s0 =	rddreg [dreg:$0x3]  }
0x93: {  	s0 =	sadd.s32 @!p0 $0x100000, s0  }
0x94: {  	[sflag:s0] =	ssyncadd.tile.s32 @!p0 $0x1;
	_ =	shalt  }
.Lfunc_end2:
_tile_overlayer_lowered:
.L_overlay_start_2:
0x95: {  	(tag) =	ssettag $0x2  }
0x96: {  	s0 =	rddreg [dreg:$0x0];
	s2 =	stileid.u32  }
0x97: {  	s1 =	rddreg [dreg:$0x1];
	p0 =	sne.s32 s2, $0x0  }
0x98: {  	s3 =	rddreg [dreg:$0x2];
	[bflag:$0x3] =	sbarrier.arrive $0xFFFF;
	s2 =	simm.s32 @!p0 $0x1C05  }
0x99: {  	[timem:s3], [sflag:s2] =	dma.local @!p0 [hbm:s0], s1  }
0x9a: {  	s0 =	simm.s32 @!p0 $0x5  }
0x9b: {  	_ =	swait.ge @!p0 [sflag:s0], s1  }
0x9c: {  	s1 =	ssub.s32 @!p0 $0x0, s1;
	[sflag:s0] =	ssyncset.done @!p0 $0x0  }
0x9d: {  	[sflag:s0] =	ssyncadd.s32 @!p0 s1  }
0x9e: {  	[bflag:$0x3] =	sbarrier.arrive $0xFFFF  }
0x9f: {  	_ =	shalt  }

// kernel: kernel.24.cloned.1.call-start
scs
__scs_entry_jumppad:
0x0: {  	(pc) =	sbr.rel $0x88, $3  }
0x1: {  	(tag) =	ssettag $0x0;
	lr =	simm.s32 $0x1  }
0x2: {  	[smem:$0x3F91] =	sst lr;
	_ =	strace $0xD0000000  }
0x3: {  	_ = 	snop  }
0x4: {  	_ = 	snop  }
0x5: {  	_ = 	snop  }
0x6: {  	_ = 	snop  }
0x7: {  	_ = 	snop  }
__scs_overlays_trampoline_lowered:
0x8: {  	[smem:$0x3FA0] =	sst s0  }
0x9: {  	[smem:$0x3FA1] =	sst s1  }
0xa: {  	[smem:$0x3FA2] =	sst s2  }
0xb: {  	[smem:$0x3FA3] =	sst s3  }
0xc: {  	[smem:$0x3FA4] =	sst s4  }
0xd: {  	[smem:$0x3FA5] =	sst s5  }
0xe: {  	[smem:$0x3FA6] =	sst s6  }
0xf: {  	[smem:$0x3FA7] =	sst s7  }
0x10: {  	[smem:$0x3FA8] =	sst s8  }
0x11: {  	[smem:$0x3FA9] =	sst s9;
	s0 =	simm.s32 @!p0 $0x0  }
0x12: {  	s1 =	sld [smem:$0x3F8F];
	s0 =	simm.s32 @p0 $0x1  }
0x13: {  	[smem:$0x3FAA] =	sst s0;
	s0 =	simm.s32 @!p1 $0x0  }
0x14: {  	s2 =	sld [smem:$0x3F8E];
	s0 =	simm.s32 @p1 $0x1  }
0x15: {  	[smem:$0x3FAB] =	sst s0;
	s0 =	simm.s32 @!p2 $0x0  }
0x16: {  	s3 =	sld [smem:$0x3FDB];
	s0 =	simm.s32 @p2 $0x1  }
0x17: {  	s4 =	simm.s32 $0x1BF5;
	[smem:$0x3FAD] =	sst s0  }
0x18: {  	s0 =	sld [smem:$0x3F90];
	_ =	swait.ge [sflag:s4], $0x0  }
0x19: {  	s7 =	sld [smem:$0x3F91]  }
0x1a: {  	s8 =	sadd.s32 $0xFFFFE003, lr  }
0x1b: {  	s9 =	sadd.s32 $0xFFFFFEF7, lr;
	s5 =	simm.s32 $0xFFFFFFFF;
	p2 =	slt.u32 s8, $0xFFFFF086  }
0x1c: {  	p1 =	slt.u32 s9, $0xF7A;
	s5 =	simm.s32 @!p2 $0x0  }
0x1d: {  	s5 =	simm.s32 @p1 $0x1;
	p0 =	seq.s32 s7, s2  }
0x1e: {  	s7 =	smul.u32 @!p0 $0xF7A, s2;
	p2 =	seq.s32 @!p0 s5, $0x0  }
0x1f: {  	s9 =	smul.u32 $0xF7A, s1;
	s8 =	simm.s32 @!p0 $0x1BF5;
	p2 =	por !p2, p0  }
0x20: {  	[sflag:s8] =	ssyncset.s32 @!p0 $0xFFFFF086;
	s6 =	sadd.s32 @!p0 s3, s7;
	s7 =	simm.s32 @!p0 $0x108  }
0x21: {  	s3 =	sadd.s32 s3, s9;
	s6 =	sadd.s32 @!p0 $0x88, s6;
	s7 =	simm.s32 @p2 $0x1082  }
0x22: {  	[simem:s7], [sflag:s8] =	dma.local @!p0 [hbm:s6], $0xF7A  }
0x23: {  	s9 =	sor.u32 $0xD0000000, s2;
	s6 =	simm.s32 $0x108;
	_ =	swait.ge @!p0 [sflag:s8], $0x0  }
0x24: {  	s3 =	sadd.s32 $0x88, s3;
	s6 =	simm.s32 @!p1 $0x1082;
	[sflag:s4] =	ssyncset.s32 $0xFFFFF086  }
0x25: {  	[simem:s6], [sflag:s4] =	dma.local [hbm:s3], $0xF7A  }
0x26: {  	[smem:$0x3F91] =	sst s1;
	(tag) =	ssettag s2;
	_ =	strace s9  }
0x27: {  	s1 =	sld [smem:$0x3FA1]  }
0x28: {  	s2 =	sld [smem:$0x3FA2]  }
0x29: {  	s4 =	sld [smem:$0x3FA4]  }
0x2a: {  	p0 =	seq.s32 s5, $0x0;
	s5 =	sld [smem:$0x3FA5]  }
0x2b: {  	s6 =	sld [smem:$0x3FA6]  }
0x2c: {  	s7 =	sld [smem:$0x3FA7]  }
0x2d: {  	s3 =	simm.s32 $0x108;
	s8 =	sld [smem:$0x3FA8]  }
0x2e: {  	s3 =	simm.s32 @!p0 $0x1082;
	s9 =	sld [smem:$0x3FA9]  }
0x2f: {  	lr =	sadd.s32 s0, s3;
	s0 =	sld [smem:$0x3FA0]  }
0x30: {  	s3 =	sld [smem:$0x3FA3]  }
0x31: {  	[smem:$0x3FAC] =	sst s10  }
0x32: {  	s10 =	sld [smem:$0x3FAA];
	_ =	sdelay $0x3  }
0x33: {  	p0 =	seq.s32 s10, $0x1;
	s10 =	sld [smem:$0x3FAC];
	_ =	sdelay $0x3  }
0x34: {  	[smem:$0x3FAC] =	sst s10  }
0x35: {  	s10 =	sld [smem:$0x3FAB];
	_ =	sdelay $0x3  }
0x36: {  	p1 =	seq.s32 s10, $0x1;
	s10 =	sld [smem:$0x3FAC];
	_ =	sdelay $0x3  }
0x37: {  	[smem:$0x3FAC] =	sst s10  }
0x38: {  	s10 =	sld [smem:$0x3FAD]  }
0x39: {  	_ = 	snop;
	(pc) =	sbr.ind lr, $3  }
0x3a: {  	_ = 	snop  }
0x3b: {  	_ = 	snop  }
0x3c: {  	p2 =	seq.s32 s10, $0x1;
	s10 =	sld [smem:$0x3FAC]  }
0x3d: {  	_ =	shalt  }
0x3e: {  	_ =	shalt  }
0x3f: {  	_ =	shalt  }
0x40: {  	_ =	shalt  }
0x41: {  	_ =	shalt  }
0x42: {  	_ =	shalt  }
0x43: {  	_ =	shalt  }
0x44: {  	_ =	shalt  }
0x45: {  	_ =	shalt  }
0x46: {  	_ =	shalt  }
0x47: {  	_ =	shalt  }
0x48: {  	_ =	shalt  }
0x49: {  	_ =	shalt  }
0x4a: {  	_ =	shalt  }
0x4b: {  	_ =	shalt  }
0x4c: {  	_ =	shalt  }
0x4d: {  	_ =	shalt  }
0x4e: {  	_ =	shalt  }
0x4f: {  	_ =	shalt  }
0x50: {  	_ =	shalt  }
0x51: {  	_ =	shalt  }
0x52: {  	_ =	shalt  }
0x53: {  	_ =	shalt  }
0x54: {  	_ =	shalt  }
0x55: {  	_ =	shalt  }
0x56: {  	_ =	shalt  }
0x57: {  	_ =	shalt  }
0x58: {  	_ =	shalt  }
0x59: {  	_ =	shalt  }
0x5a: {  	_ =	shalt  }
0x5b: {  	_ =	shalt  }
0x5c: {  	_ =	shalt  }
0x5d: {  	_ =	shalt  }
0x5e: {  	_ =	shalt  }
0x5f: {  	_ =	shalt  }
0x60: {  	_ =	shalt  }
0x61: {  	_ =	shalt  }
0x62: {  	_ =	shalt  }
0x63: {  	_ =	shalt  }
0x64: {  	_ =	shalt  }
0x65: {  	_ =	shalt  }
0x66: {  	_ =	shalt  }
0x67: {  	_ =	shalt  }
0x68: {  	_ =	shalt  }
0x69: {  	_ =	shalt  }
0x6a: {  	_ =	shalt  }
0x6b: {  	_ =	shalt  }
0x6c: {  	_ =	shalt  }
0x6d: {  	_ =	shalt  }
0x6e: {  	_ =	shalt  }
0x6f: {  	_ =	shalt  }
0x70: {  	_ =	shalt  }
0x71: {  	_ =	shalt  }
0x72: {  	_ =	shalt  }
0x73: {  	_ =	shalt  }
0x74: {  	_ =	shalt  }
0x75: {  	_ =	shalt  }
0x76: {  	_ =	shalt  }
0x77: {  	_ =	shalt  }
0x78: {  	_ =	shalt  }
0x79: {  	_ =	shalt  }
0x7a: {  	_ =	shalt  }
0x7b: {  	_ =	shalt  }
0x7c: {  	_ =	shalt  }
0x7d: {  	_ =	shalt  }
0x7e: {  	_ =	shalt  }
0x7f: {  	_ =	shalt  }
0x80: {  	_ =	shalt  }
0x81: {  	_ =	shalt  }
0x82: {  	_ =	shalt  }
0x83: {  	_ =	shalt  }
0x84: {  	_ =	shalt  }
0x85: {  	_ =	shalt  }
0x86: {  	_ =	shalt  }
0x87: {  	_ =	shalt  }
.Lfunc_end0:
.L_simem_size_0:
called_computation.3_lowered:
.L_overlay_start_0:
0x88: {  	s2 =	sld [smem:$0x3FD9]  }
0x89: {  	s3 =	sld [smem:$0x3FFE];
	_ =	sdelay $0x1  }
0x8a: {  	s1 =	srdreg.scid  }
0x8b: {  	s0 =	sand.u32 $0x1, s1  }
0x8c: {  	s16 =	sshll.u32 s0, $0xA;
	s2 =	sadd.s32 s3, s2  }
0x8d: {  	s2 =	sadd.s32 s2, s16  }
0x8e: {  	[smem:$0x3FB8] =	sst s2  }
0x8f: {  	_ = 	snop  }
0x90: {  	(tm) =	ssettm $0x1  }
0x91: {  	s17 =	sld [smem:$0x3FFB];
	_ =	sdelay $0x3  }
0x92: {  	_ =	strace s17  }
0x93: {  	s2 =	sld [smem:$0x3FFC];
	_ =	sdelay $0x3  }
0x94: {  	_ =	strace s2  }
0x95: {  	s2 =	sld [smem:$0x3FFD];
	_ =	sdelay $0x3  }
0x96: {  	_ =	strace s2  }
0x97: {  	_ =	strace $0x8FFFFFFF  }
0x98: {  	s18 =	sld [smem:$0x3FDB];
	_ =	sdelay $0x1  }
0x99: {  	s19 =	simm.s32 $_scs_section_size  }
0x9a: {  	s4 =	simm.s32 $_size__tile_overlayer_lowered;
	s5 =	simm.s32 $_tile_overlayer_lowered  }
0x9b: {  	s22 =	simm.s32 $0x1BFF;
	s21 =	sshll.u32 s5, $0x1;
	s2 =	sadd.s32 s19, s18  }
0x9c: {  	s6 =	simm.s32 $0x0;
	s20 =	sshll.u32 s4, $0x1;
	s4 =	sadd.s32 s21, s2  }
0x9d: {  	[timem:s6], [sflag:s22] =	dma.local [hbm:s4], s20  }
0x9e: {  	_ =	swait.ge [sflag:s22], s20  }
0x9f: {  	s3 =	ssub.s32 $0x0, s20;
	[sflag:s22] =	ssyncset.done $0x0  }
0xa0: {  	[sflag:s22] =	ssyncadd.s32 s3;
	_ =	sdelay $0x1  }
0xa1: {  	s23 =	simm.s32 $0x1B8B  }
0xa2: {  	_ =	swait.ge [sflag:s23], $0x1  }
0xa3: {  	[sflag:s23] =	ssyncset.done $0x0  }
0xa4: {  	s25 =	simm.s32 $0x1B8E;
	s24 =	sld [smem:$0x3FFE];
	[sflag:s23] =	ssyncadd.s32 $0xFFFFFFFF  }
0xa5: {  	s26 =	simm.s32 $execute0_lowered;
	[smem:$0x3FD2] =	sst s25  }
0xa6: {  	s4 =	sshll.u32 s26, $0x1;
	_ =	strace $0x8000004F;
	[dreg:$0x1] =	wrdreg $0xFFFFFFFF  }
0xa7: {  	s28 =	simm.s32 $_size_execute0_lowered;
	s2 =	sadd.s32 s2, s4;
	[dreg:$0x0] =	wrdreg $0x0  }
0xa8: {  	s4 =	sshll.u32 s28, $0x1;
	[dreg:$0x2] =	wrdreg s2  }
0xa9: {  	[dreg:$0x3] =	wrdreg s4  }
0xaa: {  	[dreg:$0x4] =	wrdreg $0xC0  }
0xab: {  	_ =	task [dreg:s6], $0x5FFFF  }
0xac: {  	[dreg:$0x1] =	wrdreg $0xFFFFFFFF  }
0xad: {  	[dreg:$0x0] =	wrdreg $0x60  }
0xae: {  	[dreg:$0x2] =	wrdreg s24  }
0xaf: {  	[dreg:$0x3] =	wrdreg $0xE0000  }
0xb0: {  	[dreg:$0x4] =	wrdreg $0x90000  }
0xb1: {  	[dreg:$0x5] =	wrdreg $0x9  }
0xb2: {  	_ =	task.clear_ibuf [dreg:s6], $0x6FFFF;
	_ =	strace $0x9000004F  }
0xb3: {  	s29 =	simm.s32 $0x9;
	_ =	strace $0x80000051  }
0xb4: {  	_ =	swait.ge [sflag:s29], $0x1  }
0xb5: {  	[sflag:s29] =	ssyncadd.s32 $0xFFFFFFFF  }
0xb6: {  	_ =	strace $0x90000051  }
0xb7: {  	_ =	sfence  }
0xb8: {  	s30 =	sld [smem:$0x0];
	_ =	sdelay $0x2  }
0xb9: {  	s31 =	sshll.u32 s1, $0xD;
	s1 =	sshrl.u32 s1, $0x2  }
0xba: {  	s3 =	sand.u32 $0x4000, s31;
	s1 =	sadd.s32 s1, s30  }
0xbb: {  	s0 =	sor.u32 s3, s0;
	s1 =	sshll.u32 s1, $0x11  }
0xbc: {  	s0 =	sor.u32 s1, s0  }
0xbd: {  	s0 =	sadd.s32 $0x8F2B, s0  }
0xbe: {  	[sflag:s0] =	ssyncadd.remote.s32 $0x1  }
0xbf: {  	_ =	sfence.sel $0xFFFF  }
0xc0: {  	[dreg:$0x0] =	wrdreg $0xFFFFFFFF;
	(pc) =	sbr.abs _section_cstart, $3  }
0xc1: {  	[dreg:$0x1] =	wrdreg $0xFFFFFFFF  }
0xc2: {  	_ =	task.clear_ibuf [dreg:s6], $0x2FFFF;
	_ =	strace $0x9FFFFFFF  }
0xc3: {  	(tm) =	ssettm $0x7FFFFFFF  }
tec
execute0_lowered:
.L_overlay_start_1:
0x0: {  	(tag) =	ssettag $0x1  }
0x1: {  	s0 =	rddreg [dreg:$0x0]  }
0x2: {  	s2 =	rddreg [dreg:$0x1]  }
0x3: {  	s3 =	rddreg [dreg:$0x2];
	s11 =	stileid.u32;
	s4 =	simm.s32 $0x0  }
0x4: {  	s1 =	srdreg.scid;
	s16 =	simm.s32 $0x80;
	s17 =	simm.s32 $0x5000  }
0x5: {  	s18 =	simm.s32 $0x6000;
	s20 =	simm.s32 $0x7000;
	s21 =	simm.s32 $0x180  }
0x6: {  	s22 =	simm.s32 $0x8000;
	s28 =	simm.s32 $0x4E00;
	s29 =	simm.s32 $0x4E80  }
0x7: {  	s30 =	simm.s32 $0x4F00;
	s31 =	simm.s32 $0x4F80;
	s5 =	smul.u32 $0x2800, s11  }
0x8: {  	[smem:$0x7FF] =	sst s4;
	s1 =	sand.u32 $0x1, s1;
	s8 =	smul.u32 $0x5000, s11  }
0x9: {  	s26 =	sshll.u32 s11, $0x6;
	s11 =	simm.s32 $0x5;
	p0 =	seq.s32 s1, $0x0  }
0xa: {  	s23 =	smul.u32 $0x50000, s1;
	_ =	strace $0x80000050;
	s1 =	ssub.s32 $0x2, s1  }
0xb: {  	s13 =	sor.u32 $0x1C05, s26;
	s26 =	simm.s32 $0x4;
	s6 =	sadd.s32 $0x28000, s5  }
0xc: {  	s25 =	sshrl.u32 s8, $0x3;
	s9 =	sshrl.u32 s1, $0x1;
	s12 =	sadd.s32 s8, s2  }
0xd: {  	s15 =	sadd.s32 s8, s3;
	s5 =	smov.u32 @p0 s6;
	s24 =	sadd.s32 s8, s23  }
0xe: {  	s10 =	sadd.s32 s25, s0;
	s1 =	ssub.s32 s1, s9;
	s14 =	sshrl.u32 s12, $0x3  }
0xf: {  	s15 =	sshrl.u32 s15, $0x3;
	s23 =	simm.s32 $0x1;
	s5 =	sshrl.u32 s5, $0x3  }
0x10: {  	s25 =	simm.s32 $0x3;
	s7 =	sadd.s32 s5, s0;
	s5 =	sshrl.u32 s24, $0x3  }
0x11: {  	s8 =	sadd.s32 $0x1A000, s10;
	s24 =	simm.s32 $0x2;
	s0 =	sadd.s32 s5, s0  }
0x12: {  	s5 =	sadd.s32 $0x60200, s7;
	s6 =	sadd.s32 $0x6000, s7;
	s7 =	sadd.s32 $0x10000, s10  }
0x13: {  	s10 =	smax.u32 s1, $0x1;
	s9 =	sadd.s32 $0x24000, s0;
	s0 =	simm.s32 $0x0  }
.LBB2_1:
0x14: {  	[tilespmem:s4], [sflag:$0x5] =	stream.linear.gather [hbm4b:s5+s4], $0x2800, $0x38;
	[tilespmem:$0x13000] =	vst v63  }
0x15: {  	_ =	swait.ge [sflag:s11], $0x2800  }
0x16: {  	[sflag:s11] =	ssyncset.done $0x0  }
0x17: {  	s1 =	simm.s32 $0x2800;
	[sflag:s11] =	ssyncadd.s32 $0xFFFFD800  }
0x18: {  	[tilespmem:s1], [sflag:$0x5] =	stream.linear.gather [hbm4b:s6+s4], $0x2800, $0x38;
	[tilespmem:$0x13000] =	vst v63  }
0x19: {  	_ =	swait.ge [sflag:s11], $0x2800  }
0x1a: {  	[sflag:s11] =	ssyncset.done $0x0  }
0x1b: {  	[sflag:s11] =	ssyncadd.s32 $0xFFFFD800  }
0x1c: {  	[spmem:s14], [sflag:s13] =	dma.local [hbm:s7], $0xA00  }
0x1d: {  	_ =	swait.ge [sflag:s11], $0xA00  }
0x1e: {  	[sflag:s11] =	ssyncset.done $0x0  }
0x1f: {  	[sflag:s11] =	ssyncadd.s32 $0xFFFFF600  }
0x20: {  	[spmem:s15], [sflag:s13] =	dma.local [hbm:s8], $0xA00  }
0x21: {  	_ =	swait.ge [sflag:s11], $0xA00  }
0x22: {  	[sflag:s11] =	ssyncset.done $0x0  }
0x23: {  	[sflag:s11] =	ssyncadd.s32 $0xFFFFF600  }
0x24: {  	[bflag:$0x0] =	sbarrier.arrive $0xFFFF  }
0x25: {  	[tilespmem:s17], [sflag:$0x1] =	stream.indirect.gather [spmem:s2], $0x20, s4, s16, $0xb8;
	[tilespmem:$0x13000] =	vst v63  }
0x26: {  	_ = 	snop  }
0x27: {  	[tilespmem:s18], [sflag:$0x2] =	stream.indirect.gather [spmem:s2], $0x20, s16, s16, $0xb8;
	[tilespmem:$0x13000] =	vst v63  }
0x28: {  	s12 =	simm.s32 $0x100  }
0x29: {  	[tilespmem:s20], [sflag:$0x3] =	stream.indirect.gather [spmem:s2], $0x20, s12, s16, $0xb8;
	[tilespmem:$0x13000] =	vst v63  }
0x2a: {  	_ = 	snop  }
0x2b: {  	[tilespmem:s22], [sflag:$0x4] =	stream.indirect.gather [spmem:s2], $0x20, s21, s16, $0xb8;
	[tilespmem:$0x13000] =	vst v63  }
0x2c: {  	_ =	swait.ge [sflag:s23], $0x1000  }
0x2d: {  	[sflag:s23] =	ssyncset.done $0x0  }
0x2e: {  	s19 =	simm.s32 $0x2800;
	[sflag:s23] =	ssyncadd.s32 $0xFFFFF000  }
0x2f: {  	[spmem:s3] =	stream.indirect.scatter.add.f32 [tilespmem:s17], [sflag:$0x5], $0x20, s19, s16, $0xb8;
	[tilespmem:$0x13000] =	vst v63  }
0x30: {  	_ =	swait.ge [sflag:s11], $0x1000  }
0x31: {  	[sflag:s11] =	ssyncset.done $0x0  }
0x32: {  	s12 =	simm.s32 $0x200;
	[sflag:s11] =	ssyncadd.s32 $0xFFFFF000  }
0x33: {  	[tilespmem:s17], [sflag:$0x1] =	stream.indirect.gather [spmem:s2], $0x20, s12, s16, $0xb8;
	[tilespmem:$0x13000] =	vst v63  }
0x34: {  	_ =	swait.ge [sflag:s24], $0x1000  }
0x35: {  	[sflag:s24] =	ssyncset.done $0x0  }
0x36: {  	s19 =	simm.s32 $0x2880;
	[sflag:s24] =	ssyncadd.s32 $0xFFFFF000  }
0x37: {  	[spmem:s3] =	stream.indirect.scatter.add.f32 [tilespmem:s18], [sflag:$0x5], $0x20, s19, s16, $0xb8;
	[tilespmem:$0x13000] =	vst v63  }
0x38: {  	_ =	swait.ge [sflag:s11], $0x1000  }
0x39: {  	[sflag:s11] =	ssyncset.done $0x0  }
0x3a: {  	s12 =	simm.s32 $0x280;
	[sflag:s11] =	ssyncadd.s32 $0xFFFFF000  }
0x3b: {  	[tilespmem:s18], [sflag:$0x2] =	stream.indirect.gather [spmem:s2], $0x20, s12, s16, $0xb8;
	[tilespmem:$0x13000] =	vst v63  }
0x3c: {  	_ =	swait.ge [sflag:s25], $0x1000  }
0x3d: {  	[sflag:s25] =	ssyncset.done $0x0  }
0x3e: {  	s19 =	simm.s32 $0x2900;
	[sflag:s25] =	ssyncadd.s32 $0xFFFFF000  }
0x3f: {  	[spmem:s3] =	stream.indirect.scatter.add.f32 [tilespmem:s20], [sflag:$0x5], $0x20, s19, s16, $0xb8;
	[tilespmem:$0x13000] =	vst v63  }
0x40: {  	_ =	swait.ge [sflag:s11], $0x1000  }
0x41: {  	[sflag:s11] =	ssyncset.done $0x0  }
0x42: {  	s12 =	simm.s32 $0x300;
	[sflag:s11] =	ssyncadd.s32 $0xFFFFF000  }
0x43: {  	[tilespmem:s20], [sflag:$0x3] =	stream.indirect.gather [spmem:s2], $0x20, s12, s16, $0xb8;
	[tilespmem:$0x13000] =	vst v63  }
0x44: {  	_ =	swait.ge [sflag:s26], $0x1000  }
0x45: {  	[sflag:s26] =	ssyncset.done $0x0  }
0x46: {  	s19 =	simm.s32 $0x2980;
	[sflag:s26] =	ssyncadd.s32 $0xFFFFF000  }
0x47: {  	[spmem:s3] =	stream.indirect.scatter.add.f32 [tilespmem:s22], [sflag:$0x5], $0x20, s19, s16, $0xb8;
	[tilespmem:$0x13000] =	vst v63  }
0x48: {  	_ =	swait.ge [sflag:s11], $0x1000  }
0x49: {  	[sflag:s11] =	ssyncset.done $0x0  }
0x4a: {  	s1 =	simm.s32 $0x800;
	s12 =	simm.s32 $0x380;
	[sflag:s11] =	ssyncadd.s32 $0xFFFFF000  }
.LBB2_2:
0x4b: {  	[tilespmem:s22], [sflag:$0x4] =	stream.indirect.gather [spmem:s2], $0x20, s12, s16, $0xb8;
	[tilespmem:$0x13000] =	vst v63  }
0x4c: {  	s12 =	smov.u32 s1  }
0x4d: {  	p0 =	sne.s32 s1, $0x9000;
	s1 =	sadd.s32 $0x800, s1;
	_ =	swait.ge [sflag:s23], $0x1000  }
0x4e: {  	s12 =	sshra.s32 s12, $0x2;
	[sflag:s23] =	ssyncset.done $0x0  }
0x4f: {  	s19 =	sadd.s32 $0x2800, s12;
	[sflag:s23] =	ssyncadd.s32 $0xFFFFF000  }
0x50: {  	[spmem:s3] =	stream.indirect.scatter.add.f32 [tilespmem:s17], [sflag:$0x5], $0x20, s19, s16, $0xb8;
	[tilespmem:$0x13000] =	vst v63  }
0x51: {  	_ =	swait.ge [sflag:s11], $0x1000  }
0x52: {  	[sflag:s11] =	ssyncset.done $0x0  }
0x53: {  	s19 =	sadd.s32 $0x200, s12;
	[sflag:s11] =	ssyncadd.s32 $0xFFFFF000  }
0x54: {  	[tilespmem:s17], [sflag:$0x1] =	stream.indirect.gather [spmem:s2], $0x20, s19, s16, $0xb8;
	[tilespmem:$0x13000] =	vst v63  }
0x55: {  	_ =	swait.ge [sflag:s24], $0x1000  }
0x56: {  	[sflag:s24] =	ssyncset.done $0x0  }
0x57: {  	s19 =	sadd.s32 $0x2880, s12;
	[sflag:s24] =	ssyncadd.s32 $0xFFFFF000  }
0x58: {  	[spmem:s3] =	stream.indirect.scatter.add.f32 [tilespmem:s18], [sflag:$0x5], $0x20, s19, s16, $0xb8;
	[tilespmem:$0x13000] =	vst v63  }
0x59: {  	_ =	swait.ge [sflag:s11], $0x1000  }
0x5a: {  	[sflag:s11] =	ssyncset.done $0x0  }
0x5b: {  	s19 =	sadd.s32 $0x280, s12;
	[sflag:s11] =	ssyncadd.s32 $0xFFFFF000  }
0x5c: {  	[tilespmem:s18], [sflag:$0x2] =	stream.indirect.gather [spmem:s2], $0x20, s19, s16, $0xb8;
	[tilespmem:$0x13000] =	vst v63  }
0x5d: {  	_ =	swait.ge [sflag:s25], $0x1000  }
0x5e: {  	[sflag:s25] =	ssyncset.done $0x0  }
0x5f: {  	s19 =	sadd.s32 $0x2900, s12;
	[sflag:s25] =	ssyncadd.s32 $0xFFFFF000  }
0x60: {  	[spmem:s3] =	stream.indirect.scatter.add.f32 [tilespmem:s20], [sflag:$0x5], $0x20, s19, s16, $0xb8;
	[tilespmem:$0x13000] =	vst v63  }
0x61: {  	_ =	swait.ge [sflag:s11], $0x1000  }
0x62: {  	[sflag:s11] =	ssyncset.done $0x0  }
0x63: {  	s19 =	sadd.s32 $0x300, s12;
	[sflag:s11] =	ssyncadd.s32 $0xFFFFF000  }
0x64: {  	[tilespmem:s20], [sflag:$0x3] =	stream.indirect.gather [spmem:s2], $0x20, s19, s16, $0xb8;
	[tilespmem:$0x13000] =	vst v63  }
0x65: {  	_ =	swait.ge [sflag:s26], $0x1000  }
0x66: {  	[sflag:s26] =	ssyncset.done $0x0  }
.Ltmp0:
0x67: {  	s19 =	sadd.s32 $0x2980, s12;
	[sflag:s26] =	ssyncadd.s32 $0xFFFFF000;
	(pc) =	sbr.rel @p0 .LBB2_2-.Ltmp0, $4  }
0x68: {  	[spmem:s3] =	stream.indirect.scatter.add.f32 [tilespmem:s22], [sflag:$0x5], $0x20, s19, s16, $0xb8;
	[tilespmem:$0x13000] =	vst v63  }
0x69: {  	_ =	swait.ge [sflag:s11], $0x1000  }
0x6a: {  	[sflag:s11] =	ssyncset.done $0x0  }
0x6b: {  	s12 =	sadd.s32 $0x380, s12;
	[sflag:s11] =	ssyncadd.s32 $0xFFFFF000  }
0x6c: {  	[tilespmem:s22], [sflag:$0x4] =	stream.indirect.gather [spmem:s2], $0x20, s12, s16, $0xb8;
	[tilespmem:$0x13000] =	vst v63  }
0x6d: {  	_ =	swait.ge [sflag:s23], $0x1000  }
0x6e: {  	[sflag:s23] =	ssyncset.done $0x0  }
0x6f: {  	[sflag:s23] =	ssyncadd.s32 $0xFFFFF000  }
0x70: {  	[spmem:s3] =	stream.indirect.scatter.add.f32 [tilespmem:s17], [sflag:$0x5], $0x20, s28, s16, $0xb8;
	[tilespmem:$0x13000] =	vst v63  }
0x71: {  	_ =	swait.ge [sflag:s11], $0x1000  }
0x72: {  	[sflag:s11] =	ssyncset.done $0x0  }
0x73: {  	[sflag:s11] =	ssyncadd.s32 $0xFFFFF000  }
0x74: {  	_ =	swait.ge [sflag:s24], $0x1000  }
0x75: {  	[sflag:s24] =	ssyncset.done $0x0  }
0x76: {  	[sflag:s24] =	ssyncadd.s32 $0xFFFFF000  }
0x77: {  	[spmem:s3] =	stream.indirect.scatter.add.f32 [tilespmem:s18], [sflag:$0x5], $0x20, s29, s16, $0xb8;
	[tilespmem:$0x13000] =	vst v63  }
0x78: {  	_ =	swait.ge [sflag:s11], $0x1000  }
0x79: {  	[sflag:s11] =	ssyncset.done $0x0  }
0x7a: {  	[sflag:s11] =	ssyncadd.s32 $0xFFFFF000  }
0x7b: {  	_ =	swait.ge [sflag:s25], $0x1000  }
0x7c: {  	[sflag:s25] =	ssyncset.done $0x0  }
0x7d: {  	[sflag:s25] =	ssyncadd.s32 $0xFFFFF000  }
0x7e: {  	[spmem:s3] =	stream.indirect.scatter.add.f32 [tilespmem:s20], [sflag:$0x5], $0x20, s30, s16, $0xb8;
	[tilespmem:$0x13000] =	vst v63  }
0x7f: {  	_ =	swait.ge [sflag:s11], $0x1000  }
0x80: {  	[sflag:s11] =	ssyncset.done $0x0  }
0x81: {  	[sflag:s11] =	ssyncadd.s32 $0xFFFFF000  }
0x82: {  	_ =	swait.ge [sflag:s26], $0x1000  }
0x83: {  	[sflag:s26] =	ssyncset.done $0x0  }
0x84: {  	[sflag:s26] =	ssyncadd.s32 $0xFFFFF000  }
0x85: {  	[spmem:s3] =	stream.indirect.scatter.add.f32 [tilespmem:s22], [sflag:$0x5], $0x20, s31, s16, $0xb8;
	[tilespmem:$0x13000] =	vst v63  }
0x86: {  	_ =	swait.ge [sflag:s11], $0x1000  }
0x87: {  	s0 =	sadd.s32 $0x1, s0;
	[sflag:s11] =	ssyncset.done $0x0  }
0x88: {  	p0 =	sne.s32 s0, s10;
	[sflag:s11] =	ssyncadd.s32 $0xFFFFF000  }
.Ltmp1:
0x89: {  	[bflag:$0x0] =	sbarrier.arrive $0xFFFF;
	(pc) =	sbr.rel @p0 .LBB2_1-.Ltmp1, $4  }
0x8a: {  	[hbm:s9], [sflag:s13] =	dma.local [spmem:s15], $0xA00  }
0x8b: {  	_ =	swait.ge [sflag:s11], $0xA00  }
0x8c: {  	[sflag:s11] =	ssyncset.done $0x0  }
0x8d: {  	[sflag:s11] =	ssyncadd.s32 $0xFFFFF600  }
0x8e: {  	_ =	sfence.sel $0x180000  }
0x8f: {  	[bflag:$0x0] =	sbarrier.arrive $0xFFFF  }
0x90: {  	_ =	strace $0x90000050  }
0x91: {  	s0 =	stileid.u32;
	[bflag:$0x2] =	sbarrier.arrive $0xFFFF  }
0x92: {  	p0 =	sne.s32 s0, $0x0;
	s0 =	rddreg [dreg:$0x3]  }
0x93: {  	s0 =	sadd.s32 @!p0 $0x100000, s0  }
0x94: {  	[sflag:s0] =	ssyncadd.tile.s32 @!p0 $0x1;
	_ =	shalt  }
.Lfunc_end2:
_tile_overlayer_lowered:
.L_overlay_start_2:
0x95: {  	(tag) =	ssettag $0x2  }
0x96: {  	s0 =	rddreg [dreg:$0x0];
	s2 =	stileid.u32  }
0x97: {  	s1 =	rddreg [dreg:$0x1];
	p0 =	sne.s32 s2, $0x0  }
0x98: {  	s3 =	rddreg [dreg:$0x2];
	[bflag:$0x3] =	sbarrier.arrive $0xFFFF;
	s2 =	simm.s32 @!p0 $0x1C05  }
0x99: {  	[timem:s3], [sflag:s2] =	dma.local @!p0 [hbm:s0], s1  }
0x9a: {  	s0 =	simm.s32 @!p0 $0x5  }
0x9b: {  	_ =	swait.ge @!p0 [sflag:s0], s1  }
0x9c: {  	s1 =	ssub.s32 @!p0 $0x0, s1;
	[sflag:s0] =	ssyncset.done @!p0 $0x0  }
0x9d: {  	[sflag:s0] =	ssyncadd.s32 @!p0 s1  }
0x9e: {  	[bflag:$0x3] =	sbarrier.arrive $0xFFFF  }
0x9f: {  	_ =	shalt  }

// kernel: kernel.27.cloned.1.call-start
scs
__scs_entry_jumppad:
0x0: {  	(pc) =	sbr.rel $0x88, $3  }
0x1: {  	(tag) =	ssettag $0x0;
	lr =	simm.s32 $0x1  }
0x2: {  	[smem:$0x3F91] =	sst lr;
	_ =	strace $0xD0000000  }
0x3: {  	_ = 	snop  }
0x4: {  	_ = 	snop  }
0x5: {  	_ = 	snop  }
0x6: {  	_ = 	snop  }
0x7: {  	_ = 	snop  }
__scs_overlays_trampoline_lowered:
0x8: {  	[smem:$0x3FA0] =	sst s0  }
0x9: {  	[smem:$0x3FA1] =	sst s1  }
0xa: {  	[smem:$0x3FA2] =	sst s2  }
0xb: {  	[smem:$0x3FA3] =	sst s3  }
0xc: {  	[smem:$0x3FA4] =	sst s4  }
0xd: {  	[smem:$0x3FA5] =	sst s5  }
0xe: {  	[smem:$0x3FA6] =	sst s6  }
0xf: {  	[smem:$0x3FA7] =	sst s7  }
0x10: {  	[smem:$0x3FA8] =	sst s8  }
0x11: {  	[smem:$0x3FA9] =	sst s9;
	s0 =	simm.s32 @!p0 $0x0  }
0x12: {  	s1 =	sld [smem:$0x3F8F];
	s0 =	simm.s32 @p0 $0x1  }
0x13: {  	[smem:$0x3FAA] =	sst s0;
	s0 =	simm.s32 @!p1 $0x0  }
0x14: {  	s2 =	sld [smem:$0x3F8E];
	s0 =	simm.s32 @p1 $0x1  }
0x15: {  	[smem:$0x3FAB] =	sst s0;
	s0 =	simm.s32 @!p2 $0x0  }
0x16: {  	s3 =	sld [smem:$0x3FDB];
	s0 =	simm.s32 @p2 $0x1  }
0x17: {  	s4 =	simm.s32 $0x1BF5;
	[smem:$0x3FAD] =	sst s0  }
0x18: {  	s0 =	sld [smem:$0x3F90];
	_ =	swait.ge [sflag:s4], $0x0  }
0x19: {  	s7 =	sld [smem:$0x3F91]  }
0x1a: {  	s8 =	sadd.s32 $0xFFFFE003, lr  }
0x1b: {  	s9 =	sadd.s32 $0xFFFFFEF7, lr;
	s5 =	simm.s32 $0xFFFFFFFF;
	p2 =	slt.u32 s8, $0xFFFFF086  }
0x1c: {  	p1 =	slt.u32 s9, $0xF7A;
	s5 =	simm.s32 @!p2 $0x0  }
0x1d: {  	s5 =	simm.s32 @p1 $0x1;
	p0 =	seq.s32 s7, s2  }
0x1e: {  	s7 =	smul.u32 @!p0 $0xF7A, s2;
	p2 =	seq.s32 @!p0 s5, $0x0  }
0x1f: {  	s9 =	smul.u32 $0xF7A, s1;
	s8 =	simm.s32 @!p0 $0x1BF5;
	p2 =	por !p2, p0  }
0x20: {  	[sflag:s8] =	ssyncset.s32 @!p0 $0xFFFFF086;
	s6 =	sadd.s32 @!p0 s3, s7;
	s7 =	simm.s32 @!p0 $0x108  }
0x21: {  	s3 =	sadd.s32 s3, s9;
	s6 =	sadd.s32 @!p0 $0x88, s6;
	s7 =	simm.s32 @p2 $0x1082  }
0x22: {  	[simem:s7], [sflag:s8] =	dma.local @!p0 [hbm:s6], $0xF7A  }
0x23: {  	s9 =	sor.u32 $0xD0000000, s2;
	s6 =	simm.s32 $0x108;
	_ =	swait.ge @!p0 [sflag:s8], $0x0  }
0x24: {  	s3 =	sadd.s32 $0x88, s3;
	s6 =	simm.s32 @!p1 $0x1082;
	[sflag:s4] =	ssyncset.s32 $0xFFFFF086  }
0x25: {  	[simem:s6], [sflag:s4] =	dma.local [hbm:s3], $0xF7A  }
0x26: {  	[smem:$0x3F91] =	sst s1;
	(tag) =	ssettag s2;
	_ =	strace s9  }
0x27: {  	s1 =	sld [smem:$0x3FA1]  }
0x28: {  	s2 =	sld [smem:$0x3FA2]  }
0x29: {  	s4 =	sld [smem:$0x3FA4]  }
0x2a: {  	p0 =	seq.s32 s5, $0x0;
	s5 =	sld [smem:$0x3FA5]  }
0x2b: {  	s6 =	sld [smem:$0x3FA6]  }
0x2c: {  	s7 =	sld [smem:$0x3FA7]  }
0x2d: {  	s3 =	simm.s32 $0x108;
	s8 =	sld [smem:$0x3FA8]  }
0x2e: {  	s3 =	simm.s32 @!p0 $0x1082;
	s9 =	sld [smem:$0x3FA9]  }
0x2f: {  	lr =	sadd.s32 s0, s3;
	s0 =	sld [smem:$0x3FA0]  }
0x30: {  	s3 =	sld [smem:$0x3FA3]  }
0x31: {  	[smem:$0x3FAC] =	sst s10  }
0x32: {  	s10 =	sld [smem:$0x3FAA];
	_ =	sdelay $0x3  }
0x33: {  	p0 =	seq.s32 s10, $0x1;
	s10 =	sld [smem:$0x3FAC];
	_ =	sdelay $0x3  }
0x34: {  	[smem:$0x3FAC] =	sst s10  }
0x35: {  	s10 =	sld [smem:$0x3FAB];
	_ =	sdelay $0x3  }
0x36: {  	p1 =	seq.s32 s10, $0x1;
	s10 =	sld [smem:$0x3FAC];
	_ =	sdelay $0x3  }
0x37: {  	[smem:$0x3FAC] =	sst s10  }
0x38: {  	s10 =	sld [smem:$0x3FAD]  }
0x39: {  	_ = 	snop;
	(pc) =	sbr.ind lr, $3  }
0x3a: {  	_ = 	snop  }
0x3b: {  	_ = 	snop  }
0x3c: {  	p2 =	seq.s32 s10, $0x1;
	s10 =	sld [smem:$0x3FAC]  }
0x3d: {  	_ =	shalt  }
0x3e: {  	_ =	shalt  }
0x3f: {  	_ =	shalt  }
0x40: {  	_ =	shalt  }
0x41: {  	_ =	shalt  }
0x42: {  	_ =	shalt  }
0x43: {  	_ =	shalt  }
0x44: {  	_ =	shalt  }
0x45: {  	_ =	shalt  }
0x46: {  	_ =	shalt  }
0x47: {  	_ =	shalt  }
0x48: {  	_ =	shalt  }
0x49: {  	_ =	shalt  }
0x4a: {  	_ =	shalt  }
0x4b: {  	_ =	shalt  }
0x4c: {  	_ =	shalt  }
0x4d: {  	_ =	shalt  }
0x4e: {  	_ =	shalt  }
0x4f: {  	_ =	shalt  }
0x50: {  	_ =	shalt  }
0x51: {  	_ =	shalt  }
0x52: {  	_ =	shalt  }
0x53: {  	_ =	shalt  }
0x54: {  	_ =	shalt  }
0x55: {  	_ =	shalt  }
0x56: {  	_ =	shalt  }
0x57: {  	_ =	shalt  }
0x58: {  	_ =	shalt  }
0x59: {  	_ =	shalt  }
0x5a: {  	_ =	shalt  }
0x5b: {  	_ =	shalt  }
0x5c: {  	_ =	shalt  }
0x5d: {  	_ =	shalt  }
0x5e: {  	_ =	shalt  }
0x5f: {  	_ =	shalt  }
0x60: {  	_ =	shalt  }
0x61: {  	_ =	shalt  }
0x62: {  	_ =	shalt  }
0x63: {  	_ =	shalt  }
0x64: {  	_ =	shalt  }
0x65: {  	_ =	shalt  }
0x66: {  	_ =	shalt  }
0x67: {  	_ =	shalt  }
0x68: {  	_ =	shalt  }
0x69: {  	_ =	shalt  }
0x6a: {  	_ =	shalt  }
0x6b: {  	_ =	shalt  }
0x6c: {  	_ =	shalt  }
0x6d: {  	_ =	shalt  }
0x6e: {  	_ =	shalt  }
0x6f: {  	_ =	shalt  }
0x70: {  	_ =	shalt  }
0x71: {  	_ =	shalt  }
0x72: {  	_ =	shalt  }
0x73: {  	_ =	shalt  }
0x74: {  	_ =	shalt  }
0x75: {  	_ =	shalt  }
0x76: {  	_ =	shalt  }
0x77: {  	_ =	shalt  }
0x78: {  	_ =	shalt  }
0x79: {  	_ =	shalt  }
0x7a: {  	_ =	shalt  }
0x7b: {  	_ =	shalt  }
0x7c: {  	_ =	shalt  }
0x7d: {  	_ =	shalt  }
0x7e: {  	_ =	shalt  }
0x7f: {  	_ =	shalt  }
0x80: {  	_ =	shalt  }
0x81: {  	_ =	shalt  }
0x82: {  	_ =	shalt  }
0x83: {  	_ =	shalt  }
0x84: {  	_ =	shalt  }
0x85: {  	_ =	shalt  }
0x86: {  	_ =	shalt  }
0x87: {  	_ =	shalt  }
.Lfunc_end0:
.L_simem_size_0:
called_computation.4_lowered:
.L_overlay_start_0:
0x88: {  	s2 =	sld [smem:$0x3FD9]  }
0x89: {  	s3 =	sld [smem:$0x3FFE];
	_ =	sdelay $0x1  }
0x8a: {  	s1 =	srdreg.scid  }
0x8b: {  	s0 =	sand.u32 $0x1, s1  }
0x8c: {  	s16 =	sshll.u32 s0, $0xA;
	s2 =	sadd.s32 s3, s2  }
0x8d: {  	s2 =	sadd.s32 s2, s16  }
0x8e: {  	[smem:$0x3FB8] =	sst s2  }
0x8f: {  	_ = 	snop  }
0x90: {  	(tm) =	ssettm $0x1  }
0x91: {  	s17 =	sld [smem:$0x3FFB];
	_ =	sdelay $0x3  }
0x92: {  	_ =	strace s17  }
0x93: {  	s2 =	sld [smem:$0x3FFC];
	_ =	sdelay $0x3  }
0x94: {  	_ =	strace s2  }
0x95: {  	s2 =	sld [smem:$0x3FFD];
	_ =	sdelay $0x3  }
0x96: {  	_ =	strace s2  }
0x97: {  	_ =	strace $0x8FFFFFFF  }
0x98: {  	s18 =	sld [smem:$0x3FDB];
	_ =	sdelay $0x1  }
0x99: {  	s19 =	simm.s32 $_scs_section_size  }
0x9a: {  	s4 =	simm.s32 $_size__tile_overlayer_lowered;
	s5 =	simm.s32 $_tile_overlayer_lowered  }
0x9b: {  	s22 =	simm.s32 $0x1BFF;
	s21 =	sshll.u32 s5, $0x1;
	s2 =	sadd.s32 s19, s18  }
0x9c: {  	s6 =	simm.s32 $0x0;
	s20 =	sshll.u32 s4, $0x1;
	s4 =	sadd.s32 s21, s2  }
0x9d: {  	[timem:s6], [sflag:s22] =	dma.local [hbm:s4], s20  }
0x9e: {  	_ =	swait.ge [sflag:s22], s20  }
0x9f: {  	s3 =	ssub.s32 $0x0, s20;
	[sflag:s22] =	ssyncset.done $0x0  }
0xa0: {  	[sflag:s22] =	ssyncadd.s32 s3;
	_ =	sdelay $0x1  }
0xa1: {  	s23 =	simm.s32 $0x1B8B  }
0xa2: {  	_ =	swait.ge [sflag:s23], $0x1  }
0xa3: {  	[sflag:s23] =	ssyncset.done $0x0  }
0xa4: {  	s25 =	simm.s32 $0x1B8E;
	s24 =	sld [smem:$0x3FFE];
	[sflag:s23] =	ssyncadd.s32 $0xFFFFFFFF  }
0xa5: {  	s26 =	simm.s32 $execute0_lowered;
	[smem:$0x3FD2] =	sst s25  }
0xa6: {  	s4 =	sshll.u32 s26, $0x1;
	_ =	strace $0x80000052;
	[dreg:$0x1] =	wrdreg $0xFFFFFFFF  }
0xa7: {  	s28 =	simm.s32 $_size_execute0_lowered;
	s2 =	sadd.s32 s2, s4;
	[dreg:$0x0] =	wrdreg $0x0  }
0xa8: {  	s4 =	sshll.u32 s28, $0x1;
	[dreg:$0x2] =	wrdreg s2  }
0xa9: {  	[dreg:$0x3] =	wrdreg s4  }
0xaa: {  	[dreg:$0x4] =	wrdreg $0xC0  }
0xab: {  	_ =	task [dreg:s6], $0x5FFFF  }
0xac: {  	[dreg:$0x1] =	wrdreg $0xFFFFFFFF  }
0xad: {  	[dreg:$0x0] =	wrdreg $0x60  }
0xae: {  	[dreg:$0x2] =	wrdreg s24  }
0xaf: {  	[dreg:$0x3] =	wrdreg $0xE0000  }
0xb0: {  	[dreg:$0x4] =	wrdreg $0x90000  }
0xb1: {  	[dreg:$0x5] =	wrdreg $0x9  }
0xb2: {  	_ =	task.clear_ibuf [dreg:s6], $0x6FFFF;
	_ =	strace $0x90000052  }
0xb3: {  	s29 =	simm.s32 $0x9;
	_ =	strace $0x80000054  }
0xb4: {  	_ =	swait.ge [sflag:s29], $0x1  }
0xb5: {  	[sflag:s29] =	ssyncadd.s32 $0xFFFFFFFF  }
0xb6: {  	_ =	strace $0x90000054  }
0xb7: {  	_ =	sfence  }
0xb8: {  	s30 =	sld [smem:$0x0];
	_ =	sdelay $0x2  }
0xb9: {  	s31 =	sshll.u32 s1, $0xD;
	s1 =	sshrl.u32 s1, $0x2  }
0xba: {  	s3 =	sand.u32 $0x4000, s31;
	s1 =	sadd.s32 s1, s30  }
0xbb: {  	s0 =	sor.u32 s3, s0;
	s1 =	sshll.u32 s1, $0x11  }
0xbc: {  	s0 =	sor.u32 s1, s0  }
0xbd: {  	s0 =	sadd.s32 $0x8F2B, s0  }
0xbe: {  	[sflag:s0] =	ssyncadd.remote.s32 $0x1  }
0xbf: {  	_ =	sfence.sel $0xFFFF  }
0xc0: {  	[dreg:$0x0] =	wrdreg $0xFFFFFFFF;
	(pc) =	sbr.abs _section_cstart, $3  }
0xc1: {  	[dreg:$0x1] =	wrdreg $0xFFFFFFFF  }
0xc2: {  	_ =	task.clear_ibuf [dreg:s6], $0x2FFFF;
	_ =	strace $0x9FFFFFFF  }
0xc3: {  	(tm) =	ssettm $0x7FFFFFFF  }
tec
execute0_lowered:
.L_overlay_start_1:
0x0: {  	(tag) =	ssettag $0x1  }
0x1: {  	s0 =	rddreg [dreg:$0x0]  }
0x2: {  	s2 =	rddreg [dreg:$0x1]  }
0x3: {  	s3 =	rddreg [dreg:$0x2];
	s11 =	stileid.u32;
	s4 =	simm.s32 $0x0  }
0x4: {  	s1 =	srdreg.scid;
	s16 =	simm.s32 $0x80;
	s17 =	simm.s32 $0x5000  }
0x5: {  	s18 =	simm.s32 $0x6000;
	s20 =	simm.s32 $0x7000;
	s21 =	simm.s32 $0x180  }
0x6: {  	s22 =	simm.s32 $0x8000;
	s28 =	simm.s32 $0x4E00;
	s29 =	simm.s32 $0x4E80  }
0x7: {  	s30 =	simm.s32 $0x4F00;
	s31 =	simm.s32 $0x4F80;
	s5 =	smul.u32 $0x2800, s11  }
0x8: {  	[smem:$0x7FF] =	sst s4;
	s1 =	sand.u32 $0x1, s1;
	s8 =	smul.u32 $0x5000, s11  }
0x9: {  	s26 =	sshll.u32 s11, $0x6;
	s11 =	simm.s32 $0x5;
	p0 =	seq.s32 s1, $0x0  }
0xa: {  	s23 =	smul.u32 $0x50000, s1;
	_ =	strace $0x80000053;
	s1 =	ssub.s32 $0x2, s1  }
0xb: {  	s13 =	sor.u32 $0x1C05, s26;
	s26 =	simm.s32 $0x4;
	s6 =	sadd.s32 $0x28000, s5  }
0xc: {  	s25 =	sshrl.u32 s8, $0x3;
	s9 =	sshrl.u32 s1, $0x1;
	s12 =	sadd.s32 s8, s2  }
0xd: {  	s15 =	sadd.s32 s8, s3;
	s5 =	smov.u32 @p0 s6;
	s24 =	sadd.s32 s8, s23  }
0xe: {  	s10 =	sadd.s32 s25, s0;
	s1 =	ssub.s32 s1, s9;
	s14 =	sshrl.u32 s12, $0x3  }
0xf: {  	s15 =	sshrl.u32 s15, $0x3;
	s23 =	simm.s32 $0x1;
	s5 =	sshrl.u32 s5, $0x3  }
0x10: {  	s25 =	simm.s32 $0x3;
	s7 =	sadd.s32 s5, s0;
	s5 =	sshrl.u32 s24, $0x3  }
0x11: {  	s8 =	sadd.s32 $0x1A000, s10;
	s24 =	simm.s32 $0x2;
	s0 =	sadd.s32 s5, s0  }
0x12: {  	s5 =	sadd.s32 $0x60200, s7;
	s6 =	sadd.s32 $0x6000, s7;
	s7 =	sadd.s32 $0x10000, s10  }
0x13: {  	s10 =	smax.u32 s1, $0x1;
	s9 =	sadd.s32 $0x24000, s0;
	s0 =	simm.s32 $0x0  }
.LBB2_1:
0x14: {  	[tilespmem:s4], [sflag:$0x5] =	stream.linear.gather [hbm4b:s5+s4], $0x2800, $0x38;
	[tilespmem:$0x13000] =	vst v63  }
0x15: {  	_ =	swait.ge [sflag:s11], $0x2800  }
0x16: {  	[sflag:s11] =	ssyncset.done $0x0  }
0x17: {  	s1 =	simm.s32 $0x2800;
	[sflag:s11] =	ssyncadd.s32 $0xFFFFD800  }
0x18: {  	[tilespmem:s1], [sflag:$0x5] =	stream.linear.gather [hbm4b:s6+s4], $0x2800, $0x38;
	[tilespmem:$0x13000] =	vst v63  }
0x19: {  	_ =	swait.ge [sflag:s11], $0x2800  }
0x1a: {  	[sflag:s11] =	ssyncset.done $0x0  }
0x1b: {  	[sflag:s11] =	ssyncadd.s32 $0xFFFFD800  }
0x1c: {  	[spmem:s14], [sflag:s13] =	dma.local [hbm:s7], $0xA00  }
0x1d: {  	_ =	swait.ge [sflag:s11], $0xA00  }
0x1e: {  	[sflag:s11] =	ssyncset.done $0x0  }
0x1f: {  	[sflag:s11] =	ssyncadd.s32 $0xFFFFF600  }
0x20: {  	[spmem:s15], [sflag:s13] =	dma.local [hbm:s8], $0xA00  }
0x21: {  	_ =	swait.ge [sflag:s11], $0xA00  }
0x22: {  	[sflag:s11] =	ssyncset.done $0x0  }
0x23: {  	[sflag:s11] =	ssyncadd.s32 $0xFFFFF600  }
0x24: {  	[bflag:$0x0] =	sbarrier.arrive $0xFFFF  }
0x25: {  	[tilespmem:s17], [sflag:$0x1] =	stream.indirect.gather [spmem:s2], $0x20, s4, s16, $0xb8;
	[tilespmem:$0x13000] =	vst v63  }
0x26: {  	_ = 	snop  }
0x27: {  	[tilespmem:s18], [sflag:$0x2] =	stream.indirect.gather [spmem:s2], $0x20, s16, s16, $0xb8;
	[tilespmem:$0x13000] =	vst v63  }
0x28: {  	s12 =	simm.s32 $0x100  }
0x29: {  	[tilespmem:s20], [sflag:$0x3] =	stream.indirect.gather [spmem:s2], $0x20, s12, s16, $0xb8;
	[tilespmem:$0x13000] =	vst v63  }
0x2a: {  	_ = 	snop  }
0x2b: {  	[tilespmem:s22], [sflag:$0x4] =	stream.indirect.gather [spmem:s2], $0x20, s21, s16, $0xb8;
	[tilespmem:$0x13000] =	vst v63  }
0x2c: {  	_ =	swait.ge [sflag:s23], $0x1000  }
0x2d: {  	[sflag:s23] =	ssyncset.done $0x0  }
0x2e: {  	s19 =	simm.s32 $0x2800;
	[sflag:s23] =	ssyncadd.s32 $0xFFFFF000  }
0x2f: {  	[spmem:s3] =	stream.indirect.scatter.add.f32 [tilespmem:s17], [sflag:$0x5], $0x20, s19, s16, $0xb8;
	[tilespmem:$0x13000] =	vst v63  }
0x30: {  	_ =	swait.ge [sflag:s11], $0x1000  }
0x31: {  	[sflag:s11] =	ssyncset.done $0x0  }
0x32: {  	s12 =	simm.s32 $0x200;
	[sflag:s11] =	ssyncadd.s32 $0xFFFFF000  }
0x33: {  	[tilespmem:s17], [sflag:$0x1] =	stream.indirect.gather [spmem:s2], $0x20, s12, s16, $0xb8;
	[tilespmem:$0x13000] =	vst v63  }
0x34: {  	_ =	swait.ge [sflag:s24], $0x1000  }
0x35: {  	[sflag:s24] =	ssyncset.done $0x0  }
0x36: {  	s19 =	simm.s32 $0x2880;
	[sflag:s24] =	ssyncadd.s32 $0xFFFFF000  }
0x37: {  	[spmem:s3] =	stream.indirect.scatter.add.f32 [tilespmem:s18], [sflag:$0x5], $0x20, s19, s16, $0xb8;
	[tilespmem:$0x13000] =	vst v63  }
0x38: {  	_ =	swait.ge [sflag:s11], $0x1000  }
0x39: {  	[sflag:s11] =	ssyncset.done $0x0  }
0x3a: {  	s12 =	simm.s32 $0x280;
	[sflag:s11] =	ssyncadd.s32 $0xFFFFF000  }
0x3b: {  	[tilespmem:s18], [sflag:$0x2] =	stream.indirect.gather [spmem:s2], $0x20, s12, s16, $0xb8;
	[tilespmem:$0x13000] =	vst v63  }
0x3c: {  	_ =	swait.ge [sflag:s25], $0x1000  }
0x3d: {  	[sflag:s25] =	ssyncset.done $0x0  }
0x3e: {  	s19 =	simm.s32 $0x2900;
	[sflag:s25] =	ssyncadd.s32 $0xFFFFF000  }
0x3f: {  	[spmem:s3] =	stream.indirect.scatter.add.f32 [tilespmem:s20], [sflag:$0x5], $0x20, s19, s16, $0xb8;
	[tilespmem:$0x13000] =	vst v63  }
0x40: {  	_ =	swait.ge [sflag:s11], $0x1000  }
0x41: {  	[sflag:s11] =	ssyncset.done $0x0  }
0x42: {  	s12 =	simm.s32 $0x300;
	[sflag:s11] =	ssyncadd.s32 $0xFFFFF000  }
0x43: {  	[tilespmem:s20], [sflag:$0x3] =	stream.indirect.gather [spmem:s2], $0x20, s12, s16, $0xb8;
	[tilespmem:$0x13000] =	vst v63  }
0x44: {  	_ =	swait.ge [sflag:s26], $0x1000  }
0x45: {  	[sflag:s26] =	ssyncset.done $0x0  }
0x46: {  	s19 =	simm.s32 $0x2980;
	[sflag:s26] =	ssyncadd.s32 $0xFFFFF000  }
0x47: {  	[spmem:s3] =	stream.indirect.scatter.add.f32 [tilespmem:s22], [sflag:$0x5], $0x20, s19, s16, $0xb8;
	[tilespmem:$0x13000] =	vst v63  }
0x48: {  	_ =	swait.ge [sflag:s11], $0x1000  }
0x49: {  	[sflag:s11] =	ssyncset.done $0x0  }
0x4a: {  	s1 =	simm.s32 $0x800;
	s12 =	simm.s32 $0x380;
	[sflag:s11] =	ssyncadd.s32 $0xFFFFF000  }
.LBB2_2:
0x4b: {  	[tilespmem:s22], [sflag:$0x4] =	stream.indirect.gather [spmem:s2], $0x20, s12, s16, $0xb8;
	[tilespmem:$0x13000] =	vst v63  }
0x4c: {  	s12 =	smov.u32 s1  }
0x4d: {  	p0 =	sne.s32 s1, $0x9000;
	s1 =	sadd.s32 $0x800, s1;
	_ =	swait.ge [sflag:s23], $0x1000  }
0x4e: {  	s12 =	sshra.s32 s12, $0x2;
	[sflag:s23] =	ssyncset.done $0x0  }
0x4f: {  	s19 =	sadd.s32 $0x2800, s12;
	[sflag:s23] =	ssyncadd.s32 $0xFFFFF000  }
0x50: {  	[spmem:s3] =	stream.indirect.scatter.add.f32 [tilespmem:s17], [sflag:$0x5], $0x20, s19, s16, $0xb8;
	[tilespmem:$0x13000] =	vst v63  }
0x51: {  	_ =	swait.ge [sflag:s11], $0x1000  }
0x52: {  	[sflag:s11] =	ssyncset.done $0x0  }
0x53: {  	s19 =	sadd.s32 $0x200, s12;
	[sflag:s11] =	ssyncadd.s32 $0xFFFFF000  }
0x54: {  	[tilespmem:s17], [sflag:$0x1] =	stream.indirect.gather [spmem:s2], $0x20, s19, s16, $0xb8;
	[tilespmem:$0x13000] =	vst v63  }
0x55: {  	_ =	swait.ge [sflag:s24], $0x1000  }
0x56: {  	[sflag:s24] =	ssyncset.done $0x0  }
0x57: {  	s19 =	sadd.s32 $0x2880, s12;
	[sflag:s24] =	ssyncadd.s32 $0xFFFFF000  }
0x58: {  	[spmem:s3] =	stream.indirect.scatter.add.f32 [tilespmem:s18], [sflag:$0x5], $0x20, s19, s16, $0xb8;
	[tilespmem:$0x13000] =	vst v63  }
0x59: {  	_ =	swait.ge [sflag:s11], $0x1000  }
0x5a: {  	[sflag:s11] =	ssyncset.done $0x0  }
0x5b: {  	s19 =	sadd.s32 $0x280, s12;
	[sflag:s11] =	ssyncadd.s32 $0xFFFFF000  }
0x5c: {  	[tilespmem:s18], [sflag:$0x2] =	stream.indirect.gather [spmem:s2], $0x20, s19, s16, $0xb8;
	[tilespmem:$0x13000] =	vst v63  }
0x5d: {  	_ =	swait.ge [sflag:s25], $0x1000  }
0x5e: {  	[sflag:s25] =	ssyncset.done $0x0  }
0x5f: {  	s19 =	sadd.s32 $0x2900, s12;
	[sflag:s25] =	ssyncadd.s32 $0xFFFFF000  }
0x60: {  	[spmem:s3] =	stream.indirect.scatter.add.f32 [tilespmem:s20], [sflag:$0x5], $0x20, s19, s16, $0xb8;
	[tilespmem:$0x13000] =	vst v63  }
0x61: {  	_ =	swait.ge [sflag:s11], $0x1000  }
0x62: {  	[sflag:s11] =	ssyncset.done $0x0  }
0x63: {  	s19 =	sadd.s32 $0x300, s12;
	[sflag:s11] =	ssyncadd.s32 $0xFFFFF000  }
0x64: {  	[tilespmem:s20], [sflag:$0x3] =	stream.indirect.gather [spmem:s2], $0x20, s19, s16, $0xb8;
	[tilespmem:$0x13000] =	vst v63  }
0x65: {  	_ =	swait.ge [sflag:s26], $0x1000  }
0x66: {  	[sflag:s26] =	ssyncset.done $0x0  }
.Ltmp0:
0x67: {  	s19 =	sadd.s32 $0x2980, s12;
	[sflag:s26] =	ssyncadd.s32 $0xFFFFF000;
	(pc) =	sbr.rel @p0 .LBB2_2-.Ltmp0, $4  }
0x68: {  	[spmem:s3] =	stream.indirect.scatter.add.f32 [tilespmem:s22], [sflag:$0x5], $0x20, s19, s16, $0xb8;
	[tilespmem:$0x13000] =	vst v63  }
0x69: {  	_ =	swait.ge [sflag:s11], $0x1000  }
0x6a: {  	[sflag:s11] =	ssyncset.done $0x0  }
0x6b: {  	s12 =	sadd.s32 $0x380, s12;
	[sflag:s11] =	ssyncadd.s32 $0xFFFFF000  }
0x6c: {  	[tilespmem:s22], [sflag:$0x4] =	stream.indirect.gather [spmem:s2], $0x20, s12, s16, $0xb8;
	[tilespmem:$0x13000] =	vst v63  }
0x6d: {  	_ =	swait.ge [sflag:s23], $0x1000  }
0x6e: {  	[sflag:s23] =	ssyncset.done $0x0  }
0x6f: {  	[sflag:s23] =	ssyncadd.s32 $0xFFFFF000  }
0x70: {  	[spmem:s3] =	stream.indirect.scatter.add.f32 [tilespmem:s17], [sflag:$0x5], $0x20, s28, s16, $0xb8;
	[tilespmem:$0x13000] =	vst v63  }
0x71: {  	_ =	swait.ge [sflag:s11], $0x1000  }
0x72: {  	[sflag:s11] =	ssyncset.done $0x0  }
0x73: {  	[sflag:s11] =	ssyncadd.s32 $0xFFFFF000  }
0x74: {  	_ =	swait.ge [sflag:s24], $0x1000  }
0x75: {  	[sflag:s24] =	ssyncset.done $0x0  }
0x76: {  	[sflag:s24] =	ssyncadd.s32 $0xFFFFF000  }
0x77: {  	[spmem:s3] =	stream.indirect.scatter.add.f32 [tilespmem:s18], [sflag:$0x5], $0x20, s29, s16, $0xb8;
	[tilespmem:$0x13000] =	vst v63  }
0x78: {  	_ =	swait.ge [sflag:s11], $0x1000  }
0x79: {  	[sflag:s11] =	ssyncset.done $0x0  }
0x7a: {  	[sflag:s11] =	ssyncadd.s32 $0xFFFFF000  }
0x7b: {  	_ =	swait.ge [sflag:s25], $0x1000  }
0x7c: {  	[sflag:s25] =	ssyncset.done $0x0  }
0x7d: {  	[sflag:s25] =	ssyncadd.s32 $0xFFFFF000  }
0x7e: {  	[spmem:s3] =	stream.indirect.scatter.add.f32 [tilespmem:s20], [sflag:$0x5], $0x20, s30, s16, $0xb8;
	[tilespmem:$0x13000] =	vst v63  }
0x7f: {  	_ =	swait.ge [sflag:s11], $0x1000  }
0x80: {  	[sflag:s11] =	ssyncset.done $0x0  }
0x81: {  	[sflag:s11] =	ssyncadd.s32 $0xFFFFF000  }
0x82: {  	_ =	swait.ge [sflag:s26], $0x1000  }
0x83: {  	[sflag:s26] =	ssyncset.done $0x0  }
0x84: {  	[sflag:s26] =	ssyncadd.s32 $0xFFFFF000  }
0x85: {  	[spmem:s3] =	stream.indirect.scatter.add.f32 [tilespmem:s22], [sflag:$0x5], $0x20, s31, s16, $0xb8;
	[tilespmem:$0x13000] =	vst v63  }
0x86: {  	_ =	swait.ge [sflag:s11], $0x1000  }
0x87: {  	s0 =	sadd.s32 $0x1, s0;
	[sflag:s11] =	ssyncset.done $0x0  }
0x88: {  	p0 =	sne.s32 s0, s10;
	[sflag:s11] =	ssyncadd.s32 $0xFFFFF000  }
.Ltmp1:
0x89: {  	[bflag:$0x0] =	sbarrier.arrive $0xFFFF;
	(pc) =	sbr.rel @p0 .LBB2_1-.Ltmp1, $4  }
0x8a: {  	[hbm:s9], [sflag:s13] =	dma.local [spmem:s15], $0xA00  }
0x8b: {  	_ =	swait.ge [sflag:s11], $0xA00  }
0x8c: {  	[sflag:s11] =	ssyncset.done $0x0  }
0x8d: {  	[sflag:s11] =	ssyncadd.s32 $0xFFFFF600  }
0x8e: {  	_ =	sfence.sel $0x180000  }
0x8f: {  	[bflag:$0x0] =	sbarrier.arrive $0xFFFF  }
0x90: {  	_ =	strace $0x90000053  }
0x91: {  	s0 =	stileid.u32;
	[bflag:$0x2] =	sbarrier.arrive $0xFFFF  }
0x92: {  	p0 =	sne.s32 s0, $0x0;
	s0 =	rddreg [dreg:$0x3]  }
0x93: {  	s0 =	sadd.s32 @!p0 $0x100000, s0  }
0x94: {  	[sflag:s0] =	ssyncadd.tile.s32 @!p0 $0x1;
	_ =	shalt  }
.Lfunc_end2:
_tile_overlayer_lowered:
.L_overlay_start_2:
0x95: {  	(tag) =	ssettag $0x2  }
0x96: {  	s0 =	rddreg [dreg:$0x0];
	s2 =	stileid.u32  }
0x97: {  	s1 =	rddreg [dreg:$0x1];
	p0 =	sne.s32 s2, $0x0  }
0x98: {  	s3 =	rddreg [dreg:$0x2];
	[bflag:$0x3] =	sbarrier.arrive $0xFFFF;
	s2 =	simm.s32 @!p0 $0x1C05  }
0x99: {  	[timem:s3], [sflag:s2] =	dma.local @!p0 [hbm:s0], s1  }
0x9a: {  	s0 =	simm.s32 @!p0 $0x5  }
0x9b: {  	_ =	swait.ge @!p0 [sflag:s0], s1  }
0x9c: {  	s1 =	ssub.s32 @!p0 $0x0, s1;
	[sflag:s0] =	ssyncset.done @!p0 $0x0  }
0x9d: {  	[sflag:s0] =	ssyncadd.s32 @!p0 s1  }
0x9e: {  	[bflag:$0x3] =	sbarrier.arrive $0xFFFF  }
0x9f: {  	_ =	shalt  }

// kernel: kernel.30.cloned.1.call-start
scs
__scs_entry_jumppad:
0x0: {  	(pc) =	sbr.rel $0x88, $3  }
0x1: {  	(tag) =	ssettag $0x0;
	lr =	simm.s32 $0x1  }
0x2: {  	[smem:$0x3F91] =	sst lr;
	_ =	strace $0xD0000000  }
0x3: {  	_ = 	snop  }
0x4: {  	_ = 	snop  }
0x5: {  	_ = 	snop  }
0x6: {  	_ = 	snop  }
0x7: {  	_ = 	snop  }
__scs_overlays_trampoline_lowered:
0x8: {  	[smem:$0x3FA0] =	sst s0  }
0x9: {  	[smem:$0x3FA1] =	sst s1  }
0xa: {  	[smem:$0x3FA2] =	sst s2  }
0xb: {  	[smem:$0x3FA3] =	sst s3  }
0xc: {  	[smem:$0x3FA4] =	sst s4  }
0xd: {  	[smem:$0x3FA5] =	sst s5  }
0xe: {  	[smem:$0x3FA6] =	sst s6  }
0xf: {  	[smem:$0x3FA7] =	sst s7  }
0x10: {  	[smem:$0x3FA8] =	sst s8  }
0x11: {  	[smem:$0x3FA9] =	sst s9;
	s0 =	simm.s32 @!p0 $0x0  }
0x12: {  	s1 =	sld [smem:$0x3F8F];
	s0 =	simm.s32 @p0 $0x1  }
0x13: {  	[smem:$0x3FAA] =	sst s0;
	s0 =	simm.s32 @!p1 $0x0  }
0x14: {  	s2 =	sld [smem:$0x3F8E];
	s0 =	simm.s32 @p1 $0x1  }
0x15: {  	[smem:$0x3FAB] =	sst s0;
	s0 =	simm.s32 @!p2 $0x0  }
0x16: {  	s3 =	sld [smem:$0x3FDB];
	s0 =	simm.s32 @p2 $0x1  }
0x17: {  	s4 =	simm.s32 $0x1BF5;
	[smem:$0x3FAD] =	sst s0  }
0x18: {  	s0 =	sld [smem:$0x3F90];
	_ =	swait.ge [sflag:s4], $0x0  }
0x19: {  	s7 =	sld [smem:$0x3F91]  }
0x1a: {  	s8 =	sadd.s32 $0xFFFFE003, lr  }
0x1b: {  	s9 =	sadd.s32 $0xFFFFFEF7, lr;
	s5 =	simm.s32 $0xFFFFFFFF;
	p2 =	slt.u32 s8, $0xFFFFF086  }
0x1c: {  	p1 =	slt.u32 s9, $0xF7A;
	s5 =	simm.s32 @!p2 $0x0  }
0x1d: {  	s5 =	simm.s32 @p1 $0x1;
	p0 =	seq.s32 s7, s2  }
0x1e: {  	s7 =	smul.u32 @!p0 $0xF7A, s2;
	p2 =	seq.s32 @!p0 s5, $0x0  }
0x1f: {  	s9 =	smul.u32 $0xF7A, s1;
	s8 =	simm.s32 @!p0 $0x1BF5;
	p2 =	por !p2, p0  }
0x20: {  	[sflag:s8] =	ssyncset.s32 @!p0 $0xFFFFF086;
	s6 =	sadd.s32 @!p0 s3, s7;
	s7 =	simm.s32 @!p0 $0x108  }
0x21: {  	s3 =	sadd.s32 s3, s9;
	s6 =	sadd.s32 @!p0 $0x88, s6;
	s7 =	simm.s32 @p2 $0x1082  }
0x22: {  	[simem:s7], [sflag:s8] =	dma.local @!p0 [hbm:s6], $0xF7A  }
0x23: {  	s9 =	sor.u32 $0xD0000000, s2;
	s6 =	simm.s32 $0x108;
	_ =	swait.ge @!p0 [sflag:s8], $0x0  }
0x24: {  	s3 =	sadd.s32 $0x88, s3;
	s6 =	simm.s32 @!p1 $0x1082;
	[sflag:s4] =	ssyncset.s32 $0xFFFFF086  }
0x25: {  	[simem:s6], [sflag:s4] =	dma.local [hbm:s3], $0xF7A  }
0x26: {  	[smem:$0x3F91] =	sst s1;
	(tag) =	ssettag s2;
	_ =	strace s9  }
0x27: {  	s1 =	sld [smem:$0x3FA1]  }
0x28: {  	s2 =	sld [smem:$0x3FA2]  }
0x29: {  	s4 =	sld [smem:$0x3FA4]  }
0x2a: {  	p0 =	seq.s32 s5, $0x0;
	s5 =	sld [smem:$0x3FA5]  }
0x2b: {  	s6 =	sld [smem:$0x3FA6]  }
0x2c: {  	s7 =	sld [smem:$0x3FA7]  }
0x2d: {  	s3 =	simm.s32 $0x108;
	s8 =	sld [smem:$0x3FA8]  }
0x2e: {  	s3 =	simm.s32 @!p0 $0x1082;
	s9 =	sld [smem:$0x3FA9]  }
0x2f: {  	lr =	sadd.s32 s0, s3;
	s0 =	sld [smem:$0x3FA0]  }
0x30: {  	s3 =	sld [smem:$0x3FA3]  }
0x31: {  	[smem:$0x3FAC] =	sst s10  }
0x32: {  	s10 =	sld [smem:$0x3FAA];
	_ =	sdelay $0x3  }
0x33: {  	p0 =	seq.s32 s10, $0x1;
	s10 =	sld [smem:$0x3FAC];
	_ =	sdelay $0x3  }
0x34: {  	[smem:$0x3FAC] =	sst s10  }
0x35: {  	s10 =	sld [smem:$0x3FAB];
	_ =	sdelay $0x3  }
0x36: {  	p1 =	seq.s32 s10, $0x1;
	s10 =	sld [smem:$0x3FAC];
	_ =	sdelay $0x3  }
0x37: {  	[smem:$0x3FAC] =	sst s10  }
0x38: {  	s10 =	sld [smem:$0x3FAD]  }
0x39: {  	_ = 	snop;
	(pc) =	sbr.ind lr, $3  }
0x3a: {  	_ = 	snop  }
0x3b: {  	_ = 	snop  }
0x3c: {  	p2 =	seq.s32 s10, $0x1;
	s10 =	sld [smem:$0x3FAC]  }
0x3d: {  	_ =	shalt  }
0x3e: {  	_ =	shalt  }
0x3f: {  	_ =	shalt  }
0x40: {  	_ =	shalt  }
0x41: {  	_ =	shalt  }
0x42: {  	_ =	shalt  }
0x43: {  	_ =	shalt  }
0x44: {  	_ =	shalt  }
0x45: {  	_ =	shalt  }
0x46: {  	_ =	shalt  }
0x47: {  	_ =	shalt  }
0x48: {  	_ =	shalt  }
0x49: {  	_ =	shalt  }
0x4a: {  	_ =	shalt  }
0x4b: {  	_ =	shalt  }
0x4c: {  	_ =	shalt  }
0x4d: {  	_ =	shalt  }
0x4e: {  	_ =	shalt  }
0x4f: {  	_ =	shalt  }
0x50: {  	_ =	shalt  }
0x51: {  	_ =	shalt  }
0x52: {  	_ =	shalt  }
0x53: {  	_ =	shalt  }
0x54: {  	_ =	shalt  }
0x55: {  	_ =	shalt  }
0x56: {  	_ =	shalt  }
0x57: {  	_ =	shalt  }
0x58: {  	_ =	shalt  }
0x59: {  	_ =	shalt  }
0x5a: {  	_ =	shalt  }
0x5b: {  	_ =	shalt  }
0x5c: {  	_ =	shalt  }
0x5d: {  	_ =	shalt  }
0x5e: {  	_ =	shalt  }
0x5f: {  	_ =	shalt  }
0x60: {  	_ =	shalt  }
0x61: {  	_ =	shalt  }
0x62: {  	_ =	shalt  }
0x63: {  	_ =	shalt  }
0x64: {  	_ =	shalt  }
0x65: {  	_ =	shalt  }
0x66: {  	_ =	shalt  }
0x67: {  	_ =	shalt  }
0x68: {  	_ =	shalt  }
0x69: {  	_ =	shalt  }
0x6a: {  	_ =	shalt  }
0x6b: {  	_ =	shalt  }
0x6c: {  	_ =	shalt  }
0x6d: {  	_ =	shalt  }
0x6e: {  	_ =	shalt  }
0x6f: {  	_ =	shalt  }
0x70: {  	_ =	shalt  }
0x71: {  	_ =	shalt  }
0x72: {  	_ =	shalt  }
0x73: {  	_ =	shalt  }
0x74: {  	_ =	shalt  }
0x75: {  	_ =	shalt  }
0x76: {  	_ =	shalt  }
0x77: {  	_ =	shalt  }
0x78: {  	_ =	shalt  }
0x79: {  	_ =	shalt  }
0x7a: {  	_ =	shalt  }
0x7b: {  	_ =	shalt  }
0x7c: {  	_ =	shalt  }
0x7d: {  	_ =	shalt  }
0x7e: {  	_ =	shalt  }
0x7f: {  	_ =	shalt  }
0x80: {  	_ =	shalt  }
0x81: {  	_ =	shalt  }
0x82: {  	_ =	shalt  }
0x83: {  	_ =	shalt  }
0x84: {  	_ =	shalt  }
0x85: {  	_ =	shalt  }
0x86: {  	_ =	shalt  }
0x87: {  	_ =	shalt  }
.Lfunc_end0:
.L_simem_size_0:
called_computation.5_lowered:
.L_overlay_start_0:
0x88: {  	s2 =	sld [smem:$0x3FD9]  }
0x89: {  	s3 =	sld [smem:$0x3FFE];
	_ =	sdelay $0x1  }
0x8a: {  	s1 =	srdreg.scid  }
0x8b: {  	s0 =	sand.u32 $0x1, s1  }
0x8c: {  	s16 =	sshll.u32 s0, $0xA;
	s2 =	sadd.s32 s3, s2  }
0x8d: {  	s2 =	sadd.s32 s2, s16  }
0x8e: {  	[smem:$0x3FB8] =	sst s2  }
0x8f: {  	_ = 	snop  }
0x90: {  	(tm) =	ssettm $0x1  }
0x91: {  	s17 =	sld [smem:$0x3FFB];
	_ =	sdelay $0x3  }
0x92: {  	_ =	strace s17  }
0x93: {  	s2 =	sld [smem:$0x3FFC];
	_ =	sdelay $0x3  }
0x94: {  	_ =	strace s2  }
0x95: {  	s2 =	sld [smem:$0x3FFD];
	_ =	sdelay $0x3  }
0x96: {  	_ =	strace s2  }
0x97: {  	_ =	strace $0x8FFFFFFF  }
0x98: {  	s18 =	sld [smem:$0x3FDB];
	_ =	sdelay $0x1  }
0x99: {  	s19 =	simm.s32 $_scs_section_size  }
0x9a: {  	s4 =	simm.s32 $_size__tile_overlayer_lowered;
	s5 =	simm.s32 $_tile_overlayer_lowered  }
0x9b: {  	s22 =	simm.s32 $0x1BFF;
	s21 =	sshll.u32 s5, $0x1;
	s2 =	sadd.s32 s19, s18  }
0x9c: {  	s6 =	simm.s32 $0x0;
	s20 =	sshll.u32 s4, $0x1;
	s4 =	sadd.s32 s21, s2  }
0x9d: {  	[timem:s6], [sflag:s22] =	dma.local [hbm:s4], s20  }
0x9e: {  	_ =	swait.ge [sflag:s22], s20  }
0x9f: {  	s3 =	ssub.s32 $0x0, s20;
	[sflag:s22] =	ssyncset.done $0x0  }
0xa0: {  	[sflag:s22] =	ssyncadd.s32 s3;
	_ =	sdelay $0x1  }
0xa1: {  	s23 =	simm.s32 $0x1B8B  }
0xa2: {  	_ =	swait.ge [sflag:s23], $0x1  }
0xa3: {  	[sflag:s23] =	ssyncset.done $0x0  }
0xa4: {  	s25 =	simm.s32 $0x1B8E;
	s24 =	sld [smem:$0x3FFE];
	[sflag:s23] =	ssyncadd.s32 $0xFFFFFFFF  }
0xa5: {  	s26 =	simm.s32 $execute0_lowered;
	[smem:$0x3FD2] =	sst s25  }
0xa6: {  	s4 =	sshll.u32 s26, $0x1;
	_ =	strace $0x80000055;
	[dreg:$0x1] =	wrdreg $0xFFFFFFFF  }
0xa7: {  	s28 =	simm.s32 $_size_execute0_lowered;
	s2 =	sadd.s32 s2, s4;
	[dreg:$0x0] =	wrdreg $0x0  }
0xa8: {  	s4 =	sshll.u32 s28, $0x1;
	[dreg:$0x2] =	wrdreg s2  }
0xa9: {  	[dreg:$0x3] =	wrdreg s4  }
0xaa: {  	[dreg:$0x4] =	wrdreg $0xC0  }
0xab: {  	_ =	task [dreg:s6], $0x5FFFF  }
0xac: {  	[dreg:$0x1] =	wrdreg $0xFFFFFFFF  }
0xad: {  	[dreg:$0x0] =	wrdreg $0x60  }
0xae: {  	[dreg:$0x2] =	wrdreg s24  }
0xaf: {  	[dreg:$0x3] =	wrdreg $0xE0000  }
0xb0: {  	[dreg:$0x4] =	wrdreg $0x90000  }
0xb1: {  	[dreg:$0x5] =	wrdreg $0x9  }
0xb2: {  	_ =	task.clear_ibuf [dreg:s6], $0x6FFFF;
	_ =	strace $0x90000055  }
0xb3: {  	s29 =	simm.s32 $0x9;
	_ =	strace $0x80000057  }
0xb4: {  	_ =	swait.ge [sflag:s29], $0x1  }
0xb5: {  	[sflag:s29] =	ssyncadd.s32 $0xFFFFFFFF  }
0xb6: {  	_ =	strace $0x90000057  }
0xb7: {  	_ =	sfence  }
0xb8: {  	s30 =	sld [smem:$0x0];
	_ =	sdelay $0x2  }
0xb9: {  	s31 =	sshll.u32 s1, $0xD;
	s1 =	sshrl.u32 s1, $0x2  }
0xba: {  	s3 =	sand.u32 $0x4000, s31;
	s1 =	sadd.s32 s1, s30  }
0xbb: {  	s0 =	sor.u32 s3, s0;
	s1 =	sshll.u32 s1, $0x11  }
0xbc: {  	s0 =	sor.u32 s1, s0  }
0xbd: {  	s0 =	sadd.s32 $0x8F2B, s0  }
0xbe: {  	[sflag:s0] =	ssyncadd.remote.s32 $0x1  }
0xbf: {  	_ =	sfence.sel $0xFFFF  }
0xc0: {  	[dreg:$0x0] =	wrdreg $0xFFFFFFFF;
	(pc) =	sbr.abs _section_cstart, $3  }
0xc1: {  	[dreg:$0x1] =	wrdreg $0xFFFFFFFF  }
0xc2: {  	_ =	task.clear_ibuf [dreg:s6], $0x2FFFF;
	_ =	strace $0x9FFFFFFF  }
0xc3: {  	(tm) =	ssettm $0x7FFFFFFF  }
tec
execute0_lowered:
.L_overlay_start_1:
0x0: {  	(tag) =	ssettag $0x1  }
0x1: {  	s0 =	rddreg [dreg:$0x0]  }
0x2: {  	s2 =	rddreg [dreg:$0x1]  }
0x3: {  	s3 =	rddreg [dreg:$0x2];
	s11 =	stileid.u32;
	s4 =	simm.s32 $0x0  }
0x4: {  	s1 =	srdreg.scid;
	s16 =	simm.s32 $0x80;
	s17 =	simm.s32 $0x5000  }
0x5: {  	s18 =	simm.s32 $0x6000;
	s20 =	simm.s32 $0x7000;
	s21 =	simm.s32 $0x180  }
0x6: {  	s22 =	simm.s32 $0x8000;
	s28 =	simm.s32 $0x4E00;
	s29 =	simm.s32 $0x4E80  }
0x7: {  	s30 =	simm.s32 $0x4F00;
	s31 =	simm.s32 $0x4F80;
	s5 =	smul.u32 $0x2800, s11  }
0x8: {  	[smem:$0x7FF] =	sst s4;
	s1 =	sand.u32 $0x1, s1;
	s8 =	smul.u32 $0x5000, s11  }
0x9: {  	s26 =	sshll.u32 s11, $0x6;
	s11 =	simm.s32 $0x5;
	p0 =	seq.s32 s1, $0x0  }
0xa: {  	s23 =	smul.u32 $0x50000, s1;
	_ =	strace $0x80000056;
	s1 =	ssub.s32 $0x2, s1  }
0xb: {  	s13 =	sor.u32 $0x1C05, s26;
	s26 =	simm.s32 $0x4;
	s6 =	sadd.s32 $0x28000, s5  }
0xc: {  	s25 =	sshrl.u32 s8, $0x3;
	s9 =	sshrl.u32 s1, $0x1;
	s12 =	sadd.s32 s8, s2  }
0xd: {  	s15 =	sadd.s32 s8, s3;
	s5 =	smov.u32 @p0 s6;
	s24 =	sadd.s32 s8, s23  }
0xe: {  	s10 =	sadd.s32 s25, s0;
	s1 =	ssub.s32 s1, s9;
	s14 =	sshrl.u32 s12, $0x3  }
0xf: {  	s15 =	sshrl.u32 s15, $0x3;
	s23 =	simm.s32 $0x1;
	s5 =	sshrl.u32 s5, $0x3  }
0x10: {  	s25 =	simm.s32 $0x3;
	s7 =	sadd.s32 s5, s0;
	s5 =	sshrl.u32 s24, $0x3  }
0x11: {  	s8 =	sadd.s32 $0x1A000, s10;
	s24 =	simm.s32 $0x2;
	s0 =	sadd.s32 s5, s0  }
0x12: {  	s5 =	sadd.s32 $0x60200, s7;
	s6 =	sadd.s32 $0x6000, s7;
	s7 =	sadd.s32 $0x10000, s10  }
0x13: {  	s10 =	smax.u32 s1, $0x1;
	s9 =	sadd.s32 $0x24000, s0;
	s0 =	simm.s32 $0x0  }
.LBB2_1:
0x14: {  	[tilespmem:s4], [sflag:$0x5] =	stream.linear.gather [hbm4b:s5+s4], $0x2800, $0x38;
	[tilespmem:$0x13000] =	vst v63  }
0x15: {  	_ =	swait.ge [sflag:s11], $0x2800  }
0x16: {  	[sflag:s11] =	ssyncset.done $0x0  }
0x17: {  	s1 =	simm.s32 $0x2800;
	[sflag:s11] =	ssyncadd.s32 $0xFFFFD800  }
0x18: {  	[tilespmem:s1], [sflag:$0x5] =	stream.linear.gather [hbm4b:s6+s4], $0x2800, $0x38;
	[tilespmem:$0x13000] =	vst v63  }
0x19: {  	_ =	swait.ge [sflag:s11], $0x2800  }
0x1a: {  	[sflag:s11] =	ssyncset.done $0x0  }
0x1b: {  	[sflag:s11] =	ssyncadd.s32 $0xFFFFD800  }
0x1c: {  	[spmem:s14], [sflag:s13] =	dma.local [hbm:s7], $0xA00  }
0x1d: {  	_ =	swait.ge [sflag:s11], $0xA00  }
0x1e: {  	[sflag:s11] =	ssyncset.done $0x0  }
0x1f: {  	[sflag:s11] =	ssyncadd.s32 $0xFFFFF600  }
0x20: {  	[spmem:s15], [sflag:s13] =	dma.local [hbm:s8], $0xA00  }
0x21: {  	_ =	swait.ge [sflag:s11], $0xA00  }
0x22: {  	[sflag:s11] =	ssyncset.done $0x0  }
0x23: {  	[sflag:s11] =	ssyncadd.s32 $0xFFFFF600  }
0x24: {  	[bflag:$0x0] =	sbarrier.arrive $0xFFFF  }
0x25: {  	[tilespmem:s17], [sflag:$0x1] =	stream.indirect.gather [spmem:s2], $0x20, s4, s16, $0xb8;
	[tilespmem:$0x13000] =	vst v63  }
0x26: {  	_ = 	snop  }
0x27: {  	[tilespmem:s18], [sflag:$0x2] =	stream.indirect.gather [spmem:s2], $0x20, s16, s16, $0xb8;
	[tilespmem:$0x13000] =	vst v63  }
0x28: {  	s12 =	simm.s32 $0x100  }
0x29: {  	[tilespmem:s20], [sflag:$0x3] =	stream.indirect.gather [spmem:s2], $0x20, s12, s16, $0xb8;
	[tilespmem:$0x13000] =	vst v63  }
0x2a: {  	_ = 	snop  }
0x2b: {  	[tilespmem:s22], [sflag:$0x4] =	stream.indirect.gather [spmem:s2], $0x20, s21, s16, $0xb8;
	[tilespmem:$0x13000] =	vst v63  }
0x2c: {  	_ =	swait.ge [sflag:s23], $0x1000  }
0x2d: {  	[sflag:s23] =	ssyncset.done $0x0  }
0x2e: {  	s19 =	simm.s32 $0x2800;
	[sflag:s23] =	ssyncadd.s32 $0xFFFFF000  }
0x2f: {  	[spmem:s3] =	stream.indirect.scatter.add.f32 [tilespmem:s17], [sflag:$0x5], $0x20, s19, s16, $0xb8;
	[tilespmem:$0x13000] =	vst v63  }
0x30: {  	_ =	swait.ge [sflag:s11], $0x1000  }
0x31: {  	[sflag:s11] =	ssyncset.done $0x0  }
0x32: {  	s12 =	simm.s32 $0x200;
	[sflag:s11] =	ssyncadd.s32 $0xFFFFF000  }
0x33: {  	[tilespmem:s17], [sflag:$0x1] =	stream.indirect.gather [spmem:s2], $0x20, s12, s16, $0xb8;
	[tilespmem:$0x13000] =	vst v63  }
0x34: {  	_ =	swait.ge [sflag:s24], $0x1000  }
0x35: {  	[sflag:s24] =	ssyncset.done $0x0  }
0x36: {  	s19 =	simm.s32 $0x2880;
	[sflag:s24] =	ssyncadd.s32 $0xFFFFF000  }
0x37: {  	[spmem:s3] =	stream.indirect.scatter.add.f32 [tilespmem:s18], [sflag:$0x5], $0x20, s19, s16, $0xb8;
	[tilespmem:$0x13000] =	vst v63  }
0x38: {  	_ =	swait.ge [sflag:s11], $0x1000  }
0x39: {  	[sflag:s11] =	ssyncset.done $0x0  }
0x3a: {  	s12 =	simm.s32 $0x280;
	[sflag:s11] =	ssyncadd.s32 $0xFFFFF000  }
0x3b: {  	[tilespmem:s18], [sflag:$0x2] =	stream.indirect.gather [spmem:s2], $0x20, s12, s16, $0xb8;
	[tilespmem:$0x13000] =	vst v63  }
0x3c: {  	_ =	swait.ge [sflag:s25], $0x1000  }
0x3d: {  	[sflag:s25] =	ssyncset.done $0x0  }
0x3e: {  	s19 =	simm.s32 $0x2900;
	[sflag:s25] =	ssyncadd.s32 $0xFFFFF000  }
0x3f: {  	[spmem:s3] =	stream.indirect.scatter.add.f32 [tilespmem:s20], [sflag:$0x5], $0x20, s19, s16, $0xb8;
	[tilespmem:$0x13000] =	vst v63  }
0x40: {  	_ =	swait.ge [sflag:s11], $0x1000  }
0x41: {  	[sflag:s11] =	ssyncset.done $0x0  }
0x42: {  	s12 =	simm.s32 $0x300;
	[sflag:s11] =	ssyncadd.s32 $0xFFFFF000  }
0x43: {  	[tilespmem:s20], [sflag:$0x3] =	stream.indirect.gather [spmem:s2], $0x20, s12, s16, $0xb8;
	[tilespmem:$0x13000] =	vst v63  }
0x44: {  	_ =	swait.ge [sflag:s26], $0x1000  }
0x45: {  	[sflag:s26] =	ssyncset.done $0x0  }
0x46: {  	s19 =	simm.s32 $0x2980;
	[sflag:s26] =	ssyncadd.s32 $0xFFFFF000  }
0x47: {  	[spmem:s3] =	stream.indirect.scatter.add.f32 [tilespmem:s22], [sflag:$0x5], $0x20, s19, s16, $0xb8;
	[tilespmem:$0x13000] =	vst v63  }
0x48: {  	_ =	swait.ge [sflag:s11], $0x1000  }
0x49: {  	[sflag:s11] =	ssyncset.done $0x0  }
0x4a: {  	s1 =	simm.s32 $0x800;
	s12 =	simm.s32 $0x380;
	[sflag:s11] =	ssyncadd.s32 $0xFFFFF000  }
.LBB2_2:
0x4b: {  	[tilespmem:s22], [sflag:$0x4] =	stream.indirect.gather [spmem:s2], $0x20, s12, s16, $0xb8;
	[tilespmem:$0x13000] =	vst v63  }
0x4c: {  	s12 =	smov.u32 s1  }
0x4d: {  	p0 =	sne.s32 s1, $0x9000;
	s1 =	sadd.s32 $0x800, s1;
	_ =	swait.ge [sflag:s23], $0x1000  }
0x4e: {  	s12 =	sshra.s32 s12, $0x2;
	[sflag:s23] =	ssyncset.done $0x0  }
0x4f: {  	s19 =	sadd.s32 $0x2800, s12;
	[sflag:s23] =	ssyncadd.s32 $0xFFFFF000  }
0x50: {  	[spmem:s3] =	stream.indirect.scatter.add.f32 [tilespmem:s17], [sflag:$0x5], $0x20, s19, s16, $0xb8;
	[tilespmem:$0x13000] =	vst v63  }
0x51: {  	_ =	swait.ge [sflag:s11], $0x1000  }
0x52: {  	[sflag:s11] =	ssyncset.done $0x0  }
0x53: {  	s19 =	sadd.s32 $0x200, s12;
	[sflag:s11] =	ssyncadd.s32 $0xFFFFF000  }
0x54: {  	[tilespmem:s17], [sflag:$0x1] =	stream.indirect.gather [spmem:s2], $0x20, s19, s16, $0xb8;
	[tilespmem:$0x13000] =	vst v63  }
0x55: {  	_ =	swait.ge [sflag:s24], $0x1000  }
0x56: {  	[sflag:s24] =	ssyncset.done $0x0  }
0x57: {  	s19 =	sadd.s32 $0x2880, s12;
	[sflag:s24] =	ssyncadd.s32 $0xFFFFF000  }
0x58: {  	[spmem:s3] =	stream.indirect.scatter.add.f32 [tilespmem:s18], [sflag:$0x5], $0x20, s19, s16, $0xb8;
	[tilespmem:$0x13000] =	vst v63  }
0x59: {  	_ =	swait.ge [sflag:s11], $0x1000  }
0x5a: {  	[sflag:s11] =	ssyncset.done $0x0  }
0x5b: {  	s19 =	sadd.s32 $0x280, s12;
	[sflag:s11] =	ssyncadd.s32 $0xFFFFF000  }
0x5c: {  	[tilespmem:s18], [sflag:$0x2] =	stream.indirect.gather [spmem:s2], $0x20, s19, s16, $0xb8;
	[tilespmem:$0x13000] =	vst v63  }
0x5d: {  	_ =	swait.ge [sflag:s25], $0x1000  }
0x5e: {  	[sflag:s25] =	ssyncset.done $0x0  }
0x5f: {  	s19 =	sadd.s32 $0x2900, s12;
	[sflag:s25] =	ssyncadd.s32 $0xFFFFF000  }
0x60: {  	[spmem:s3] =	stream.indirect.scatter.add.f32 [tilespmem:s20], [sflag:$0x5], $0x20, s19, s16, $0xb8;
	[tilespmem:$0x13000] =	vst v63  }
0x61: {  	_ =	swait.ge [sflag:s11], $0x1000  }
0x62: {  	[sflag:s11] =	ssyncset.done $0x0  }
0x63: {  	s19 =	sadd.s32 $0x300, s12;
	[sflag:s11] =	ssyncadd.s32 $0xFFFFF000  }
0x64: {  	[tilespmem:s20], [sflag:$0x3] =	stream.indirect.gather [spmem:s2], $0x20, s19, s16, $0xb8;
	[tilespmem:$0x13000] =	vst v63  }
0x65: {  	_ =	swait.ge [sflag:s26], $0x1000  }
0x66: {  	[sflag:s26] =	ssyncset.done $0x0  }
.Ltmp0:
0x67: {  	s19 =	sadd.s32 $0x2980, s12;
	[sflag:s26] =	ssyncadd.s32 $0xFFFFF000;
	(pc) =	sbr.rel @p0 .LBB2_2-.Ltmp0, $4  }
0x68: {  	[spmem:s3] =	stream.indirect.scatter.add.f32 [tilespmem:s22], [sflag:$0x5], $0x20, s19, s16, $0xb8;
	[tilespmem:$0x13000] =	vst v63  }
0x69: {  	_ =	swait.ge [sflag:s11], $0x1000  }
0x6a: {  	[sflag:s11] =	ssyncset.done $0x0  }
0x6b: {  	s12 =	sadd.s32 $0x380, s12;
	[sflag:s11] =	ssyncadd.s32 $0xFFFFF000  }
0x6c: {  	[tilespmem:s22], [sflag:$0x4] =	stream.indirect.gather [spmem:s2], $0x20, s12, s16, $0xb8;
	[tilespmem:$0x13000] =	vst v63  }
0x6d: {  	_ =	swait.ge [sflag:s23], $0x1000  }
0x6e: {  	[sflag:s23] =	ssyncset.done $0x0  }
0x6f: {  	[sflag:s23] =	ssyncadd.s32 $0xFFFFF000  }
0x70: {  	[spmem:s3] =	stream.indirect.scatter.add.f32 [tilespmem:s17], [sflag:$0x5], $0x20, s28, s16, $0xb8;
	[tilespmem:$0x13000] =	vst v63  }
0x71: {  	_ =	swait.ge [sflag:s11], $0x1000  }
0x72: {  	[sflag:s11] =	ssyncset.done $0x0  }
0x73: {  	[sflag:s11] =	ssyncadd.s32 $0xFFFFF000  }
0x74: {  	_ =	swait.ge [sflag:s24], $0x1000  }
0x75: {  	[sflag:s24] =	ssyncset.done $0x0  }
0x76: {  	[sflag:s24] =	ssyncadd.s32 $0xFFFFF000  }
0x77: {  	[spmem:s3] =	stream.indirect.scatter.add.f32 [tilespmem:s18], [sflag:$0x5], $0x20, s29, s16, $0xb8;
	[tilespmem:$0x13000] =	vst v63  }
0x78: {  	_ =	swait.ge [sflag:s11], $0x1000  }
0x79: {  	[sflag:s11] =	ssyncset.done $0x0  }
0x7a: {  	[sflag:s11] =	ssyncadd.s32 $0xFFFFF000  }
0x7b: {  	_ =	swait.ge [sflag:s25], $0x1000  }
0x7c: {  	[sflag:s25] =	ssyncset.done $0x0  }
0x7d: {  	[sflag:s25] =	ssyncadd.s32 $0xFFFFF000  }
0x7e: {  	[spmem:s3] =	stream.indirect.scatter.add.f32 [tilespmem:s20], [sflag:$0x5], $0x20, s30, s16, $0xb8;
	[tilespmem:$0x13000] =	vst v63  }
0x7f: {  	_ =	swait.ge [sflag:s11], $0x1000  }
0x80: {  	[sflag:s11] =	ssyncset.done $0x0  }
0x81: {  	[sflag:s11] =	ssyncadd.s32 $0xFFFFF000  }
0x82: {  	_ =	swait.ge [sflag:s26], $0x1000  }
0x83: {  	[sflag:s26] =	ssyncset.done $0x0  }
0x84: {  	[sflag:s26] =	ssyncadd.s32 $0xFFFFF000  }
0x85: {  	[spmem:s3] =	stream.indirect.scatter.add.f32 [tilespmem:s22], [sflag:$0x5], $0x20, s31, s16, $0xb8;
	[tilespmem:$0x13000] =	vst v63  }
0x86: {  	_ =	swait.ge [sflag:s11], $0x1000  }
0x87: {  	s0 =	sadd.s32 $0x1, s0;
	[sflag:s11] =	ssyncset.done $0x0  }
0x88: {  	p0 =	sne.s32 s0, s10;
	[sflag:s11] =	ssyncadd.s32 $0xFFFFF000  }
.Ltmp1:
0x89: {  	[bflag:$0x0] =	sbarrier.arrive $0xFFFF;
	(pc) =	sbr.rel @p0 .LBB2_1-.Ltmp1, $4  }
0x8a: {  	[hbm:s9], [sflag:s13] =	dma.local [spmem:s15], $0xA00  }
0x8b: {  	_ =	swait.ge [sflag:s11], $0xA00  }
0x8c: {  	[sflag:s11] =	ssyncset.done $0x0  }
0x8d: {  	[sflag:s11] =	ssyncadd.s32 $0xFFFFF600  }
0x8e: {  	_ =	sfence.sel $0x180000  }
0x8f: {  	[bflag:$0x0] =	sbarrier.arrive $0xFFFF  }
0x90: {  	_ =	strace $0x90000056  }
0x91: {  	s0 =	stileid.u32;
	[bflag:$0x2] =	sbarrier.arrive $0xFFFF  }
0x92: {  	p0 =	sne.s32 s0, $0x0;
	s0 =	rddreg [dreg:$0x3]  }
0x93: {  	s0 =	sadd.s32 @!p0 $0x100000, s0  }
0x94: {  	[sflag:s0] =	ssyncadd.tile.s32 @!p0 $0x1;
	_ =	shalt  }
.Lfunc_end2:
_tile_overlayer_lowered:
.L_overlay_start_2:
0x95: {  	(tag) =	ssettag $0x2  }
0x96: {  	s0 =	rddreg [dreg:$0x0];
	s2 =	stileid.u32  }
0x97: {  	s1 =	rddreg [dreg:$0x1];
	p0 =	sne.s32 s2, $0x0  }
0x98: {  	s3 =	rddreg [dreg:$0x2];
	[bflag:$0x3] =	sbarrier.arrive $0xFFFF;
	s2 =	simm.s32 @!p0 $0x1C05  }
0x99: {  	[timem:s3], [sflag:s2] =	dma.local @!p0 [hbm:s0], s1  }
0x9a: {  	s0 =	simm.s32 @!p0 $0x5  }
0x9b: {  	_ =	swait.ge @!p0 [sflag:s0], s1  }
0x9c: {  	s1 =	ssub.s32 @!p0 $0x0, s1;
	[sflag:s0] =	ssyncset.done @!p0 $0x0  }
0x9d: {  	[sflag:s0] =	ssyncadd.s32 @!p0 s1  }
0x9e: {  	[bflag:$0x3] =	sbarrier.arrive $0xFFFF  }
0x9f: {  	_ =	shalt  }

</sc_bundles>
